<compile_context>
chip_gen: v7x
topology: tpu7x:2x2x1
jax: 0.10.2.dev20260603
libtpu: 0.0.44.dev20260713+nightly
codegen_flags: <defaults>
</compile_context>

<pallas_src>
import functools

import jax
import jax.numpy as jnp
from jax import lax
from jax.experimental import pallas as pl
from jax.experimental.pallas import tpu as pltpu
from jax.experimental.pallas import tpu_sc as plsc

E = 8
TOP_K = 2
H = 2048
F = 1024
FS = 1024
T = 2048
BLK = 128
NB = (T * TOP_K + E * BLK) // BLK
L = NB * BLK
NW = 32
CHUNK = 128


def _router_body(x_ref, gw_ref, dest8_ref, w8_ref, bexp_ref):
    x = x_ref[...]
    gw = gw_ref[...]
    logits = jnp.dot(x, gw.T, preferred_element_type=jnp.float32)
    s = jax.nn.softmax(logits, axis=-1)
    iota8 = lax.broadcasted_iota(jnp.int32, (T, E), 1)
    m1 = jnp.max(s, axis=-1, keepdims=True)
    i1 = jnp.min(jnp.where(s == m1, iota8, E), axis=-1, keepdims=True)
    s2 = jnp.where(iota8 == i1, -jnp.inf, s)
    m2 = jnp.max(s2, axis=-1, keepdims=True)
    i2 = jnp.min(jnp.where(s2 == m2, iota8, E), axis=-1, keepdims=True)
    denom = m1 + m2
    w1 = (m1 / denom)[:, 0]
    w2n = (m2 / denom)[:, 0]
    mask = ((iota8 == i1) | (iota8 == i2)).astype(jnp.float32)

    tril = (lax.broadcasted_iota(jnp.int32, (CHUNK, CHUNK), 0)
            > lax.broadcasted_iota(jnp.int32, (CHUNK, CHUNK), 1)
            ).astype(jnp.float32)
    carry = jnp.zeros((1, E), jnp.float32)
    ranks = []
    for j in range(T // CHUNK):
        mj = mask[j * CHUNK:(j + 1) * CHUNK]
        ranks.append(jnp.dot(tril, mj, preferred_element_type=jnp.float32)
                     + carry)
        carry = carry + jnp.sum(mj, axis=0, keepdims=True)
    rank = jnp.concatenate(ranks, axis=0)
    counts = carry

    r1 = jnp.sum(jnp.where(iota8 == i1, rank, 0.0), axis=-1)
    r2 = jnp.sum(jnp.where(iota8 == i2, rank, 0.0), axis=-1)

    nb_e = (counts.astype(jnp.int32) + (BLK - 1)) // BLK
    padded = (nb_e * BLK).astype(jnp.float32)
    upper = (lax.broadcasted_iota(jnp.int32, (E, E), 0)
             < lax.broadcasted_iota(jnp.int32, (E, E), 1)).astype(jnp.float32)
    off = jnp.dot(padded, upper, preferred_element_type=jnp.float32)
    off_b = jnp.broadcast_to(off, (T, E))
    o1 = jnp.sum(jnp.where(iota8 == i1, off_b, 0.0), axis=-1)
    o2 = jnp.sum(jnp.where(iota8 == i2, off_b, 0.0), axis=-1)
    dest1 = (o1 + r1).astype(jnp.int32)
    dest2 = (o2 + r2).astype(jnp.int32)

    bend = (off + padded) / BLK
    ones_col = jnp.ones((NB, 1), jnp.float32)
    bend_rows = lax.dot_general(ones_col, bend, (((1,), (0,)), ((), ())))
    iota_b = lax.broadcasted_iota(jnp.int32, (NB, E), 0)
    bexp = jnp.sum((iota_b >= bend_rows.astype(jnp.int32)).astype(jnp.int32),
                   axis=-1)
    bexp = jnp.minimum(bexp, E - 1)

    zpad = jnp.zeros((E - 2, T), jnp.int32)
    dest8_ref[...] = jnp.concatenate(
        [dest1[None, :], dest2[None, :], zpad], axis=0)
    w8_ref[...] = jnp.concatenate(
        [w1[None, :], w2n[None, :], zpad.astype(jnp.float32)], axis=0)
    bexp_ref[...] = bexp[None, :]


def _run_router(x, gate_weight):
    return pl.pallas_call(
        _router_body,
        in_specs=[
            pl.BlockSpec((T, H), lambda: (0, 0)),
            pl.BlockSpec((E, H), lambda: (0, 0)),
        ],
        out_specs=[
            pl.BlockSpec((E, T), lambda: (0, 0)),
            pl.BlockSpec((E, T), lambda: (0, 0)),
            pl.BlockSpec((1, NB), lambda: (0, 0)),
        ],
        out_shape=[
            jax.ShapeDtypeStruct((E, T), jnp.int32),
            jax.ShapeDtypeStruct((E, T), jnp.float32),
            jax.ShapeDtypeStruct((1, NB), jnp.int32),
        ],
    )(x, gate_weight)


@functools.cache
def _sc_mesh():
    return plsc.VectorSubcoreMesh(core_axis_name="c", subcore_axis_name="s")


@functools.cache
def _build_slots_kernel():
    return pl.kernel(
        _build_slots_body,
        out_type=[jax.ShapeDtypeStruct((L,), jnp.int32),
                  jax.ShapeDtypeStruct((L,), jnp.float32)],
        mesh=_sc_mesh(),
        compiler_params=pltpu.CompilerParams(needs_layout_passes=False),
        scratch_types=[
            pltpu.VMEM((T,), jnp.int32),
            pltpu.VMEM((T,), jnp.int32),
            pltpu.VMEM((T,), jnp.float32),
            pltpu.VMEM((T,), jnp.float32),
            pltpu.VMEM((L,), jnp.int32),
            pltpu.VMEM((L,), jnp.float32),
        ],
    )


def _build_slots_body(dest8_hbm, w8_hbm, perm_hbm, slotw_hbm,
                      d0_v, d1_v, w0_v, w1_v, perm_v, sw_v):
    c = lax.axis_index("c")
    s_ = lax.axis_index("s")

    @pl.when((c == 0) & (s_ == 0))
    def _():
        pltpu.sync_copy(dest8_hbm.at[0], d0_v)
        pltpu.sync_copy(dest8_hbm.at[1], d1_v)
        pltpu.sync_copy(w8_hbm.at[0], w0_v)
        pltpu.sync_copy(w8_hbm.at[1], w1_v)

        def init(i, _):
            perm_v[pl.ds(i * 16, 16)] = jnp.zeros((16,), jnp.int32)
            sw_v[pl.ds(i * 16, 16)] = jnp.zeros((16,), jnp.float32)
            return 0

        lax.fori_loop(0, L // 16, init, 0)

        def scat(i, _):
            t = i * 16 + lax.iota(jnp.int32, 16)
            d0 = d0_v[pl.ds(i * 16, 16)]
            plsc.store_scatter(perm_v, [d0], t)
            plsc.store_scatter(sw_v, [d0], w0_v[pl.ds(i * 16, 16)])
            d1 = d1_v[pl.ds(i * 16, 16)]
            plsc.store_scatter(perm_v, [d1], t)
            plsc.store_scatter(sw_v, [d1], w1_v[pl.ds(i * 16, 16)])
            return 0

        lax.fori_loop(0, T // 16, scat, 0)
        pltpu.sync_copy(perm_v, perm_hbm)
        pltpu.sync_copy(sw_v, slotw_hbm)


_RPW = L // NW
_GC = 16
_NCH = _RPW // _GC


@functools.cache
def _gather_rows_kernel():
    return pl.kernel(
        _gather_rows_body,
        out_type=jax.ShapeDtypeStruct((L, H), jnp.float32),
        mesh=_sc_mesh(),
        compiler_params=pltpu.CompilerParams(needs_layout_passes=False),
        scratch_types=[
            pltpu.VMEM((_RPW,), jnp.int32),
            pltpu.VMEM((_GC, H), jnp.float32),
            pltpu.VMEM((_GC, H), jnp.float32),
            pltpu.SemaphoreType.DMA,
            pltpu.SemaphoreType.DMA,
        ],
    )


def _gather_rows_body(x_hbm, perm_hbm, xg_hbm, idx_v, rows_a, rows_b, s0, s1):
    c = lax.axis_index("c")
    s_ = lax.axis_index("s")
    wid = s_ * 2 + c
    base = wid * _RPW
    pltpu.sync_copy(perm_hbm.at[pl.ds(base, _RPW)], idx_v)
    bufs = (rows_a, rows_b)
    sems = (s0, s1)
    cps = [None, None]
    cps[0] = pltpu.async_copy(
        x_hbm.at[idx_v.at[pl.ds(0, _GC)]], bufs[0], sems[0])
    for j in range(1, _NCH):
        cps[j % 2] = pltpu.async_copy(
            x_hbm.at[idx_v.at[pl.ds(j * _GC, _GC)]], bufs[j % 2], sems[j % 2])
        cps[(j - 1) % 2].wait()
        pltpu.sync_copy(bufs[(j - 1) % 2],
                        xg_hbm.at[pl.ds(base + (j - 1) * _GC, _GC)])
    cps[(_NCH - 1) % 2].wait()
    pltpu.sync_copy(bufs[(_NCH - 1) % 2],
                    xg_hbm.at[pl.ds(base + (_NCH - 1) * _GC, _GC)])


def _ffn_body(bexp_ref, xg_ref, w13_ref, w2_ref, sw_ref, out_ref):
    xg = xg_ref[...].astype(jnp.bfloat16)
    gu = jnp.dot(xg, w13_ref[0], preferred_element_type=jnp.float32)
    g = gu[:, :F]
    u = gu[:, F:]
    h = (g * jax.nn.sigmoid(g) * u).astype(jnp.bfloat16)
    y = jnp.dot(h, w2_ref[0], preferred_element_type=jnp.float32)
    out_ref[...] = y * sw_ref[...]


def _run_ffn(bexp_flat, xg, w1w3, w2, slotw_2d):
    grid_spec = pltpu.PrefetchScalarGridSpec(
        num_scalar_prefetch=1,
        grid=(NB,),
        in_specs=[
            pl.BlockSpec((BLK, H), lambda i, bexp: (i, 0)),
            pl.BlockSpec((1, H, 2 * F), lambda i, bexp: (bexp[i], 0, 0)),
            pl.BlockSpec((1, F, H), lambda i, bexp: (bexp[i], 0, 0)),
            pl.BlockSpec((BLK, 1), lambda i, bexp: (i, 0)),
        ],
        out_specs=pl.BlockSpec((BLK, H), lambda i, bexp: (i, 0)),
    )
    return pl.pallas_call(
        _ffn_body,
        grid_spec=grid_spec,
        out_shape=jax.ShapeDtypeStruct((L, H), jnp.float32),
    )(bexp_flat, xg, w1w3, w2, slotw_2d)


_BTS = 256


def _shared_body(x_ref, sg_ref, su_ref, sd_ref, out_ref):
    x = x_ref[...].astype(jnp.bfloat16)
    g = jnp.dot(x, sg_ref[...].T, preferred_element_type=jnp.float32)
    u = jnp.dot(x, su_ref[...].T, preferred_element_type=jnp.float32)
    h = (g * jax.nn.sigmoid(g) * u).astype(jnp.bfloat16)
    out_ref[...] = jnp.dot(h, sd_ref[...].T, preferred_element_type=jnp.float32)


def _run_shared(x, sg, su, sd):
    return pl.pallas_call(
        _shared_body,
        grid=(T // _BTS,),
        in_specs=[
            pl.BlockSpec((_BTS, H), lambda i: (i, 0)),
            pl.BlockSpec((FS, H), lambda i: (0, 0)),
            pl.BlockSpec((FS, H), lambda i: (0, 0)),
            pl.BlockSpec((H, FS), lambda i: (0, 0)),
        ],
        out_specs=pl.BlockSpec((_BTS, H), lambda i: (i, 0)),
        out_shape=jax.ShapeDtypeStruct((T, H), jnp.float32),
    )(x, sg, su, sd)


_TPW = T // NW
_CC = 8
_NCC = _TPW // _CC


@functools.cache
def _combine_kernel():
    return pl.kernel(
        _combine_body,
        out_type=jax.ShapeDtypeStruct((T, H), jnp.float32),
        mesh=_sc_mesh(),
        compiler_params=pltpu.CompilerParams(needs_layout_passes=False),
        scratch_types=[
            pltpu.VMEM((_TPW,), jnp.int32),
            pltpu.VMEM((_TPW,), jnp.int32),
            pltpu.VMEM((_CC, H), jnp.float32),
            pltpu.VMEM((_CC, H), jnp.float32),
            pltpu.VMEM((_CC, H), jnp.float32),
            pltpu.VMEM((_CC, H), jnp.float32),
            pltpu.VMEM((_CC, H), jnp.float32),
            pltpu.VMEM((_CC, H), jnp.float32),
            pltpu.SemaphoreType.DMA,
            pltpu.SemaphoreType.DMA,
        ],
    )


def _combine_body(yg_hbm, dest8_hbm, shared_hbm, out_hbm,
                  i0_v, i1_v, r0a, r0b, r1a, r1b, sha, shb, s0, s1):
    c = lax.axis_index("c")
    s_ = lax.axis_index("s")
    wid = s_ * 2 + c
    base = wid * _TPW
    pltpu.sync_copy(dest8_hbm.at[0, pl.ds(base, _TPW)], i0_v)
    pltpu.sync_copy(dest8_hbm.at[1, pl.ds(base, _TPW)], i1_v)
    r0s, r1s, shs, sems = (r0a, r0b), (r1a, r1b), (sha, shb), (s0, s1)

    def issue(j, si):
        sl = pl.ds(j * _CC, _CC)
        return (
            pltpu.async_copy(yg_hbm.at[i0_v.at[sl]], r0s[si], sems[si]),
            pltpu.async_copy(yg_hbm.at[i1_v.at[sl]], r1s[si], sems[si]),
            pltpu.async_copy(shared_hbm.at[pl.ds(base + j * _CC, _CC)],
                             shs[si], sems[si]),
        )

    def drain_compute(j, si):
        r0, r1, sh = r0s[si], r1s[si], shs[si]

        def row_loop(r, _):
            def col_loop(k, _):
                cs = pl.ds(k * 16, 16)
                r0[r, cs] = r0[r, cs] + r1[r, cs] + sh[r, cs]
                return 0
            lax.fori_loop(0, H // 16, col_loop, 0)
            return 0

        lax.fori_loop(0, _CC, row_loop, 0)
        pltpu.sync_copy(r0, out_hbm.at[pl.ds(base + j * _CC, _CC)])

    pend = [None, None]
    pend[0] = issue(0, 0)
    for j in range(1, _NCC):
        pend[j % 2] = issue(j, j % 2)
        for cp in pend[(j - 1) % 2]:
            cp.wait()
        drain_compute(j - 1, (j - 1) % 2)
    for cp in pend[(_NCC - 1) % 2]:
        cp.wait()
    drain_compute(_NCC - 1, (_NCC - 1) % 2)


@jax.jit
def kernel(hidden_states, gate_weight, w1w3, w2, shared_gate_w, shared_up_w,
           shared_down_w):
    x = hidden_states.reshape(-1, H)

    dest8, w8, bexp = _run_router(x, gate_weight)
    perm, slotw = _build_slots_kernel()(dest8, w8)
    xg = _gather_rows_kernel()(x, perm)
    yg = _run_ffn(bexp.reshape(NB), xg, w1w3.astype(jnp.bfloat16),
                  w2.astype(jnp.bfloat16), slotw.reshape(L, 1))
    shared = _run_shared(x, shared_gate_w.astype(jnp.bfloat16),
                         shared_up_w.astype(jnp.bfloat16),
                         shared_down_w.astype(jnp.bfloat16))
    out = _combine_kernel()(yg, dest8, shared)
    return out.reshape(1, T, H)

# --- scband reference (transcript-rebuilt; emitter-appended) ---
"""Pipeline reference for scband-mo-elayer-57758720196696 (READ-ONLY COPY).

The authoritative reference and input builder live on the scoring server;
editing this copy changes nothing except your own understanding.
"""

import jax, jax.numpy as jnp
import numpy as np

E = 8
TOP_K = 2
H = 2048
F = 1024
FS = 1024  # n_shared_experts * moe_intermediate_size = 1 * 1024
B, S = 1, 2048


def setup_inputs(seed: int = 0) -> dict:
    key = jax.random.key(seed)
    ks = jax.random.split(key, 7)
    return {
        "hidden_states": jax.random.normal(ks[0], (B, S, H), dtype=jnp.float32),
        "gate_weight": jax.random.normal(ks[1], (E, H), dtype=jnp.float32) * 0.02,
        "w1w3": jax.random.normal(ks[2], (E, H, 2 * F), dtype=jnp.float32) * 0.02,
        "w2": jax.random.normal(ks[3], (E, F, H), dtype=jnp.float32) * 0.02,
        "shared_gate_w": jax.random.normal(ks[4], (FS, H), dtype=jnp.float32) * 0.02,
        "shared_up_w": jax.random.normal(ks[5], (FS, H), dtype=jnp.float32) * 0.02,
        "shared_down_w": jax.random.normal(ks[6], (H, FS), dtype=jnp.float32) * 0.02,
    }


def reference(hidden_states, gate_weight, w1w3, w2, shared_gate_w, shared_up_w, shared_down_w):
    Bb, Ss, Hd = hidden_states.shape
    x = hidden_states.reshape(-1, Hd)  # [T, H]

    # ---- MoEGate: F.linear(hidden.float(), weight.float()) then router (softmax top-k) ----
    logits = jnp.dot(x.astype(jnp.float32), gate_weight.astype(jnp.float32).T)  # [T, E]
    scores = jax.nn.softmax(logits, axis=-1)
    topk_w, topk_idx = jax.lax.top_k(scores, TOP_K)  # [T, K]
    topk_w = topk_w / jnp.sum(topk_w, axis=-1, keepdims=True)  # normalize top-k probs

    # combine weights per expert: [T, E]
    one_hot = jax.nn.one_hot(topk_idx, E, dtype=x.dtype)  # [T, K, E]
    combine = jnp.sum(one_hot * topk_w[..., None].astype(x.dtype), axis=1)  # [T, E]

    # ---- MoEBlock: grouped SwiGLU experts (fused w1w3 -> silu(gate)*up -> w2) ----
    routed = jnp.zeros_like(x)
    for e in range(E):
        gu = jnp.dot(x, w1w3[e])  # [T, 2F]
        g, u = jnp.split(gu, 2, axis=-1)
        h = jax.nn.silu(g) * u
        y = jnp.dot(h, w2[e])  # [T, H]
        routed = routed + y * combine[:, e][:, None]

    # ---- shared experts: MoEMLP (SwiGLU, no bias) ----
    shared = jnp.dot(
        jax.nn.silu(jnp.dot(x, shared_gate_w.T)) * jnp.dot(x, shared_up_w.T),
        shared_down_w.T,
    )

    out = routed + shared
    return out.reshape(Bb, Ss, Hd)

if __name__ == "__main__":
    import jax
    _d = setup_inputs()
    print(jax.jit(kernel)(*tuple(_d.values())))

</pallas_src>

<mosaic_0001>
#map = affine_map<(d0, d1) -> (0, 0)>
module attributes {stable_mosaic.version = 14 : i64} {
  func.func @_combine_body(%arg0: i32, %arg1: i32, %arg2: memref<5120x2048xf32, #tpu.memory_space<hbm>>, %arg3: memref<8x2048xi32, #tpu.memory_space<hbm>>, %arg4: memref<2048x2048xf32, #tpu.memory_space<hbm>>, %arg5: memref<2048x2048xf32, #tpu.memory_space<hbm>>, %arg6: memref<64xi32, #tpu.memory_space<vmem>>, %arg7: memref<64xi32, #tpu.memory_space<vmem>>, %arg8: memref<8x2048xf32, #tpu.memory_space<vmem>>, %arg9: memref<8x2048xf32, #tpu.memory_space<vmem>>, %arg10: memref<8x2048xf32, #tpu.memory_space<vmem>>, %arg11: memref<8x2048xf32, #tpu.memory_space<vmem>>, %arg12: memref<8x2048xf32, #tpu.memory_space<vmem>>, %arg13: memref<8x2048xf32, #tpu.memory_space<vmem>>, %arg14: memref<!tpu.dma_semaphore, #tpu.memory_space<semaphore_mem>>, %arg15: memref<!tpu.dma_semaphore, #tpu.memory_space<semaphore_mem>>) attributes {dimension_semantics = [#tpu.dimension_semantics<core_parallel>, #tpu.dimension_semantics<subcore_parallel>], iteration_bounds = array<i64: 2, 16>, scalar_prefetch = 0 : i64, scratch_operands = 10 : i64, tpu.core_type = #tpu.core_type<sc_vector_subcore>, window_params = [{transform_indices = #map}, {transform_indices = #map}, {transform_indices = #map}, {transform_indices = #map}]} {
    %mul3A = arith.constant 2 : i32
    %mul3A_0 = arith.muli %arg1, %mul3A : i32
    %add3A = arith.addi %mul3A_0, %arg0 : i32
    %mul3A_1 = arith.constant 64 : i32
    %mul3A_2 = arith.muli %add3A, %mul3A_1 : i32
    %run_scoped3A = arith.constant 0 : i32
    "tpu.region"() ({
      %run_scoped3A_313 = tpu.sem_alloc : memref<!tpu.dma_semaphore, #tpu.memory_space<semaphore_mem>>
      %dma_start3A_314 = tpu.memref_slice %arg3[%run_scoped3A, %mul3A_2] : memref<8x2048xi32, #tpu.memory_space<hbm>> -> memref<1x64xi32, #tpu.memory_space<hbm>>
      %dma_start3A_315 = tpu.memref_squeeze %dma_start3A_314 : memref<1x64xi32, #tpu.memory_space<hbm>> -> memref<64xi32, #tpu.memory_space<hbm>>
      %dma_start3A_316 = tpu.memref_slice %arg3[%run_scoped3A, %mul3A_2] : memref<8x2048xi32, #tpu.memory_space<hbm>> -> memref<1x64xi32, #tpu.memory_space<hbm>>
      %dma_start3A_317 = tpu.memref_squeeze %dma_start3A_316 : memref<1x64xi32, #tpu.memory_space<hbm>> -> memref<64xi32, #tpu.memory_space<hbm>>
      tpu.enqueue_dma source(%dma_start3A_317 : memref<64xi32, #tpu.memory_space<hbm>>) target(%arg6 : memref<64xi32, #tpu.memory_space<vmem>>) target_semaphore(%run_scoped3A_313 : memref<!tpu.dma_semaphore, #tpu.memory_space<semaphore_mem>>)
      %dma_wait3A_318 = tpu.memref_slice %arg3[%run_scoped3A, %mul3A_2] : memref<8x2048xi32, #tpu.memory_space<hbm>> -> memref<1x64xi32, #tpu.memory_space<hbm>>
      %dma_wait3A_319 = tpu.memref_squeeze %dma_wait3A_318 : memref<1x64xi32, #tpu.memory_space<hbm>> -> memref<64xi32, #tpu.memory_space<hbm>>
      %dma_wait3A_320 = tpu.memref_slice %arg3[%run_scoped3A, %mul3A_2] : memref<8x2048xi32, #tpu.memory_space<hbm>> -> memref<1x64xi32, #tpu.memory_space<hbm>>
      %dma_wait3A_321 = tpu.memref_squeeze %dma_wait3A_320 : memref<1x64xi32, #tpu.memory_space<hbm>> -> memref<64xi32, #tpu.memory_space<hbm>>
      tpu.wait_dma2 semaphore(%run_scoped3A_313 : memref<!tpu.dma_semaphore, #tpu.memory_space<semaphore_mem>>) src(%dma_wait3A_321 : memref<64xi32, #tpu.memory_space<hbm>>) dst(%arg6 : memref<64xi32, #tpu.memory_space<vmem>>)
      tpu.yield
    }) : () -> ()
    %run_scoped3A_3 = arith.constant 1 : i32
    "tpu.region"() ({
      %run_scoped3A_313 = tpu.sem_alloc : memref<!tpu.dma_semaphore, #tpu.memory_space<semaphore_mem>>
      %dma_start3A_314 = tpu.memref_slice %arg3[%run_scoped3A_3, %mul3A_2] : memref<8x2048xi32, #tpu.memory_space<hbm>> -> memref<1x64xi32, #tpu.memory_space<hbm>>
      %dma_start3A_315 = tpu.memref_squeeze %dma_start3A_314 : memref<1x64xi32, #tpu.memory_space<hbm>> -> memref<64xi32, #tpu.memory_space<hbm>>
      %dma_start3A_316 = tpu.memref_slice %arg3[%run_scoped3A_3, %mul3A_2] : memref<8x2048xi32, #tpu.memory_space<hbm>> -> memref<1x64xi32, #tpu.memory_space<hbm>>
      %dma_start3A_317 = tpu.memref_squeeze %dma_start3A_316 : memref<1x64xi32, #tpu.memory_space<hbm>> -> memref<64xi32, #tpu.memory_space<hbm>>
      tpu.enqueue_dma source(%dma_start3A_317 : memref<64xi32, #tpu.memory_space<hbm>>) target(%arg7 : memref<64xi32, #tpu.memory_space<vmem>>) target_semaphore(%run_scoped3A_313 : memref<!tpu.dma_semaphore, #tpu.memory_space<semaphore_mem>>)
      %dma_wait3A_318 = tpu.memref_slice %arg3[%run_scoped3A_3, %mul3A_2] : memref<8x2048xi32, #tpu.memory_space<hbm>> -> memref<1x64xi32, #tpu.memory_space<hbm>>
      %dma_wait3A_319 = tpu.memref_squeeze %dma_wait3A_318 : memref<1x64xi32, #tpu.memory_space<hbm>> -> memref<64xi32, #tpu.memory_space<hbm>>
      %dma_wait3A_320 = tpu.memref_slice %arg3[%run_scoped3A_3, %mul3A_2] : memref<8x2048xi32, #tpu.memory_space<hbm>> -> memref<1x64xi32, #tpu.memory_space<hbm>>
      %dma_wait3A_321 = tpu.memref_squeeze %dma_wait3A_320 : memref<1x64xi32, #tpu.memory_space<hbm>> -> memref<64xi32, #tpu.memory_space<hbm>>
      tpu.wait_dma2 semaphore(%run_scoped3A_313 : memref<!tpu.dma_semaphore, #tpu.memory_space<semaphore_mem>>) src(%dma_wait3A_321 : memref<64xi32, #tpu.memory_space<hbm>>) dst(%arg7 : memref<64xi32, #tpu.memory_space<vmem>>)
      tpu.yield
    }) : () -> ()
    %dma_start3A = arith.constant 0 : i32
    %dma_start3A_4 = tpu.memref_slice %arg6[%dma_start3A] : memref<64xi32, #tpu.memory_space<vmem>> -> memref<8xi32, #tpu.memory_space<vmem>>
    %dma_start3A_5 = arith.constant 0 : i32
    %dma_start3A_6 = arith.constant 0 : i32
    %dma_start3A_7 = tpu.memref_slice %arg2[%dma_start3A_5, %dma_start3A_6] : memref<5120x2048xf32, #tpu.memory_space<hbm>> -> memref<5120x2048xf32, #tpu.memory_space<hbm>>
    tpu.enqueue_indirect_dma source(%dma_start3A_7 : memref<5120x2048xf32, #tpu.memory_space<hbm>>) target(%arg8 : memref<8x2048xf32, #tpu.memory_space<vmem>>) offsets(%dma_start3A_4 : memref<8xi32, #tpu.memory_space<vmem>>) semaphore(%arg14 : memref<!tpu.dma_semaphore, #tpu.memory_space<semaphore_mem>>)
    %dma_start3A_8 = arith.constant 0 : i32
    %dma_start3A_9 = tpu.memref_slice %arg7[%dma_start3A_8] : memref<64xi32, #tpu.memory_space<vmem>> -> memref<8xi32, #tpu.memory_space<vmem>>
    %dma_start3A_10 = arith.constant 0 : i32
    %dma_start3A_11 = arith.constant 0 : i32
    %dma_start3A_12 = tpu.memref_slice %arg2[%dma_start3A_10, %dma_start3A_11] : memref<5120x2048xf32, #tpu.memory_space<hbm>> -> memref<5120x2048xf32, #tpu.memory_space<hbm>>
    tpu.enqueue_indirect_dma source(%dma_start3A_12 : memref<5120x2048xf32, #tpu.memory_space<hbm>>) target(%arg10 : memref<8x2048xf32, #tpu.memory_space<vmem>>) offsets(%dma_start3A_9 : memref<8xi32, #tpu.memory_space<vmem>>) semaphore(%arg14 : memref<!tpu.dma_semaphore, #tpu.memory_space<semaphore_mem>>)
    %add3A_13 = arith.constant 0 : i32
    %add3A_14 = arith.addi %mul3A_2, %add3A_13 : i32
    %dma_start3A_15 = arith.constant 0 : i32
    %dma_start3A_16 = tpu.memref_slice %arg4[%add3A_14, %dma_start3A_15] : memref<2048x2048xf32, #tpu.memory_space<hbm>> -> memref<8x2048xf32, #tpu.memory_space<hbm>>
    %dma_start3A_17 = arith.constant 0 : i32
    %dma_start3A_18 = tpu.memref_slice %arg4[%add3A_14, %dma_start3A_17] : memref<2048x2048xf32, #tpu.memory_space<hbm>> -> memref<8x2048xf32, #tpu.memory_space<hbm>>
    tpu.enqueue_dma source(%dma_start3A_18 : memref<8x2048xf32, #tpu.memory_space<hbm>>) target(%arg12 : memref<8x2048xf32, #tpu.memory_space<vmem>>) target_semaphore(%arg14 : memref<!tpu.dma_semaphore, #tpu.memory_space<semaphore_mem>>)
    %dma_start3A_19 = arith.constant 8 : i32
    %dma_start3A_20 = tpu.memref_slice %arg6[%dma_start3A_19] : memref<64xi32, #tpu.memory_space<vmem>> -> memref<8xi32, #tpu.memory_space<vmem>>
    %dma_start3A_21 = arith.constant 0 : i32
    %dma_start3A_22 = arith.constant 0 : i32
    %dma_start3A_23 = tpu.memref_slice %arg2[%dma_start3A_21, %dma_start3A_22] : memref<5120x2048xf32, #tpu.memory_space<hbm>> -> memref<5120x2048xf32, #tpu.memory_space<hbm>>
    tpu.enqueue_indirect_dma source(%dma_start3A_23 : memref<5120x2048xf32, #tpu.memory_space<hbm>>) target(%arg9 : memref<8x2048xf32, #tpu.memory_space<vmem>>) offsets(%dma_start3A_20 : memref<8xi32, #tpu.memory_space<vmem>>) semaphore(%arg15 : memref<!tpu.dma_semaphore, #tpu.memory_space<semaphore_mem>>)
    %dma_start3A_24 = arith.constant 8 : i32
    %dma_start3A_25 = tpu.memref_slice %arg7[%dma_start3A_24] : memref<64xi32, #tpu.memory_space<vmem>> -> memref<8xi32, #tpu.memory_space<vmem>>
    %dma_start3A_26 = arith.constant 0 : i32
    %dma_start3A_27 = arith.constant 0 : i32
    %dma_start3A_28 = tpu.memref_slice %arg2[%dma_start3A_26, %dma_start3A_27] : memref<5120x2048xf32, #tpu.memory_space<hbm>> -> memref<5120x2048xf32, #tpu.memory_space<hbm>>
    tpu.enqueue_indirect_dma source(%dma_start3A_28 : memref<5120x2048xf32, #tpu.memory_space<hbm>>) target(%arg11 : memref<8x2048xf32, #tpu.memory_space<vmem>>) offsets(%dma_start3A_25 : memref<8xi32, #tpu.memory_space<vmem>>) semaphore(%arg15 : memref<!tpu.dma_semaphore, #tpu.memory_space<semaphore_mem>>)
    %add3A_29 = arith.constant 8 : i32
    %add3A_30 = arith.addi %mul3A_2, %add3A_29 : i32
    %dma_start3A_31 = arith.constant 0 : i32
    %dma_start3A_32 = tpu.memref_slice %arg4[%add3A_30, %dma_start3A_31] : memref<2048x2048xf32, #tpu.memory_space<hbm>> -> memref<8x2048xf32, #tpu.memory_space<hbm>>
    %dma_start3A_33 = arith.constant 0 : i32
    %dma_start3A_34 = tpu.memref_slice %arg4[%add3A_30, %dma_start3A_33] : memref<2048x2048xf32, #tpu.memory_space<hbm>> -> memref<8x2048xf32, #tpu.memory_space<hbm>>
    tpu.enqueue_dma source(%dma_start3A_34 : memref<8x2048xf32, #tpu.memory_space<hbm>>) target(%arg13 : memref<8x2048xf32, #tpu.memory_space<vmem>>) target_semaphore(%arg15 : memref<!tpu.dma_semaphore, #tpu.memory_space<semaphore_mem>>)
    %dma_wait3A = arith.constant 0 : i32
    %dma_wait3A_35 = tpu.memref_slice %arg6[%dma_wait3A] : memref<64xi32, #tpu.memory_space<vmem>> -> memref<8xi32, #tpu.memory_space<vmem>>
    %dma_wait3A_36 = arith.constant 0 : i32
    %dma_wait3A_37 = arith.constant 0 : i32
    %dma_wait3A_38 = tpu.memref_slice %arg2[%dma_wait3A_36, %dma_wait3A_37] : memref<5120x2048xf32, #tpu.memory_space<hbm>> -> memref<5120x2048xf32, #tpu.memory_space<hbm>>
    tpu.wait_indirect_dma semaphore(%arg14 : memref<!tpu.dma_semaphore, #tpu.memory_space<semaphore_mem>>) src(%dma_wait3A_38 : memref<5120x2048xf32, #tpu.memory_space<hbm>>) dst(%arg8 : memref<8x2048xf32, #tpu.memory_space<vmem>>)
    %dma_wait3A_39 = arith.constant 0 : i32
    %dma_wait3A_40 = tpu.memref_slice %arg7[%dma_wait3A_39] : memref<64xi32, #tpu.memory_space<vmem>> -> memref<8xi32, #tpu.memory_space<vmem>>
    %dma_wait3A_41 = arith.constant 0 : i32
    %dma_wait3A_42 = arith.constant 0 : i32
    %dma_wait3A_43 = tpu.memref_slice %arg2[%dma_wait3A_41, %dma_wait3A_42] : memref<5120x2048xf32, #tpu.memory_space<hbm>> -> memref<5120x2048xf32, #tpu.memory_space<hbm>>
    tpu.wait_indirect_dma semaphore(%arg14 : memref<!tpu.dma_semaphore, #tpu.memory_space<semaphore_mem>>) src(%dma_wait3A_43 : memref<5120x2048xf32, #tpu.memory_space<hbm>>) dst(%arg10 : memref<8x2048xf32, #tpu.memory_space<vmem>>)
    %dma_wait3A_44 = arith.constant 0 : i32
    %dma_wait3A_45 = tpu.memref_slice %arg4[%add3A_14, %dma_wait3A_44] : memref<2048x2048xf32, #tpu.memory_space<hbm>> -> memref<8x2048xf32, #tpu.memory_space<hbm>>
    %dma_wait3A_46 = arith.constant 0 : i32
    %dma_wait3A_47 = tpu.memref_slice %arg4[%add3A_14, %dma_wait3A_46] : memref<2048x2048xf32, #tpu.memory_space<hbm>> -> memref<8x2048xf32, #tpu.memory_space<hbm>>
    tpu.wait_dma2 semaphore(%arg14 : memref<!tpu.dma_semaphore, #tpu.memory_space<semaphore_mem>>) src(%dma_wait3A_47 : memref<8x2048xf32, #tpu.memory_space<hbm>>) dst(%arg12 : memref<8x2048xf32, #tpu.memory_space<vmem>>)
    %scan3A = arith.constant 0 : i32
    %scan3A_48 = arith.constant 0 : i32
    %scan3A_49 = arith.constant 8 : i32
    %scan3A_50 = arith.addi %scan3A_48, %scan3A_49 : i32
    %scan3A_51 = arith.constant 1 : i32
    %scan3A_52 = scf.for %scan3A_313 = %scan3A_48 to %scan3A_50 step %scan3A_51 iter_args(%scan3A_314 = %scan3A) -> (i32)  : i32 {
      %scan3A_315 = arith.constant 0 : i32
      %scan3A_316 = arith.constant 0 : i32
      %scan3A_317 = arith.constant 128 : i32
      %scan3A_318 = arith.addi %scan3A_316, %scan3A_317 : i32
      %scan3A_319 = arith.constant 1 : i32
      %scan3A_320 = scf.for %scan3A_323 = %scan3A_316 to %scan3A_318 step %scan3A_319 iter_args(%scan3A_324 = %scan3A_315) -> (i32)  : i32 {
        %mul3A_325 = arith.constant 16 : i32
        %mul3A_326 = arith.muli %scan3A_323, %mul3A_325 : i32
        %get3A = arith.index_cast %scan3A_313 : i32 to index
        %get3A_327 = arith.index_cast %mul3A_326 : i32 to index
        %get3A_328 = tpu.vector_load %arg8[%get3A, %get3A_327] {strides = array<i32>} : memref<8x2048xf32, #tpu.memory_space<vmem>>, vector<16xf32>,
        %get3A_329 = arith.index_cast %scan3A_313 : i32 to index
        %get3A_330 = arith.index_cast %mul3A_326 : i32 to index
        %get3A_331 = tpu.vector_load %arg10[%get3A_329, %get3A_330] {strides = array<i32>} : memref<8x2048xf32, #tpu.memory_space<vmem>>, vector<16xf32>,
        %add3A_332 = arith.addf %get3A_328, %get3A_331 : vector<16xf32>
        %get3A_333 = arith.index_cast %scan3A_313 : i32 to index
        %get3A_334 = arith.index_cast %mul3A_326 : i32 to index
        %get3A_335 = tpu.vector_load %arg12[%get3A_333, %get3A_334] {strides = array<i32>} : memref<8x2048xf32, #tpu.memory_space<vmem>>, vector<16xf32>,
        %add3A_336 = arith.addf %add3A_332, %get3A_335 : vector<16xf32>
        %swap3A = arith.index_cast %scan3A_313 : i32 to index
        %swap3A_337 = arith.index_cast %mul3A_326 : i32 to index
        %swap3A_338 = tpu.vector_load %arg8[%swap3A, %swap3A_337] {strides = array<i32>} : memref<8x2048xf32, #tpu.memory_space<vmem>>, vector<16xf32>,
        tpu.vector_store %arg8[%swap3A, %swap3A_337], %add3A_336 {strides = array<i32>} : memref<8x2048xf32, #tpu.memory_space<vmem>>, vector<16xf32>,
        %scan3A_339 = arith.constant 0 : i32
        scf.yield %scan3A_339 : i32
      }
      %scan3A_321 = arith.constant 128 : i32
      %scan3A_322 = arith.constant 0 : i32
      scf.yield %scan3A_322 : i32
    }
    %scan3A_53 = arith.constant 8 : i32
    %add3A_54 = arith.constant 0 : i32
    %add3A_55 = arith.addi %mul3A_2, %add3A_54 : i32
    "tpu.region"() ({
      %run_scoped3A_313 = tpu.sem_alloc : memref<!tpu.dma_semaphore, #tpu.memory_space<semaphore_mem>>
      %dma_start3A_314 = arith.constant 0 : i32
      %dma_start3A_315 = tpu.memref_slice %arg5[%add3A_55, %dma_start3A_314] : memref<2048x2048xf32, #tpu.memory_space<hbm>> -> memref<8x2048xf32, #tpu.memory_space<hbm>>
      %dma_start3A_316 = arith.constant 0 : i32
      %dma_start3A_317 = tpu.memref_slice %arg5[%add3A_55, %dma_start3A_316] : memref<2048x2048xf32, #tpu.memory_space<hbm>> -> memref<8x2048xf32, #tpu.memory_space<hbm>>
      tpu.enqueue_dma source(%arg8 : memref<8x2048xf32, #tpu.memory_space<vmem>>) target(%dma_start3A_317 : memref<8x2048xf32, #tpu.memory_space<hbm>>) target_semaphore(%run_scoped3A_313 : memref<!tpu.dma_semaphore, #tpu.memory_space<semaphore_mem>>)
      %dma_wait3A_318 = arith.constant 0 : i32
      %dma_wait3A_319 = tpu.memref_slice %arg5[%add3A_55, %dma_wait3A_318] : memref<2048x2048xf32, #tpu.memory_space<hbm>> -> memref<8x2048xf32, #tpu.memory_space<hbm>>
      %dma_wait3A_320 = arith.constant 0 : i32
      %dma_wait3A_321 = tpu.memref_slice %arg5[%add3A_55, %dma_wait3A_320] : memref<2048x2048xf32, #tpu.memory_space<hbm>> -> memref<8x2048xf32, #tpu.memory_space<hbm>>
      tpu.wait_dma2 semaphore(%run_scoped3A_313 : memref<!tpu.dma_semaphore, #tpu.memory_space<semaphore_mem>>) src(%arg8 : memref<8x2048xf32, #tpu.memory_space<vmem>>) dst(%dma_wait3A_321 : memref<8x2048xf32, #tpu.memory_space<hbm>>)
      tpu.yield
    }) : () -> ()
    %dma_start3A_56 = arith.constant 16 : i32
    %dma_start3A_57 = tpu.memref_slice %arg6[%dma_start3A_56] : memref<64xi32, #tpu.memory_space<vmem>> -> memref<8xi32, #tpu.memory_space<vmem>>
    %dma_start3A_58 = arith.constant 0 : i32
    %dma_start3A_59 = arith.constant 0 : i32
    %dma_start3A_60 = tpu.memref_slice %arg2[%dma_start3A_58, %dma_start3A_59] : memref<5120x2048xf32, #tpu.memory_space<hbm>> -> memref<5120x2048xf32, #tpu.memory_space<hbm>>
    tpu.enqueue_indirect_dma source(%dma_start3A_60 : memref<5120x2048xf32, #tpu.memory_space<hbm>>) target(%arg8 : memref<8x2048xf32, #tpu.memory_space<vmem>>) offsets(%dma_start3A_57 : memref<8xi32, #tpu.memory_space<vmem>>) semaphore(%arg14 : memref<!tpu.dma_semaphore, #tpu.memory_space<semaphore_mem>>)
    %dma_start3A_61 = arith.constant 16 : i32
    %dma_start3A_62 = tpu.memref_slice %arg7[%dma_start3A_61] : memref<64xi32, #tpu.memory_space<vmem>> -> memref<8xi32, #tpu.memory_space<vmem>>
    %dma_start3A_63 = arith.constant 0 : i32
    %dma_start3A_64 = arith.constant 0 : i32
    %dma_start3A_65 = tpu.memref_slice %arg2[%dma_start3A_63, %dma_start3A_64] : memref<5120x2048xf32, #tpu.memory_space<hbm>> -> memref<5120x2048xf32, #tpu.memory_space<hbm>>
    tpu.enqueue_indirect_dma source(%dma_start3A_65 : memref<5120x2048xf32, #tpu.memory_space<hbm>>) target(%arg10 : memref<8x2048xf32, #tpu.memory_space<vmem>>) offsets(%dma_start3A_62 : memref<8xi32, #tpu.memory_space<vmem>>) semaphore(%arg14 : memref<!tpu.dma_semaphore, #tpu.memory_space<semaphore_mem>>)
    %add3A_66 = arith.constant 16 : i32
    %add3A_67 = arith.addi %mul3A_2, %add3A_66 : i32
    %dma_start3A_68 = arith.constant 0 : i32
    %dma_start3A_69 = tpu.memref_slice %arg4[%add3A_67, %dma_start3A_68] : memref<2048x2048xf32, #tpu.memory_space<hbm>> -> memref<8x2048xf32, #tpu.memory_space<hbm>>
    %dma_start3A_70 = arith.constant 0 : i32
    %dma_start3A_71 = tpu.memref_slice %arg4[%add3A_67, %dma_start3A_70] : memref<2048x2048xf32, #tpu.memory_space<hbm>> -> memref<8x2048xf32, #tpu.memory_space<hbm>>
    tpu.enqueue_dma source(%dma_start3A_71 : memref<8x2048xf32, #tpu.memory_space<hbm>>) target(%arg12 : memref<8x2048xf32, #tpu.memory_space<vmem>>) target_semaphore(%arg14 : memref<!tpu.dma_semaphore, #tpu.memory_space<semaphore_mem>>)
    %dma_wait3A_72 = arith.constant 8 : i32
    %dma_wait3A_73 = tpu.memref_slice %arg6[%dma_wait3A_72] : memref<64xi32, #tpu.memory_space<vmem>> -> memref<8xi32, #tpu.memory_space<vmem>>
    %dma_wait3A_74 = arith.constant 0 : i32
    %dma_wait3A_75 = arith.constant 0 : i32
    %dma_wait3A_76 = tpu.memref_slice %arg2[%dma_wait3A_74, %dma_wait3A_75] : memref<5120x2048xf32, #tpu.memory_space<hbm>> -> memref<5120x2048xf32, #tpu.memory_space<hbm>>
    tpu.wait_indirect_dma semaphore(%arg15 : memref<!tpu.dma_semaphore, #tpu.memory_space<semaphore_mem>>) src(%dma_wait3A_76 : memref<5120x2048xf32, #tpu.memory_space<hbm>>) dst(%arg9 : memref<8x2048xf32, #tpu.memory_space<vmem>>)
    %dma_wait3A_77 = arith.constant 8 : i32
    %dma_wait3A_78 = tpu.memref_slice %arg7[%dma_wait3A_77] : memref<64xi32, #tpu.memory_space<vmem>> -> memref<8xi32, #tpu.memory_space<vmem>>
    %dma_wait3A_79 = arith.constant 0 : i32
    %dma_wait3A_80 = arith.constant 0 : i32
    %dma_wait3A_81 = tpu.memref_slice %arg2[%dma_wait3A_79, %dma_wait3A_80] : memref<5120x2048xf32, #tpu.memory_space<hbm>> -> memref<5120x2048xf32, #tpu.memory_space<hbm>>
    tpu.wait_indirect_dma semaphore(%arg15 : memref<!tpu.dma_semaphore, #tpu.memory_space<semaphore_mem>>) src(%dma_wait3A_81 : memref<5120x2048xf32, #tpu.memory_space<hbm>>) dst(%arg11 : memref<8x2048xf32, #tpu.memory_space<vmem>>)
    %dma_wait3A_82 = arith.constant 0 : i32
    %dma_wait3A_83 = tpu.memref_slice %arg4[%add3A_30, %dma_wait3A_82] : memref<2048x2048xf32, #tpu.memory_space<hbm>> -> memref<8x2048xf32, #tpu.memory_space<hbm>>
    %dma_wait3A_84 = arith.constant 0 : i32
    %dma_wait3A_85 = tpu.memref_slice %arg4[%add3A_30, %dma_wait3A_84] : memref<2048x2048xf32, #tpu.memory_space<hbm>> -> memref<8x2048xf32, #tpu.memory_space<hbm>>
    tpu.wait_dma2 semaphore(%arg15 : memref<!tpu.dma_semaphore, #tpu.memory_space<semaphore_mem>>) src(%dma_wait3A_85 : memref<8x2048xf32, #tpu.memory_space<hbm>>) dst(%arg13 : memref<8x2048xf32, #tpu.memory_space<vmem>>)
    %scan3A_86 = arith.constant 0 : i32
    %scan3A_87 = arith.constant 0 : i32
    %scan3A_88 = arith.constant 8 : i32
    %scan3A_89 = arith.addi %scan3A_87, %scan3A_88 : i32
    %scan3A_90 = arith.constant 1 : i32
    %scan3A_91 = scf.for %scan3A_313 = %scan3A_87 to %scan3A_89 step %scan3A_90 iter_args(%scan3A_314 = %scan3A_86) -> (i32)  : i32 {
      %scan3A_315 = arith.constant 0 : i32
      %scan3A_316 = arith.constant 0 : i32
      %scan3A_317 = arith.constant 128 : i32
      %scan3A_318 = arith.addi %scan3A_316, %scan3A_317 : i32
      %scan3A_319 = arith.constant 1 : i32
      %scan3A_320 = scf.for %scan3A_323 = %scan3A_316 to %scan3A_318 step %scan3A_319 iter_args(%scan3A_324 = %scan3A_315) -> (i32)  : i32 {
        %mul3A_325 = arith.constant 16 : i32
        %mul3A_326 = arith.muli %scan3A_323, %mul3A_325 : i32
        %get3A = arith.index_cast %scan3A_313 : i32 to index
        %get3A_327 = arith.index_cast %mul3A_326 : i32 to index
        %get3A_328 = tpu.vector_load %arg9[%get3A, %get3A_327] {strides = array<i32>} : memref<8x2048xf32, #tpu.memory_space<vmem>>, vector<16xf32>,
        %get3A_329 = arith.index_cast %scan3A_313 : i32 to index
        %get3A_330 = arith.index_cast %mul3A_326 : i32 to index
        %get3A_331 = tpu.vector_load %arg11[%get3A_329, %get3A_330] {strides = array<i32>} : memref<8x2048xf32, #tpu.memory_space<vmem>>, vector<16xf32>,
        %add3A_332 = arith.addf %get3A_328, %get3A_331 : vector<16xf32>
        %get3A_333 = arith.index_cast %scan3A_313 : i32 to index
        %get3A_334 = arith.index_cast %mul3A_326 : i32 to index
        %get3A_335 = tpu.vector_load %arg13[%get3A_333, %get3A_334] {strides = array<i32>} : memref<8x2048xf32, #tpu.memory_space<vmem>>, vector<16xf32>,
        %add3A_336 = arith.addf %add3A_332, %get3A_335 : vector<16xf32>
        %swap3A = arith.index_cast %scan3A_313 : i32 to index
        %swap3A_337 = arith.index_cast %mul3A_326 : i32 to index
        %swap3A_338 = tpu.vector_load %arg9[%swap3A, %swap3A_337] {strides = array<i32>} : memref<8x2048xf32, #tpu.memory_space<vmem>>, vector<16xf32>,
        tpu.vector_store %arg9[%swap3A, %swap3A_337], %add3A_336 {strides = array<i32>} : memref<8x2048xf32, #tpu.memory_space<vmem>>, vector<16xf32>,
        %scan3A_339 = arith.constant 0 : i32
        scf.yield %scan3A_339 : i32
      }
      %scan3A_321 = arith.constant 128 : i32
      %scan3A_322 = arith.constant 0 : i32
      scf.yield %scan3A_322 : i32
    }
    %scan3A_92 = arith.constant 8 : i32
    %add3A_93 = arith.constant 8 : i32
    %add3A_94 = arith.addi %mul3A_2, %add3A_93 : i32
    "tpu.region"() ({
      %run_scoped3A_313 = tpu.sem_alloc : memref<!tpu.dma_semaphore, #tpu.memory_space<semaphore_mem>>
      %dma_start3A_314 = arith.constant 0 : i32
      %dma_start3A_315 = tpu.memref_slice %arg5[%add3A_94, %dma_start3A_314] : memref<2048x2048xf32, #tpu.memory_space<hbm>> -> memref<8x2048xf32, #tpu.memory_space<hbm>>
      %dma_start3A_316 = arith.constant 0 : i32
      %dma_start3A_317 = tpu.memref_slice %arg5[%add3A_94, %dma_start3A_316] : memref<2048x2048xf32, #tpu.memory_space<hbm>> -> memref<8x2048xf32, #tpu.memory_space<hbm>>
      tpu.enqueue_dma source(%arg9 : memref<8x2048xf32, #tpu.memory_space<vmem>>) target(%dma_start3A_317 : memref<8x2048xf32, #tpu.memory_space<hbm>>) target_semaphore(%run_scoped3A_313 : memref<!tpu.dma_semaphore, #tpu.memory_space<semaphore_mem>>)
      %dma_wait3A_318 = arith.constant 0 : i32
      %dma_wait3A_319 = tpu.memref_slice %arg5[%add3A_94, %dma_wait3A_318] : memref<2048x2048xf32, #tpu.memory_space<hbm>> -> memref<8x2048xf32, #tpu.memory_space<hbm>>
      %dma_wait3A_320 = arith.constant 0 : i32
      %dma_wait3A_321 = tpu.memref_slice %arg5[%add3A_94, %dma_wait3A_320] : memref<2048x2048xf32, #tpu.memory_space<hbm>> -> memref<8x2048xf32, #tpu.memory_space<hbm>>
      tpu.wait_dma2 semaphore(%run_scoped3A_313 : memref<!tpu.dma_semaphore, #tpu.memory_space<semaphore_mem>>) src(%arg9 : memref<8x2048xf32, #tpu.memory_space<vmem>>) dst(%dma_wait3A_321 : memref<8x2048xf32, #tpu.memory_space<hbm>>)
      tpu.yield
    }) : () -> ()
    %dma_start3A_95 = arith.constant 24 : i32
    %dma_start3A_96 = tpu.memref_slice %arg6[%dma_start3A_95] : memref<64xi32, #tpu.memory_space<vmem>> -> memref<8xi32, #tpu.memory_space<vmem>>
    %dma_start3A_97 = arith.constant 0 : i32
    %dma_start3A_98 = arith.constant 0 : i32
    %dma_start3A_99 = tpu.memref_slice %arg2[%dma_start3A_97, %dma_start3A_98] : memref<5120x2048xf32, #tpu.memory_space<hbm>> -> memref<5120x2048xf32, #tpu.memory_space<hbm>>
    tpu.enqueue_indirect_dma source(%dma_start3A_99 : memref<5120x2048xf32, #tpu.memory_space<hbm>>) target(%arg9 : memref<8x2048xf32, #tpu.memory_space<vmem>>) offsets(%dma_start3A_96 : memref<8xi32, #tpu.memory_space<vmem>>) semaphore(%arg15 : memref<!tpu.dma_semaphore, #tpu.memory_space<semaphore_mem>>)
    %dma_start3A_100 = arith.constant 24 : i32
    %dma_start3A_101 = tpu.memref_slice %arg7[%dma_start3A_100] : memref<64xi32, #tpu.memory_space<vmem>> -> memref<8xi32, #tpu.memory_space<vmem>>
    %dma_start3A_102 = arith.constant 0 : i32
    %dma_start3A_103 = arith.constant 0 : i32
    %dma_start3A_104 = tpu.memref_slice %arg2[%dma_start3A_102, %dma_start3A_103] : memref<5120x2048xf32, #tpu.memory_space<hbm>> -> memref<5120x2048xf32, #tpu.memory_space<hbm>>
    tpu.enqueue_indirect_dma source(%dma_start3A_104 : memref<5120x2048xf32, #tpu.memory_space<hbm>>) target(%arg11 : memref<8x2048xf32, #tpu.memory_space<vmem>>) offsets(%dma_start3A_101 : memref<8xi32, #tpu.memory_space<vmem>>) semaphore(%arg15 : memref<!tpu.dma_semaphore, #tpu.memory_space<semaphore_mem>>)
    %add3A_105 = arith.constant 24 : i32
    %add3A_106 = arith.addi %mul3A_2, %add3A_105 : i32
    %dma_start3A_107 = arith.constant 0 : i32
    %dma_start3A_108 = tpu.memref_slice %arg4[%add3A_106, %dma_start3A_107] : memref<2048x2048xf32, #tpu.memory_space<hbm>> -> memref<8x2048xf32, #tpu.memory_space<hbm>>
    %dma_start3A_109 = arith.constant 0 : i32
    %dma_start3A_110 = tpu.memref_slice %arg4[%add3A_106, %dma_start3A_109] : memref<2048x2048xf32, #tpu.memory_space<hbm>> -> memref<8x2048xf32, #tpu.memory_space<hbm>>
    tpu.enqueue_dma source(%dma_start3A_110 : memref<8x2048xf32, #tpu.memory_space<hbm>>) target(%arg13 : memref<8x2048xf32, #tpu.memory_space<vmem>>) target_semaphore(%arg15 : memref<!tpu.dma_semaphore, #tpu.memory_space<semaphore_mem>>)
    %dma_wait3A_111 = arith.constant 16 : i32
    %dma_wait3A_112 = tpu.memref_slice %arg6[%dma_wait3A_111] : memref<64xi32, #tpu.memory_space<vmem>> -> memref<8xi32, #tpu.memory_space<vmem>>
    %dma_wait3A_113 = arith.constant 0 : i32
    %dma_wait3A_114 = arith.constant 0 : i32
    %dma_wait3A_115 = tpu.memref_slice %arg2[%dma_wait3A_113, %dma_wait3A_114] : memref<5120x2048xf32, #tpu.memory_space<hbm>> -> memref<5120x2048xf32, #tpu.memory_space<hbm>>
    tpu.wait_indirect_dma semaphore(%arg14 : memref<!tpu.dma_semaphore, #tpu.memory_space<semaphore_mem>>) src(%dma_wait3A_115 : memref<5120x2048xf32, #tpu.memory_space<hbm>>) dst(%arg8 : memref<8x2048xf32, #tpu.memory_space<vmem>>)
    %dma_wait3A_116 = arith.constant 16 : i32
    %dma_wait3A_117 = tpu.memref_slice %arg7[%dma_wait3A_116] : memref<64xi32, #tpu.memory_space<vmem>> -> memref<8xi32, #tpu.memory_space<vmem>>
    %dma_wait3A_118 = arith.constant 0 : i32
    %dma_wait3A_119 = arith.constant 0 : i32
    %dma_wait3A_120 = tpu.memref_slice %arg2[%dma_wait3A_118, %dma_wait3A_119] : memref<5120x2048xf32, #tpu.memory_space<hbm>> -> memref<5120x2048xf32, #tpu.memory_space<hbm>>
    tpu.wait_indirect_dma semaphore(%arg14 : memref<!tpu.dma_semaphore, #tpu.memory_space<semaphore_mem>>) src(%dma_wait3A_120 : memref<5120x2048xf32, #tpu.memory_space<hbm>>) dst(%arg10 : memref<8x2048xf32, #tpu.memory_space<vmem>>)
    %dma_wait3A_121 = arith.constant 0 : i32
    %dma_wait3A_122 = tpu.memref_slice %arg4[%add3A_67, %dma_wait3A_121] : memref<2048x2048xf32, #tpu.memory_space<hbm>> -> memref<8x2048xf32, #tpu.memory_space<hbm>>
    %dma_wait3A_123 = arith.constant 0 : i32
    %dma_wait3A_124 = tpu.memref_slice %arg4[%add3A_67, %dma_wait3A_123] : memref<2048x2048xf32, #tpu.memory_space<hbm>> -> memref<8x2048xf32, #tpu.memory_space<hbm>>
    tpu.wait_dma2 semaphore(%arg14 : memref<!tpu.dma_semaphore, #tpu.memory_space<semaphore_mem>>) src(%dma_wait3A_124 : memref<8x2048xf32, #tpu.memory_space<hbm>>) dst(%arg12 : memref<8x2048xf32, #tpu.memory_space<vmem>>)
    %scan3A_125 = arith.constant 0 : i32
    %scan3A_126 = arith.constant 0 : i32
    %scan3A_127 = arith.constant 8 : i32
    %scan3A_128 = arith.addi %scan3A_126, %scan3A_127 : i32
    %scan3A_129 = arith.constant 1 : i32
    %scan3A_130 = scf.for %scan3A_313 = %scan3A_126 to %scan3A_128 step %scan3A_129 iter_args(%scan3A_314 = %scan3A_125) -> (i32)  : i32 {
      %scan3A_315 = arith.constant 0 : i32
      %scan3A_316 = arith.constant 0 : i32
      %scan3A_317 = arith.constant 128 : i32
      %scan3A_318 = arith.addi %scan3A_316, %scan3A_317 : i32
      %scan3A_319 = arith.constant 1 : i32
      %scan3A_320 = scf.for %scan3A_323 = %scan3A_316 to %scan3A_318 step %scan3A_319 iter_args(%scan3A_324 = %scan3A_315) -> (i32)  : i32 {
        %mul3A_325 = arith.constant 16 : i32
        %mul3A_326 = arith.muli %scan3A_323, %mul3A_325 : i32
        %get3A = arith.index_cast %scan3A_313 : i32 to index
        %get3A_327 = arith.index_cast %mul3A_326 : i32 to index
        %get3A_328 = tpu.vector_load %arg8[%get3A, %get3A_327] {strides = array<i32>} : memref<8x2048xf32, #tpu.memory_space<vmem>>, vector<16xf32>,
        %get3A_329 = arith.index_cast %scan3A_313 : i32 to index
        %get3A_330 = arith.index_cast %mul3A_326 : i32 to index
        %get3A_331 = tpu.vector_load %arg10[%get3A_329, %get3A_330] {strides = array<i32>} : memref<8x2048xf32, #tpu.memory_space<vmem>>, vector<16xf32>,
        %add3A_332 = arith.addf %get3A_328, %get3A_331 : vector<16xf32>
        %get3A_333 = arith.index_cast %scan3A_313 : i32 to index
        %get3A_334 = arith.index_cast %mul3A_326 : i32 to index
        %get3A_335 = tpu.vector_load %arg12[%get3A_333, %get3A_334] {strides = array<i32>} : memref<8x2048xf32, #tpu.memory_space<vmem>>, vector<16xf32>,
        %add3A_336 = arith.addf %add3A_332, %get3A_335 : vector<16xf32>
        %swap3A = arith.index_cast %scan3A_313 : i32 to index
        %swap3A_337 = arith.index_cast %mul3A_326 : i32 to index
        %swap3A_338 = tpu.vector_load %arg8[%swap3A, %swap3A_337] {strides = array<i32>} : memref<8x2048xf32, #tpu.memory_space<vmem>>, vector<16xf32>,
        tpu.vector_store %arg8[%swap3A, %swap3A_337], %add3A_336 {strides = array<i32>} : memref<8x2048xf32, #tpu.memory_space<vmem>>, vector<16xf32>,
        %scan3A_339 = arith.constant 0 : i32
        scf.yield %scan3A_339 : i32
      }
      %scan3A_321 = arith.constant 128 : i32
      %scan3A_322 = arith.constant 0 : i32
      scf.yield %scan3A_322 : i32
    }
    %scan3A_131 = arith.constant 8 : i32
    %add3A_132 = arith.constant 16 : i32
    %add3A_133 = arith.addi %mul3A_2, %add3A_132 : i32
    "tpu.region"() ({
      %run_scoped3A_313 = tpu.sem_alloc : memref<!tpu.dma_semaphore, #tpu.memory_space<semaphore_mem>>
      %dma_start3A_314 = arith.constant 0 : i32
      %dma_start3A_315 = tpu.memref_slice %arg5[%add3A_133, %dma_start3A_314] : memref<2048x2048xf32, #tpu.memory_space<hbm>> -> memref<8x2048xf32, #tpu.memory_space<hbm>>
      %dma_start3A_316 = arith.constant 0 : i32
      %dma_start3A_317 = tpu.memref_slice %arg5[%add3A_133, %dma_start3A_316] : memref<2048x2048xf32, #tpu.memory_space<hbm>> -> memref<8x2048xf32, #tpu.memory_space<hbm>>
      tpu.enqueue_dma source(%arg8 : memref<8x2048xf32, #tpu.memory_space<vmem>>) target(%dma_start3A_317 : memref<8x2048xf32, #tpu.memory_space<hbm>>) target_semaphore(%run_scoped3A_313 : memref<!tpu.dma_semaphore, #tpu.memory_space<semaphore_mem>>)
      %dma_wait3A_318 = arith.constant 0 : i32
      %dma_wait3A_319 = tpu.memref_slice %arg5[%add3A_133, %dma_wait3A_318] : memref<2048x2048xf32, #tpu.memory_space<hbm>> -> memref<8x2048xf32, #tpu.memory_space<hbm>>
      %dma_wait3A_320 = arith.constant 0 : i32
      %dma_wait3A_321 = tpu.memref_slice %arg5[%add3A_133, %dma_wait3A_320] : memref<2048x2048xf32, #tpu.memory_space<hbm>> -> memref<8x2048xf32, #tpu.memory_space<hbm>>
      tpu.wait_dma2 semaphore(%run_scoped3A_313 : memref<!tpu.dma_semaphore, #tpu.memory_space<semaphore_mem>>) src(%arg8 : memref<8x2048xf32, #tpu.memory_space<vmem>>) dst(%dma_wait3A_321 : memref<8x2048xf32, #tpu.memory_space<hbm>>)
      tpu.yield
    }) : () -> ()
    %dma_start3A_134 = arith.constant 32 : i32
    %dma_start3A_135 = tpu.memref_slice %arg6[%dma_start3A_134] : memref<64xi32, #tpu.memory_space<vmem>> -> memref<8xi32, #tpu.memory_space<vmem>>
    %dma_start3A_136 = arith.constant 0 : i32
    %dma_start3A_137 = arith.constant 0 : i32
    %dma_start3A_138 = tpu.memref_slice %arg2[%dma_start3A_136, %dma_start3A_137] : memref<5120x2048xf32, #tpu.memory_space<hbm>> -> memref<5120x2048xf32, #tpu.memory_space<hbm>>
    tpu.enqueue_indirect_dma source(%dma_start3A_138 : memref<5120x2048xf32, #tpu.memory_space<hbm>>) target(%arg8 : memref<8x2048xf32, #tpu.memory_space<vmem>>) offsets(%dma_start3A_135 : memref<8xi32, #tpu.memory_space<vmem>>) semaphore(%arg14 : memref<!tpu.dma_semaphore, #tpu.memory_space<semaphore_mem>>)
    %dma_start3A_139 = arith.constant 32 : i32
    %dma_start3A_140 = tpu.memref_slice %arg7[%dma_start3A_139] : memref<64xi32, #tpu.memory_space<vmem>> -> memref<8xi32, #tpu.memory_space<vmem>>
    %dma_start3A_141 = arith.constant 0 : i32
    %dma_start3A_142 = arith.constant 0 : i32
    %dma_start3A_143 = tpu.memref_slice %arg2[%dma_start3A_141, %dma_start3A_142] : memref<5120x2048xf32, #tpu.memory_space<hbm>> -> memref<5120x2048xf32, #tpu.memory_space<hbm>>
    tpu.enqueue_indirect_dma source(%dma_start3A_143 : memref<5120x2048xf32, #tpu.memory_space<hbm>>) target(%arg10 : memref<8x2048xf32, #tpu.memory_space<vmem>>) offsets(%dma_start3A_140 : memref<8xi32, #tpu.memory_space<vmem>>) semaphore(%arg14 : memref<!tpu.dma_semaphore, #tpu.memory_space<semaphore_mem>>)
    %add3A_144 = arith.constant 32 : i32
    %add3A_145 = arith.addi %mul3A_2, %add3A_144 : i32
    %dma_start3A_146 = arith.constant 0 : i32
    %dma_start3A_147 = tpu.memref_slice %arg4[%add3A_145, %dma_start3A_146] : memref<2048x2048xf32, #tpu.memory_space<hbm>> -> memref<8x2048xf32, #tpu.memory_space<hbm>>
    %dma_start3A_148 = arith.constant 0 : i32
    %dma_start3A_149 = tpu.memref_slice %arg4[%add3A_145, %dma_start3A_148] : memref<2048x2048xf32, #tpu.memory_space<hbm>> -> memref<8x2048xf32, #tpu.memory_space<hbm>>
    tpu.enqueue_dma source(%dma_start3A_149 : memref<8x2048xf32, #tpu.memory_space<hbm>>) target(%arg12 : memref<8x2048xf32, #tpu.memory_space<vmem>>) target_semaphore(%arg14 : memref<!tpu.dma_semaphore, #tpu.memory_space<semaphore_mem>>)
    %dma_wait3A_150 = arith.constant 24 : i32
    %dma_wait3A_151 = tpu.memref_slice %arg6[%dma_wait3A_150] : memref<64xi32, #tpu.memory_space<vmem>> -> memref<8xi32, #tpu.memory_space<vmem>>
    %dma_wait3A_152 = arith.constant 0 : i32
    %dma_wait3A_153 = arith.constant 0 : i32
    %dma_wait3A_154 = tpu.memref_slice %arg2[%dma_wait3A_152, %dma_wait3A_153] : memref<5120x2048xf32, #tpu.memory_space<hbm>> -> memref<5120x2048xf32, #tpu.memory_space<hbm>>
    tpu.wait_indirect_dma semaphore(%arg15 : memref<!tpu.dma_semaphore, #tpu.memory_space<semaphore_mem>>) src(%dma_wait3A_154 : memref<5120x2048xf32, #tpu.memory_space<hbm>>) dst(%arg9 : memref<8x2048xf32, #tpu.memory_space<vmem>>)
    %dma_wait3A_155 = arith.constant 24 : i32
    %dma_wait3A_156 = tpu.memref_slice %arg7[%dma_wait3A_155] : memref<64xi32, #tpu.memory_space<vmem>> -> memref<8xi32, #tpu.memory_space<vmem>>
    %dma_wait3A_157 = arith.constant 0 : i32
    %dma_wait3A_158 = arith.constant 0 : i32
    %dma_wait3A_159 = tpu.memref_slice %arg2[%dma_wait3A_157, %dma_wait3A_158] : memref<5120x2048xf32, #tpu.memory_space<hbm>> -> memref<5120x2048xf32, #tpu.memory_space<hbm>>
    tpu.wait_indirect_dma semaphore(%arg15 : memref<!tpu.dma_semaphore, #tpu.memory_space<semaphore_mem>>) src(%dma_wait3A_159 : memref<5120x2048xf32, #tpu.memory_space<hbm>>) dst(%arg11 : memref<8x2048xf32, #tpu.memory_space<vmem>>)
    %dma_wait3A_160 = arith.constant 0 : i32
    %dma_wait3A_161 = tpu.memref_slice %arg4[%add3A_106, %dma_wait3A_160] : memref<2048x2048xf32, #tpu.memory_space<hbm>> -> memref<8x2048xf32, #tpu.memory_space<hbm>>
    %dma_wait3A_162 = arith.constant 0 : i32
    %dma_wait3A_163 = tpu.memref_slice %arg4[%add3A_106, %dma_wait3A_162] : memref<2048x2048xf32, #tpu.memory_space<hbm>> -> memref<8x2048xf32, #tpu.memory_space<hbm>>
    tpu.wait_dma2 semaphore(%arg15 : memref<!tpu.dma_semaphore, #tpu.memory_space<semaphore_mem>>) src(%dma_wait3A_163 : memref<8x2048xf32, #tpu.memory_space<hbm>>) dst(%arg13 : memref<8x2048xf32, #tpu.memory_space<vmem>>)
    %scan3A_164 = arith.constant 0 : i32
    %scan3A_165 = arith.constant 0 : i32
    %scan3A_166 = arith.constant 8 : i32
    %scan3A_167 = arith.addi %scan3A_165, %scan3A_166 : i32
    %scan3A_168 = arith.constant 1 : i32
    %scan3A_169 = scf.for %scan3A_313 = %scan3A_165 to %scan3A_167 step %scan3A_168 iter_args(%scan3A_314 = %scan3A_164) -> (i32)  : i32 {
      %scan3A_315 = arith.constant 0 : i32
      %scan3A_316 = arith.constant 0 : i32
      %scan3A_317 = arith.constant 128 : i32
      %scan3A_318 = arith.addi %scan3A_316, %scan3A_317 : i32
      %scan3A_319 = arith.constant 1 : i32
      %scan3A_320 = scf.for %scan3A_323 = %scan3A_316 to %scan3A_318 step %scan3A_319 iter_args(%scan3A_324 = %scan3A_315) -> (i32)  : i32 {
        %mul3A_325 = arith.constant 16 : i32
        %mul3A_326 = arith.muli %scan3A_323, %mul3A_325 : i32
        %get3A = arith.index_cast %scan3A_313 : i32 to index
        %get3A_327 = arith.index_cast %mul3A_326 : i32 to index
        %get3A_328 = tpu.vector_load %arg9[%get3A, %get3A_327] {strides = array<i32>} : memref<8x2048xf32, #tpu.memory_space<vmem>>, vector<16xf32>,
        %get3A_329 = arith.index_cast %scan3A_313 : i32 to index
        %get3A_330 = arith.index_cast %mul3A_326 : i32 to index
        %get3A_331 = tpu.vector_load %arg11[%get3A_329, %get3A_330] {strides = array<i32>} : memref<8x2048xf32, #tpu.memory_space<vmem>>, vector<16xf32>,
        %add3A_332 = arith.addf %get3A_328, %get3A_331 : vector<16xf32>
        %get3A_333 = arith.index_cast %scan3A_313 : i32 to index
        %get3A_334 = arith.index_cast %mul3A_326 : i32 to index
        %get3A_335 = tpu.vector_load %arg13[%get3A_333, %get3A_334] {strides = array<i32>} : memref<8x2048xf32, #tpu.memory_space<vmem>>, vector<16xf32>,
        %add3A_336 = arith.addf %add3A_332, %get3A_335 : vector<16xf32>
        %swap3A = arith.index_cast %scan3A_313 : i32 to index
        %swap3A_337 = arith.index_cast %mul3A_326 : i32 to index
        %swap3A_338 = tpu.vector_load %arg9[%swap3A, %swap3A_337] {strides = array<i32>} : memref<8x2048xf32, #tpu.memory_space<vmem>>, vector<16xf32>,
        tpu.vector_store %arg9[%swap3A, %swap3A_337], %add3A_336 {strides = array<i32>} : memref<8x2048xf32, #tpu.memory_space<vmem>>, vector<16xf32>,
        %scan3A_339 = arith.constant 0 : i32
        scf.yield %scan3A_339 : i32
      }
      %scan3A_321 = arith.constant 128 : i32
      %scan3A_322 = arith.constant 0 : i32
      scf.yield %scan3A_322 : i32
    }
    %scan3A_170 = arith.constant 8 : i32
    %add3A_171 = arith.constant 24 : i32
    %add3A_172 = arith.addi %mul3A_2, %add3A_171 : i32
    "tpu.region"() ({
      %run_scoped3A_313 = tpu.sem_alloc : memref<!tpu.dma_semaphore, #tpu.memory_space<semaphore_mem>>
      %dma_start3A_314 = arith.constant 0 : i32
      %dma_start3A_315 = tpu.memref_slice %arg5[%add3A_172, %dma_start3A_314] : memref<2048x2048xf32, #tpu.memory_space<hbm>> -> memref<8x2048xf32, #tpu.memory_space<hbm>>
      %dma_start3A_316 = arith.constant 0 : i32
      %dma_start3A_317 = tpu.memref_slice %arg5[%add3A_172, %dma_start3A_316] : memref<2048x2048xf32, #tpu.memory_space<hbm>> -> memref<8x2048xf32, #tpu.memory_space<hbm>>
      tpu.enqueue_dma source(%arg9 : memref<8x2048xf32, #tpu.memory_space<vmem>>) target(%dma_start3A_317 : memref<8x2048xf32, #tpu.memory_space<hbm>>) target_semaphore(%run_scoped3A_313 : memref<!tpu.dma_semaphore, #tpu.memory_space<semaphore_mem>>)
      %dma_wait3A_318 = arith.constant 0 : i32
      %dma_wait3A_319 = tpu.memref_slice %arg5[%add3A_172, %dma_wait3A_318] : memref<2048x2048xf32, #tpu.memory_space<hbm>> -> memref<8x2048xf32, #tpu.memory_space<hbm>>
      %dma_wait3A_320 = arith.constant 0 : i32
      %dma_wait3A_321 = tpu.memref_slice %arg5[%add3A_172, %dma_wait3A_320] : memref<2048x2048xf32, #tpu.memory_space<hbm>> -> memref<8x2048xf32, #tpu.memory_space<hbm>>
      tpu.wait_dma2 semaphore(%run_scoped3A_313 : memref<!tpu.dma_semaphore, #tpu.memory_space<semaphore_mem>>) src(%arg9 : memref<8x2048xf32, #tpu.memory_space<vmem>>) dst(%dma_wait3A_321 : memref<8x2048xf32, #tpu.memory_space<hbm>>)
      tpu.yield
    }) : () -> ()
    %dma_start3A_173 = arith.constant 40 : i32
    %dma_start3A_174 = tpu.memref_slice %arg6[%dma_start3A_173] : memref<64xi32, #tpu.memory_space<vmem>> -> memref<8xi32, #tpu.memory_space<vmem>>
    %dma_start3A_175 = arith.constant 0 : i32
    %dma_start3A_176 = arith.constant 0 : i32
    %dma_start3A_177 = tpu.memref_slice %arg2[%dma_start3A_175, %dma_start3A_176] : memref<5120x2048xf32, #tpu.memory_space<hbm>> -> memref<5120x2048xf32, #tpu.memory_space<hbm>>
    tpu.enqueue_indirect_dma source(%dma_start3A_177 : memref<5120x2048xf32, #tpu.memory_space<hbm>>) target(%arg9 : memref<8x2048xf32, #tpu.memory_space<vmem>>) offsets(%dma_start3A_174 : memref<8xi32, #tpu.memory_space<vmem>>) semaphore(%arg15 : memref<!tpu.dma_semaphore, #tpu.memory_space<semaphore_mem>>)
    %dma_start3A_178 = arith.constant 40 : i32
    %dma_start3A_179 = tpu.memref_slice %arg7[%dma_start3A_178] : memref<64xi32, #tpu.memory_space<vmem>> -> memref<8xi32, #tpu.memory_space<vmem>>
    %dma_start3A_180 = arith.constant 0 : i32
    %dma_start3A_181 = arith.constant 0 : i32
    %dma_start3A_182 = tpu.memref_slice %arg2[%dma_start3A_180, %dma_start3A_181] : memref<5120x2048xf32, #tpu.memory_space<hbm>> -> memref<5120x2048xf32, #tpu.memory_space<hbm>>
    tpu.enqueue_indirect_dma source(%dma_start3A_182 : memref<5120x2048xf32, #tpu.memory_space<hbm>>) target(%arg11 : memref<8x2048xf32, #tpu.memory_space<vmem>>) offsets(%dma_start3A_179 : memref<8xi32, #tpu.memory_space<vmem>>) semaphore(%arg15 : memref<!tpu.dma_semaphore, #tpu.memory_space<semaphore_mem>>)
    %add3A_183 = arith.constant 40 : i32
    %add3A_184 = arith.addi %mul3A_2, %add3A_183 : i32
    %dma_start3A_185 = arith.constant 0 : i32
    %dma_start3A_186 = tpu.memref_slice %arg4[%add3A_184, %dma_start3A_185] : memref<2048x2048xf32, #tpu.memory_space<hbm>> -> memref<8x2048xf32, #tpu.memory_space<hbm>>
    %dma_start3A_187 = arith.constant 0 : i32
    %dma_start3A_188 = tpu.memref_slice %arg4[%add3A_184, %dma_start3A_187] : memref<2048x2048xf32, #tpu.memory_space<hbm>> -> memref<8x2048xf32, #tpu.memory_space<hbm>>
    tpu.enqueue_dma source(%dma_start3A_188 : memref<8x2048xf32, #tpu.memory_space<hbm>>) target(%arg13 : memref<8x2048xf32, #tpu.memory_space<vmem>>) target_semaphore(%arg15 : memref<!tpu.dma_semaphore, #tpu.memory_space<semaphore_mem>>)
    %dma_wait3A_189 = arith.constant 32 : i32
    %dma_wait3A_190 = tpu.memref_slice %arg6[%dma_wait3A_189] : memref<64xi32, #tpu.memory_space<vmem>> -> memref<8xi32, #tpu.memory_space<vmem>>
    %dma_wait3A_191 = arith.constant 0 : i32
    %dma_wait3A_192 = arith.constant 0 : i32
    %dma_wait3A_193 = tpu.memref_slice %arg2[%dma_wait3A_191, %dma_wait3A_192] : memref<5120x2048xf32, #tpu.memory_space<hbm>> -> memref<5120x2048xf32, #tpu.memory_space<hbm>>
    tpu.wait_indirect_dma semaphore(%arg14 : memref<!tpu.dma_semaphore, #tpu.memory_space<semaphore_mem>>) src(%dma_wait3A_193 : memref<5120x2048xf32, #tpu.memory_space<hbm>>) dst(%arg8 : memref<8x2048xf32, #tpu.memory_space<vmem>>)
    %dma_wait3A_194 = arith.constant 32 : i32
    %dma_wait3A_195 = tpu.memref_slice %arg7[%dma_wait3A_194] : memref<64xi32, #tpu.memory_space<vmem>> -> memref<8xi32, #tpu.memory_space<vmem>>
    %dma_wait3A_196 = arith.constant 0 : i32
    %dma_wait3A_197 = arith.constant 0 : i32
    %dma_wait3A_198 = tpu.memref_slice %arg2[%dma_wait3A_196, %dma_wait3A_197] : memref<5120x2048xf32, #tpu.memory_space<hbm>> -> memref<5120x2048xf32, #tpu.memory_space<hbm>>
    tpu.wait_indirect_dma semaphore(%arg14 : memref<!tpu.dma_semaphore, #tpu.memory_space<semaphore_mem>>) src(%dma_wait3A_198 : memref<5120x2048xf32, #tpu.memory_space<hbm>>) dst(%arg10 : memref<8x2048xf32, #tpu.memory_space<vmem>>)
    %dma_wait3A_199 = arith.constant 0 : i32
    %dma_wait3A_200 = tpu.memref_slice %arg4[%add3A_145, %dma_wait3A_199] : memref<2048x2048xf32, #tpu.memory_space<hbm>> -> memref<8x2048xf32, #tpu.memory_space<hbm>>
    %dma_wait3A_201 = arith.constant 0 : i32
    %dma_wait3A_202 = tpu.memref_slice %arg4[%add3A_145, %dma_wait3A_201] : memref<2048x2048xf32, #tpu.memory_space<hbm>> -> memref<8x2048xf32, #tpu.memory_space<hbm>>
    tpu.wait_dma2 semaphore(%arg14 : memref<!tpu.dma_semaphore, #tpu.memory_space<semaphore_mem>>) src(%dma_wait3A_202 : memref<8x2048xf32, #tpu.memory_space<hbm>>) dst(%arg12 : memref<8x2048xf32, #tpu.memory_space<vmem>>)
    %scan3A_203 = arith.constant 0 : i32
    %scan3A_204 = arith.constant 0 : i32
    %scan3A_205 = arith.constant 8 : i32
    %scan3A_206 = arith.addi %scan3A_204, %scan3A_205 : i32
    %scan3A_207 = arith.constant 1 : i32
    %scan3A_208 = scf.for %scan3A_313 = %scan3A_204 to %scan3A_206 step %scan3A_207 iter_args(%scan3A_314 = %scan3A_203) -> (i32)  : i32 {
      %scan3A_315 = arith.constant 0 : i32
      %scan3A_316 = arith.constant 0 : i32
      %scan3A_317 = arith.constant 128 : i32
      %scan3A_318 = arith.addi %scan3A_316, %scan3A_317 : i32
      %scan3A_319 = arith.constant 1 : i32
      %scan3A_320 = scf.for %scan3A_323 = %scan3A_316 to %scan3A_318 step %scan3A_319 iter_args(%scan3A_324 = %scan3A_315) -> (i32)  : i32 {
        %mul3A_325 = arith.constant 16 : i32
        %mul3A_326 = arith.muli %scan3A_323, %mul3A_325 : i32
        %get3A = arith.index_cast %scan3A_313 : i32 to index
        %get3A_327 = arith.index_cast %mul3A_326 : i32 to index
        %get3A_328 = tpu.vector_load %arg8[%get3A, %get3A_327] {strides = array<i32>} : memref<8x2048xf32, #tpu.memory_space<vmem>>, vector<16xf32>,
        %get3A_329 = arith.index_cast %scan3A_313 : i32 to index
        %get3A_330 = arith.index_cast %mul3A_326 : i32 to index
        %get3A_331 = tpu.vector_load %arg10[%get3A_329, %get3A_330] {strides = array<i32>} : memref<8x2048xf32, #tpu.memory_space<vmem>>, vector<16xf32>,
        %add3A_332 = arith.addf %get3A_328, %get3A_331 : vector<16xf32>
        %get3A_333 = arith.index_cast %scan3A_313 : i32 to index
        %get3A_334 = arith.index_cast %mul3A_326 : i32 to index
        %get3A_335 = tpu.vector_load %arg12[%get3A_333, %get3A_334] {strides = array<i32>} : memref<8x2048xf32, #tpu.memory_space<vmem>>, vector<16xf32>,
        %add3A_336 = arith.addf %add3A_332, %get3A_335 : vector<16xf32>
        %swap3A = arith.index_cast %scan3A_313 : i32 to index
        %swap3A_337 = arith.index_cast %mul3A_326 : i32 to index
        %swap3A_338 = tpu.vector_load %arg8[%swap3A, %swap3A_337] {strides = array<i32>} : memref<8x2048xf32, #tpu.memory_space<vmem>>, vector<16xf32>,
        tpu.vector_store %arg8[%swap3A, %swap3A_337], %add3A_336 {strides = array<i32>} : memref<8x2048xf32, #tpu.memory_space<vmem>>, vector<16xf32>,
        %scan3A_339 = arith.constant 0 : i32
        scf.yield %scan3A_339 : i32
      }
      %scan3A_321 = arith.constant 128 : i32
      %scan3A_322 = arith.constant 0 : i32
      scf.yield %scan3A_322 : i32
    }
    %scan3A_209 = arith.constant 8 : i32
    %add3A_210 = arith.constant 32 : i32
    %add3A_211 = arith.addi %mul3A_2, %add3A_210 : i32
    "tpu.region"() ({
      %run_scoped3A_313 = tpu.sem_alloc : memref<!tpu.dma_semaphore, #tpu.memory_space<semaphore_mem>>
      %dma_start3A_314 = arith.constant 0 : i32
      %dma_start3A_315 = tpu.memref_slice %arg5[%add3A_211, %dma_start3A_314] : memref<2048x2048xf32, #tpu.memory_space<hbm>> -> memref<8x2048xf32, #tpu.memory_space<hbm>>
      %dma_start3A_316 = arith.constant 0 : i32
      %dma_start3A_317 = tpu.memref_slice %arg5[%add3A_211, %dma_start3A_316] : memref<2048x2048xf32, #tpu.memory_space<hbm>> -> memref<8x2048xf32, #tpu.memory_space<hbm>>
      tpu.enqueue_dma source(%arg8 : memref<8x2048xf32, #tpu.memory_space<vmem>>) target(%dma_start3A_317 : memref<8x2048xf32, #tpu.memory_space<hbm>>) target_semaphore(%run_scoped3A_313 : memref<!tpu.dma_semaphore, #tpu.memory_space<semaphore_mem>>)
      %dma_wait3A_318 = arith.constant 0 : i32
      %dma_wait3A_319 = tpu.memref_slice %arg5[%add3A_211, %dma_wait3A_318] : memref<2048x2048xf32, #tpu.memory_space<hbm>> -> memref<8x2048xf32, #tpu.memory_space<hbm>>
      %dma_wait3A_320 = arith.constant 0 : i32
      %dma_wait3A_321 = tpu.memref_slice %arg5[%add3A_211, %dma_wait3A_320] : memref<2048x2048xf32, #tpu.memory_space<hbm>> -> memref<8x2048xf32, #tpu.memory_space<hbm>>
      tpu.wait_dma2 semaphore(%run_scoped3A_313 : memref<!tpu.dma_semaphore, #tpu.memory_space<semaphore_mem>>) src(%arg8 : memref<8x2048xf32, #tpu.memory_space<vmem>>) dst(%dma_wait3A_321 : memref<8x2048xf32, #tpu.memory_space<hbm>>)
      tpu.yield
    }) : () -> ()
    %dma_start3A_212 = arith.constant 48 : i32
    %dma_start3A_213 = tpu.memref_slice %arg6[%dma_start3A_212] : memref<64xi32, #tpu.memory_space<vmem>> -> memref<8xi32, #tpu.memory_space<vmem>>
    %dma_start3A_214 = arith.constant 0 : i32
    %dma_start3A_215 = arith.constant 0 : i32
    %dma_start3A_216 = tpu.memref_slice %arg2[%dma_start3A_214, %dma_start3A_215] : memref<5120x2048xf32, #tpu.memory_space<hbm>> -> memref<5120x2048xf32, #tpu.memory_space<hbm>>
    tpu.enqueue_indirect_dma source(%dma_start3A_216 : memref<5120x2048xf32, #tpu.memory_space<hbm>>) target(%arg8 : memref<8x2048xf32, #tpu.memory_space<vmem>>) offsets(%dma_start3A_213 : memref<8xi32, #tpu.memory_space<vmem>>) semaphore(%arg14 : memref<!tpu.dma_semaphore, #tpu.memory_space<semaphore_mem>>)
    %dma_start3A_217 = arith.constant 48 : i32
    %dma_start3A_218 = tpu.memref_slice %arg7[%dma_start3A_217] : memref<64xi32, #tpu.memory_space<vmem>> -> memref<8xi32, #tpu.memory_space<vmem>>
    %dma_start3A_219 = arith.constant 0 : i32
    %dma_start3A_220 = arith.constant 0 : i32
    %dma_start3A_221 = tpu.memref_slice %arg2[%dma_start3A_219, %dma_start3A_220] : memref<5120x2048xf32, #tpu.memory_space<hbm>> -> memref<5120x2048xf32, #tpu.memory_space<hbm>>
    tpu.enqueue_indirect_dma source(%dma_start3A_221 : memref<5120x2048xf32, #tpu.memory_space<hbm>>) target(%arg10 : memref<8x2048xf32, #tpu.memory_space<vmem>>) offsets(%dma_start3A_218 : memref<8xi32, #tpu.memory_space<vmem>>) semaphore(%arg14 : memref<!tpu.dma_semaphore, #tpu.memory_space<semaphore_mem>>)
    %add3A_222 = arith.constant 48 : i32
    %add3A_223 = arith.addi %mul3A_2, %add3A_222 : i32
    %dma_start3A_224 = arith.constant 0 : i32
    %dma_start3A_225 = tpu.memref_slice %arg4[%add3A_223, %dma_start3A_224] : memref<2048x2048xf32, #tpu.memory_space<hbm>> -> memref<8x2048xf32, #tpu.memory_space<hbm>>
    %dma_start3A_226 = arith.constant 0 : i32
    %dma_start3A_227 = tpu.memref_slice %arg4[%add3A_223, %dma_start3A_226] : memref<2048x2048xf32, #tpu.memory_space<hbm>> -> memref<8x2048xf32, #tpu.memory_space<hbm>>
    tpu.enqueue_dma source(%dma_start3A_227 : memref<8x2048xf32, #tpu.memory_space<hbm>>) target(%arg12 : memref<8x2048xf32, #tpu.memory_space<vmem>>) target_semaphore(%arg14 : memref<!tpu.dma_semaphore, #tpu.memory_space<semaphore_mem>>)
    %dma_wait3A_228 = arith.constant 40 : i32
    %dma_wait3A_229 = tpu.memref_slice %arg6[%dma_wait3A_228] : memref<64xi32, #tpu.memory_space<vmem>> -> memref<8xi32, #tpu.memory_space<vmem>>
    %dma_wait3A_230 = arith.constant 0 : i32
    %dma_wait3A_231 = arith.constant 0 : i32
    %dma_wait3A_232 = tpu.memref_slice %arg2[%dma_wait3A_230, %dma_wait3A_231] : memref<5120x2048xf32, #tpu.memory_space<hbm>> -> memref<5120x2048xf32, #tpu.memory_space<hbm>>
    tpu.wait_indirect_dma semaphore(%arg15 : memref<!tpu.dma_semaphore, #tpu.memory_space<semaphore_mem>>) src(%dma_wait3A_232 : memref<5120x2048xf32, #tpu.memory_space<hbm>>) dst(%arg9 : memref<8x2048xf32, #tpu.memory_space<vmem>>)
    %dma_wait3A_233 = arith.constant 40 : i32
    %dma_wait3A_234 = tpu.memref_slice %arg7[%dma_wait3A_233] : memref<64xi32, #tpu.memory_space<vmem>> -> memref<8xi32, #tpu.memory_space<vmem>>
    %dma_wait3A_235 = arith.constant 0 : i32
    %dma_wait3A_236 = arith.constant 0 : i32
    %dma_wait3A_237 = tpu.memref_slice %arg2[%dma_wait3A_235, %dma_wait3A_236] : memref<5120x2048xf32, #tpu.memory_space<hbm>> -> memref<5120x2048xf32, #tpu.memory_space<hbm>>
    tpu.wait_indirect_dma semaphore(%arg15 : memref<!tpu.dma_semaphore, #tpu.memory_space<semaphore_mem>>) src(%dma_wait3A_237 : memref<5120x2048xf32, #tpu.memory_space<hbm>>) dst(%arg11 : memref<8x2048xf32, #tpu.memory_space<vmem>>)
    %dma_wait3A_238 = arith.constant 0 : i32
    %dma_wait3A_239 = tpu.memref_slice %arg4[%add3A_184, %dma_wait3A_238] : memref<2048x2048xf32, #tpu.memory_space<hbm>> -> memref<8x2048xf32, #tpu.memory_space<hbm>>
    %dma_wait3A_240 = arith.constant 0 : i32
    %dma_wait3A_241 = tpu.memref_slice %arg4[%add3A_184, %dma_wait3A_240] : memref<2048x2048xf32, #tpu.memory_space<hbm>> -> memref<8x2048xf32, #tpu.memory_space<hbm>>
    tpu.wait_dma2 semaphore(%arg15 : memref<!tpu.dma_semaphore, #tpu.memory_space<semaphore_mem>>) src(%dma_wait3A_241 : memref<8x2048xf32, #tpu.memory_space<hbm>>) dst(%arg13 : memref<8x2048xf32, #tpu.memory_space<vmem>>)
    %scan3A_242 = arith.constant 0 : i32
    %scan3A_243 = arith.constant 0 : i32
    %scan3A_244 = arith.constant 8 : i32
    %scan3A_245 = arith.addi %scan3A_243, %scan3A_244 : i32
    %scan3A_246 = arith.constant 1 : i32
    %scan3A_247 = scf.for %scan3A_313 = %scan3A_243 to %scan3A_245 step %scan3A_246 iter_args(%scan3A_314 = %scan3A_242) -> (i32)  : i32 {
      %scan3A_315 = arith.constant 0 : i32
      %scan3A_316 = arith.constant 0 : i32
      %scan3A_317 = arith.constant 128 : i32
      %scan3A_318 = arith.addi %scan3A_316, %scan3A_317 : i32
      %scan3A_319 = arith.constant 1 : i32
      %scan3A_320 = scf.for %scan3A_323 = %scan3A_316 to %scan3A_318 step %scan3A_319 iter_args(%scan3A_324 = %scan3A_315) -> (i32)  : i32 {
        %mul3A_325 = arith.constant 16 : i32
        %mul3A_326 = arith.muli %scan3A_323, %mul3A_325 : i32
        %get3A = arith.index_cast %scan3A_313 : i32 to index
        %get3A_327 = arith.index_cast %mul3A_326 : i32 to index
        %get3A_328 = tpu.vector_load %arg9[%get3A, %get3A_327] {strides = array<i32>} : memref<8x2048xf32, #tpu.memory_space<vmem>>, vector<16xf32>,
        %get3A_329 = arith.index_cast %scan3A_313 : i32 to index
        %get3A_330 = arith.index_cast %mul3A_326 : i32 to index
        %get3A_331 = tpu.vector_load %arg11[%get3A_329, %get3A_330] {strides = array<i32>} : memref<8x2048xf32, #tpu.memory_space<vmem>>, vector<16xf32>,
        %add3A_332 = arith.addf %get3A_328, %get3A_331 : vector<16xf32>
        %get3A_333 = arith.index_cast %scan3A_313 : i32 to index
        %get3A_334 = arith.index_cast %mul3A_326 : i32 to index
        %get3A_335 = tpu.vector_load %arg13[%get3A_333, %get3A_334] {strides = array<i32>} : memref<8x2048xf32, #tpu.memory_space<vmem>>, vector<16xf32>,
        %add3A_336 = arith.addf %add3A_332, %get3A_335 : vector<16xf32>
        %swap3A = arith.index_cast %scan3A_313 : i32 to index
        %swap3A_337 = arith.index_cast %mul3A_326 : i32 to index
        %swap3A_338 = tpu.vector_load %arg9[%swap3A, %swap3A_337] {strides = array<i32>} : memref<8x2048xf32, #tpu.memory_space<vmem>>, vector<16xf32>,
        tpu.vector_store %arg9[%swap3A, %swap3A_337], %add3A_336 {strides = array<i32>} : memref<8x2048xf32, #tpu.memory_space<vmem>>, vector<16xf32>,
        %scan3A_339 = arith.constant 0 : i32
        scf.yield %scan3A_339 : i32
      }
      %scan3A_321 = arith.constant 128 : i32
      %scan3A_322 = arith.constant 0 : i32
      scf.yield %scan3A_322 : i32
    }
    %scan3A_248 = arith.constant 8 : i32
    %add3A_249 = arith.constant 40 : i32
    %add3A_250 = arith.addi %mul3A_2, %add3A_249 : i32
    "tpu.region"() ({
      %run_scoped3A_313 = tpu.sem_alloc : memref<!tpu.dma_semaphore, #tpu.memory_space<semaphore_mem>>
      %dma_start3A_314 = arith.constant 0 : i32
      %dma_start3A_315 = tpu.memref_slice %arg5[%add3A_250, %dma_start3A_314] : memref<2048x2048xf32, #tpu.memory_space<hbm>> -> memref<8x2048xf32, #tpu.memory_space<hbm>>
      %dma_start3A_316 = arith.constant 0 : i32
      %dma_start3A_317 = tpu.memref_slice %arg5[%add3A_250, %dma_start3A_316] : memref<2048x2048xf32, #tpu.memory_space<hbm>> -> memref<8x2048xf32, #tpu.memory_space<hbm>>
      tpu.enqueue_dma source(%arg9 : memref<8x2048xf32, #tpu.memory_space<vmem>>) target(%dma_start3A_317 : memref<8x2048xf32, #tpu.memory_space<hbm>>) target_semaphore(%run_scoped3A_313 : memref<!tpu.dma_semaphore, #tpu.memory_space<semaphore_mem>>)
      %dma_wait3A_318 = arith.constant 0 : i32
      %dma_wait3A_319 = tpu.memref_slice %arg5[%add3A_250, %dma_wait3A_318] : memref<2048x2048xf32, #tpu.memory_space<hbm>> -> memref<8x2048xf32, #tpu.memory_space<hbm>>
      %dma_wait3A_320 = arith.constant 0 : i32
      %dma_wait3A_321 = tpu.memref_slice %arg5[%add3A_250, %dma_wait3A_320] : memref<2048x2048xf32, #tpu.memory_space<hbm>> -> memref<8x2048xf32, #tpu.memory_space<hbm>>
      tpu.wait_dma2 semaphore(%run_scoped3A_313 : memref<!tpu.dma_semaphore, #tpu.memory_space<semaphore_mem>>) src(%arg9 : memref<8x2048xf32, #tpu.memory_space<vmem>>) dst(%dma_wait3A_321 : memref<8x2048xf32, #tpu.memory_space<hbm>>)
      tpu.yield
    }) : () -> ()
    %dma_start3A_251 = arith.constant 56 : i32
    %dma_start3A_252 = tpu.memref_slice %arg6[%dma_start3A_251] : memref<64xi32, #tpu.memory_space<vmem>> -> memref<8xi32, #tpu.memory_space<vmem>>
    %dma_start3A_253 = arith.constant 0 : i32
    %dma_start3A_254 = arith.constant 0 : i32
    %dma_start3A_255 = tpu.memref_slice %arg2[%dma_start3A_253, %dma_start3A_254] : memref<5120x2048xf32, #tpu.memory_space<hbm>> -> memref<5120x2048xf32, #tpu.memory_space<hbm>>
    tpu.enqueue_indirect_dma source(%dma_start3A_255 : memref<5120x2048xf32, #tpu.memory_space<hbm>>) target(%arg9 : memref<8x2048xf32, #tpu.memory_space<vmem>>) offsets(%dma_start3A_252 : memref<8xi32, #tpu.memory_space<vmem>>) semaphore(%arg15 : memref<!tpu.dma_semaphore, #tpu.memory_space<semaphore_mem>>)
    %dma_start3A_256 = arith.constant 56 : i32
    %dma_start3A_257 = tpu.memref_slice %arg7[%dma_start3A_256] : memref<64xi32, #tpu.memory_space<vmem>> -> memref<8xi32, #tpu.memory_space<vmem>>
    %dma_start3A_258 = arith.constant 0 : i32
    %dma_start3A_259 = arith.constant 0 : i32
    %dma_start3A_260 = tpu.memref_slice %arg2[%dma_start3A_258, %dma_start3A_259] : memref<5120x2048xf32, #tpu.memory_space<hbm>> -> memref<5120x2048xf32, #tpu.memory_space<hbm>>
    tpu.enqueue_indirect_dma source(%dma_start3A_260 : memref<5120x2048xf32, #tpu.memory_space<hbm>>) target(%arg11 : memref<8x2048xf32, #tpu.memory_space<vmem>>) offsets(%dma_start3A_257 : memref<8xi32, #tpu.memory_space<vmem>>) semaphore(%arg15 : memref<!tpu.dma_semaphore, #tpu.memory_space<semaphore_mem>>)
    %add3A_261 = arith.constant 56 : i32
    %add3A_262 = arith.addi %mul3A_2, %add3A_261 : i32
    %dma_start3A_263 = arith.constant 0 : i32
    %dma_start3A_264 = tpu.memref_slice %arg4[%add3A_262, %dma_start3A_263] : memref<2048x2048xf32, #tpu.memory_space<hbm>> -> memref<8x2048xf32, #tpu.memory_space<hbm>>
    %dma_start3A_265 = arith.constant 0 : i32
    %dma_start3A_266 = tpu.memref_slice %arg4[%add3A_262, %dma_start3A_265] : memref<2048x2048xf32, #tpu.memory_space<hbm>> -> memref<8x2048xf32, #tpu.memory_space<hbm>>
    tpu.enqueue_dma source(%dma_start3A_266 : memref<8x2048xf32, #tpu.memory_space<hbm>>) target(%arg13 : memref<8x2048xf32, #tpu.memory_space<vmem>>) target_semaphore(%arg15 : memref<!tpu.dma_semaphore, #tpu.memory_space<semaphore_mem>>)
    %dma_wait3A_267 = arith.constant 48 : i32
    %dma_wait3A_268 = tpu.memref_slice %arg6[%dma_wait3A_267] : memref<64xi32, #tpu.memory_space<vmem>> -> memref<8xi32, #tpu.memory_space<vmem>>
    %dma_wait3A_269 = arith.constant 0 : i32
    %dma_wait3A_270 = arith.constant 0 : i32
    %dma_wait3A_271 = tpu.memref_slice %arg2[%dma_wait3A_269, %dma_wait3A_270] : memref<5120x2048xf32, #tpu.memory_space<hbm>> -> memref<5120x2048xf32, #tpu.memory_space<hbm>>
    tpu.wait_indirect_dma semaphore(%arg14 : memref<!tpu.dma_semaphore, #tpu.memory_space<semaphore_mem>>) src(%dma_wait3A_271 : memref<5120x2048xf32, #tpu.memory_space<hbm>>) dst(%arg8 : memref<8x2048xf32, #tpu.memory_space<vmem>>)
    %dma_wait3A_272 = arith.constant 48 : i32
    %dma_wait3A_273 = tpu.memref_slice %arg7[%dma_wait3A_272] : memref<64xi32, #tpu.memory_space<vmem>> -> memref<8xi32, #tpu.memory_space<vmem>>
    %dma_wait3A_274 = arith.constant 0 : i32
    %dma_wait3A_275 = arith.constant 0 : i32
    %dma_wait3A_276 = tpu.memref_slice %arg2[%dma_wait3A_274, %dma_wait3A_275] : memref<5120x2048xf32, #tpu.memory_space<hbm>> -> memref<5120x2048xf32, #tpu.memory_space<hbm>>
    tpu.wait_indirect_dma semaphore(%arg14 : memref<!tpu.dma_semaphore, #tpu.memory_space<semaphore_mem>>) src(%dma_wait3A_276 : memref<5120x2048xf32, #tpu.memory_space<hbm>>) dst(%arg10 : memref<8x2048xf32, #tpu.memory_space<vmem>>)
    %dma_wait3A_277 = arith.constant 0 : i32
    %dma_wait3A_278 = tpu.memref_slice %arg4[%add3A_223, %dma_wait3A_277] : memref<2048x2048xf32, #tpu.memory_space<hbm>> -> memref<8x2048xf32, #tpu.memory_space<hbm>>
    %dma_wait3A_279 = arith.constant 0 : i32
    %dma_wait3A_280 = tpu.memref_slice %arg4[%add3A_223, %dma_wait3A_279] : memref<2048x2048xf32, #tpu.memory_space<hbm>> -> memref<8x2048xf32, #tpu.memory_space<hbm>>
    tpu.wait_dma2 semaphore(%arg14 : memref<!tpu.dma_semaphore, #tpu.memory_space<semaphore_mem>>) src(%dma_wait3A_280 : memref<8x2048xf32, #tpu.memory_space<hbm>>) dst(%arg12 : memref<8x2048xf32, #tpu.memory_space<vmem>>)
    %scan3A_281 = arith.constant 0 : i32
    %scan3A_282 = arith.constant 0 : i32
    %scan3A_283 = arith.constant 8 : i32
    %scan3A_284 = arith.addi %scan3A_282, %scan3A_283 : i32
    %scan3A_285 = arith.constant 1 : i32
    %scan3A_286 = scf.for %scan3A_313 = %scan3A_282 to %scan3A_284 step %scan3A_285 iter_args(%scan3A_314 = %scan3A_281) -> (i32)  : i32 {
      %scan3A_315 = arith.constant 0 : i32
      %scan3A_316 = arith.constant 0 : i32
      %scan3A_317 = arith.constant 128 : i32
      %scan3A_318 = arith.addi %scan3A_316, %scan3A_317 : i32
      %scan3A_319 = arith.constant 1 : i32
      %scan3A_320 = scf.for %scan3A_323 = %scan3A_316 to %scan3A_318 step %scan3A_319 iter_args(%scan3A_324 = %scan3A_315) -> (i32)  : i32 {
        %mul3A_325 = arith.constant 16 : i32
        %mul3A_326 = arith.muli %scan3A_323, %mul3A_325 : i32
        %get3A = arith.index_cast %scan3A_313 : i32 to index
        %get3A_327 = arith.index_cast %mul3A_326 : i32 to index
        %get3A_328 = tpu.vector_load %arg8[%get3A, %get3A_327] {strides = array<i32>} : memref<8x2048xf32, #tpu.memory_space<vmem>>, vector<16xf32>,
        %get3A_329 = arith.index_cast %scan3A_313 : i32 to index
        %get3A_330 = arith.index_cast %mul3A_326 : i32 to index
        %get3A_331 = tpu.vector_load %arg10[%get3A_329, %get3A_330] {strides = array<i32>} : memref<8x2048xf32, #tpu.memory_space<vmem>>, vector<16xf32>,
        %add3A_332 = arith.addf %get3A_328, %get3A_331 : vector<16xf32>
        %get3A_333 = arith.index_cast %scan3A_313 : i32 to index
        %get3A_334 = arith.index_cast %mul3A_326 : i32 to index
        %get3A_335 = tpu.vector_load %arg12[%get3A_333, %get3A_334] {strides = array<i32>} : memref<8x2048xf32, #tpu.memory_space<vmem>>, vector<16xf32>,
        %add3A_336 = arith.addf %add3A_332, %get3A_335 : vector<16xf32>
        %swap3A = arith.index_cast %scan3A_313 : i32 to index
        %swap3A_337 = arith.index_cast %mul3A_326 : i32 to index
        %swap3A_338 = tpu.vector_load %arg8[%swap3A, %swap3A_337] {strides = array<i32>} : memref<8x2048xf32, #tpu.memory_space<vmem>>, vector<16xf32>,
        tpu.vector_store %arg8[%swap3A, %swap3A_337], %add3A_336 {strides = array<i32>} : memref<8x2048xf32, #tpu.memory_space<vmem>>, vector<16xf32>,
        %scan3A_339 = arith.constant 0 : i32
        scf.yield %scan3A_339 : i32
      }
      %scan3A_321 = arith.constant 128 : i32
      %scan3A_322 = arith.constant 0 : i32
      scf.yield %scan3A_322 : i32
    }
    %scan3A_287 = arith.constant 8 : i32
    %add3A_288 = arith.constant 48 : i32
    %add3A_289 = arith.addi %mul3A_2, %add3A_288 : i32
    "tpu.region"() ({
      %run_scoped3A_313 = tpu.sem_alloc : memref<!tpu.dma_semaphore, #tpu.memory_space<semaphore_mem>>
      %dma_start3A_314 = arith.constant 0 : i32
      %dma_start3A_315 = tpu.memref_slice %arg5[%add3A_289, %dma_start3A_314] : memref<2048x2048xf32, #tpu.memory_space<hbm>> -> memref<8x2048xf32, #tpu.memory_space<hbm>>
      %dma_start3A_316 = arith.constant 0 : i32
      %dma_start3A_317 = tpu.memref_slice %arg5[%add3A_289, %dma_start3A_316] : memref<2048x2048xf32, #tpu.memory_space<hbm>> -> memref<8x2048xf32, #tpu.memory_space<hbm>>
      tpu.enqueue_dma source(%arg8 : memref<8x2048xf32, #tpu.memory_space<vmem>>) target(%dma_start3A_317 : memref<8x2048xf32, #tpu.memory_space<hbm>>) target_semaphore(%run_scoped3A_313 : memref<!tpu.dma_semaphore, #tpu.memory_space<semaphore_mem>>)
      %dma_wait3A_318 = arith.constant 0 : i32
      %dma_wait3A_319 = tpu.memref_slice %arg5[%add3A_289, %dma_wait3A_318] : memref<2048x2048xf32, #tpu.memory_space<hbm>> -> memref<8x2048xf32, #tpu.memory_space<hbm>>
      %dma_wait3A_320 = arith.constant 0 : i32
      %dma_wait3A_321 = tpu.memref_slice %arg5[%add3A_289, %dma_wait3A_320] : memref<2048x2048xf32, #tpu.memory_space<hbm>> -> memref<8x2048xf32, #tpu.memory_space<hbm>>
      tpu.wait_dma2 semaphore(%run_scoped3A_313 : memref<!tpu.dma_semaphore, #tpu.memory_space<semaphore_mem>>) src(%arg8 : memref<8x2048xf32, #tpu.memory_space<vmem>>) dst(%dma_wait3A_321 : memref<8x2048xf32, #tpu.memory_space<hbm>>)
      tpu.yield
    }) : () -> ()
    %dma_wait3A_290 = arith.constant 56 : i32
    %dma_wait3A_291 = tpu.memref_slice %arg6[%dma_wait3A_290] : memref<64xi32, #tpu.memory_space<vmem>> -> memref<8xi32, #tpu.memory_space<vmem>>
    %dma_wait3A_292 = arith.constant 0 : i32
    %dma_wait3A_293 = arith.constant 0 : i32
    %dma_wait3A_294 = tpu.memref_slice %arg2[%dma_wait3A_292, %dma_wait3A_293] : memref<5120x2048xf32, #tpu.memory_space<hbm>> -> memref<5120x2048xf32, #tpu.memory_space<hbm>>
    tpu.wait_indirect_dma semaphore(%arg15 : memref<!tpu.dma_semaphore, #tpu.memory_space<semaphore_mem>>) src(%dma_wait3A_294 : memref<5120x2048xf32, #tpu.memory_space<hbm>>) dst(%arg9 : memref<8x2048xf32, #tpu.memory_space<vmem>>)
    %dma_wait3A_295 = arith.constant 56 : i32
    %dma_wait3A_296 = tpu.memref_slice %arg7[%dma_wait3A_295] : memref<64xi32, #tpu.memory_space<vmem>> -> memref<8xi32, #tpu.memory_space<vmem>>
    %dma_wait3A_297 = arith.constant 0 : i32
    %dma_wait3A_298 = arith.constant 0 : i32
    %dma_wait3A_299 = tpu.memref_slice %arg2[%dma_wait3A_297, %dma_wait3A_298] : memref<5120x2048xf32, #tpu.memory_space<hbm>> -> memref<5120x2048xf32, #tpu.memory_space<hbm>>
    tpu.wait_indirect_dma semaphore(%arg15 : memref<!tpu.dma_semaphore, #tpu.memory_space<semaphore_mem>>) src(%dma_wait3A_299 : memref<5120x2048xf32, #tpu.memory_space<hbm>>) dst(%arg11 : memref<8x2048xf32, #tpu.memory_space<vmem>>)
    %dma_wait3A_300 = arith.constant 0 : i32
    %dma_wait3A_301 = tpu.memref_slice %arg4[%add3A_262, %dma_wait3A_300] : memref<2048x2048xf32, #tpu.memory_space<hbm>> -> memref<8x2048xf32, #tpu.memory_space<hbm>>
    %dma_wait3A_302 = arith.constant 0 : i32
    %dma_wait3A_303 = tpu.memref_slice %arg4[%add3A_262, %dma_wait3A_302] : memref<2048x2048xf32, #tpu.memory_space<hbm>> -> memref<8x2048xf32, #tpu.memory_space<hbm>>
    tpu.wait_dma2 semaphore(%arg15 : memref<!tpu.dma_semaphore, #tpu.memory_space<semaphore_mem>>) src(%dma_wait3A_303 : memref<8x2048xf32, #tpu.memory_space<hbm>>) dst(%arg13 : memref<8x2048xf32, #tpu.memory_space<vmem>>)
    %scan3A_304 = arith.constant 0 : i32
    %scan3A_305 = arith.constant 0 : i32
    %scan3A_306 = arith.constant 8 : i32
    %scan3A_307 = arith.addi %scan3A_305, %scan3A_306 : i32
    %scan3A_308 = arith.constant 1 : i32
    %scan3A_309 = scf.for %scan3A_313 = %scan3A_305 to %scan3A_307 step %scan3A_308 iter_args(%scan3A_314 = %scan3A_304) -> (i32)  : i32 {
      %scan3A_315 = arith.constant 0 : i32
      %scan3A_316 = arith.constant 0 : i32
      %scan3A_317 = arith.constant 128 : i32
      %scan3A_318 = arith.addi %scan3A_316, %scan3A_317 : i32
      %scan3A_319 = arith.constant 1 : i32
      %scan3A_320 = scf.for %scan3A_323 = %scan3A_316 to %scan3A_318 step %scan3A_319 iter_args(%scan3A_324 = %scan3A_315) -> (i32)  : i32 {
        %mul3A_325 = arith.constant 16 : i32
        %mul3A_326 = arith.muli %scan3A_323, %mul3A_325 : i32
        %get3A = arith.index_cast %scan3A_313 : i32 to index
        %get3A_327 = arith.index_cast %mul3A_326 : i32 to index
        %get3A_328 = tpu.vector_load %arg9[%get3A, %get3A_327] {strides = array<i32>} : memref<8x2048xf32, #tpu.memory_space<vmem>>, vector<16xf32>,
        %get3A_329 = arith.index_cast %scan3A_313 : i32 to index
        %get3A_330 = arith.index_cast %mul3A_326 : i32 to index
        %get3A_331 = tpu.vector_load %arg11[%get3A_329, %get3A_330] {strides = array<i32>} : memref<8x2048xf32, #tpu.memory_space<vmem>>, vector<16xf32>,
        %add3A_332 = arith.addf %get3A_328, %get3A_331 : vector<16xf32>
        %get3A_333 = arith.index_cast %scan3A_313 : i32 to index
        %get3A_334 = arith.index_cast %mul3A_326 : i32 to index
        %get3A_335 = tpu.vector_load %arg13[%get3A_333, %get3A_334] {strides = array<i32>} : memref<8x2048xf32, #tpu.memory_space<vmem>>, vector<16xf32>,
        %add3A_336 = arith.addf %add3A_332, %get3A_335 : vector<16xf32>
        %swap3A = arith.index_cast %scan3A_313 : i32 to index
        %swap3A_337 = arith.index_cast %mul3A_326 : i32 to index
        %swap3A_338 = tpu.vector_load %arg9[%swap3A, %swap3A_337] {strides = array<i32>} : memref<8x2048xf32, #tpu.memory_space<vmem>>, vector<16xf32>,
        tpu.vector_store %arg9[%swap3A, %swap3A_337], %add3A_336 {strides = array<i32>} : memref<8x2048xf32, #tpu.memory_space<vmem>>, vector<16xf32>,
        %scan3A_339 = arith.constant 0 : i32
        scf.yield %scan3A_339 : i32
      }
      %scan3A_321 = arith.constant 128 : i32
      %scan3A_322 = arith.constant 0 : i32
      scf.yield %scan3A_322 : i32
    }
    %scan3A_310 = arith.constant 8 : i32
    %add3A_311 = arith.constant 56 : i32
    %add3A_312 = arith.addi %mul3A_2, %add3A_311 : i32
    "tpu.region"() ({
      %run_scoped3A_313 = tpu.sem_alloc : memref<!tpu.dma_semaphore, #tpu.memory_space<semaphore_mem>>
      %dma_start3A_314 = arith.constant 0 : i32
      %dma_start3A_315 = tpu.memref_slice %arg5[%add3A_312, %dma_start3A_314] : memref<2048x2048xf32, #tpu.memory_space<hbm>> -> memref<8x2048xf32, #tpu.memory_space<hbm>>
      %dma_start3A_316 = arith.constant 0 : i32
      %dma_start3A_317 = tpu.memref_slice %arg5[%add3A_312, %dma_start3A_316] : memref<2048x2048xf32, #tpu.memory_space<hbm>> -> memref<8x2048xf32, #tpu.memory_space<hbm>>
      tpu.enqueue_dma source(%arg9 : memref<8x2048xf32, #tpu.memory_space<vmem>>) target(%dma_start3A_317 : memref<8x2048xf32, #tpu.memory_space<hbm>>) target_semaphore(%run_scoped3A_313 : memref<!tpu.dma_semaphore, #tpu.memory_space<semaphore_mem>>)
      %dma_wait3A_318 = arith.constant 0 : i32
      %dma_wait3A_319 = tpu.memref_slice %arg5[%add3A_312, %dma_wait3A_318] : memref<2048x2048xf32, #tpu.memory_space<hbm>> -> memref<8x2048xf32, #tpu.memory_space<hbm>>
      %dma_wait3A_320 = arith.constant 0 : i32
      %dma_wait3A_321 = tpu.memref_slice %arg5[%add3A_312, %dma_wait3A_320] : memref<2048x2048xf32, #tpu.memory_space<hbm>> -> memref<8x2048xf32, #tpu.memory_space<hbm>>
      tpu.wait_dma2 semaphore(%run_scoped3A_313 : memref<!tpu.dma_semaphore, #tpu.memory_space<semaphore_mem>>) src(%arg9 : memref<8x2048xf32, #tpu.memory_space<vmem>>) dst(%dma_wait3A_321 : memref<8x2048xf32, #tpu.memory_space<hbm>>)
      tpu.yield
    }) : () -> ()
    return
  }
}

#map = affine_map<(d0, d1) -> (0, 0)>
#map1 = affine_map<(d0, d1) -> (0)>
module attributes {stable_mosaic.version = 14 : i64} {
  func.func @_gather_rows_body(%arg0: i32, %arg1: i32, %arg2: memref<2048x2048xf32, #tpu.memory_space<hbm>>, %arg3: memref<5120xi32, #tpu.memory_space<hbm>>, %arg4: memref<5120x2048xf32, #tpu.memory_space<hbm>>, %arg5: memref<160xi32, #tpu.memory_space<vmem>>, %arg6: memref<16x2048xf32, #tpu.memory_space<vmem>>, %arg7: memref<16x2048xf32, #tpu.memory_space<vmem>>, %arg8: memref<!tpu.dma_semaphore, #tpu.memory_space<semaphore_mem>>, %arg9: memref<!tpu.dma_semaphore, #tpu.memory_space<semaphore_mem>>) attributes {dimension_semantics = [#tpu.dimension_semantics<core_parallel>, #tpu.dimension_semantics<subcore_parallel>], iteration_bounds = array<i64: 2, 16>, scalar_prefetch = 0 : i64, scratch_operands = 5 : i64, tpu.core_type = #tpu.core_type<sc_vector_subcore>, window_params = [{transform_indices = #map}, {transform_indices = #map1}, {transform_indices = #map}]} {
    %mul3A = arith.constant 2 : i32
    %mul3A_0 = arith.muli %arg1, %mul3A : i32
    %add3A = arith.addi %mul3A_0, %arg0 : i32
    %mul3A_1 = arith.constant 160 : i32
    %mul3A_2 = arith.muli %add3A, %mul3A_1 : i32
    "tpu.region"() ({
      %run_scoped3A = tpu.sem_alloc : memref<!tpu.dma_semaphore, #tpu.memory_space<semaphore_mem>>
      %dma_start3A_121 = tpu.memref_slice %arg3[%mul3A_2] : memref<5120xi32, #tpu.memory_space<hbm>> -> memref<160xi32, #tpu.memory_space<hbm>>
      %dma_start3A_122 = tpu.memref_slice %arg3[%mul3A_2] : memref<5120xi32, #tpu.memory_space<hbm>> -> memref<160xi32, #tpu.memory_space<hbm>>
      tpu.enqueue_dma source(%dma_start3A_122 : memref<160xi32, #tpu.memory_space<hbm>>) target(%arg5 : memref<160xi32, #tpu.memory_space<vmem>>) target_semaphore(%run_scoped3A : memref<!tpu.dma_semaphore, #tpu.memory_space<semaphore_mem>>)
      %dma_wait3A_123 = tpu.memref_slice %arg3[%mul3A_2] : memref<5120xi32, #tpu.memory_space<hbm>> -> memref<160xi32, #tpu.memory_space<hbm>>
      %dma_wait3A_124 = tpu.memref_slice %arg3[%mul3A_2] : memref<5120xi32, #tpu.memory_space<hbm>> -> memref<160xi32, #tpu.memory_space<hbm>>
      tpu.wait_dma2 semaphore(%run_scoped3A : memref<!tpu.dma_semaphore, #tpu.memory_space<semaphore_mem>>) src(%dma_wait3A_124 : memref<160xi32, #tpu.memory_space<hbm>>) dst(%arg5 : memref<160xi32, #tpu.memory_space<vmem>>)
      tpu.yield
    }) : () -> ()
    %dma_start3A = arith.constant 0 : i32
    %dma_start3A_3 = tpu.memref_slice %arg5[%dma_start3A] : memref<160xi32, #tpu.memory_space<vmem>> -> memref<16xi32, #tpu.memory_space<vmem>>
    %dma_start3A_4 = arith.constant 0 : i32
    %dma_start3A_5 = arith.constant 0 : i32
    %dma_start3A_6 = tpu.memref_slice %arg2[%dma_start3A_4, %dma_start3A_5] : memref<2048x2048xf32, #tpu.memory_space<hbm>> -> memref<2048x2048xf32, #tpu.memory_space<hbm>>
    tpu.enqueue_indirect_dma source(%dma_start3A_6 : memref<2048x2048xf32, #tpu.memory_space<hbm>>) target(%arg6 : memref<16x2048xf32, #tpu.memory_space<vmem>>) offsets(%dma_start3A_3 : memref<16xi32, #tpu.memory_space<vmem>>) semaphore(%arg8 : memref<!tpu.dma_semaphore, #tpu.memory_space<semaphore_mem>>)
    %dma_start3A_7 = arith.constant 16 : i32
    %dma_start3A_8 = tpu.memref_slice %arg5[%dma_start3A_7] : memref<160xi32, #tpu.memory_space<vmem>> -> memref<16xi32, #tpu.memory_space<vmem>>
    %dma_start3A_9 = arith.constant 0 : i32
    %dma_start3A_10 = arith.constant 0 : i32
    %dma_start3A_11 = tpu.memref_slice %arg2[%dma_start3A_9, %dma_start3A_10] : memref<2048x2048xf32, #tpu.memory_space<hbm>> -> memref<2048x2048xf32, #tpu.memory_space<hbm>>
    tpu.enqueue_indirect_dma source(%dma_start3A_11 : memref<2048x2048xf32, #tpu.memory_space<hbm>>) target(%arg7 : memref<16x2048xf32, #tpu.memory_space<vmem>>) offsets(%dma_start3A_8 : memref<16xi32, #tpu.memory_space<vmem>>) semaphore(%arg9 : memref<!tpu.dma_semaphore, #tpu.memory_space<semaphore_mem>>)
    %dma_wait3A = arith.constant 0 : i32
    %dma_wait3A_12 = tpu.memref_slice %arg5[%dma_wait3A] : memref<160xi32, #tpu.memory_space<vmem>> -> memref<16xi32, #tpu.memory_space<vmem>>
    %dma_wait3A_13 = arith.constant 0 : i32
    %dma_wait3A_14 = arith.constant 0 : i32
    %dma_wait3A_15 = tpu.memref_slice %arg2[%dma_wait3A_13, %dma_wait3A_14] : memref<2048x2048xf32, #tpu.memory_space<hbm>> -> memref<2048x2048xf32, #tpu.memory_space<hbm>>
    tpu.wait_indirect_dma semaphore(%arg8 : memref<!tpu.dma_semaphore, #tpu.memory_space<semaphore_mem>>) src(%dma_wait3A_15 : memref<2048x2048xf32, #tpu.memory_space<hbm>>) dst(%arg6 : memref<16x2048xf32, #tpu.memory_space<vmem>>)
    %add3A_16 = arith.constant 0 : i32
    %add3A_17 = arith.addi %mul3A_2, %add3A_16 : i32
    "tpu.region"() ({
      %run_scoped3A = tpu.sem_alloc : memref<!tpu.dma_semaphore, #tpu.memory_space<semaphore_mem>>
      %dma_start3A_121 = arith.constant 0 : i32
      %dma_start3A_122 = tpu.memref_slice %arg4[%add3A_17, %dma_start3A_121] : memref<5120x2048xf32, #tpu.memory_space<hbm>> -> memref<16x2048xf32, #tpu.memory_space<hbm>>
      %dma_start3A_123 = arith.constant 0 : i32
      %dma_start3A_124 = tpu.memref_slice %arg4[%add3A_17, %dma_start3A_123] : memref<5120x2048xf32, #tpu.memory_space<hbm>> -> memref<16x2048xf32, #tpu.memory_space<hbm>>
      tpu.enqueue_dma source(%arg6 : memref<16x2048xf32, #tpu.memory_space<vmem>>) target(%dma_start3A_124 : memref<16x2048xf32, #tpu.memory_space<hbm>>) target_semaphore(%run_scoped3A : memref<!tpu.dma_semaphore, #tpu.memory_space<semaphore_mem>>)
      %dma_wait3A_125 = arith.constant 0 : i32
      %dma_wait3A_126 = tpu.memref_slice %arg4[%add3A_17, %dma_wait3A_125] : memref<5120x2048xf32, #tpu.memory_space<hbm>> -> memref<16x2048xf32, #tpu.memory_space<hbm>>
      %dma_wait3A_127 = arith.constant 0 : i32
      %dma_wait3A_128 = tpu.memref_slice %arg4[%add3A_17, %dma_wait3A_127] : memref<5120x2048xf32, #tpu.memory_space<hbm>> -> memref<16x2048xf32, #tpu.memory_space<hbm>>
      tpu.wait_dma2 semaphore(%run_scoped3A : memref<!tpu.dma_semaphore, #tpu.memory_space<semaphore_mem>>) src(%arg6 : memref<16x2048xf32, #tpu.memory_space<vmem>>) dst(%dma_wait3A_128 : memref<16x2048xf32, #tpu.memory_space<hbm>>)
      tpu.yield
    }) : () -> ()
    %dma_start3A_18 = arith.constant 32 : i32
    %dma_start3A_19 = tpu.memref_slice %arg5[%dma_start3A_18] : memref<160xi32, #tpu.memory_space<vmem>> -> memref<16xi32, #tpu.memory_space<vmem>>
    %dma_start3A_20 = arith.constant 0 : i32
    %dma_start3A_21 = arith.constant 0 : i32
    %dma_start3A_22 = tpu.memref_slice %arg2[%dma_start3A_20, %dma_start3A_21] : memref<2048x2048xf32, #tpu.memory_space<hbm>> -> memref<2048x2048xf32, #tpu.memory_space<hbm>>
    tpu.enqueue_indirect_dma source(%dma_start3A_22 : memref<2048x2048xf32, #tpu.memory_space<hbm>>) target(%arg6 : memref<16x2048xf32, #tpu.memory_space<vmem>>) offsets(%dma_start3A_19 : memref<16xi32, #tpu.memory_space<vmem>>) semaphore(%arg8 : memref<!tpu.dma_semaphore, #tpu.memory_space<semaphore_mem>>)
    %dma_wait3A_23 = arith.constant 16 : i32
    %dma_wait3A_24 = tpu.memref_slice %arg5[%dma_wait3A_23] : memref<160xi32, #tpu.memory_space<vmem>> -> memref<16xi32, #tpu.memory_space<vmem>>
    %dma_wait3A_25 = arith.constant 0 : i32
    %dma_wait3A_26 = arith.constant 0 : i32
    %dma_wait3A_27 = tpu.memref_slice %arg2[%dma_wait3A_25, %dma_wait3A_26] : memref<2048x2048xf32, #tpu.memory_space<hbm>> -> memref<2048x2048xf32, #tpu.memory_space<hbm>>
    tpu.wait_indirect_dma semaphore(%arg9 : memref<!tpu.dma_semaphore, #tpu.memory_space<semaphore_mem>>) src(%dma_wait3A_27 : memref<2048x2048xf32, #tpu.memory_space<hbm>>) dst(%arg7 : memref<16x2048xf32, #tpu.memory_space<vmem>>)
    %add3A_28 = arith.constant 16 : i32
    %add3A_29 = arith.addi %mul3A_2, %add3A_28 : i32
    "tpu.region"() ({
      %run_scoped3A = tpu.sem_alloc : memref<!tpu.dma_semaphore, #tpu.memory_space<semaphore_mem>>
      %dma_start3A_121 = arith.constant 0 : i32
      %dma_start3A_122 = tpu.memref_slice %arg4[%add3A_29, %dma_start3A_121] : memref<5120x2048xf32, #tpu.memory_space<hbm>> -> memref<16x2048xf32, #tpu.memory_space<hbm>>
      %dma_start3A_123 = arith.constant 0 : i32
      %dma_start3A_124 = tpu.memref_slice %arg4[%add3A_29, %dma_start3A_123] : memref<5120x2048xf32, #tpu.memory_space<hbm>> -> memref<16x2048xf32, #tpu.memory_space<hbm>>
      tpu.enqueue_dma source(%arg7 : memref<16x2048xf32, #tpu.memory_space<vmem>>) target(%dma_start3A_124 : memref<16x2048xf32, #tpu.memory_space<hbm>>) target_semaphore(%run_scoped3A : memref<!tpu.dma_semaphore, #tpu.memory_space<semaphore_mem>>)
      %dma_wait3A_125 = arith.constant 0 : i32
      %dma_wait3A_126 = tpu.memref_slice %arg4[%add3A_29, %dma_wait3A_125] : memref<5120x2048xf32, #tpu.memory_space<hbm>> -> memref<16x2048xf32, #tpu.memory_space<hbm>>
      %dma_wait3A_127 = arith.constant 0 : i32
      %dma_wait3A_128 = tpu.memref_slice %arg4[%add3A_29, %dma_wait3A_127] : memref<5120x2048xf32, #tpu.memory_space<hbm>> -> memref<16x2048xf32, #tpu.memory_space<hbm>>
      tpu.wait_dma2 semaphore(%run_scoped3A : memref<!tpu.dma_semaphore, #tpu.memory_space<semaphore_mem>>) src(%arg7 : memref<16x2048xf32, #tpu.memory_space<vmem>>) dst(%dma_wait3A_128 : memref<16x2048xf32, #tpu.memory_space<hbm>>)
      tpu.yield
    }) : () -> ()
    %dma_start3A_30 = arith.constant 48 : i32
    %dma_start3A_31 = tpu.memref_slice %arg5[%dma_start3A_30] : memref<160xi32, #tpu.memory_space<vmem>> -> memref<16xi32, #tpu.memory_space<vmem>>
    %dma_start3A_32 = arith.constant 0 : i32
    %dma_start3A_33 = arith.constant 0 : i32
    %dma_start3A_34 = tpu.memref_slice %arg2[%dma_start3A_32, %dma_start3A_33] : memref<2048x2048xf32, #tpu.memory_space<hbm>> -> memref<2048x2048xf32, #tpu.memory_space<hbm>>
    tpu.enqueue_indirect_dma source(%dma_start3A_34 : memref<2048x2048xf32, #tpu.memory_space<hbm>>) target(%arg7 : memref<16x2048xf32, #tpu.memory_space<vmem>>) offsets(%dma_start3A_31 : memref<16xi32, #tpu.memory_space<vmem>>) semaphore(%arg9 : memref<!tpu.dma_semaphore, #tpu.memory_space<semaphore_mem>>)
    %dma_wait3A_35 = arith.constant 32 : i32
    %dma_wait3A_36 = tpu.memref_slice %arg5[%dma_wait3A_35] : memref<160xi32, #tpu.memory_space<vmem>> -> memref<16xi32, #tpu.memory_space<vmem>>
    %dma_wait3A_37 = arith.constant 0 : i32
    %dma_wait3A_38 = arith.constant 0 : i32
    %dma_wait3A_39 = tpu.memref_slice %arg2[%dma_wait3A_37, %dma_wait3A_38] : memref<2048x2048xf32, #tpu.memory_space<hbm>> -> memref<2048x2048xf32, #tpu.memory_space<hbm>>
    tpu.wait_indirect_dma semaphore(%arg8 : memref<!tpu.dma_semaphore, #tpu.memory_space<semaphore_mem>>) src(%dma_wait3A_39 : memref<2048x2048xf32, #tpu.memory_space<hbm>>) dst(%arg6 : memref<16x2048xf32, #tpu.memory_space<vmem>>)
    %add3A_40 = arith.constant 32 : i32
    %add3A_41 = arith.addi %mul3A_2, %add3A_40 : i32
    "tpu.region"() ({
      %run_scoped3A = tpu.sem_alloc : memref<!tpu.dma_semaphore, #tpu.memory_space<semaphore_mem>>
      %dma_start3A_121 = arith.constant 0 : i32
      %dma_start3A_122 = tpu.memref_slice %arg4[%add3A_41, %dma_start3A_121] : memref<5120x2048xf32, #tpu.memory_space<hbm>> -> memref<16x2048xf32, #tpu.memory_space<hbm>>
      %dma_start3A_123 = arith.constant 0 : i32
      %dma_start3A_124 = tpu.memref_slice %arg4[%add3A_41, %dma_start3A_123] : memref<5120x2048xf32, #tpu.memory_space<hbm>> -> memref<16x2048xf32, #tpu.memory_space<hbm>>
      tpu.enqueue_dma source(%arg6 : memref<16x2048xf32, #tpu.memory_space<vmem>>) target(%dma_start3A_124 : memref<16x2048xf32, #tpu.memory_space<hbm>>) target_semaphore(%run_scoped3A : memref<!tpu.dma_semaphore, #tpu.memory_space<semaphore_mem>>)
      %dma_wait3A_125 = arith.constant 0 : i32
      %dma_wait3A_126 = tpu.memref_slice %arg4[%add3A_41, %dma_wait3A_125] : memref<5120x2048xf32, #tpu.memory_space<hbm>> -> memref<16x2048xf32, #tpu.memory_space<hbm>>
      %dma_wait3A_127 = arith.constant 0 : i32
      %dma_wait3A_128 = tpu.memref_slice %arg4[%add3A_41, %dma_wait3A_127] : memref<5120x2048xf32, #tpu.memory_space<hbm>> -> memref<16x2048xf32, #tpu.memory_space<hbm>>
      tpu.wait_dma2 semaphore(%run_scoped3A : memref<!tpu.dma_semaphore, #tpu.memory_space<semaphore_mem>>) src(%arg6 : memref<16x2048xf32, #tpu.memory_space<vmem>>) dst(%dma_wait3A_128 : memref<16x2048xf32, #tpu.memory_space<hbm>>)
      tpu.yield
    }) : () -> ()
    %dma_start3A_42 = arith.constant 64 : i32
    %dma_start3A_43 = tpu.memref_slice %arg5[%dma_start3A_42] : memref<160xi32, #tpu.memory_space<vmem>> -> memref<16xi32, #tpu.memory_space<vmem>>
    %dma_start3A_44 = arith.constant 0 : i32
    %dma_start3A_45 = arith.constant 0 : i32
    %dma_start3A_46 = tpu.memref_slice %arg2[%dma_start3A_44, %dma_start3A_45] : memref<2048x2048xf32, #tpu.memory_space<hbm>> -> memref<2048x2048xf32, #tpu.memory_space<hbm>>
    tpu.enqueue_indirect_dma source(%dma_start3A_46 : memref<2048x2048xf32, #tpu.memory_space<hbm>>) target(%arg6 : memref<16x2048xf32, #tpu.memory_space<vmem>>) offsets(%dma_start3A_43 : memref<16xi32, #tpu.memory_space<vmem>>) semaphore(%arg8 : memref<!tpu.dma_semaphore, #tpu.memory_space<semaphore_mem>>)
    %dma_wait3A_47 = arith.constant 48 : i32
    %dma_wait3A_48 = tpu.memref_slice %arg5[%dma_wait3A_47] : memref<160xi32, #tpu.memory_space<vmem>> -> memref<16xi32, #tpu.memory_space<vmem>>
    %dma_wait3A_49 = arith.constant 0 : i32
    %dma_wait3A_50 = arith.constant 0 : i32
    %dma_wait3A_51 = tpu.memref_slice %arg2[%dma_wait3A_49, %dma_wait3A_50] : memref<2048x2048xf32, #tpu.memory_space<hbm>> -> memref<2048x2048xf32, #tpu.memory_space<hbm>>
    tpu.wait_indirect_dma semaphore(%arg9 : memref<!tpu.dma_semaphore, #tpu.memory_space<semaphore_mem>>) src(%dma_wait3A_51 : memref<2048x2048xf32, #tpu.memory_space<hbm>>) dst(%arg7 : memref<16x2048xf32, #tpu.memory_space<vmem>>)
    %add3A_52 = arith.constant 48 : i32
    %add3A_53 = arith.addi %mul3A_2, %add3A_52 : i32
    "tpu.region"() ({
      %run_scoped3A = tpu.sem_alloc : memref<!tpu.dma_semaphore, #tpu.memory_space<semaphore_mem>>
      %dma_start3A_121 = arith.constant 0 : i32
      %dma_start3A_122 = tpu.memref_slice %arg4[%add3A_53, %dma_start3A_121] : memref<5120x2048xf32, #tpu.memory_space<hbm>> -> memref<16x2048xf32, #tpu.memory_space<hbm>>
      %dma_start3A_123 = arith.constant 0 : i32
      %dma_start3A_124 = tpu.memref_slice %arg4[%add3A_53, %dma_start3A_123] : memref<5120x2048xf32, #tpu.memory_space<hbm>> -> memref<16x2048xf32, #tpu.memory_space<hbm>>
      tpu.enqueue_dma source(%arg7 : memref<16x2048xf32, #tpu.memory_space<vmem>>) target(%dma_start3A_124 : memref<16x2048xf32, #tpu.memory_space<hbm>>) target_semaphore(%run_scoped3A : memref<!tpu.dma_semaphore, #tpu.memory_space<semaphore_mem>>)
      %dma_wait3A_125 = arith.constant 0 : i32
      %dma_wait3A_126 = tpu.memref_slice %arg4[%add3A_53, %dma_wait3A_125] : memref<5120x2048xf32, #tpu.memory_space<hbm>> -> memref<16x2048xf32, #tpu.memory_space<hbm>>
      %dma_wait3A_127 = arith.constant 0 : i32
      %dma_wait3A_128 = tpu.memref_slice %arg4[%add3A_53, %dma_wait3A_127] : memref<5120x2048xf32, #tpu.memory_space<hbm>> -> memref<16x2048xf32, #tpu.memory_space<hbm>>
      tpu.wait_dma2 semaphore(%run_scoped3A : memref<!tpu.dma_semaphore, #tpu.memory_space<semaphore_mem>>) src(%arg7 : memref<16x2048xf32, #tpu.memory_space<vmem>>) dst(%dma_wait3A_128 : memref<16x2048xf32, #tpu.memory_space<hbm>>)
      tpu.yield
    }) : () -> ()
    %dma_start3A_54 = arith.constant 80 : i32
    %dma_start3A_55 = tpu.memref_slice %arg5[%dma_start3A_54] : memref<160xi32, #tpu.memory_space<vmem>> -> memref<16xi32, #tpu.memory_space<vmem>>
    %dma_start3A_56 = arith.constant 0 : i32
    %dma_start3A_57 = arith.constant 0 : i32
    %dma_start3A_58 = tpu.memref_slice %arg2[%dma_start3A_56, %dma_start3A_57] : memref<2048x2048xf32, #tpu.memory_space<hbm>> -> memref<2048x2048xf32, #tpu.memory_space<hbm>>
    tpu.enqueue_indirect_dma source(%dma_start3A_58 : memref<2048x2048xf32, #tpu.memory_space<hbm>>) target(%arg7 : memref<16x2048xf32, #tpu.memory_space<vmem>>) offsets(%dma_start3A_55 : memref<16xi32, #tpu.memory_space<vmem>>) semaphore(%arg9 : memref<!tpu.dma_semaphore, #tpu.memory_space<semaphore_mem>>)
    %dma_wait3A_59 = arith.constant 64 : i32
    %dma_wait3A_60 = tpu.memref_slice %arg5[%dma_wait3A_59] : memref<160xi32, #tpu.memory_space<vmem>> -> memref<16xi32, #tpu.memory_space<vmem>>
    %dma_wait3A_61 = arith.constant 0 : i32
    %dma_wait3A_62 = arith.constant 0 : i32
    %dma_wait3A_63 = tpu.memref_slice %arg2[%dma_wait3A_61, %dma_wait3A_62] : memref<2048x2048xf32, #tpu.memory_space<hbm>> -> memref<2048x2048xf32, #tpu.memory_space<hbm>>
    tpu.wait_indirect_dma semaphore(%arg8 : memref<!tpu.dma_semaphore, #tpu.memory_space<semaphore_mem>>) src(%dma_wait3A_63 : memref<2048x2048xf32, #tpu.memory_space<hbm>>) dst(%arg6 : memref<16x2048xf32, #tpu.memory_space<vmem>>)
    %add3A_64 = arith.constant 64 : i32
    %add3A_65 = arith.addi %mul3A_2, %add3A_64 : i32
    "tpu.region"() ({
      %run_scoped3A = tpu.sem_alloc : memref<!tpu.dma_semaphore, #tpu.memory_space<semaphore_mem>>
      %dma_start3A_121 = arith.constant 0 : i32
      %dma_start3A_122 = tpu.memref_slice %arg4[%add3A_65, %dma_start3A_121] : memref<5120x2048xf32, #tpu.memory_space<hbm>> -> memref<16x2048xf32, #tpu.memory_space<hbm>>
      %dma_start3A_123 = arith.constant 0 : i32
      %dma_start3A_124 = tpu.memref_slice %arg4[%add3A_65, %dma_start3A_123] : memref<5120x2048xf32, #tpu.memory_space<hbm>> -> memref<16x2048xf32, #tpu.memory_space<hbm>>
      tpu.enqueue_dma source(%arg6 : memref<16x2048xf32, #tpu.memory_space<vmem>>) target(%dma_start3A_124 : memref<16x2048xf32, #tpu.memory_space<hbm>>) target_semaphore(%run_scoped3A : memref<!tpu.dma_semaphore, #tpu.memory_space<semaphore_mem>>)
      %dma_wait3A_125 = arith.constant 0 : i32
      %dma_wait3A_126 = tpu.memref_slice %arg4[%add3A_65, %dma_wait3A_125] : memref<5120x2048xf32, #tpu.memory_space<hbm>> -> memref<16x2048xf32, #tpu.memory_space<hbm>>
      %dma_wait3A_127 = arith.constant 0 : i32
      %dma_wait3A_128 = tpu.memref_slice %arg4[%add3A_65, %dma_wait3A_127] : memref<5120x2048xf32, #tpu.memory_space<hbm>> -> memref<16x2048xf32, #tpu.memory_space<hbm>>
      tpu.wait_dma2 semaphore(%run_scoped3A : memref<!tpu.dma_semaphore, #tpu.memory_space<semaphore_mem>>) src(%arg6 : memref<16x2048xf32, #tpu.memory_space<vmem>>) dst(%dma_wait3A_128 : memref<16x2048xf32, #tpu.memory_space<hbm>>)
      tpu.yield
    }) : () -> ()
    %dma_start3A_66 = arith.constant 96 : i32
    %dma_start3A_67 = tpu.memref_slice %arg5[%dma_start3A_66] : memref<160xi32, #tpu.memory_space<vmem>> -> memref<16xi32, #tpu.memory_space<vmem>>
    %dma_start3A_68 = arith.constant 0 : i32
    %dma_start3A_69 = arith.constant 0 : i32
    %dma_start3A_70 = tpu.memref_slice %arg2[%dma_start3A_68, %dma_start3A_69] : memref<2048x2048xf32, #tpu.memory_space<hbm>> -> memref<2048x2048xf32, #tpu.memory_space<hbm>>
    tpu.enqueue_indirect_dma source(%dma_start3A_70 : memref<2048x2048xf32, #tpu.memory_space<hbm>>) target(%arg6 : memref<16x2048xf32, #tpu.memory_space<vmem>>) offsets(%dma_start3A_67 : memref<16xi32, #tpu.memory_space<vmem>>) semaphore(%arg8 : memref<!tpu.dma_semaphore, #tpu.memory_space<semaphore_mem>>)
    %dma_wait3A_71 = arith.constant 80 : i32
    %dma_wait3A_72 = tpu.memref_slice %arg5[%dma_wait3A_71] : memref<160xi32, #tpu.memory_space<vmem>> -> memref<16xi32, #tpu.memory_space<vmem>>
    %dma_wait3A_73 = arith.constant 0 : i32
    %dma_wait3A_74 = arith.constant 0 : i32
    %dma_wait3A_75 = tpu.memref_slice %arg2[%dma_wait3A_73, %dma_wait3A_74] : memref<2048x2048xf32, #tpu.memory_space<hbm>> -> memref<2048x2048xf32, #tpu.memory_space<hbm>>
    tpu.wait_indirect_dma semaphore(%arg9 : memref<!tpu.dma_semaphore, #tpu.memory_space<semaphore_mem>>) src(%dma_wait3A_75 : memref<2048x2048xf32, #tpu.memory_space<hbm>>) dst(%arg7 : memref<16x2048xf32, #tpu.memory_space<vmem>>)
    %add3A_76 = arith.constant 80 : i32
    %add3A_77 = arith.addi %mul3A_2, %add3A_76 : i32
    "tpu.region"() ({
      %run_scoped3A = tpu.sem_alloc : memref<!tpu.dma_semaphore, #tpu.memory_space<semaphore_mem>>
      %dma_start3A_121 = arith.constant 0 : i32
      %dma_start3A_122 = tpu.memref_slice %arg4[%add3A_77, %dma_start3A_121] : memref<5120x2048xf32, #tpu.memory_space<hbm>> -> memref<16x2048xf32, #tpu.memory_space<hbm>>
      %dma_start3A_123 = arith.constant 0 : i32
      %dma_start3A_124 = tpu.memref_slice %arg4[%add3A_77, %dma_start3A_123] : memref<5120x2048xf32, #tpu.memory_space<hbm>> -> memref<16x2048xf32, #tpu.memory_space<hbm>>
      tpu.enqueue_dma source(%arg7 : memref<16x2048xf32, #tpu.memory_space<vmem>>) target(%dma_start3A_124 : memref<16x2048xf32, #tpu.memory_space<hbm>>) target_semaphore(%run_scoped3A : memref<!tpu.dma_semaphore, #tpu.memory_space<semaphore_mem>>)
      %dma_wait3A_125 = arith.constant 0 : i32
      %dma_wait3A_126 = tpu.memref_slice %arg4[%add3A_77, %dma_wait3A_125] : memref<5120x2048xf32, #tpu.memory_space<hbm>> -> memref<16x2048xf32, #tpu.memory_space<hbm>>
      %dma_wait3A_127 = arith.constant 0 : i32
      %dma_wait3A_128 = tpu.memref_slice %arg4[%add3A_77, %dma_wait3A_127] : memref<5120x2048xf32, #tpu.memory_space<hbm>> -> memref<16x2048xf32, #tpu.memory_space<hbm>>
      tpu.wait_dma2 semaphore(%run_scoped3A : memref<!tpu.dma_semaphore, #tpu.memory_space<semaphore_mem>>) src(%arg7 : memref<16x2048xf32, #tpu.memory_space<vmem>>) dst(%dma_wait3A_128 : memref<16x2048xf32, #tpu.memory_space<hbm>>)
      tpu.yield
    }) : () -> ()
    %dma_start3A_78 = arith.constant 112 : i32
    %dma_start3A_79 = tpu.memref_slice %arg5[%dma_start3A_78] : memref<160xi32, #tpu.memory_space<vmem>> -> memref<16xi32, #tpu.memory_space<vmem>>
    %dma_start3A_80 = arith.constant 0 : i32
    %dma_start3A_81 = arith.constant 0 : i32
    %dma_start3A_82 = tpu.memref_slice %arg2[%dma_start3A_80, %dma_start3A_81] : memref<2048x2048xf32, #tpu.memory_space<hbm>> -> memref<2048x2048xf32, #tpu.memory_space<hbm>>
    tpu.enqueue_indirect_dma source(%dma_start3A_82 : memref<2048x2048xf32, #tpu.memory_space<hbm>>) target(%arg7 : memref<16x2048xf32, #tpu.memory_space<vmem>>) offsets(%dma_start3A_79 : memref<16xi32, #tpu.memory_space<vmem>>) semaphore(%arg9 : memref<!tpu.dma_semaphore, #tpu.memory_space<semaphore_mem>>)
    %dma_wait3A_83 = arith.constant 96 : i32
    %dma_wait3A_84 = tpu.memref_slice %arg5[%dma_wait3A_83] : memref<160xi32, #tpu.memory_space<vmem>> -> memref<16xi32, #tpu.memory_space<vmem>>
    %dma_wait3A_85 = arith.constant 0 : i32
    %dma_wait3A_86 = arith.constant 0 : i32
    %dma_wait3A_87 = tpu.memref_slice %arg2[%dma_wait3A_85, %dma_wait3A_86] : memref<2048x2048xf32, #tpu.memory_space<hbm>> -> memref<2048x2048xf32, #tpu.memory_space<hbm>>
    tpu.wait_indirect_dma semaphore(%arg8 : memref<!tpu.dma_semaphore, #tpu.memory_space<semaphore_mem>>) src(%dma_wait3A_87 : memref<2048x2048xf32, #tpu.memory_space<hbm>>) dst(%arg6 : memref<16x2048xf32, #tpu.memory_space<vmem>>)
    %add3A_88 = arith.constant 96 : i32
    %add3A_89 = arith.addi %mul3A_2, %add3A_88 : i32
    "tpu.region"() ({
      %run_scoped3A = tpu.sem_alloc : memref<!tpu.dma_semaphore, #tpu.memory_space<semaphore_mem>>
      %dma_start3A_121 = arith.constant 0 : i32
      %dma_start3A_122 = tpu.memref_slice %arg4[%add3A_89, %dma_start3A_121] : memref<5120x2048xf32, #tpu.memory_space<hbm>> -> memref<16x2048xf32, #tpu.memory_space<hbm>>
      %dma_start3A_123 = arith.constant 0 : i32
      %dma_start3A_124 = tpu.memref_slice %arg4[%add3A_89, %dma_start3A_123] : memref<5120x2048xf32, #tpu.memory_space<hbm>> -> memref<16x2048xf32, #tpu.memory_space<hbm>>
      tpu.enqueue_dma source(%arg6 : memref<16x2048xf32, #tpu.memory_space<vmem>>) target(%dma_start3A_124 : memref<16x2048xf32, #tpu.memory_space<hbm>>) target_semaphore(%run_scoped3A : memref<!tpu.dma_semaphore, #tpu.memory_space<semaphore_mem>>)
      %dma_wait3A_125 = arith.constant 0 : i32
      %dma_wait3A_126 = tpu.memref_slice %arg4[%add3A_89, %dma_wait3A_125] : memref<5120x2048xf32, #tpu.memory_space<hbm>> -> memref<16x2048xf32, #tpu.memory_space<hbm>>
      %dma_wait3A_127 = arith.constant 0 : i32
      %dma_wait3A_128 = tpu.memref_slice %arg4[%add3A_89, %dma_wait3A_127] : memref<5120x2048xf32, #tpu.memory_space<hbm>> -> memref<16x2048xf32, #tpu.memory_space<hbm>>
      tpu.wait_dma2 semaphore(%run_scoped3A : memref<!tpu.dma_semaphore, #tpu.memory_space<semaphore_mem>>) src(%arg6 : memref<16x2048xf32, #tpu.memory_space<vmem>>) dst(%dma_wait3A_128 : memref<16x2048xf32, #tpu.memory_space<hbm>>)
      tpu.yield
    }) : () -> ()
    %dma_start3A_90 = arith.constant 128 : i32
    %dma_start3A_91 = tpu.memref_slice %arg5[%dma_start3A_90] : memref<160xi32, #tpu.memory_space<vmem>> -> memref<16xi32, #tpu.memory_space<vmem>>
    %dma_start3A_92 = arith.constant 0 : i32
    %dma_start3A_93 = arith.constant 0 : i32
    %dma_start3A_94 = tpu.memref_slice %arg2[%dma_start3A_92, %dma_start3A_93] : memref<2048x2048xf32, #tpu.memory_space<hbm>> -> memref<2048x2048xf32, #tpu.memory_space<hbm>>
    tpu.enqueue_indirect_dma source(%dma_start3A_94 : memref<2048x2048xf32, #tpu.memory_space<hbm>>) target(%arg6 : memref<16x2048xf32, #tpu.memory_space<vmem>>) offsets(%dma_start3A_91 : memref<16xi32, #tpu.memory_space<vmem>>) semaphore(%arg8 : memref<!tpu.dma_semaphore, #tpu.memory_space<semaphore_mem>>)
    %dma_wait3A_95 = arith.constant 112 : i32
    %dma_wait3A_96 = tpu.memref_slice %arg5[%dma_wait3A_95] : memref<160xi32, #tpu.memory_space<vmem>> -> memref<16xi32, #tpu.memory_space<vmem>>
    %dma_wait3A_97 = arith.constant 0 : i32
    %dma_wait3A_98 = arith.constant 0 : i32
    %dma_wait3A_99 = tpu.memref_slice %arg2[%dma_wait3A_97, %dma_wait3A_98] : memref<2048x2048xf32, #tpu.memory_space<hbm>> -> memref<2048x2048xf32, #tpu.memory_space<hbm>>
    tpu.wait_indirect_dma semaphore(%arg9 : memref<!tpu.dma_semaphore, #tpu.memory_space<semaphore_mem>>) src(%dma_wait3A_99 : memref<2048x2048xf32, #tpu.memory_space<hbm>>) dst(%arg7 : memref<16x2048xf32, #tpu.memory_space<vmem>>)
    %add3A_100 = arith.constant 112 : i32
    %add3A_101 = arith.addi %mul3A_2, %add3A_100 : i32
    "tpu.region"() ({
      %run_scoped3A = tpu.sem_alloc : memref<!tpu.dma_semaphore, #tpu.memory_space<semaphore_mem>>
      %dma_start3A_121 = arith.constant 0 : i32
      %dma_start3A_122 = tpu.memref_slice %arg4[%add3A_101, %dma_start3A_121] : memref<5120x2048xf32, #tpu.memory_space<hbm>> -> memref<16x2048xf32, #tpu.memory_space<hbm>>
      %dma_start3A_123 = arith.constant 0 : i32
      %dma_start3A_124 = tpu.memref_slice %arg4[%add3A_101, %dma_start3A_123] : memref<5120x2048xf32, #tpu.memory_space<hbm>> -> memref<16x2048xf32, #tpu.memory_space<hbm>>
      tpu.enqueue_dma source(%arg7 : memref<16x2048xf32, #tpu.memory_space<vmem>>) target(%dma_start3A_124 : memref<16x2048xf32, #tpu.memory_space<hbm>>) target_semaphore(%run_scoped3A : memref<!tpu.dma_semaphore, #tpu.memory_space<semaphore_mem>>)
      %dma_wait3A_125 = arith.constant 0 : i32
      %dma_wait3A_126 = tpu.memref_slice %arg4[%add3A_101, %dma_wait3A_125] : memref<5120x2048xf32, #tpu.memory_space<hbm>> -> memref<16x2048xf32, #tpu.memory_space<hbm>>
      %dma_wait3A_127 = arith.constant 0 : i32
      %dma_wait3A_128 = tpu.memref_slice %arg4[%add3A_101, %dma_wait3A_127] : memref<5120x2048xf32, #tpu.memory_space<hbm>> -> memref<16x2048xf32, #tpu.memory_space<hbm>>
      tpu.wait_dma2 semaphore(%run_scoped3A : memref<!tpu.dma_semaphore, #tpu.memory_space<semaphore_mem>>) src(%arg7 : memref<16x2048xf32, #tpu.memory_space<vmem>>) dst(%dma_wait3A_128 : memref<16x2048xf32, #tpu.memory_space<hbm>>)
      tpu.yield
    }) : () -> ()
    %dma_start3A_102 = arith.constant 144 : i32
    %dma_start3A_103 = tpu.memref_slice %arg5[%dma_start3A_102] : memref<160xi32, #tpu.memory_space<vmem>> -> memref<16xi32, #tpu.memory_space<vmem>>
    %dma_start3A_104 = arith.constant 0 : i32
    %dma_start3A_105 = arith.constant 0 : i32
    %dma_start3A_106 = tpu.memref_slice %arg2[%dma_start3A_104, %dma_start3A_105] : memref<2048x2048xf32, #tpu.memory_space<hbm>> -> memref<2048x2048xf32, #tpu.memory_space<hbm>>
    tpu.enqueue_indirect_dma source(%dma_start3A_106 : memref<2048x2048xf32, #tpu.memory_space<hbm>>) target(%arg7 : memref<16x2048xf32, #tpu.memory_space<vmem>>) offsets(%dma_start3A_103 : memref<16xi32, #tpu.memory_space<vmem>>) semaphore(%arg9 : memref<!tpu.dma_semaphore, #tpu.memory_space<semaphore_mem>>)
    %dma_wait3A_107 = arith.constant 128 : i32
    %dma_wait3A_108 = tpu.memref_slice %arg5[%dma_wait3A_107] : memref<160xi32, #tpu.memory_space<vmem>> -> memref<16xi32, #tpu.memory_space<vmem>>
    %dma_wait3A_109 = arith.constant 0 : i32
    %dma_wait3A_110 = arith.constant 0 : i32
    %dma_wait3A_111 = tpu.memref_slice %arg2[%dma_wait3A_109, %dma_wait3A_110] : memref<2048x2048xf32, #tpu.memory_space<hbm>> -> memref<2048x2048xf32, #tpu.memory_space<hbm>>
    tpu.wait_indirect_dma semaphore(%arg8 : memref<!tpu.dma_semaphore, #tpu.memory_space<semaphore_mem>>) src(%dma_wait3A_111 : memref<2048x2048xf32, #tpu.memory_space<hbm>>) dst(%arg6 : memref<16x2048xf32, #tpu.memory_space<vmem>>)
    %add3A_112 = arith.constant 128 : i32
    %add3A_113 = arith.addi %mul3A_2, %add3A_112 : i32
    "tpu.region"() ({
      %run_scoped3A = tpu.sem_alloc : memref<!tpu.dma_semaphore, #tpu.memory_space<semaphore_mem>>
      %dma_start3A_121 = arith.constant 0 : i32
      %dma_start3A_122 = tpu.memref_slice %arg4[%add3A_113, %dma_start3A_121] : memref<5120x2048xf32, #tpu.memory_space<hbm>> -> memref<16x2048xf32, #tpu.memory_space<hbm>>
      %dma_start3A_123 = arith.constant 0 : i32
      %dma_start3A_124 = tpu.memref_slice %arg4[%add3A_113, %dma_start3A_123] : memref<5120x2048xf32, #tpu.memory_space<hbm>> -> memref<16x2048xf32, #tpu.memory_space<hbm>>
      tpu.enqueue_dma source(%arg6 : memref<16x2048xf32, #tpu.memory_space<vmem>>) target(%dma_start3A_124 : memref<16x2048xf32, #tpu.memory_space<hbm>>) target_semaphore(%run_scoped3A : memref<!tpu.dma_semaphore, #tpu.memory_space<semaphore_mem>>)
      %dma_wait3A_125 = arith.constant 0 : i32
      %dma_wait3A_126 = tpu.memref_slice %arg4[%add3A_113, %dma_wait3A_125] : memref<5120x2048xf32, #tpu.memory_space<hbm>> -> memref<16x2048xf32, #tpu.memory_space<hbm>>
      %dma_wait3A_127 = arith.constant 0 : i32
      %dma_wait3A_128 = tpu.memref_slice %arg4[%add3A_113, %dma_wait3A_127] : memref<5120x2048xf32, #tpu.memory_space<hbm>> -> memref<16x2048xf32, #tpu.memory_space<hbm>>
      tpu.wait_dma2 semaphore(%run_scoped3A : memref<!tpu.dma_semaphore, #tpu.memory_space<semaphore_mem>>) src(%arg6 : memref<16x2048xf32, #tpu.memory_space<vmem>>) dst(%dma_wait3A_128 : memref<16x2048xf32, #tpu.memory_space<hbm>>)
      tpu.yield
    }) : () -> ()
    %dma_wait3A_114 = arith.constant 144 : i32
    %dma_wait3A_115 = tpu.memref_slice %arg5[%dma_wait3A_114] : memref<160xi32, #tpu.memory_space<vmem>> -> memref<16xi32, #tpu.memory_space<vmem>>
    %dma_wait3A_116 = arith.constant 0 : i32
    %dma_wait3A_117 = arith.constant 0 : i32
    %dma_wait3A_118 = tpu.memref_slice %arg2[%dma_wait3A_116, %dma_wait3A_117] : memref<2048x2048xf32, #tpu.memory_space<hbm>> -> memref<2048x2048xf32, #tpu.memory_space<hbm>>
    tpu.wait_indirect_dma semaphore(%arg9 : memref<!tpu.dma_semaphore, #tpu.memory_space<semaphore_mem>>) src(%dma_wait3A_118 : memref<2048x2048xf32, #tpu.memory_space<hbm>>) dst(%arg7 : memref<16x2048xf32, #tpu.memory_space<vmem>>)
    %add3A_119 = arith.constant 144 : i32
    %add3A_120 = arith.addi %mul3A_2, %add3A_119 : i32
    "tpu.region"() ({
      %run_scoped3A = tpu.sem_alloc : memref<!tpu.dma_semaphore, #tpu.memory_space<semaphore_mem>>
      %dma_start3A_121 = arith.constant 0 : i32
      %dma_start3A_122 = tpu.memref_slice %arg4[%add3A_120, %dma_start3A_121] : memref<5120x2048xf32, #tpu.memory_space<hbm>> -> memref<16x2048xf32, #tpu.memory_space<hbm>>
      %dma_start3A_123 = arith.constant 0 : i32
      %dma_start3A_124 = tpu.memref_slice %arg4[%add3A_120, %dma_start3A_123] : memref<5120x2048xf32, #tpu.memory_space<hbm>> -> memref<16x2048xf32, #tpu.memory_space<hbm>>
      tpu.enqueue_dma source(%arg7 : memref<16x2048xf32, #tpu.memory_space<vmem>>) target(%dma_start3A_124 : memref<16x2048xf32, #tpu.memory_space<hbm>>) target_semaphore(%run_scoped3A : memref<!tpu.dma_semaphore, #tpu.memory_space<semaphore_mem>>)
      %dma_wait3A_125 = arith.constant 0 : i32
      %dma_wait3A_126 = tpu.memref_slice %arg4[%add3A_120, %dma_wait3A_125] : memref<5120x2048xf32, #tpu.memory_space<hbm>> -> memref<16x2048xf32, #tpu.memory_space<hbm>>
      %dma_wait3A_127 = arith.constant 0 : i32
      %dma_wait3A_128 = tpu.memref_slice %arg4[%add3A_120, %dma_wait3A_127] : memref<5120x2048xf32, #tpu.memory_space<hbm>> -> memref<16x2048xf32, #tpu.memory_space<hbm>>
      tpu.wait_dma2 semaphore(%run_scoped3A : memref<!tpu.dma_semaphore, #tpu.memory_space<semaphore_mem>>) src(%arg7 : memref<16x2048xf32, #tpu.memory_space<vmem>>) dst(%dma_wait3A_128 : memref<16x2048xf32, #tpu.memory_space<hbm>>)
      tpu.yield
    }) : () -> ()
    return
  }
}

#map = affine_map<(d0, d1) -> (0, 0)>
#map1 = affine_map<(d0, d1) -> (0)>
module attributes {stable_mosaic.version = 14 : i64} {
  func.func @_build_slots_body(%arg0: i32, %arg1: i32, %arg2: memref<8x2048xi32, #tpu.memory_space<hbm>>, %arg3: memref<8x2048xf32, #tpu.memory_space<hbm>>, %arg4: memref<5120xi32, #tpu.memory_space<hbm>>, %arg5: memref<5120xf32, #tpu.memory_space<hbm>>, %arg6: memref<2048xi32, #tpu.memory_space<vmem>>, %arg7: memref<2048xi32, #tpu.memory_space<vmem>>, %arg8: memref<2048xf32, #tpu.memory_space<vmem>>, %arg9: memref<2048xf32, #tpu.memory_space<vmem>>, %arg10: memref<5120xi32, #tpu.memory_space<vmem>>, %arg11: memref<5120xf32, #tpu.memory_space<vmem>>) attributes {dimension_semantics = [#tpu.dimension_semantics<core_parallel>, #tpu.dimension_semantics<subcore_parallel>], iteration_bounds = array<i64: 2, 16>, scalar_prefetch = 0 : i64, scratch_operands = 6 : i64, tpu.core_type = #tpu.core_type<sc_vector_subcore>, window_params = [{transform_indices = #map}, {transform_indices = #map}, {transform_indices = #map1}, {transform_indices = #map1}]} {
    %eq3A = arith.constant 0 : i32
    %eq3A_0 = arith.cmpi eq, %arg0, %eq3A : i32
    %eq3A_1 = arith.constant 0 : i32
    %eq3A_2 = arith.cmpi eq, %arg1, %eq3A_1 : i32
    %and3A = arith.andi %eq3A_0, %eq3A_2 : i1
    %convert_element_type3A = arith.extui %and3A : i1 to i32
    %cond3A = arith.constant 0 : i32
    %cond3A_3 = arith.cmpi ne, %convert_element_type3A, %cond3A : i32
    scf.if %cond3A_3 {
      %run_scoped3A = arith.constant 0 : i32
      "tpu.region"() ({
        %run_scoped3A_20 = tpu.sem_alloc : memref<!tpu.dma_semaphore, #tpu.memory_space<semaphore_mem>>
        %dma_start3A = arith.constant 0 : i32
        %dma_start3A_21 = tpu.memref_slice %arg2[%run_scoped3A, %dma_start3A] : memref<8x2048xi32, #tpu.memory_space<hbm>> -> memref<1x2048xi32, #tpu.memory_space<hbm>>
        %dma_start3A_22 = tpu.memref_squeeze %dma_start3A_21 : memref<1x2048xi32, #tpu.memory_space<hbm>> -> memref<2048xi32, #tpu.memory_space<hbm>>
        %dma_start3A_23 = arith.constant 0 : i32
        %dma_start3A_24 = tpu.memref_slice %arg2[%run_scoped3A, %dma_start3A_23] : memref<8x2048xi32, #tpu.memory_space<hbm>> -> memref<1x2048xi32, #tpu.memory_space<hbm>>
        %dma_start3A_25 = tpu.memref_squeeze %dma_start3A_24 : memref<1x2048xi32, #tpu.memory_space<hbm>> -> memref<2048xi32, #tpu.memory_space<hbm>>
        tpu.enqueue_dma source(%dma_start3A_25 : memref<2048xi32, #tpu.memory_space<hbm>>) target(%arg6 : memref<2048xi32, #tpu.memory_space<vmem>>) target_semaphore(%run_scoped3A_20 : memref<!tpu.dma_semaphore, #tpu.memory_space<semaphore_mem>>)
        %dma_wait3A = arith.constant 0 : i32
        %dma_wait3A_26 = tpu.memref_slice %arg2[%run_scoped3A, %dma_wait3A] : memref<8x2048xi32, #tpu.memory_space<hbm>> -> memref<1x2048xi32, #tpu.memory_space<hbm>>
        %dma_wait3A_27 = tpu.memref_squeeze %dma_wait3A_26 : memref<1x2048xi32, #tpu.memory_space<hbm>> -> memref<2048xi32, #tpu.memory_space<hbm>>
        %dma_wait3A_28 = arith.constant 0 : i32
        %dma_wait3A_29 = tpu.memref_slice %arg2[%run_scoped3A, %dma_wait3A_28] : memref<8x2048xi32, #tpu.memory_space<hbm>> -> memref<1x2048xi32, #tpu.memory_space<hbm>>
        %dma_wait3A_30 = tpu.memref_squeeze %dma_wait3A_29 : memref<1x2048xi32, #tpu.memory_space<hbm>> -> memref<2048xi32, #tpu.memory_space<hbm>>
        tpu.wait_dma2 semaphore(%run_scoped3A_20 : memref<!tpu.dma_semaphore, #tpu.memory_space<semaphore_mem>>) src(%dma_wait3A_30 : memref<2048xi32, #tpu.memory_space<hbm>>) dst(%arg6 : memref<2048xi32, #tpu.memory_space<vmem>>)
        tpu.yield
      }) : () -> ()
      %run_scoped3A_4 = arith.constant 1 : i32
      "tpu.region"() ({
        %run_scoped3A_20 = tpu.sem_alloc : memref<!tpu.dma_semaphore, #tpu.memory_space<semaphore_mem>>
        %dma_start3A = arith.constant 0 : i32
        %dma_start3A_21 = tpu.memref_slice %arg2[%run_scoped3A_4, %dma_start3A] : memref<8x2048xi32, #tpu.memory_space<hbm>> -> memref<1x2048xi32, #tpu.memory_space<hbm>>
        %dma_start3A_22 = tpu.memref_squeeze %dma_start3A_21 : memref<1x2048xi32, #tpu.memory_space<hbm>> -> memref<2048xi32, #tpu.memory_space<hbm>>
        %dma_start3A_23 = arith.constant 0 : i32
        %dma_start3A_24 = tpu.memref_slice %arg2[%run_scoped3A_4, %dma_start3A_23] : memref<8x2048xi32, #tpu.memory_space<hbm>> -> memref<1x2048xi32, #tpu.memory_space<hbm>>
        %dma_start3A_25 = tpu.memref_squeeze %dma_start3A_24 : memref<1x2048xi32, #tpu.memory_space<hbm>> -> memref<2048xi32, #tpu.memory_space<hbm>>
        tpu.enqueue_dma source(%dma_start3A_25 : memref<2048xi32, #tpu.memory_space<hbm>>) target(%arg7 : memref<2048xi32, #tpu.memory_space<vmem>>) target_semaphore(%run_scoped3A_20 : memref<!tpu.dma_semaphore, #tpu.memory_space<semaphore_mem>>)
        %dma_wait3A = arith.constant 0 : i32
        %dma_wait3A_26 = tpu.memref_slice %arg2[%run_scoped3A_4, %dma_wait3A] : memref<8x2048xi32, #tpu.memory_space<hbm>> -> memref<1x2048xi32, #tpu.memory_space<hbm>>
        %dma_wait3A_27 = tpu.memref_squeeze %dma_wait3A_26 : memref<1x2048xi32, #tpu.memory_space<hbm>> -> memref<2048xi32, #tpu.memory_space<hbm>>
        %dma_wait3A_28 = arith.constant 0 : i32
        %dma_wait3A_29 = tpu.memref_slice %arg2[%run_scoped3A_4, %dma_wait3A_28] : memref<8x2048xi32, #tpu.memory_space<hbm>> -> memref<1x2048xi32, #tpu.memory_space<hbm>>
        %dma_wait3A_30 = tpu.memref_squeeze %dma_wait3A_29 : memref<1x2048xi32, #tpu.memory_space<hbm>> -> memref<2048xi32, #tpu.memory_space<hbm>>
        tpu.wait_dma2 semaphore(%run_scoped3A_20 : memref<!tpu.dma_semaphore, #tpu.memory_space<semaphore_mem>>) src(%dma_wait3A_30 : memref<2048xi32, #tpu.memory_space<hbm>>) dst(%arg7 : memref<2048xi32, #tpu.memory_space<vmem>>)
        tpu.yield
      }) : () -> ()
      %run_scoped3A_5 = arith.constant 0 : i32
      "tpu.region"() ({
        %run_scoped3A_20 = tpu.sem_alloc : memref<!tpu.dma_semaphore, #tpu.memory_space<semaphore_mem>>
        %dma_start3A = arith.constant 0 : i32
        %dma_start3A_21 = tpu.memref_slice %arg3[%run_scoped3A_5, %dma_start3A] : memref<8x2048xf32, #tpu.memory_space<hbm>> -> memref<1x2048xf32, #tpu.memory_space<hbm>>
        %dma_start3A_22 = tpu.memref_squeeze %dma_start3A_21 : memref<1x2048xf32, #tpu.memory_space<hbm>> -> memref<2048xf32, #tpu.memory_space<hbm>>
        %dma_start3A_23 = arith.constant 0 : i32
        %dma_start3A_24 = tpu.memref_slice %arg3[%run_scoped3A_5, %dma_start3A_23] : memref<8x2048xf32, #tpu.memory_space<hbm>> -> memref<1x2048xf32, #tpu.memory_space<hbm>>
        %dma_start3A_25 = tpu.memref_squeeze %dma_start3A_24 : memref<1x2048xf32, #tpu.memory_space<hbm>> -> memref<2048xf32, #tpu.memory_space<hbm>>
        tpu.enqueue_dma source(%dma_start3A_25 : memref<2048xf32, #tpu.memory_space<hbm>>) target(%arg8 : memref<2048xf32, #tpu.memory_space<vmem>>) target_semaphore(%run_scoped3A_20 : memref<!tpu.dma_semaphore, #tpu.memory_space<semaphore_mem>>)
        %dma_wait3A = arith.constant 0 : i32
        %dma_wait3A_26 = tpu.memref_slice %arg3[%run_scoped3A_5, %dma_wait3A] : memref<8x2048xf32, #tpu.memory_space<hbm>> -> memref<1x2048xf32, #tpu.memory_space<hbm>>
        %dma_wait3A_27 = tpu.memref_squeeze %dma_wait3A_26 : memref<1x2048xf32, #tpu.memory_space<hbm>> -> memref<2048xf32, #tpu.memory_space<hbm>>
        %dma_wait3A_28 = arith.constant 0 : i32
        %dma_wait3A_29 = tpu.memref_slice %arg3[%run_scoped3A_5, %dma_wait3A_28] : memref<8x2048xf32, #tpu.memory_space<hbm>> -> memref<1x2048xf32, #tpu.memory_space<hbm>>
        %dma_wait3A_30 = tpu.memref_squeeze %dma_wait3A_29 : memref<1x2048xf32, #tpu.memory_space<hbm>> -> memref<2048xf32, #tpu.memory_space<hbm>>
        tpu.wait_dma2 semaphore(%run_scoped3A_20 : memref<!tpu.dma_semaphore, #tpu.memory_space<semaphore_mem>>) src(%dma_wait3A_30 : memref<2048xf32, #tpu.memory_space<hbm>>) dst(%arg8 : memref<2048xf32, #tpu.memory_space<vmem>>)
        tpu.yield
      }) : () -> ()
      %run_scoped3A_6 = arith.constant 1 : i32
      "tpu.region"() ({
        %run_scoped3A_20 = tpu.sem_alloc : memref<!tpu.dma_semaphore, #tpu.memory_space<semaphore_mem>>
        %dma_start3A = arith.constant 0 : i32
        %dma_start3A_21 = tpu.memref_slice %arg3[%run_scoped3A_6, %dma_start3A] : memref<8x2048xf32, #tpu.memory_space<hbm>> -> memref<1x2048xf32, #tpu.memory_space<hbm>>
        %dma_start3A_22 = tpu.memref_squeeze %dma_start3A_21 : memref<1x2048xf32, #tpu.memory_space<hbm>> -> memref<2048xf32, #tpu.memory_space<hbm>>
        %dma_start3A_23 = arith.constant 0 : i32
        %dma_start3A_24 = tpu.memref_slice %arg3[%run_scoped3A_6, %dma_start3A_23] : memref<8x2048xf32, #tpu.memory_space<hbm>> -> memref<1x2048xf32, #tpu.memory_space<hbm>>
        %dma_start3A_25 = tpu.memref_squeeze %dma_start3A_24 : memref<1x2048xf32, #tpu.memory_space<hbm>> -> memref<2048xf32, #tpu.memory_space<hbm>>
        tpu.enqueue_dma source(%dma_start3A_25 : memref<2048xf32, #tpu.memory_space<hbm>>) target(%arg9 : memref<2048xf32, #tpu.memory_space<vmem>>) target_semaphore(%run_scoped3A_20 : memref<!tpu.dma_semaphore, #tpu.memory_space<semaphore_mem>>)
        %dma_wait3A = arith.constant 0 : i32
        %dma_wait3A_26 = tpu.memref_slice %arg3[%run_scoped3A_6, %dma_wait3A] : memref<8x2048xf32, #tpu.memory_space<hbm>> -> memref<1x2048xf32, #tpu.memory_space<hbm>>
        %dma_wait3A_27 = tpu.memref_squeeze %dma_wait3A_26 : memref<1x2048xf32, #tpu.memory_space<hbm>> -> memref<2048xf32, #tpu.memory_space<hbm>>
        %dma_wait3A_28 = arith.constant 0 : i32
        %dma_wait3A_29 = tpu.memref_slice %arg3[%run_scoped3A_6, %dma_wait3A_28] : memref<8x2048xf32, #tpu.memory_space<hbm>> -> memref<1x2048xf32, #tpu.memory_space<hbm>>
        %dma_wait3A_30 = tpu.memref_squeeze %dma_wait3A_29 : memref<1x2048xf32, #tpu.memory_space<hbm>> -> memref<2048xf32, #tpu.memory_space<hbm>>
        tpu.wait_dma2 semaphore(%run_scoped3A_20 : memref<!tpu.dma_semaphore, #tpu.memory_space<semaphore_mem>>) src(%dma_wait3A_30 : memref<2048xf32, #tpu.memory_space<hbm>>) dst(%arg9 : memref<2048xf32, #tpu.memory_space<vmem>>)
        tpu.yield
      }) : () -> ()
      %scan3A = arith.constant 0 : i32
      %scan3A_7 = arith.constant 0 : i32
      %scan3A_8 = arith.constant 320 : i32
      %scan3A_9 = arith.addi %scan3A_7, %scan3A_8 : i32
      %scan3A_10 = arith.constant 1 : i32
      %scan3A_11 = scf.for %scan3A_20 = %scan3A_7 to %scan3A_9 step %scan3A_10 iter_args(%scan3A_21 = %scan3A) -> (i32)  : i32 {
        %broadcast_in_dim3A = arith.constant 0 : i32
        %broadcast_in_dim3A_22 = vector.broadcast %broadcast_in_dim3A : i32 to vector<16xi32>
        %mul3A = arith.constant 16 : i32
        %mul3A_23 = arith.muli %scan3A_20, %mul3A : i32
        %swap3A = arith.index_cast %mul3A_23 : i32 to index
        %swap3A_24 = tpu.vector_load %arg10[%swap3A] {strides = array<i32>} : memref<5120xi32, #tpu.memory_space<vmem>>, vector<16xi32>,
        tpu.vector_store %arg10[%swap3A], %broadcast_in_dim3A_22 {strides = array<i32>} : memref<5120xi32, #tpu.memory_space<vmem>>, vector<16xi32>,
        %broadcast_in_dim3A_25 = arith.constant 0.000000e+00 : f32
        %broadcast_in_dim3A_26 = vector.broadcast %broadcast_in_dim3A_25 : f32 to vector<16xf32>
        %mul3A_27 = arith.constant 16 : i32
        %mul3A_28 = arith.muli %scan3A_20, %mul3A_27 : i32
        %swap3A_29 = arith.index_cast %mul3A_28 : i32 to index
        %swap3A_30 = tpu.vector_load %arg11[%swap3A_29] {strides = array<i32>} : memref<5120xf32, #tpu.memory_space<vmem>>, vector<16xf32>,
        tpu.vector_store %arg11[%swap3A_29], %broadcast_in_dim3A_26 {strides = array<i32>} : memref<5120xf32, #tpu.memory_space<vmem>>, vector<16xf32>,
        %scan3A_31 = arith.constant 0 : i32
        scf.yield %scan3A_31 : i32
      }
      %scan3A_12 = arith.constant 320 : i32
      %scan3A_13 = arith.constant 0 : i32
      %scan3A_14 = arith.constant 0 : i32
      %scan3A_15 = arith.constant 128 : i32
      %scan3A_16 = arith.addi %scan3A_14, %scan3A_15 : i32
      %scan3A_17 = arith.constant 1 : i32
      %scan3A_18 = scf.for %scan3A_20 = %scan3A_14 to %scan3A_16 step %scan3A_17 iter_args(%scan3A_21 = %scan3A_13) -> (i32)  : i32 {
        %mul3A = arith.constant 16 : i32
        %mul3A_22 = arith.muli %scan3A_20, %mul3A : i32
        %iota3A = tpu.iota {dimensions = array<i32: 0>} : vector<16xi32>
        %add3A = vector.broadcast %mul3A_22 : i32 to vector<16xi32>
        %add3A_23 = arith.addi %add3A, %iota3A : vector<16xi32>
        %mul3A_24 = arith.constant 16 : i32
        %mul3A_25 = arith.muli %scan3A_20, %mul3A_24 : i32
        %get3A = arith.index_cast %mul3A_25 : i32 to index
        %get3A_26 = tpu.vector_load %arg6[%get3A] {strides = array<i32>} : memref<2048xi32, #tpu.memory_space<vmem>>, vector<16xi32>,
        tpu.vector_store_idx %arg10[%get3A_26], %add3A_23 : memref<5120xi32, #tpu.memory_space<vmem>>[vector<16xi32>], vector<16xi32>,
        %mul3A_27 = arith.constant 16 : i32
        %mul3A_28 = arith.muli %scan3A_20, %mul3A_27 : i32
        %get3A_29 = arith.index_cast %mul3A_28 : i32 to index
        %get3A_30 = tpu.vector_load %arg8[%get3A_29] {strides = array<i32>} : memref<2048xf32, #tpu.memory_space<vmem>>, vector<16xf32>,
        tpu.vector_store_idx %arg11[%get3A_26], %get3A_30 : memref<5120xf32, #tpu.memory_space<vmem>>[vector<16xi32>], vector<16xf32>,
        %mul3A_31 = arith.constant 16 : i32
        %mul3A_32 = arith.muli %scan3A_20, %mul3A_31 : i32
        %get3A_33 = arith.index_cast %mul3A_32 : i32 to index
        %get3A_34 = tpu.vector_load %arg7[%get3A_33] {strides = array<i32>} : memref<2048xi32, #tpu.memory_space<vmem>>, vector<16xi32>,
        tpu.vector_store_idx %arg10[%get3A_34], %add3A_23 : memref<5120xi32, #tpu.memory_space<vmem>>[vector<16xi32>], vector<16xi32>,
        %mul3A_35 = arith.constant 16 : i32
        %mul3A_36 = arith.muli %scan3A_20, %mul3A_35 : i32
        %get3A_37 = arith.index_cast %mul3A_36 : i32 to index
        %get3A_38 = tpu.vector_load %arg9[%get3A_37] {strides = array<i32>} : memref<2048xf32, #tpu.memory_space<vmem>>, vector<16xf32>,
        tpu.vector_store_idx %arg11[%get3A_34], %get3A_38 : memref<5120xf32, #tpu.memory_space<vmem>>[vector<16xi32>], vector<16xf32>,
        %scan3A_39 = arith.constant 0 : i32
        scf.yield %scan3A_39 : i32
      }
      %scan3A_19 = arith.constant 128 : i32
      "tpu.region"() ({
        %run_scoped3A_20 = tpu.sem_alloc : memref<!tpu.dma_semaphore, #tpu.memory_space<semaphore_mem>>
        tpu.enqueue_dma source(%arg10 : memref<5120xi32, #tpu.memory_space<vmem>>) target(%arg4 : memref<5120xi32, #tpu.memory_space<hbm>>) target_semaphore(%run_scoped3A_20 : memref<!tpu.dma_semaphore, #tpu.memory_space<semaphore_mem>>)
        tpu.wait_dma2 semaphore(%run_scoped3A_20 : memref<!tpu.dma_semaphore, #tpu.memory_space<semaphore_mem>>) src(%arg10 : memref<5120xi32, #tpu.memory_space<vmem>>) dst(%arg4 : memref<5120xi32, #tpu.memory_space<hbm>>)
        tpu.yield
      }) : () -> ()
      "tpu.region"() ({
        %run_scoped3A_20 = tpu.sem_alloc : memref<!tpu.dma_semaphore, #tpu.memory_space<semaphore_mem>>
        tpu.enqueue_dma source(%arg11 : memref<5120xf32, #tpu.memory_space<vmem>>) target(%arg5 : memref<5120xf32, #tpu.memory_space<hbm>>) target_semaphore(%run_scoped3A_20 : memref<!tpu.dma_semaphore, #tpu.memory_space<semaphore_mem>>)
        tpu.wait_dma2 semaphore(%run_scoped3A_20 : memref<!tpu.dma_semaphore, #tpu.memory_space<semaphore_mem>>) src(%arg11 : memref<5120xf32, #tpu.memory_space<vmem>>) dst(%arg5 : memref<5120xf32, #tpu.memory_space<hbm>>)
        tpu.yield
      }) : () -> ()
    } else {
    }
    return
  }
}

module attributes {stable_mosaic.version = 14 : i64} {
  func.func @_router_body(%arg0: memref<2048x2048xf32, #tpu.memory_space<vmem>>, %arg1: memref<8x2048xf32, #tpu.memory_space<vmem>>, %arg2: memref<8x2048xi32, #tpu.memory_space<vmem>>, %arg3: memref<8x2048xf32, #tpu.memory_space<vmem>>, %arg4: memref<1x40xi32, #tpu.memory_space<vmem>>) attributes {dimension_semantics = [], scalar_prefetch = 0 : i64, scratch_operands = 0 : i64, tpu.core_type = #tpu.core_type<tc>} {
    %get3A = arith.constant 0 : index
    %get3A_0 = arith.constant 0 : index
    %get3A_1 = vector.load %arg0[%get3A, %get3A_0] : memref<2048x2048xf32, #tpu.memory_space<vmem>>, vector<2048x2048xf32>
    %get3A_2 = arith.constant 0 : index
    %get3A_3 = arith.constant 0 : index
    %get3A_4 = vector.load %arg1[%get3A_2, %get3A_3] : memref<8x2048xf32, #tpu.memory_space<vmem>>, vector<8x2048xf32>
    %transpose3A = tpu.transpose %get3A_4, [1, 0] : vector<8x2048xf32> -> vector<2048x8xf32>
    %dot_general3A = arith.constant dense<0.000000e+00> : vector<2048x8xf32>
    %dot_general3A_5 = tpu.matmul %get3A_1, %transpose3A, %dot_general3A {dimension_numbers = #tpu.dot_dimension_numbers<[1], [0], [0], [1], [0, 0, 1, 1], [], []>, transpose_lhs_hint = false} : vector<2048x2048xf32>, vector<2048x8xf32>, vector<2048x8xf32> -> vector<2048x8xf32>
    %reduce_max3A = arith.constant dense<0xFF800000> : vector<2048xf32>
    %reduce_max3A_6 = vector.multi_reduction <maximumf>, %dot_general3A_5, %reduce_max3A [1] : vector<2048x8xf32> to vector<2048xf32>
    %max3A = arith.constant 0xFF800000 : f32
    %max3A_7 = vector.broadcast %max3A : f32 to vector<2048xf32>
    %max3A_8 = arith.maximumf %max3A_7, %reduce_max3A_6 : vector<2048xf32>
    %broadcast_in_dim3A = vector.shape_cast %max3A_8 : vector<2048xf32> to vector<2048x1xf32>
    %sub3A = vector.broadcast %broadcast_in_dim3A : vector<2048x1xf32> to vector<2048x8xf32>
    %sub3A_9 = arith.subf %dot_general3A_5, %sub3A : vector<2048x8xf32>
    %exp3A = math.exp %sub3A_9 : vector<2048x8xf32>
    %reduce_sum3A = arith.constant dense<0.000000e+00> : vector<2048xf32>
    %reduce_sum3A_10 = vector.multi_reduction <add>, %exp3A, %reduce_sum3A [1] : vector<2048x8xf32> to vector<2048xf32>
    %broadcast_in_dim3A_11 = vector.shape_cast %reduce_sum3A_10 : vector<2048xf32> to vector<2048x1xf32>
    %div3A = vector.broadcast %broadcast_in_dim3A_11 : vector<2048x1xf32> to vector<2048x8xf32>
    %div3A_12 = arith.divf %exp3A, %div3A : vector<2048x8xf32>
    %iota3A = tpu.iota {dimensions = array<i32: 1>} : vector<2048x8xi32>
    %reduce_max3A_13 = arith.constant dense<0xFF800000> : vector<2048xf32>
    %reduce_max3A_14 = vector.multi_reduction <maximumf>, %div3A_12, %reduce_max3A_13 [1] : vector<2048x8xf32> to vector<2048xf32>
    %broadcast_in_dim3A_15 = vector.shape_cast %reduce_max3A_14 : vector<2048xf32> to vector<2048x1xf32>
    %eq3A = vector.broadcast %broadcast_in_dim3A_15 : vector<2048x1xf32> to vector<2048x8xf32>
    %eq3A_16 = arith.cmpf oeq, %div3A_12, %eq3A : vector<2048x8xf32>
    %jit3A = arith.constant 8 : i32
    %broadcast_in_dim3A_17 = vector.broadcast %jit3A : i32 to vector<2048x8xi32>
    %select_n3A = arith.select %eq3A_16, %iota3A, %broadcast_in_dim3A_17 : vector<2048x8xi1>, vector<2048x8xi32>
    %reduce_min3A = arith.constant dense<2147483647> : vector<2048xi32>
    %reduce_min3A_18 = vector.multi_reduction <minsi>, %select_n3A, %reduce_min3A [1] : vector<2048x8xi32> to vector<2048xi32>
    %broadcast_in_dim3A_19 = vector.shape_cast %reduce_min3A_18 : vector<2048xi32> to vector<2048x1xi32>
    %eq3A_20 = vector.broadcast %broadcast_in_dim3A_19 : vector<2048x1xi32> to vector<2048x8xi32>
    %eq3A_21 = arith.cmpi eq, %iota3A, %eq3A_20 : vector<2048x8xi32>
    %jit3A_22 = arith.constant 0xFF800000 : f32
    %broadcast_in_dim3A_23 = vector.broadcast %jit3A_22 : f32 to vector<2048x8xf32>
    %select_n3A_24 = arith.select %eq3A_21, %broadcast_in_dim3A_23, %div3A_12 : vector<2048x8xi1>, vector<2048x8xf32>
    %reduce_max3A_25 = arith.constant dense<0xFF800000> : vector<2048xf32>
    %reduce_max3A_26 = vector.multi_reduction <maximumf>, %select_n3A_24, %reduce_max3A_25 [1] : vector<2048x8xf32> to vector<2048xf32>
    %broadcast_in_dim3A_27 = vector.shape_cast %reduce_max3A_26 : vector<2048xf32> to vector<2048x1xf32>
    %eq3A_28 = vector.broadcast %broadcast_in_dim3A_27 : vector<2048x1xf32> to vector<2048x8xf32>
    %eq3A_29 = arith.cmpf oeq, %select_n3A_24, %eq3A_28 : vector<2048x8xf32>
    %jit3A_30 = arith.constant 8 : i32
    %broadcast_in_dim3A_31 = vector.broadcast %jit3A_30 : i32 to vector<2048x8xi32>
    %select_n3A_32 = arith.select %eq3A_29, %iota3A, %broadcast_in_dim3A_31 : vector<2048x8xi1>, vector<2048x8xi32>
    %reduce_min3A_33 = arith.constant dense<2147483647> : vector<2048xi32>
    %reduce_min3A_34 = vector.multi_reduction <minsi>, %select_n3A_32, %reduce_min3A_33 [1] : vector<2048x8xi32> to vector<2048xi32>
    %broadcast_in_dim3A_35 = vector.shape_cast %reduce_min3A_34 : vector<2048xi32> to vector<2048x1xi32>
    %add3A = arith.addf %broadcast_in_dim3A_15, %broadcast_in_dim3A_27 : vector<2048x1xf32>
    %div3A_36 = arith.divf %broadcast_in_dim3A_15, %add3A : vector<2048x1xf32>
    %squeeze3A = vector.shape_cast %div3A_36 : vector<2048x1xf32> to vector<2048xf32>
    %div3A_37 = arith.divf %broadcast_in_dim3A_27, %add3A : vector<2048x1xf32>
    %squeeze3A_38 = vector.shape_cast %div3A_37 : vector<2048x1xf32> to vector<2048xf32>
    %eq3A_39 = vector.broadcast %broadcast_in_dim3A_19 : vector<2048x1xi32> to vector<2048x8xi32>
    %eq3A_40 = arith.cmpi eq, %iota3A, %eq3A_39 : vector<2048x8xi32>
    %eq3A_41 = vector.broadcast %broadcast_in_dim3A_35 : vector<2048x1xi32> to vector<2048x8xi32>
    %eq3A_42 = arith.cmpi eq, %iota3A, %eq3A_41 : vector<2048x8xi32>
    %or3A = arith.ori %eq3A_40, %eq3A_42 : vector<2048x8xi1>
    %convert_element_type3A = arith.extui %or3A : vector<2048x8xi1> to vector<2048x8xi32>
    %convert_element_type3A_43 = arith.sitofp %convert_element_type3A : vector<2048x8xi32> to vector<2048x8xf32>
    %iota3A_44 = tpu.iota {dimensions = array<i32: 0>} : vector<128x128xi32>
    %iota3A_45 = tpu.iota {dimensions = array<i32: 1>} : vector<128x128xi32>
    %gt3A = arith.cmpi sgt, %iota3A_44, %iota3A_45 : vector<128x128xi32>
    %convert_element_type3A_46 = arith.extui %gt3A : vector<128x128xi1> to vector<128x128xi32>
    %convert_element_type3A_47 = arith.sitofp %convert_element_type3A_46 : vector<128x128xi32> to vector<128x128xf32>
    %broadcast_in_dim3A_48 = arith.constant 0.000000e+00 : f32
    %broadcast_in_dim3A_49 = vector.broadcast %broadcast_in_dim3A_48 : f32 to vector<1x8xf32>
    %slice3A = vector.extract_strided_slice %convert_element_type3A_43 {offsets = [0, 0], sizes = [128, 8], strides = [1, 1]} : vector<2048x8xf32> to vector<128x8xf32>
    %dot_general3A_50 = arith.constant dense<0.000000e+00> : vector<128x8xf32>
    %dot_general3A_51 = tpu.matmul %convert_element_type3A_47, %slice3A, %dot_general3A_50 {dimension_numbers = #tpu.dot_dimension_numbers<[1], [0], [0], [1], [0, 0, 1, 1], [], []>, transpose_lhs_hint = false} : vector<128x128xf32>, vector<128x8xf32>, vector<128x8xf32> -> vector<128x8xf32>
    %add3A_52 = vector.broadcast %broadcast_in_dim3A_49 : vector<1x8xf32> to vector<128x8xf32>
    %add3A_53 = arith.addf %dot_general3A_51, %add3A_52 : vector<128x8xf32>
    %reduce_sum3A_54 = arith.constant dense<0.000000e+00> : vector<8xf32>
    %reduce_sum3A_55 = vector.multi_reduction <add>, %slice3A, %reduce_sum3A_54 [0] : vector<128x8xf32> to vector<8xf32>
    %broadcast_in_dim3A_56 = vector.shape_cast %reduce_sum3A_55 : vector<8xf32> to vector<1x8xf32>
    %add3A_57 = arith.addf %broadcast_in_dim3A_49, %broadcast_in_dim3A_56 : vector<1x8xf32>
    %slice3A_58 = vector.extract_strided_slice %convert_element_type3A_43 {offsets = [128, 0], sizes = [128, 8], strides = [1, 1]} : vector<2048x8xf32> to vector<128x8xf32>
    %dot_general3A_59 = arith.constant dense<0.000000e+00> : vector<128x8xf32>
    %dot_general3A_60 = tpu.matmul %convert_element_type3A_47, %slice3A_58, %dot_general3A_59 {dimension_numbers = #tpu.dot_dimension_numbers<[1], [0], [0], [1], [0, 0, 1, 1], [], []>, transpose_lhs_hint = false} : vector<128x128xf32>, vector<128x8xf32>, vector<128x8xf32> -> vector<128x8xf32>
    %add3A_61 = vector.broadcast %add3A_57 : vector<1x8xf32> to vector<128x8xf32>
    %add3A_62 = arith.addf %dot_general3A_60, %add3A_61 : vector<128x8xf32>
    %reduce_sum3A_63 = arith.constant dense<0.000000e+00> : vector<8xf32>
    %reduce_sum3A_64 = vector.multi_reduction <add>, %slice3A_58, %reduce_sum3A_63 [0] : vector<128x8xf32> to vector<8xf32>
    %broadcast_in_dim3A_65 = vector.shape_cast %reduce_sum3A_64 : vector<8xf32> to vector<1x8xf32>
    %add3A_66 = arith.addf %add3A_57, %broadcast_in_dim3A_65 : vector<1x8xf32>
    %slice3A_67 = vector.extract_strided_slice %convert_element_type3A_43 {offsets = [256, 0], sizes = [128, 8], strides = [1, 1]} : vector<2048x8xf32> to vector<128x8xf32>
    %dot_general3A_68 = arith.constant dense<0.000000e+00> : vector<128x8xf32>
    %dot_general3A_69 = tpu.matmul %convert_element_type3A_47, %slice3A_67, %dot_general3A_68 {dimension_numbers = #tpu.dot_dimension_numbers<[1], [0], [0], [1], [0, 0, 1, 1], [], []>, transpose_lhs_hint = false} : vector<128x128xf32>, vector<128x8xf32>, vector<128x8xf32> -> vector<128x8xf32>
    %add3A_70 = vector.broadcast %add3A_66 : vector<1x8xf32> to vector<128x8xf32>
    %add3A_71 = arith.addf %dot_general3A_69, %add3A_70 : vector<128x8xf32>
    %reduce_sum3A_72 = arith.constant dense<0.000000e+00> : vector<8xf32>
    %reduce_sum3A_73 = vector.multi_reduction <add>, %slice3A_67, %reduce_sum3A_72 [0] : vector<128x8xf32> to vector<8xf32>
    %broadcast_in_dim3A_74 = vector.shape_cast %reduce_sum3A_73 : vector<8xf32> to vector<1x8xf32>
    %add3A_75 = arith.addf %add3A_66, %broadcast_in_dim3A_74 : vector<1x8xf32>
    %slice3A_76 = vector.extract_strided_slice %convert_element_type3A_43 {offsets = [384, 0], sizes = [128, 8], strides = [1, 1]} : vector<2048x8xf32> to vector<128x8xf32>
    %dot_general3A_77 = arith.constant dense<0.000000e+00> : vector<128x8xf32>
    %dot_general3A_78 = tpu.matmul %convert_element_type3A_47, %slice3A_76, %dot_general3A_77 {dimension_numbers = #tpu.dot_dimension_numbers<[1], [0], [0], [1], [0, 0, 1, 1], [], []>, transpose_lhs_hint = false} : vector<128x128xf32>, vector<128x8xf32>, vector<128x8xf32> -> vector<128x8xf32>
    %add3A_79 = vector.broadcast %add3A_75 : vector<1x8xf32> to vector<128x8xf32>
    %add3A_80 = arith.addf %dot_general3A_78, %add3A_79 : vector<128x8xf32>
    %reduce_sum3A_81 = arith.constant dense<0.000000e+00> : vector<8xf32>
    %reduce_sum3A_82 = vector.multi_reduction <add>, %slice3A_76, %reduce_sum3A_81 [0] : vector<128x8xf32> to vector<8xf32>
    %broadcast_in_dim3A_83 = vector.shape_cast %reduce_sum3A_82 : vector<8xf32> to vector<1x8xf32>
    %add3A_84 = arith.addf %add3A_75, %broadcast_in_dim3A_83 : vector<1x8xf32>
    %slice3A_85 = vector.extract_strided_slice %convert_element_type3A_43 {offsets = [512, 0], sizes = [128, 8], strides = [1, 1]} : vector<2048x8xf32> to vector<128x8xf32>
    %dot_general3A_86 = arith.constant dense<0.000000e+00> : vector<128x8xf32>
    %dot_general3A_87 = tpu.matmul %convert_element_type3A_47, %slice3A_85, %dot_general3A_86 {dimension_numbers = #tpu.dot_dimension_numbers<[1], [0], [0], [1], [0, 0, 1, 1], [], []>, transpose_lhs_hint = false} : vector<128x128xf32>, vector<128x8xf32>, vector<128x8xf32> -> vector<128x8xf32>
    %add3A_88 = vector.broadcast %add3A_84 : vector<1x8xf32> to vector<128x8xf32>
    %add3A_89 = arith.addf %dot_general3A_87, %add3A_88 : vector<128x8xf32>
    %reduce_sum3A_90 = arith.constant dense<0.000000e+00> : vector<8xf32>
    %reduce_sum3A_91 = vector.multi_reduction <add>, %slice3A_85, %reduce_sum3A_90 [0] : vector<128x8xf32> to vector<8xf32>
    %broadcast_in_dim3A_92 = vector.shape_cast %reduce_sum3A_91 : vector<8xf32> to vector<1x8xf32>
    %add3A_93 = arith.addf %add3A_84, %broadcast_in_dim3A_92 : vector<1x8xf32>
    %slice3A_94 = vector.extract_strided_slice %convert_element_type3A_43 {offsets = [640, 0], sizes = [128, 8], strides = [1, 1]} : vector<2048x8xf32> to vector<128x8xf32>
    %dot_general3A_95 = arith.constant dense<0.000000e+00> : vector<128x8xf32>
    %dot_general3A_96 = tpu.matmul %convert_element_type3A_47, %slice3A_94, %dot_general3A_95 {dimension_numbers = #tpu.dot_dimension_numbers<[1], [0], [0], [1], [0, 0, 1, 1], [], []>, transpose_lhs_hint = false} : vector<128x128xf32>, vector<128x8xf32>, vector<128x8xf32> -> vector<128x8xf32>
    %add3A_97 = vector.broadcast %add3A_93 : vector<1x8xf32> to vector<128x8xf32>
    %add3A_98 = arith.addf %dot_general3A_96, %add3A_97 : vector<128x8xf32>
    %reduce_sum3A_99 = arith.constant dense<0.000000e+00> : vector<8xf32>
    %reduce_sum3A_100 = vector.multi_reduction <add>, %slice3A_94, %reduce_sum3A_99 [0] : vector<128x8xf32> to vector<8xf32>
    %broadcast_in_dim3A_101 = vector.shape_cast %reduce_sum3A_100 : vector<8xf32> to vector<1x8xf32>
    %add3A_102 = arith.addf %add3A_93, %broadcast_in_dim3A_101 : vector<1x8xf32>
    %slice3A_103 = vector.extract_strided_slice %convert_element_type3A_43 {offsets = [768, 0], sizes = [128, 8], strides = [1, 1]} : vector<2048x8xf32> to vector<128x8xf32>
    %dot_general3A_104 = arith.constant dense<0.000000e+00> : vector<128x8xf32>
    %dot_general3A_105 = tpu.matmul %convert_element_type3A_47, %slice3A_103, %dot_general3A_104 {dimension_numbers = #tpu.dot_dimension_numbers<[1], [0], [0], [1], [0, 0, 1, 1], [], []>, transpose_lhs_hint = false} : vector<128x128xf32>, vector<128x8xf32>, vector<128x8xf32> -> vector<128x8xf32>
    %add3A_106 = vector.broadcast %add3A_102 : vector<1x8xf32> to vector<128x8xf32>
    %add3A_107 = arith.addf %dot_general3A_105, %add3A_106 : vector<128x8xf32>
    %reduce_sum3A_108 = arith.constant dense<0.000000e+00> : vector<8xf32>
    %reduce_sum3A_109 = vector.multi_reduction <add>, %slice3A_103, %reduce_sum3A_108 [0] : vector<128x8xf32> to vector<8xf32>
    %broadcast_in_dim3A_110 = vector.shape_cast %reduce_sum3A_109 : vector<8xf32> to vector<1x8xf32>
    %add3A_111 = arith.addf %add3A_102, %broadcast_in_dim3A_110 : vector<1x8xf32>
    %slice3A_112 = vector.extract_strided_slice %convert_element_type3A_43 {offsets = [896, 0], sizes = [128, 8], strides = [1, 1]} : vector<2048x8xf32> to vector<128x8xf32>
    %dot_general3A_113 = arith.constant dense<0.000000e+00> : vector<128x8xf32>
    %dot_general3A_114 = tpu.matmul %convert_element_type3A_47, %slice3A_112, %dot_general3A_113 {dimension_numbers = #tpu.dot_dimension_numbers<[1], [0], [0], [1], [0, 0, 1, 1], [], []>, transpose_lhs_hint = false} : vector<128x128xf32>, vector<128x8xf32>, vector<128x8xf32> -> vector<128x8xf32>
    %add3A_115 = vector.broadcast %add3A_111 : vector<1x8xf32> to vector<128x8xf32>
    %add3A_116 = arith.addf %dot_general3A_114, %add3A_115 : vector<128x8xf32>
    %reduce_sum3A_117 = arith.constant dense<0.000000e+00> : vector<8xf32>
    %reduce_sum3A_118 = vector.multi_reduction <add>, %slice3A_112, %reduce_sum3A_117 [0] : vector<128x8xf32> to vector<8xf32>
    %broadcast_in_dim3A_119 = vector.shape_cast %reduce_sum3A_118 : vector<8xf32> to vector<1x8xf32>
    %add3A_120 = arith.addf %add3A_111, %broadcast_in_dim3A_119 : vector<1x8xf32>
    %slice3A_121 = vector.extract_strided_slice %convert_element_type3A_43 {offsets = [1024, 0], sizes = [128, 8], strides = [1, 1]} : vector<2048x8xf32> to vector<128x8xf32>
    %dot_general3A_122 = arith.constant dense<0.000000e+00> : vector<128x8xf32>
    %dot_general3A_123 = tpu.matmul %convert_element_type3A_47, %slice3A_121, %dot_general3A_122 {dimension_numbers = #tpu.dot_dimension_numbers<[1], [0], [0], [1], [0, 0, 1, 1], [], []>, transpose_lhs_hint = false} : vector<128x128xf32>, vector<128x8xf32>, vector<128x8xf32> -> vector<128x8xf32>
    %add3A_124 = vector.broadcast %add3A_120 : vector<1x8xf32> to vector<128x8xf32>
    %add3A_125 = arith.addf %dot_general3A_123, %add3A_124 : vector<128x8xf32>
    %reduce_sum3A_126 = arith.constant dense<0.000000e+00> : vector<8xf32>
    %reduce_sum3A_127 = vector.multi_reduction <add>, %slice3A_121, %reduce_sum3A_126 [0] : vector<128x8xf32> to vector<8xf32>
    %broadcast_in_dim3A_128 = vector.shape_cast %reduce_sum3A_127 : vector<8xf32> to vector<1x8xf32>
    %add3A_129 = arith.addf %add3A_120, %broadcast_in_dim3A_128 : vector<1x8xf32>
    %slice3A_130 = vector.extract_strided_slice %convert_element_type3A_43 {offsets = [1152, 0], sizes = [128, 8], strides = [1, 1]} : vector<2048x8xf32> to vector<128x8xf32>
    %dot_general3A_131 = arith.constant dense<0.000000e+00> : vector<128x8xf32>
    %dot_general3A_132 = tpu.matmul %convert_element_type3A_47, %slice3A_130, %dot_general3A_131 {dimension_numbers = #tpu.dot_dimension_numbers<[1], [0], [0], [1], [0, 0, 1, 1], [], []>, transpose_lhs_hint = false} : vector<128x128xf32>, vector<128x8xf32>, vector<128x8xf32> -> vector<128x8xf32>
    %add3A_133 = vector.broadcast %add3A_129 : vector<1x8xf32> to vector<128x8xf32>
    %add3A_134 = arith.addf %dot_general3A_132, %add3A_133 : vector<128x8xf32>
    %reduce_sum3A_135 = arith.constant dense<0.000000e+00> : vector<8xf32>
    %reduce_sum3A_136 = vector.multi_reduction <add>, %slice3A_130, %reduce_sum3A_135 [0] : vector<128x8xf32> to vector<8xf32>
    %broadcast_in_dim3A_137 = vector.shape_cast %reduce_sum3A_136 : vector<8xf32> to vector<1x8xf32>
    %add3A_138 = arith.addf %add3A_129, %broadcast_in_dim3A_137 : vector<1x8xf32>
    %slice3A_139 = vector.extract_strided_slice %convert_element_type3A_43 {offsets = [1280, 0], sizes = [128, 8], strides = [1, 1]} : vector<2048x8xf32> to vector<128x8xf32>
    %dot_general3A_140 = arith.constant dense<0.000000e+00> : vector<128x8xf32>
    %dot_general3A_141 = tpu.matmul %convert_element_type3A_47, %slice3A_139, %dot_general3A_140 {dimension_numbers = #tpu.dot_dimension_numbers<[1], [0], [0], [1], [0, 0, 1, 1], [], []>, transpose_lhs_hint = false} : vector<128x128xf32>, vector<128x8xf32>, vector<128x8xf32> -> vector<128x8xf32>
    %add3A_142 = vector.broadcast %add3A_138 : vector<1x8xf32> to vector<128x8xf32>
    %add3A_143 = arith.addf %dot_general3A_141, %add3A_142 : vector<128x8xf32>
    %reduce_sum3A_144 = arith.constant dense<0.000000e+00> : vector<8xf32>
    %reduce_sum3A_145 = vector.multi_reduction <add>, %slice3A_139, %reduce_sum3A_144 [0] : vector<128x8xf32> to vector<8xf32>
    %broadcast_in_dim3A_146 = vector.shape_cast %reduce_sum3A_145 : vector<8xf32> to vector<1x8xf32>
    %add3A_147 = arith.addf %add3A_138, %broadcast_in_dim3A_146 : vector<1x8xf32>
    %slice3A_148 = vector.extract_strided_slice %convert_element_type3A_43 {offsets = [1408, 0], sizes = [128, 8], strides = [1, 1]} : vector<2048x8xf32> to vector<128x8xf32>
    %dot_general3A_149 = arith.constant dense<0.000000e+00> : vector<128x8xf32>
    %dot_general3A_150 = tpu.matmul %convert_element_type3A_47, %slice3A_148, %dot_general3A_149 {dimension_numbers = #tpu.dot_dimension_numbers<[1], [0], [0], [1], [0, 0, 1, 1], [], []>, transpose_lhs_hint = false} : vector<128x128xf32>, vector<128x8xf32>, vector<128x8xf32> -> vector<128x8xf32>
    %add3A_151 = vector.broadcast %add3A_147 : vector<1x8xf32> to vector<128x8xf32>
    %add3A_152 = arith.addf %dot_general3A_150, %add3A_151 : vector<128x8xf32>
    %reduce_sum3A_153 = arith.constant dense<0.000000e+00> : vector<8xf32>
    %reduce_sum3A_154 = vector.multi_reduction <add>, %slice3A_148, %reduce_sum3A_153 [0] : vector<128x8xf32> to vector<8xf32>
    %broadcast_in_dim3A_155 = vector.shape_cast %reduce_sum3A_154 : vector<8xf32> to vector<1x8xf32>
    %add3A_156 = arith.addf %add3A_147, %broadcast_in_dim3A_155 : vector<1x8xf32>
    %slice3A_157 = vector.extract_strided_slice %convert_element_type3A_43 {offsets = [1536, 0], sizes = [128, 8], strides = [1, 1]} : vector<2048x8xf32> to vector<128x8xf32>
    %dot_general3A_158 = arith.constant dense<0.000000e+00> : vector<128x8xf32>
    %dot_general3A_159 = tpu.matmul %convert_element_type3A_47, %slice3A_157, %dot_general3A_158 {dimension_numbers = #tpu.dot_dimension_numbers<[1], [0], [0], [1], [0, 0, 1, 1], [], []>, transpose_lhs_hint = false} : vector<128x128xf32>, vector<128x8xf32>, vector<128x8xf32> -> vector<128x8xf32>
    %add3A_160 = vector.broadcast %add3A_156 : vector<1x8xf32> to vector<128x8xf32>
    %add3A_161 = arith.addf %dot_general3A_159, %add3A_160 : vector<128x8xf32>
    %reduce_sum3A_162 = arith.constant dense<0.000000e+00> : vector<8xf32>
    %reduce_sum3A_163 = vector.multi_reduction <add>, %slice3A_157, %reduce_sum3A_162 [0] : vector<128x8xf32> to vector<8xf32>
    %broadcast_in_dim3A_164 = vector.shape_cast %reduce_sum3A_163 : vector<8xf32> to vector<1x8xf32>
    %add3A_165 = arith.addf %add3A_156, %broadcast_in_dim3A_164 : vector<1x8xf32>
    %slice3A_166 = vector.extract_strided_slice %convert_element_type3A_43 {offsets = [1664, 0], sizes = [128, 8], strides = [1, 1]} : vector<2048x8xf32> to vector<128x8xf32>
    %dot_general3A_167 = arith.constant dense<0.000000e+00> : vector<128x8xf32>
    %dot_general3A_168 = tpu.matmul %convert_element_type3A_47, %slice3A_166, %dot_general3A_167 {dimension_numbers = #tpu.dot_dimension_numbers<[1], [0], [0], [1], [0, 0, 1, 1], [], []>, transpose_lhs_hint = false} : vector<128x128xf32>, vector<128x8xf32>, vector<128x8xf32> -> vector<128x8xf32>
    %add3A_169 = vector.broadcast %add3A_165 : vector<1x8xf32> to vector<128x8xf32>
    %add3A_170 = arith.addf %dot_general3A_168, %add3A_169 : vector<128x8xf32>
    %reduce_sum3A_171 = arith.constant dense<0.000000e+00> : vector<8xf32>
    %reduce_sum3A_172 = vector.multi_reduction <add>, %slice3A_166, %reduce_sum3A_171 [0] : vector<128x8xf32> to vector<8xf32>
    %broadcast_in_dim3A_173 = vector.shape_cast %reduce_sum3A_172 : vector<8xf32> to vector<1x8xf32>
    %add3A_174 = arith.addf %add3A_165, %broadcast_in_dim3A_173 : vector<1x8xf32>
    %slice3A_175 = vector.extract_strided_slice %convert_element_type3A_43 {offsets = [1792, 0], sizes = [128, 8], strides = [1, 1]} : vector<2048x8xf32> to vector<128x8xf32>
    %dot_general3A_176 = arith.constant dense<0.000000e+00> : vector<128x8xf32>
    %dot_general3A_177 = tpu.matmul %convert_element_type3A_47, %slice3A_175, %dot_general3A_176 {dimension_numbers = #tpu.dot_dimension_numbers<[1], [0], [0], [1], [0, 0, 1, 1], [], []>, transpose_lhs_hint = false} : vector<128x128xf32>, vector<128x8xf32>, vector<128x8xf32> -> vector<128x8xf32>
    %add3A_178 = vector.broadcast %add3A_174 : vector<1x8xf32> to vector<128x8xf32>
    %add3A_179 = arith.addf %dot_general3A_177, %add3A_178 : vector<128x8xf32>
    %reduce_sum3A_180 = arith.constant dense<0.000000e+00> : vector<8xf32>
    %reduce_sum3A_181 = vector.multi_reduction <add>, %slice3A_175, %reduce_sum3A_180 [0] : vector<128x8xf32> to vector<8xf32>
    %broadcast_in_dim3A_182 = vector.shape_cast %reduce_sum3A_181 : vector<8xf32> to vector<1x8xf32>
    %add3A_183 = arith.addf %add3A_174, %broadcast_in_dim3A_182 : vector<1x8xf32>
    %slice3A_184 = vector.extract_strided_slice %convert_element_type3A_43 {offsets = [1920, 0], sizes = [128, 8], strides = [1, 1]} : vector<2048x8xf32> to vector<128x8xf32>
    %dot_general3A_185 = arith.constant dense<0.000000e+00> : vector<128x8xf32>
    %dot_general3A_186 = tpu.matmul %convert_element_type3A_47, %slice3A_184, %dot_general3A_185 {dimension_numbers = #tpu.dot_dimension_numbers<[1], [0], [0], [1], [0, 0, 1, 1], [], []>, transpose_lhs_hint = false} : vector<128x128xf32>, vector<128x8xf32>, vector<128x8xf32> -> vector<128x8xf32>
    %add3A_187 = vector.broadcast %add3A_183 : vector<1x8xf32> to vector<128x8xf32>
    %add3A_188 = arith.addf %dot_general3A_186, %add3A_187 : vector<128x8xf32>
    %reduce_sum3A_189 = arith.constant dense<0.000000e+00> : vector<8xf32>
    %reduce_sum3A_190 = vector.multi_reduction <add>, %slice3A_184, %reduce_sum3A_189 [0] : vector<128x8xf32> to vector<8xf32>
    %broadcast_in_dim3A_191 = vector.shape_cast %reduce_sum3A_190 : vector<8xf32> to vector<1x8xf32>
    %add3A_192 = arith.addf %add3A_183, %broadcast_in_dim3A_191 : vector<1x8xf32>
    %concatenate3A = tpu.concatenate %add3A_53, %add3A_62, %add3A_71, %add3A_80, %add3A_89, %add3A_98, %add3A_107, %add3A_116, %add3A_125, %add3A_134, %add3A_143, %add3A_152, %add3A_161, %add3A_170, %add3A_179, %add3A_188 in 0 : vector<128x8xf32>, vector<128x8xf32>, vector<128x8xf32>, vector<128x8xf32>, vector<128x8xf32>, vector<128x8xf32>, vector<128x8xf32>, vector<128x8xf32>, vector<128x8xf32>, vector<128x8xf32>, vector<128x8xf32>, vector<128x8xf32>, vector<128x8xf32>, vector<128x8xf32>, vector<128x8xf32>, vector<128x8xf32> -> vector<2048x8xf32>
    %eq3A_193 = vector.broadcast %broadcast_in_dim3A_19 : vector<2048x1xi32> to vector<2048x8xi32>
    %eq3A_194 = arith.cmpi eq, %iota3A, %eq3A_193 : vector<2048x8xi32>
    %jit3A_195 = arith.constant 0.000000e+00 : f32
    %broadcast_in_dim3A_196 = vector.broadcast %jit3A_195 : f32 to vector<2048x8xf32>
    %select_n3A_197 = arith.select %eq3A_194, %concatenate3A, %broadcast_in_dim3A_196 : vector<2048x8xi1>, vector<2048x8xf32>
    %reduce_sum3A_198 = arith.constant dense<0.000000e+00> : vector<2048xf32>
    %reduce_sum3A_199 = vector.multi_reduction <add>, %select_n3A_197, %reduce_sum3A_198 [1] : vector<2048x8xf32> to vector<2048xf32>
    %eq3A_200 = vector.broadcast %broadcast_in_dim3A_35 : vector<2048x1xi32> to vector<2048x8xi32>
    %eq3A_201 = arith.cmpi eq, %iota3A, %eq3A_200 : vector<2048x8xi32>
    %jit3A_202 = arith.constant 0.000000e+00 : f32
    %broadcast_in_dim3A_203 = vector.broadcast %jit3A_202 : f32 to vector<2048x8xf32>
    %select_n3A_204 = arith.select %eq3A_201, %concatenate3A, %broadcast_in_dim3A_203 : vector<2048x8xi1>, vector<2048x8xf32>
    %reduce_sum3A_205 = arith.constant dense<0.000000e+00> : vector<2048xf32>
    %reduce_sum3A_206 = vector.multi_reduction <add>, %select_n3A_204, %reduce_sum3A_205 [1] : vector<2048x8xf32> to vector<2048xf32>
    %convert_element_type3A_207 = arith.fptosi %add3A_192 : vector<1x8xf32> to vector<1x8xi32>
    %add3A_208 = arith.constant 127 : i32
    %add3A_209 = vector.broadcast %add3A_208 : i32 to vector<1x8xi32>
    %add3A_210 = arith.addi %convert_element_type3A_207, %add3A_209 : vector<1x8xi32>
    %jit3A_211 = arith.constant 128 : i32
    %div3A_212 = vector.broadcast %jit3A_211 : i32 to vector<1x8xi32>
    %div3A_213 = arith.divsi %add3A_210, %div3A_212 : vector<1x8xi32>
    %sign3A = arith.constant 0 : i32
    %sign3A_214 = vector.broadcast %sign3A : i32 to vector<1x8xi32>
    %sign3A_215 = arith.cmpi sgt, %add3A_210, %sign3A_214 : vector<1x8xi32>
    %sign3A_216 = arith.extui %sign3A_215 : vector<1x8xi1> to vector<1x8xi32>
    %sign3A_217 = arith.constant 0 : i32
    %sign3A_218 = vector.broadcast %sign3A_217 : i32 to vector<1x8xi32>
    %sign3A_219 = arith.cmpi slt, %add3A_210, %sign3A_218 : vector<1x8xi32>
    %sign3A_220 = arith.extui %sign3A_219 : vector<1x8xi1> to vector<1x8xi32>
    %sign3A_221 = arith.subi %sign3A_216, %sign3A_220 : vector<1x8xi32>
    %sign3A_222 = arith.constant 0 : i32
    %sign3A_223 = arith.cmpi sgt, %jit3A_211, %sign3A_222 : i32
    %sign3A_224 = arith.extui %sign3A_223 : i1 to i32
    %sign3A_225 = arith.constant 0 : i32
    %sign3A_226 = arith.cmpi slt, %jit3A_211, %sign3A_225 : i32
    %sign3A_227 = arith.extui %sign3A_226 : i1 to i32
    %sign3A_228 = arith.subi %sign3A_224, %sign3A_227 : i32
    %ne3A = vector.broadcast %sign3A_228 : i32 to vector<1x8xi32>
    %ne3A_229 = arith.cmpi ne, %sign3A_221, %ne3A : vector<1x8xi32>
    %rem3A = vector.broadcast %jit3A_211 : i32 to vector<1x8xi32>
    %rem3A_230 = arith.remsi %add3A_210, %rem3A : vector<1x8xi32>
    %ne3A_231 = arith.constant 0 : i32
    %ne3A_232 = vector.broadcast %ne3A_231 : i32 to vector<1x8xi32>
    %ne3A_233 = arith.cmpi ne, %rem3A_230, %ne3A_232 : vector<1x8xi32>
    %and3A = arith.andi %ne3A_229, %ne3A_233 : vector<1x8xi1>
    %sub3A_234 = arith.constant 1 : i32
    %sub3A_235 = vector.broadcast %sub3A_234 : i32 to vector<1x8xi32>
    %sub3A_236 = arith.subi %div3A_213, %sub3A_235 : vector<1x8xi32>
    %select_n3A_237 = arith.select %and3A, %sub3A_236, %div3A_213 : vector<1x8xi1>, vector<1x8xi32>
    %mul3A = arith.constant 128 : i32
    %mul3A_238 = vector.broadcast %mul3A : i32 to vector<1x8xi32>
    %mul3A_239 = arith.muli %select_n3A_237, %mul3A_238 : vector<1x8xi32>
    %convert_element_type3A_240 = arith.sitofp %mul3A_239 : vector<1x8xi32> to vector<1x8xf32>
    %iota3A_241 = tpu.iota {dimensions = array<i32: 0>} : vector<8x8xi32>
    %iota3A_242 = tpu.iota {dimensions = array<i32: 1>} : vector<8x8xi32>
    %lt3A = arith.cmpi slt, %iota3A_241, %iota3A_242 : vector<8x8xi32>
    %convert_element_type3A_243 = arith.extui %lt3A : vector<8x8xi1> to vector<8x8xi32>
    %convert_element_type3A_244 = arith.sitofp %convert_element_type3A_243 : vector<8x8xi32> to vector<8x8xf32>
    %dot_general3A_245 = arith.constant dense<0.000000e+00> : vector<1x8xf32>
    %dot_general3A_246 = tpu.matmul %convert_element_type3A_240, %convert_element_type3A_244, %dot_general3A_245 {dimension_numbers = #tpu.dot_dimension_numbers<[1], [0], [0], [1], [0, 0, 1, 1], [], []>, transpose_lhs_hint = false} : vector<1x8xf32>, vector<8x8xf32>, vector<1x8xf32> -> vector<1x8xf32>
    %broadcast_in_dim3A_247 = vector.shape_cast %dot_general3A_246 : vector<1x8xf32> to vector<1x8xf32>
    %broadcast_in_dim3A_248 = vector.broadcast %broadcast_in_dim3A_247 : vector<1x8xf32> to vector<2048x8xf32>
    %eq3A_249 = vector.broadcast %broadcast_in_dim3A_19 : vector<2048x1xi32> to vector<2048x8xi32>
    %eq3A_250 = arith.cmpi eq, %iota3A, %eq3A_249 : vector<2048x8xi32>
    %jit3A_251 = arith.constant 0.000000e+00 : f32
    %broadcast_in_dim3A_252 = vector.broadcast %jit3A_251 : f32 to vector<2048x8xf32>
    %select_n3A_253 = arith.select %eq3A_250, %broadcast_in_dim3A_248, %broadcast_in_dim3A_252 : vector<2048x8xi1>, vector<2048x8xf32>
    %reduce_sum3A_254 = arith.constant dense<0.000000e+00> : vector<2048xf32>
    %reduce_sum3A_255 = vector.multi_reduction <add>, %select_n3A_253, %reduce_sum3A_254 [1] : vector<2048x8xf32> to vector<2048xf32>
    %eq3A_256 = vector.broadcast %broadcast_in_dim3A_35 : vector<2048x1xi32> to vector<2048x8xi32>
    %eq3A_257 = arith.cmpi eq, %iota3A, %eq3A_256 : vector<2048x8xi32>
    %jit3A_258 = arith.constant 0.000000e+00 : f32
    %broadcast_in_dim3A_259 = vector.broadcast %jit3A_258 : f32 to vector<2048x8xf32>
    %select_n3A_260 = arith.select %eq3A_257, %broadcast_in_dim3A_248, %broadcast_in_dim3A_259 : vector<2048x8xi1>, vector<2048x8xf32>
    %reduce_sum3A_261 = arith.constant dense<0.000000e+00> : vector<2048xf32>
    %reduce_sum3A_262 = vector.multi_reduction <add>, %select_n3A_260, %reduce_sum3A_261 [1] : vector<2048x8xf32> to vector<2048xf32>
    %add3A_263 = arith.addf %reduce_sum3A_255, %reduce_sum3A_199 : vector<2048xf32>
    %convert_element_type3A_264 = arith.fptosi %add3A_263 : vector<2048xf32> to vector<2048xi32>
    %add3A_265 = arith.addf %reduce_sum3A_262, %reduce_sum3A_206 : vector<2048xf32>
    %convert_element_type3A_266 = arith.fptosi %add3A_265 : vector<2048xf32> to vector<2048xi32>
    %add3A_267 = arith.addf %dot_general3A_246, %convert_element_type3A_240 : vector<1x8xf32>
    %div3A_268 = arith.constant 1.280000e+02 : f32
    %div3A_269 = vector.broadcast %div3A_268 : f32 to vector<1x8xf32>
    %div3A_270 = arith.divf %add3A_267, %div3A_269 : vector<1x8xf32>
    %broadcast_in_dim3A_271 = arith.constant 1.000000e+00 : f32
    %broadcast_in_dim3A_272 = vector.broadcast %broadcast_in_dim3A_271 : f32 to vector<40x1xf32>
    %dot_general3A_273 = arith.constant dense<0.000000e+00> : vector<40x8xf32>
    %dot_general3A_274 = tpu.matmul %broadcast_in_dim3A_272, %div3A_270, %dot_general3A_273 {dimension_numbers = #tpu.dot_dimension_numbers<[1], [0], [0], [1], [0, 0, 1, 1], [], []>, transpose_lhs_hint = false} : vector<40x1xf32>, vector<1x8xf32>, vector<40x8xf32> -> vector<40x8xf32>
    %iota3A_275 = tpu.iota {dimensions = array<i32: 0>} : vector<40x8xi32>
    %convert_element_type3A_276 = arith.fptosi %dot_general3A_274 : vector<40x8xf32> to vector<40x8xi32>
    %ge3A = arith.cmpi sge, %iota3A_275, %convert_element_type3A_276 : vector<40x8xi32>
    %convert_element_type3A_277 = arith.extui %ge3A : vector<40x8xi1> to vector<40x8xi32>
    %reduce_sum3A_278 = arith.constant dense<0> : vector<40xi32>
    %reduce_sum3A_279 = vector.multi_reduction <add>, %convert_element_type3A_277, %reduce_sum3A_278 [1] : vector<40x8xi32> to vector<40xi32>
    %min3A = arith.constant 7 : i32
    %min3A_280 = vector.broadcast %min3A : i32 to vector<40xi32>
    %min3A_281 = arith.minsi %reduce_sum3A_279, %min3A_280 : vector<40xi32>
    %broadcast_in_dim3A_282 = arith.constant 0 : i32
    %broadcast_in_dim3A_283 = vector.broadcast %broadcast_in_dim3A_282 : i32 to vector<6x2048xi32>
    %broadcast_in_dim3A_284 = vector.shape_cast %convert_element_type3A_264 : vector<2048xi32> to vector<1x2048xi32>
    %broadcast_in_dim3A_285 = vector.shape_cast %convert_element_type3A_266 : vector<2048xi32> to vector<1x2048xi32>
    %concatenate3A_286 = tpu.concatenate %broadcast_in_dim3A_284, %broadcast_in_dim3A_285, %broadcast_in_dim3A_283 in 0 : vector<1x2048xi32>, vector<1x2048xi32>, vector<6x2048xi32> -> vector<8x2048xi32>
    %swap3A = arith.constant 0 : index
    %swap3A_287 = arith.constant 0 : index
    %swap3A_288 = vector.load %arg2[%swap3A, %swap3A_287] : memref<8x2048xi32, #tpu.memory_space<vmem>>, vector<8x2048xi32>
    tpu.vector_store %arg2[%swap3A, %swap3A_287], %concatenate3A_286 {strides = array<i32>} : memref<8x2048xi32, #tpu.memory_space<vmem>>, vector<8x2048xi32>,
    %broadcast_in_dim3A_289 = vector.shape_cast %squeeze3A : vector<2048xf32> to vector<1x2048xf32>
    %broadcast_in_dim3A_290 = vector.shape_cast %squeeze3A_38 : vector<2048xf32> to vector<1x2048xf32>
    %convert_element_type3A_291 = arith.sitofp %broadcast_in_dim3A_283 : vector<6x2048xi32> to vector<6x2048xf32>
    %concatenate3A_292 = tpu.concatenate %broadcast_in_dim3A_289, %broadcast_in_dim3A_290, %convert_element_type3A_291 in 0 : vector<1x2048xf32>, vector<1x2048xf32>, vector<6x2048xf32> -> vector<8x2048xf32>
    %swap3A_293 = arith.constant 0 : index
    %swap3A_294 = arith.constant 0 : index
    %swap3A_295 = vector.load %arg3[%swap3A_293, %swap3A_294] : memref<8x2048xf32, #tpu.memory_space<vmem>>, vector<8x2048xf32>
    tpu.vector_store %arg3[%swap3A_293, %swap3A_294], %concatenate3A_292 {strides = array<i32>} : memref<8x2048xf32, #tpu.memory_space<vmem>>, vector<8x2048xf32>,
    %broadcast_in_dim3A_296 = vector.shape_cast %min3A_281 : vector<40xi32> to vector<1x40xi32>
    %swap3A_297 = arith.constant 0 : index
    %swap3A_298 = arith.constant 0 : index
    %swap3A_299 = vector.load %arg4[%swap3A_297, %swap3A_298] : memref<1x40xi32, #tpu.memory_space<vmem>>, vector<1x40xi32>
    tpu.vector_store %arg4[%swap3A_297, %swap3A_298], %broadcast_in_dim3A_296 {strides = array<i32>} : memref<1x40xi32, #tpu.memory_space<vmem>>, vector<1x40xi32>,
    return
  }
}

module attributes {stable_mosaic.version = 14 : i64} {
  func.func @_shared_body(%arg0: i32, %arg1: memref<256x2048xf32, #tpu.memory_space<vmem>>, %arg2: memref<1024x2048xbf16, #tpu.memory_space<vmem>>, %arg3: memref<1024x2048xbf16, #tpu.memory_space<vmem>>, %arg4: memref<2048x1024xbf16, #tpu.memory_space<vmem>>, %arg5: memref<256x2048xf32, #tpu.memory_space<vmem>>) attributes {dimension_semantics = [#tpu.dimension_semantics<arbitrary>], iteration_bounds = array<i64: 8>, scalar_prefetch = 0 : i64, scratch_operands = 0 : i64, tpu.core_type = #tpu.core_type<tc>, window_params = [{transform_indices = @transform_0, window_bounds = array<i64: 256, 2048>}, {pipeline_mode = #tpu.pipeline_mode<synchronous>, transform_indices = @transform_1, window_bounds = array<i64: 1024, 2048>}, {pipeline_mode = #tpu.pipeline_mode<synchronous>, transform_indices = @transform_2, window_bounds = array<i64: 1024, 2048>}, {pipeline_mode = #tpu.pipeline_mode<synchronous>, transform_indices = @transform_3, window_bounds = array<i64: 2048, 1024>}, {transform_indices = @transform_4, window_bounds = array<i64: 256, 2048>}]} {
    %get3A = arith.constant 0 : index
    %get3A_0 = arith.constant 0 : index
    %get3A_1 = vector.load %arg1[%get3A, %get3A_0] : memref<256x2048xf32, #tpu.memory_space<vmem>>, vector<256x2048xf32>
    %convert_element_type3A = arith.truncf %get3A_1 : vector<256x2048xf32> to vector<256x2048xbf16>
    %get3A_2 = arith.constant 0 : index
    %get3A_3 = arith.constant 0 : index
    %get3A_4 = vector.load %arg2[%get3A_2, %get3A_3] : memref<1024x2048xbf16, #tpu.memory_space<vmem>>, vector<1024x2048xbf16>
    %transpose3A = tpu.transpose %get3A_4, [1, 0] : vector<1024x2048xbf16> -> vector<2048x1024xbf16>
    %dot_general3A = arith.constant dense<0.000000e+00> : vector<256x1024xf32>
    %dot_general3A_5 = tpu.matmul %convert_element_type3A, %transpose3A, %dot_general3A {dimension_numbers = #tpu.dot_dimension_numbers<[1], [0], [0], [1], [0, 0, 1, 1], [], []>, transpose_lhs_hint = false} : vector<256x2048xbf16>, vector<2048x1024xbf16>, vector<256x1024xf32> -> vector<256x1024xf32>
    %get3A_6 = arith.constant 0 : index
    %get3A_7 = arith.constant 0 : index
    %get3A_8 = vector.load %arg3[%get3A_6, %get3A_7] : memref<1024x2048xbf16, #tpu.memory_space<vmem>>, vector<1024x2048xbf16>
    %transpose3A_9 = tpu.transpose %get3A_8, [1, 0] : vector<1024x2048xbf16> -> vector<2048x1024xbf16>
    %dot_general3A_10 = arith.constant dense<0.000000e+00> : vector<256x1024xf32>
    %dot_general3A_11 = tpu.matmul %convert_element_type3A, %transpose3A_9, %dot_general3A_10 {dimension_numbers = #tpu.dot_dimension_numbers<[1], [0], [0], [1], [0, 0, 1, 1], [], []>, transpose_lhs_hint = false} : vector<256x2048xbf16>, vector<2048x1024xbf16>, vector<256x1024xf32> -> vector<256x1024xf32>
    %logistic3A = arith.negf %dot_general3A_5 : vector<256x1024xf32>
    %logistic3A_12 = math.exp %logistic3A : vector<256x1024xf32>
    %logistic3A_13 = arith.constant 1.000000e+00 : f32
    %logistic3A_14 = vector.broadcast %logistic3A_13 : f32 to vector<256x1024xf32>
    %logistic3A_15 = arith.addf %logistic3A_14, %logistic3A_12 : vector<256x1024xf32>
    %logistic3A_16 = arith.divf %logistic3A_14, %logistic3A_15 : vector<256x1024xf32>
    %mul3A = arith.mulf %dot_general3A_5, %logistic3A_16 : vector<256x1024xf32>
    %mul3A_17 = arith.mulf %mul3A, %dot_general3A_11 : vector<256x1024xf32>
    %convert_element_type3A_18 = arith.truncf %mul3A_17 : vector<256x1024xf32> to vector<256x1024xbf16>
    %get3A_19 = arith.constant 0 : index
    %get3A_20 = arith.constant 0 : index
    %get3A_21 = vector.load %arg4[%get3A_19, %get3A_20] : memref<2048x1024xbf16, #tpu.memory_space<vmem>>, vector<2048x1024xbf16>
    %transpose3A_22 = tpu.transpose %get3A_21, [1, 0] : vector<2048x1024xbf16> -> vector<1024x2048xbf16>
    %dot_general3A_23 = arith.constant dense<0.000000e+00> : vector<256x2048xf32>
    %dot_general3A_24 = tpu.matmul %convert_element_type3A_18, %transpose3A_22, %dot_general3A_23 {dimension_numbers = #tpu.dot_dimension_numbers<[1], [0], [0], [1], [0, 0, 1, 1], [], []>, transpose_lhs_hint = false} : vector<256x1024xbf16>, vector<1024x2048xbf16>, vector<256x2048xf32> -> vector<256x2048xf32>
    %swap3A = arith.constant 0 : index
    %swap3A_25 = arith.constant 0 : index
    %swap3A_26 = vector.load %arg5[%swap3A, %swap3A_25] : memref<256x2048xf32, #tpu.memory_space<vmem>>, vector<256x2048xf32>
    tpu.vector_store %arg5[%swap3A, %swap3A_25], %dot_general3A_24 {strides = array<i32>} : memref<256x2048xf32, #tpu.memory_space<vmem>>, vector<256x2048xf32>,
    return
  }
  func.func @transform_0(%arg0: i32) -> (i32, i32) {
    %c0_i32 = arith.constant 0 : i32
    %c0_i32_0 = arith.constant 0 : i32
    return %arg0, %c0_i32 : i32, i32
  }
  func.func @transform_1(%arg0: i32) -> (i32, i32) {
    %c0_i32 = arith.constant 0 : i32
    %c0_i32_0 = arith.constant 0 : i32
    %c0_i32_1 = arith.constant 0 : i32
    return %c0_i32, %c0_i32_0 : i32, i32
  }
  func.func @transform_2(%arg0: i32) -> (i32, i32) {
    %c0_i32 = arith.constant 0 : i32
    %c0_i32_0 = arith.constant 0 : i32
    %c0_i32_1 = arith.constant 0 : i32
    return %c0_i32, %c0_i32_0 : i32, i32
  }
  func.func @transform_3(%arg0: i32) -> (i32, i32) {
    %c0_i32 = arith.constant 0 : i32
    %c0_i32_0 = arith.constant 0 : i32
    %c0_i32_1 = arith.constant 0 : i32
    return %c0_i32, %c0_i32_0 : i32, i32
  }
  func.func @transform_4(%arg0: i32) -> (i32, i32) {
    %c0_i32 = arith.constant 0 : i32
    %c0_i32_0 = arith.constant 0 : i32
    return %arg0, %c0_i32 : i32, i32
  }
}

module attributes {stable_mosaic.version = 14 : i64} {
  func.func @_ffn_body(%arg0: i32, %arg1: memref<40xi32, #tpu.memory_space<smem>>, %arg2: memref<128x2048xf32, #tpu.memory_space<vmem>>, %arg3: memref<1x2048x2048xbf16, #tpu.memory_space<vmem>>, %arg4: memref<1x1024x2048xbf16, #tpu.memory_space<vmem>>, %arg5: memref<128x1xf32, #tpu.memory_space<vmem>>, %arg6: memref<128x2048xf32, #tpu.memory_space<vmem>>) attributes {dimension_semantics = [#tpu.dimension_semantics<arbitrary>], iteration_bounds = array<i64: 40>, scalar_prefetch = 1 : i64, scratch_operands = 0 : i64, tpu.core_type = #tpu.core_type<tc>, window_params = [{transform_indices = @transform_0, window_bounds = array<i64: 128, 2048>}, {transform_indices = @transform_1, window_bounds = array<i64: 1, 2048, 2048>}, {transform_indices = @transform_2, window_bounds = array<i64: 1, 1024, 2048>}, {transform_indices = @transform_3, window_bounds = array<i64: 128, 1>}, {transform_indices = @transform_4, window_bounds = array<i64: 128, 2048>}]} {
    %get3A = arith.constant 0 : index
    %get3A_0 = arith.constant 0 : index
    %get3A_1 = vector.load %arg2[%get3A, %get3A_0] : memref<128x2048xf32, #tpu.memory_space<vmem>>, vector<128x2048xf32>
    %convert_element_type3A = arith.truncf %get3A_1 : vector<128x2048xf32> to vector<128x2048xbf16>
    %get3A_2 = arith.constant 0 : index
    %get3A_3 = arith.constant 0 : index
    %get3A_4 = arith.constant 0 : index
    %get3A_5 = vector.load %arg3[%get3A_2, %get3A_3, %get3A_4] : memref<1x2048x2048xbf16, #tpu.memory_space<vmem>>, vector<1x2048x2048xbf16>
    %get3A_6 = vector.shape_cast %get3A_5 : vector<1x2048x2048xbf16> to vector<2048x2048xbf16>
    %dot_general3A = arith.constant dense<0.000000e+00> : vector<128x2048xf32>
    %dot_general3A_7 = tpu.matmul %convert_element_type3A, %get3A_6, %dot_general3A {dimension_numbers = #tpu.dot_dimension_numbers<[1], [0], [0], [1], [0, 0, 1, 1], [], []>, transpose_lhs_hint = false} : vector<128x2048xbf16>, vector<2048x2048xbf16>, vector<128x2048xf32> -> vector<128x2048xf32>
    %slice3A = vector.extract_strided_slice %dot_general3A_7 {offsets = [0, 0], sizes = [128, 1024], strides = [1, 1]} : vector<128x2048xf32> to vector<128x1024xf32>
    %slice3A_8 = vector.extract_strided_slice %dot_general3A_7 {offsets = [0, 1024], sizes = [128, 1024], strides = [1, 1]} : vector<128x2048xf32> to vector<128x1024xf32>
    %logistic3A = arith.negf %slice3A : vector<128x1024xf32>
    %logistic3A_9 = math.exp %logistic3A : vector<128x1024xf32>
    %logistic3A_10 = arith.constant 1.000000e+00 : f32
    %logistic3A_11 = vector.broadcast %logistic3A_10 : f32 to vector<128x1024xf32>
    %logistic3A_12 = arith.addf %logistic3A_11, %logistic3A_9 : vector<128x1024xf32>
    %logistic3A_13 = arith.divf %logistic3A_11, %logistic3A_12 : vector<128x1024xf32>
    %mul3A = arith.mulf %slice3A, %logistic3A_13 : vector<128x1024xf32>
    %mul3A_14 = arith.mulf %mul3A, %slice3A_8 : vector<128x1024xf32>
    %convert_element_type3A_15 = arith.truncf %mul3A_14 : vector<128x1024xf32> to vector<128x1024xbf16>
    %get3A_16 = arith.constant 0 : index
    %get3A_17 = arith.constant 0 : index
    %get3A_18 = arith.constant 0 : index
    %get3A_19 = vector.load %arg4[%get3A_16, %get3A_17, %get3A_18] : memref<1x1024x2048xbf16, #tpu.memory_space<vmem>>, vector<1x1024x2048xbf16>
    %get3A_20 = vector.shape_cast %get3A_19 : vector<1x1024x2048xbf16> to vector<1024x2048xbf16>
    %dot_general3A_21 = arith.constant dense<0.000000e+00> : vector<128x2048xf32>
    %dot_general3A_22 = tpu.matmul %convert_element_type3A_15, %get3A_20, %dot_general3A_21 {dimension_numbers = #tpu.dot_dimension_numbers<[1], [0], [0], [1], [0, 0, 1, 1], [], []>, transpose_lhs_hint = false} : vector<128x1024xbf16>, vector<1024x2048xbf16>, vector<128x2048xf32> -> vector<128x2048xf32>
    %get3A_23 = arith.constant 0 : index
    %get3A_24 = arith.constant 0 : index
    %get3A_25 = vector.load %arg5[%get3A_23, %get3A_24] : memref<128x1xf32, #tpu.memory_space<vmem>>, vector<128x1xf32>
    %mul3A_26 = vector.broadcast %get3A_25 : vector<128x1xf32> to vector<128x2048xf32>
    %mul3A_27 = arith.mulf %dot_general3A_22, %mul3A_26 : vector<128x2048xf32>
    %swap3A = arith.constant 0 : index
    %swap3A_28 = arith.constant 0 : index
    %swap3A_29 = vector.load %arg6[%swap3A, %swap3A_28] : memref<128x2048xf32, #tpu.memory_space<vmem>>, vector<128x2048xf32>
    tpu.vector_store %arg6[%swap3A, %swap3A_28], %mul3A_27 {strides = array<i32>} : memref<128x2048xf32, #tpu.memory_space<vmem>>, vector<128x2048xf32>,
    return
  }
  func.func @transform_0(%arg0: i32, %arg1: memref<40xi32, #tpu.memory_space<smem>>) -> (i32, i32) {
    %c0_i32 = arith.constant 0 : i32
    %c0_i32_0 = arith.constant 0 : i32
    return %arg0, %c0_i32 : i32, i32
  }
  func.func @transform_1(%arg0: i32, %arg1: memref<40xi32, #tpu.memory_space<smem>>) -> (i32, i32, i32) {
    %get3A = arith.index_cast %arg0 : i32 to index
    %get3A_0 = memref.load %arg1[%get3A] : memref<40xi32, #tpu.memory_space<smem>>
    %c0_i32 = arith.constant 0 : i32
    %c0_i32_1 = arith.constant 0 : i32
    %c0_i32_2 = arith.constant 0 : i32
    return %get3A_0, %c0_i32, %c0_i32_1 : i32, i32, i32
  }
  func.func @transform_2(%arg0: i32, %arg1: memref<40xi32, #tpu.memory_space<smem>>) -> (i32, i32, i32) {
    %get3A = arith.index_cast %arg0 : i32 to index
    %get3A_0 = memref.load %arg1[%get3A] : memref<40xi32, #tpu.memory_space<smem>>
    %c0_i32 = arith.constant 0 : i32
    %c0_i32_1 = arith.constant 0 : i32
    %c0_i32_2 = arith.constant 0 : i32
    return %get3A_0, %c0_i32, %c0_i32_1 : i32, i32, i32
  }
  func.func @transform_3(%arg0: i32, %arg1: memref<40xi32, #tpu.memory_space<smem>>) -> (i32, i32) {
    %c0_i32 = arith.constant 0 : i32
    %c0_i32_0 = arith.constant 0 : i32
    return %arg0, %c0_i32 : i32, i32
  }
  func.func @transform_4(%arg0: i32, %arg1: memref<40xi32, #tpu.memory_space<smem>>) -> (i32, i32) {
    %c0_i32 = arith.constant 0 : i32
    %c0_i32_0 = arith.constant 0 : i32
    return %arg0, %c0_i32 : i32, i32
  }
}

</mosaic_0001>

<sc_bundles>
// kernel: kernel.11.cloned.1.call-start
scs
__scs_entry_jumppad:
0x0: {  	(pc) =	sbr.rel $0x88, $3  }
0x1: {  	(tag) =	ssettag $0x0;
	lr =	simm.s32 $0x1  }
0x2: {  	[smem:$0x3F9A] =	sst lr;
	_ =	strace $0xD0000000  }
0x3: {  	_ = 	snop  }
0x4: {  	_ = 	snop  }
0x5: {  	_ = 	snop  }
0x6: {  	_ = 	snop  }
0x7: {  	_ = 	snop  }
__scs_overlays_trampoline_lowered:
0x8: {  	[smem:$0x3FA9] =	sst s0  }
0x9: {  	[smem:$0x3FAA] =	sst s1  }
0xa: {  	[smem:$0x3FAB] =	sst s2  }
0xb: {  	[smem:$0x3FAC] =	sst s3  }
0xc: {  	[smem:$0x3FAD] =	sst s4  }
0xd: {  	[smem:$0x3FAE] =	sst s5  }
0xe: {  	[smem:$0x3FAF] =	sst s6  }
0xf: {  	[smem:$0x3FB0] =	sst s7  }
0x10: {  	[smem:$0x3FB1] =	sst s8  }
0x11: {  	[smem:$0x3FB2] =	sst s9;
	s0 =	simm.s32 @!p0 $0x0  }
0x12: {  	s1 =	sld [smem:$0x3F98];
	s0 =	simm.s32 @p0 $0x1  }
0x13: {  	[smem:$0x3FB3] =	sst s0;
	s0 =	simm.s32 @!p1 $0x0  }
0x14: {  	s2 =	sld [smem:$0x3F97];
	s0 =	simm.s32 @p1 $0x1  }
0x15: {  	[smem:$0x3FB4] =	sst s0;
	s0 =	simm.s32 @!p2 $0x0  }
0x16: {  	s3 =	sld [smem:$0x3FDB];
	s0 =	simm.s32 @p2 $0x1  }
0x17: {  	s4 =	simm.s32 $0x1BF5;
	[smem:$0x3FB6] =	sst s0  }
0x18: {  	s0 =	sld [smem:$0x3F99];
	_ =	swait.ge [sflag:s4], $0x0  }
0x19: {  	s7 =	sld [smem:$0x3F9A]  }
0x1a: {  	s8 =	sadd.s32 $0xFFFFE003, lr  }
0x1b: {  	s9 =	sadd.s32 $0xFFFFFEF7, lr;
	s5 =	simm.s32 $0xFFFFFFFF;
	p2 =	slt.u32 s8, $0xFFFFF086  }
0x1c: {  	p1 =	slt.u32 s9, $0xF7A;
	s5 =	simm.s32 @!p2 $0x0  }
0x1d: {  	s5 =	simm.s32 @p1 $0x1;
	p0 =	seq.s32 s7, s2  }
0x1e: {  	s7 =	smul.u32 @!p0 $0xF7A, s2;
	p2 =	seq.s32 @!p0 s5, $0x0  }
0x1f: {  	s9 =	smul.u32 $0xF7A, s1;
	s8 =	simm.s32 @!p0 $0x1BF5;
	p2 =	por !p2, p0  }
0x20: {  	[sflag:s8] =	ssyncset.s32 @!p0 $0xFFFFF086;
	s6 =	sadd.s32 @!p0 s3, s7;
	s7 =	simm.s32 @!p0 $0x108  }
0x21: {  	s3 =	sadd.s32 s3, s9;
	s6 =	sadd.s32 @!p0 $0x88, s6;
	s7 =	simm.s32 @p2 $0x1082  }
0x22: {  	[simem:s7], [sflag:s8] =	dma.local @!p0 [hbm:s6], $0xF7A  }
0x23: {  	s9 =	sor.u32 $0xD0000000, s2;
	s6 =	simm.s32 $0x108;
	_ =	swait.ge @!p0 [sflag:s8], $0x0  }
0x24: {  	s3 =	sadd.s32 $0x88, s3;
	s6 =	simm.s32 @!p1 $0x1082;
	[sflag:s4] =	ssyncset.s32 $0xFFFFF086  }
0x25: {  	[simem:s6], [sflag:s4] =	dma.local [hbm:s3], $0xF7A  }
0x26: {  	[smem:$0x3F9A] =	sst s1;
	(tag) =	ssettag s2;
	_ =	strace s9  }
0x27: {  	s1 =	sld [smem:$0x3FAA]  }
0x28: {  	s2 =	sld [smem:$0x3FAB]  }
0x29: {  	s4 =	sld [smem:$0x3FAD]  }
0x2a: {  	p0 =	seq.s32 s5, $0x0;
	s5 =	sld [smem:$0x3FAE]  }
0x2b: {  	s6 =	sld [smem:$0x3FAF]  }
0x2c: {  	s7 =	sld [smem:$0x3FB0]  }
0x2d: {  	s3 =	simm.s32 $0x108;
	s8 =	sld [smem:$0x3FB1]  }
0x2e: {  	s3 =	simm.s32 @!p0 $0x1082;
	s9 =	sld [smem:$0x3FB2]  }
0x2f: {  	lr =	sadd.s32 s0, s3;
	s0 =	sld [smem:$0x3FA9]  }
0x30: {  	s3 =	sld [smem:$0x3FAC]  }
0x31: {  	[smem:$0x3FB5] =	sst s10  }
0x32: {  	s10 =	sld [smem:$0x3FB3];
	_ =	sdelay $0x3  }
0x33: {  	p0 =	seq.s32 s10, $0x1;
	s10 =	sld [smem:$0x3FB5];
	_ =	sdelay $0x3  }
0x34: {  	[smem:$0x3FB5] =	sst s10  }
0x35: {  	s10 =	sld [smem:$0x3FB4];
	_ =	sdelay $0x3  }
0x36: {  	p1 =	seq.s32 s10, $0x1;
	s10 =	sld [smem:$0x3FB5];
	_ =	sdelay $0x3  }
0x37: {  	[smem:$0x3FB5] =	sst s10  }
0x38: {  	s10 =	sld [smem:$0x3FB6]  }
0x39: {  	_ = 	snop;
	(pc) =	sbr.ind lr, $3  }
0x3a: {  	_ = 	snop  }
0x3b: {  	_ = 	snop  }
0x3c: {  	p2 =	seq.s32 s10, $0x1;
	s10 =	sld [smem:$0x3FB5]  }
0x3d: {  	_ =	shalt  }
0x3e: {  	_ =	shalt  }
0x3f: {  	_ =	shalt  }
0x40: {  	_ =	shalt  }
0x41: {  	_ =	shalt  }
0x42: {  	_ =	shalt  }
0x43: {  	_ =	shalt  }
0x44: {  	_ =	shalt  }
0x45: {  	_ =	shalt  }
0x46: {  	_ =	shalt  }
0x47: {  	_ =	shalt  }
0x48: {  	_ =	shalt  }
0x49: {  	_ =	shalt  }
0x4a: {  	_ =	shalt  }
0x4b: {  	_ =	shalt  }
0x4c: {  	_ =	shalt  }
0x4d: {  	_ =	shalt  }
0x4e: {  	_ =	shalt  }
0x4f: {  	_ =	shalt  }
0x50: {  	_ =	shalt  }
0x51: {  	_ =	shalt  }
0x52: {  	_ =	shalt  }
0x53: {  	_ =	shalt  }
0x54: {  	_ =	shalt  }
0x55: {  	_ =	shalt  }
0x56: {  	_ =	shalt  }
0x57: {  	_ =	shalt  }
0x58: {  	_ =	shalt  }
0x59: {  	_ =	shalt  }
0x5a: {  	_ =	shalt  }
0x5b: {  	_ =	shalt  }
0x5c: {  	_ =	shalt  }
0x5d: {  	_ =	shalt  }
0x5e: {  	_ =	shalt  }
0x5f: {  	_ =	shalt  }
0x60: {  	_ =	shalt  }
0x61: {  	_ =	shalt  }
0x62: {  	_ =	shalt  }
0x63: {  	_ =	shalt  }
0x64: {  	_ =	shalt  }
0x65: {  	_ =	shalt  }
0x66: {  	_ =	shalt  }
0x67: {  	_ =	shalt  }
0x68: {  	_ =	shalt  }
0x69: {  	_ =	shalt  }
0x6a: {  	_ =	shalt  }
0x6b: {  	_ =	shalt  }
0x6c: {  	_ =	shalt  }
0x6d: {  	_ =	shalt  }
0x6e: {  	_ =	shalt  }
0x6f: {  	_ =	shalt  }
0x70: {  	_ =	shalt  }
0x71: {  	_ =	shalt  }
0x72: {  	_ =	shalt  }
0x73: {  	_ =	shalt  }
0x74: {  	_ =	shalt  }
0x75: {  	_ =	shalt  }
0x76: {  	_ =	shalt  }
0x77: {  	_ =	shalt  }
0x78: {  	_ =	shalt  }
0x79: {  	_ =	shalt  }
0x7a: {  	_ =	shalt  }
0x7b: {  	_ =	shalt  }
0x7c: {  	_ =	shalt  }
0x7d: {  	_ =	shalt  }
0x7e: {  	_ =	shalt  }
0x7f: {  	_ =	shalt  }
0x80: {  	_ =	shalt  }
0x81: {  	_ =	shalt  }
0x82: {  	_ =	shalt  }
0x83: {  	_ =	shalt  }
0x84: {  	_ =	shalt  }
0x85: {  	_ =	shalt  }
0x86: {  	_ =	shalt  }
0x87: {  	_ =	shalt  }
.Lfunc_end0:
.L_simem_size_0:
called_computation.1_lowered:
.L_overlay_start_0:
0x88: {  	s2 =	sld [smem:$0x3FD9]  }
0x89: {  	s3 =	sld [smem:$0x3FFE];
	_ =	sdelay $0x1  }
0x8a: {  	s1 =	srdreg.scid  }
0x8b: {  	s0 =	sand.u32 $0x1, s1  }
0x8c: {  	s17 =	sshll.u32 s0, $0xA;
	s2 =	sadd.s32 s3, s2  }
0x8d: {  	s2 =	sadd.s32 s2, s17  }
0x8e: {  	[smem:$0x3FC1] =	sst s2  }
0x8f: {  	_ = 	snop  }
0x90: {  	s2 =	sld [smem:$0x3FC9];
	(tm) =	ssettm $0x1  }
0x91: {  	s18 =	sld [smem:$0x3FFB];
	_ =	sdelay $0x3  }
0x92: {  	_ =	strace s18  }
0x93: {  	s3 =	sld [smem:$0x3FFC];
	_ =	sdelay $0x3  }
0x94: {  	_ =	strace s3  }
0x95: {  	s3 =	sld [smem:$0x3FFD];
	_ =	sdelay $0x3  }
0x96: {  	_ =	strace s3  }
0x97: {  	_ =	strace $0x8FFFFFFF  }
0x98: {  	s19 =	sld [smem:$0x3FDB];
	_ =	sdelay $0x1  }
0x99: {  	s4 =	simm.s32 $_scs_section_size  }
0x9a: {  	s5 =	simm.s32 $_size__tile_overlayer_lowered;
	s6 =	simm.s32 $_tile_overlayer_lowered  }
0x9b: {  	s22 =	simm.s32 $0x1BFF;
	s21 =	sshll.u32 s6, $0x1;
	s3 =	sadd.s32 s4, s19  }
0x9c: {  	s7 =	simm.s32 $0x0;
	s20 =	sshll.u32 s5, $0x1;
	s5 =	sadd.s32 s21, s3  }
0x9d: {  	[timem:s7], [sflag:s22] =	dma.local [hbm:s5], s20  }
0x9e: {  	_ =	swait.ge [sflag:s22], s20  }
0x9f: {  	s4 =	ssub.s32 $0x0, s20;
	[sflag:s22] =	ssyncset.done $0x0  }
0xa0: {  	[sflag:s22] =	ssyncadd.s32 s4;
	_ =	sdelay $0x1  }
0xa1: {  	s23 =	simm.s32 $0x1B8B  }
0xa2: {  	_ =	swait.ge [sflag:s23], $0x1  }
0xa3: {  	[sflag:s23] =	ssyncset.done $0x0  }
0xa4: {  	s25 =	simm.s32 $0x1B8E;
	s24 =	sld [smem:$0x3FFE];
	[sflag:s23] =	ssyncadd.s32 $0xFFFFFFFF  }
0xa5: {  	s26 =	simm.s32 $execute0_lowered;
	[smem:$0x3FD2] =	sst s25  }
0xa6: {  	s5 =	sshll.u32 s26, $0x1;
	_ =	strace $0x80000049;
	[dreg:$0x1] =	wrdreg $0xFFFFFFFF  }
0xa7: {  	s28 =	simm.s32 $_size_execute0_lowered;
	s3 =	sadd.s32 s3, s5;
	[dreg:$0x0] =	wrdreg $0x0  }
0xa8: {  	s5 =	sshll.u32 s28, $0x1;
	[dreg:$0x2] =	wrdreg s3  }
0xa9: {  	[dreg:$0x3] =	wrdreg s5  }
0xaa: {  	[dreg:$0x4] =	wrdreg $0xC0  }
0xab: {  	_ =	task [dreg:s7], $0x5FFFF  }
0xac: {  	[dreg:$0x1] =	wrdreg $0xFFFFFFFF  }
0xad: {  	[dreg:$0x0] =	wrdreg $0x60  }
0xae: {  	[dreg:$0x2] =	wrdreg s2  }
0xaf: {  	[dreg:$0x3] =	wrdreg s24  }
0xb0: {  	[dreg:$0x4] =	wrdreg $0x9  }
0xb1: {  	_ =	task.clear_ibuf [dreg:s7], $0x5FFFF;
	_ =	strace $0x90000049  }
0xb2: {  	s29 =	simm.s32 $0x9;
	_ =	strace $0x8000004B  }
0xb3: {  	_ =	swait.ge [sflag:s29], $0x1  }
0xb4: {  	[sflag:s29] =	ssyncadd.s32 $0xFFFFFFFF  }
0xb5: {  	_ =	strace $0x9000004B  }
0xb6: {  	_ =	sfence  }
0xb7: {  	s30 =	sld [smem:$0x0];
	_ =	sdelay $0x2  }
0xb8: {  	s31 =	sshll.u32 s1, $0xD;
	s1 =	sshrl.u32 s1, $0x2  }
0xb9: {  	s3 =	sand.u32 $0x4000, s31;
	s1 =	sadd.s32 s1, s30  }
0xba: {  	s0 =	sor.u32 s3, s0;
	s1 =	sshll.u32 s1, $0x11  }
0xbb: {  	s0 =	sor.u32 s1, s0  }
0xbc: {  	s0 =	sadd.s32 $0x8F2B, s0  }
0xbd: {  	[sflag:s0] =	ssyncadd.remote.s32 $0x1  }
0xbe: {  	_ =	sfence.sel $0xFFFF  }
0xbf: {  	[dreg:$0x0] =	wrdreg $0xFFFFFFFF;
	(pc) =	sbr.abs _section_cstart, $3  }
0xc0: {  	[dreg:$0x1] =	wrdreg $0xFFFFFFFF  }
0xc1: {  	_ =	task.clear_ibuf [dreg:s7], $0x2FFFF;
	_ =	strace $0x9FFFFFFF  }
0xc2: {  	(tm) =	ssettm $0x7FFFFFFF  }
0xc3: {  	_ =	shalt  }
tec
execute0_lowered:
.L_overlay_start_1:
0x0: {  	(tag) =	ssettag $0x1  }
0x1: {  	s0 =	srdreg.scid;
	s2 =	rddreg [dreg:$0x0]  }
0x2: {  	s1 =	stileid.u32;
	s4 =	rddreg [dreg:$0x1]  }
0x3: {  	s3 =	simm.s32 $0x0;
	s0 =	sand.u32 $0x1, s0;
	s1 =	sshll.u32 s1, $0x1  }
0x4: {  	s13 =	simm.s32 $0x3;
	s31 =	simm.s32 $0x8100;
	s1 =	sor.u32 s0, s1  }
0x5: {  	s28 =	simm.s32 $0x1;
	s29 =	simm.s32 $0x2;
	s5 =	smul.u32 $0x14, s1  }
0x6: {  	[smem:$0x7FF] =	sst s3;
	s7 =	sadd.s32 $0x300, s2;
	s6 =	smul.u32 $0xA000, s1  }
0x7: {  	s8 =	sadd.s32 $0x400, s2;
	s1 =	smul.u32 $0x50000, s1;
	s5 =	sadd.s32 s5, s4  }
0x8: {  	_ =	strace $0x8000004A;
	s4 =	sadd.s32 $0x4A00, s4;
	s5 =	sadd.s32 $0x4600, s5  }
0x9: {  	s1 =	sshrl.u32 s1, $0x3;
	s6 =	sadd.s32 s4, s6;
	[dreg:$0x3] =	wrdreg s5  }
0xa: {  	s1 =	sadd.s32 s4, s1;
	[dreg:$0xd] =	wrdreg s6;
	s20 =	sadd.s32 $0x1000, s6  }
0xb: {  	s9 =	sadd.s32 $0x500, s2;
	s4 =	sadd.s32 $0x2000, s1;
	[dreg:$0x4] =	wrdreg s20  }
0xc: {  	s10 =	sadd.s32 $0x600, s2;
	s22 =	sadd.s32 $0x3000, s1;
	[dreg:$0x5] =	wrdreg s4  }
0xd: {  	s11 =	sadd.s32 $0x700, s2;
	s23 =	sadd.s32 $0x4000, s1;
	[dreg:$0x6] =	wrdreg s22  }
0xe: {  	s0 =	ssub.s32 $0x2, s0;
	s24 =	sadd.s32 $0x5000, s1;
	[dreg:$0x7] =	wrdreg s23  }
0xf: {  	s21 =	sshrl.u32 s0, $0x1;
	s25 =	sadd.s32 $0x6000, s1;
	[dreg:$0x8] =	wrdreg s24  }
0x10: {  	s0 =	ssub.s32 s0, s21;
	s26 =	sadd.s32 $0x7000, s1;
	[dreg:$0x9] =	wrdreg s25  }
0x11: {  	v2 =	vlaneseq.u32;
	s12 =	smax.u32 s0, $0x1;
	s30 =	sadd.s32 $0x8000, s1;
	[dreg:$0xa] =	wrdreg s26  }
0x12: {  	vm0 =	vmmov $0xffff;
	v1 =	vshrl.u32 v2, $0x3;
	s5 =	sadd.s32 $0x100, s2;
	s1 =	sadd.s32 $0x9000, s1;
	[dreg:$0xb] =	wrdreg s30  }
0x13: {  	v0 =	vand.u32 $0x7, v2;
	v2 =	vor.u32 $0x8, v2;
	v1 =	vmul.u32 $0x8, v1;
	s6 =	sadd.s32 $0x200, s2;
	[dreg:$0xc] =	wrdreg s1;
	s26 =	simm.s32 $0x100  }
.LBB2_1:
0x14: {  	s30 =	rddreg [dreg:$0x3]  }
0x15: {  	[tilespmem:s3], [sflag:$0x3] =	stream.linear.gather [hbm4b:s30+s3], $0xA0, $0x38;
	[tilespmem:$0x10100] =	vst v63  }
0x16: {  	_ =	swait.ge [sflag:s13], $0xA0  }
0x17: {  	[sflag:s13] =	ssyncset.done $0x0  }
0x18: {  	[sflag:s13] =	ssyncadd.s32 $0xFFFFFF60  }
0x19: {  	v3 =	vld [tilespmem:$0x0];
	_ =	sdelay $0x4  }
0x1a: {  	v4 =	vshll.u32 v3, $0x4  }
0x1b: {  	v3 =	vand.u32 $0x7, v3;
	v4 =	vand.u32 $0xFFFFFF80, v4  }
0x1c: {  	v3 =	vor.u32 v3, v4  }
0x1d: {  	v4 =	vperm.xlane v3, v0;
	_ =	sdelay $0x1  }
0x1e: {  	v4 =	vadd.s32 v1, v4;
	_ =	sdelay $0x4  }
0x1f: {  	[tilespmem:s26], [sflag:$0x1] =	stream.indirect_vreg.gather [hbm4b:s2+s3], $0x80, v4, vm0, $0xb8;
	[tilespmem:$0x10100] =	vst v63  }
0x20: {  	s0 =	simm.s32 $0x900  }
0x21: {  	[tilespmem:s0], [sflag:$0x1] =	stream.indirect_vreg.gather [hbm4b:s5+s3], $0x80, v4, vm0, $0xb8;
	[tilespmem:$0x10100] =	vst v63  }
0x22: {  	s18 =	simm.s32 $0x1100  }
0x23: {  	[tilespmem:s18], [sflag:$0x1] =	stream.indirect_vreg.gather [hbm4b:s6+s3], $0x80, v4, vm0, $0xb8;
	[tilespmem:$0x10100] =	vst v63  }
0x24: {  	s19 =	simm.s32 $0x1900  }
0x25: {  	[tilespmem:s19], [sflag:$0x1] =	stream.indirect_vreg.gather [hbm4b:s7+s3], $0x80, v4, vm0, $0xb8;
	[tilespmem:$0x10100] =	vst v63  }
0x26: {  	s20 =	simm.s32 $0x2100  }
0x27: {  	[tilespmem:s20], [sflag:$0x1] =	stream.indirect_vreg.gather [hbm4b:s8+s3], $0x80, v4, vm0, $0xb8;
	[tilespmem:$0x10100] =	vst v63  }
0x28: {  	s21 =	simm.s32 $0x2900;
	v3 =	vperm.xlane v3, v2  }
0x29: {  	[tilespmem:s21], [sflag:$0x1] =	stream.indirect_vreg.gather [hbm4b:s9+s3], $0x80, v4, vm0, $0xb8;
	[tilespmem:$0x10100] =	vst v63  }
0x2a: {  	s22 =	simm.s32 $0x3100;
	v3 =	vadd.s32 v1, v3  }
0x2b: {  	[tilespmem:s22], [sflag:$0x1] =	stream.indirect_vreg.gather [hbm4b:s10+s3], $0x80, v4, vm0, $0xb8;
	[tilespmem:$0x10100] =	vst v63  }
0x2c: {  	s23 =	simm.s32 $0x3900  }
0x2d: {  	[tilespmem:s23], [sflag:$0x1] =	stream.indirect_vreg.gather [hbm4b:s11+s3], $0x80, v4, vm0, $0xb8;
	[tilespmem:$0x10100] =	vst v63  }
0x2e: {  	s24 =	simm.s32 $0x4100  }
0x2f: {  	[tilespmem:s24], [sflag:$0x1] =	stream.indirect_vreg.gather [hbm4b:s2+s3], $0x80, v3, vm0, $0xb8;
	[tilespmem:$0x10100] =	vst v63  }
0x30: {  	s25 =	simm.s32 $0x4900  }
0x31: {  	[tilespmem:s25], [sflag:$0x1] =	stream.indirect_vreg.gather [hbm4b:s5+s3], $0x80, v3, vm0, $0xb8;
	[tilespmem:$0x10100] =	vst v63  }
0x32: {  	s30 =	simm.s32 $0x5100  }
0x33: {  	[tilespmem:s30], [sflag:$0x1] =	stream.indirect_vreg.gather [hbm4b:s6+s3], $0x80, v3, vm0, $0xb8;
	[tilespmem:$0x10100] =	vst v63  }
0x34: {  	s1 =	simm.s32 $0x5900  }
0x35: {  	[tilespmem:s1], [sflag:$0x1] =	stream.indirect_vreg.gather [hbm4b:s7+s3], $0x80, v3, vm0, $0xb8;
	[tilespmem:$0x10100] =	vst v63  }
0x36: {  	s4 =	simm.s32 $0x6100  }
0x37: {  	[tilespmem:s4], [sflag:$0x1] =	stream.indirect_vreg.gather [hbm4b:s8+s3], $0x80, v3, vm0, $0xb8;
	[tilespmem:$0x10100] =	vst v63  }
0x38: {  	s16 =	simm.s32 $0x6900  }
0x39: {  	[tilespmem:s16], [sflag:$0x1] =	stream.indirect_vreg.gather [hbm4b:s9+s3], $0x80, v3, vm0, $0xb8;
	[tilespmem:$0x10100] =	vst v63  }
0x3a: {  	s17 =	simm.s32 $0x7100  }
0x3b: {  	[tilespmem:s17], [sflag:$0x1] =	stream.indirect_vreg.gather [hbm4b:s10+s3], $0x80, v3, vm0, $0xb8;
	[tilespmem:$0x10100] =	vst v63  }
0x3c: {  	s18 =	simm.s32 $0x7900  }
0x3d: {  	[tilespmem:s18], [sflag:$0x1] =	stream.indirect_vreg.gather [hbm4b:s11+s3], $0x80, v3, vm0, $0xb8;
	[tilespmem:$0x10100] =	vst v63  }
0x3e: {  	v3 =	vld [tilespmem:$0x10];
	_ =	sdelay $0x4  }
0x3f: {  	v55 =	vshll.u32 v3, $0x4  }
0x40: {  	v3 =	vand.u32 $0x7, v3;
	v4 =	vand.u32 $0xFFFFFF80, v55  }
0x41: {  	v3 =	vor.u32 v3, v4  }
0x42: {  	v4 =	vperm.xlane v3, v0;
	_ =	sdelay $0x1  }
0x43: {  	v4 =	vadd.s32 v1, v4;
	_ =	sdelay $0x4  }
0x44: {  	[tilespmem:s31], [sflag:$0x2] =	stream.indirect_vreg.gather [hbm4b:s2+s3], $0x80, v4, vm0, $0xb8;
	[tilespmem:$0x10100] =	vst v63  }
0x45: {  	s19 =	simm.s32 $0x8900  }
0x46: {  	[tilespmem:s19], [sflag:$0x2] =	stream.indirect_vreg.gather [hbm4b:s5+s3], $0x80, v4, vm0, $0xb8;
	[tilespmem:$0x10100] =	vst v63  }
0x47: {  	s20 =	simm.s32 $0x9100  }
0x48: {  	[tilespmem:s20], [sflag:$0x2] =	stream.indirect_vreg.gather [hbm4b:s6+s3], $0x80, v4, vm0, $0xb8;
	[tilespmem:$0x10100] =	vst v63  }
0x49: {  	s21 =	simm.s32 $0x9900  }
0x4a: {  	[tilespmem:s21], [sflag:$0x2] =	stream.indirect_vreg.gather [hbm4b:s7+s3], $0x80, v4, vm0, $0xb8;
	[tilespmem:$0x10100] =	vst v63  }
0x4b: {  	s22 =	simm.s32 $0xA100  }
0x4c: {  	[tilespmem:s22], [sflag:$0x2] =	stream.indirect_vreg.gather [hbm4b:s8+s3], $0x80, v4, vm0, $0xb8;
	[tilespmem:$0x10100] =	vst v63  }
0x4d: {  	s24 =	simm.s32 $0xA900;
	v3 =	vperm.xlane v3, v2  }
0x4e: {  	[tilespmem:s24], [sflag:$0x2] =	stream.indirect_vreg.gather [hbm4b:s9+s3], $0x80, v4, vm0, $0xb8;
	[tilespmem:$0x10100] =	vst v63  }
0x4f: {  	s25 =	simm.s32 $0xB100;
	v3 =	vadd.s32 v1, v3  }
0x50: {  	[tilespmem:s25], [sflag:$0x2] =	stream.indirect_vreg.gather [hbm4b:s10+s3], $0x80, v4, vm0, $0xb8;
	[tilespmem:$0x10100] =	vst v63  }
0x51: {  	s0 =	simm.s32 $0xB900  }
0x52: {  	[tilespmem:s0], [sflag:$0x2] =	stream.indirect_vreg.gather [hbm4b:s11+s3], $0x80, v4, vm0, $0xb8;
	[tilespmem:$0x10100] =	vst v63  }
0x53: {  	s1 =	simm.s32 $0xC100  }
0x54: {  	[tilespmem:s1], [sflag:$0x2] =	stream.indirect_vreg.gather [hbm4b:s2+s3], $0x80, v3, vm0, $0xb8;
	[tilespmem:$0x10100] =	vst v63  }
0x55: {  	s4 =	simm.s32 $0xC900  }
0x56: {  	[tilespmem:s4], [sflag:$0x2] =	stream.indirect_vreg.gather [hbm4b:s5+s3], $0x80, v3, vm0, $0xb8;
	[tilespmem:$0x10100] =	vst v63  }
0x57: {  	s16 =	simm.s32 $0xD100  }
0x58: {  	[tilespmem:s16], [sflag:$0x2] =	stream.indirect_vreg.gather [hbm4b:s6+s3], $0x80, v3, vm0, $0xb8;
	[tilespmem:$0x10100] =	vst v63  }
0x59: {  	s17 =	simm.s32 $0xD900  }
0x5a: {  	[tilespmem:s17], [sflag:$0x2] =	stream.indirect_vreg.gather [hbm4b:s7+s3], $0x80, v3, vm0, $0xb8;
	[tilespmem:$0x10100] =	vst v63  }
0x5b: {  	s18 =	simm.s32 $0xE100  }
0x5c: {  	[tilespmem:s18], [sflag:$0x2] =	stream.indirect_vreg.gather [hbm4b:s8+s3], $0x80, v3, vm0, $0xb8;
	[tilespmem:$0x10100] =	vst v63  }
0x5d: {  	s19 =	simm.s32 $0xE900  }
0x5e: {  	[tilespmem:s19], [sflag:$0x2] =	stream.indirect_vreg.gather [hbm4b:s9+s3], $0x80, v3, vm0, $0xb8;
	[tilespmem:$0x10100] =	vst v63  }
0x5f: {  	s20 =	simm.s32 $0xF100  }
0x60: {  	[tilespmem:s20], [sflag:$0x2] =	stream.indirect_vreg.gather [hbm4b:s10+s3], $0x80, v3, vm0, $0xb8;
	[tilespmem:$0x10100] =	vst v63  }
0x61: {  	s21 =	simm.s32 $0xF900  }
0x62: {  	[tilespmem:s21], [sflag:$0x2] =	stream.indirect_vreg.gather [hbm4b:s11+s3], $0x80, v3, vm0, $0xb8;
	[tilespmem:$0x10100] =	vst v63  }
0x63: {  	_ =	swait.ge [sflag:s28], $0x8000  }
0x64: {  	[sflag:s28] =	ssyncset.done $0x0  }
0x65: {  	s22 =	rddreg [dreg:$0xd];
	[sflag:s28] =	ssyncadd.s32 $0xFFFF8000  }
0x66: {  	[hbm4b:s22+s3] =	stream.linear.scatter [tilespmem:s26], [sflag:$0x3], $0x8000, $0x38;
	[tilespmem:$0x10100] =	vst v63  }
0x67: {  	_ =	swait.ge [sflag:s13], $0x8000  }
0x68: {  	[sflag:s13] =	ssyncset.done $0x0  }
0x69: {  	[sflag:s13] =	ssyncadd.s32 $0xFFFF8000  }
0x6a: {  	v3 =	vld [tilespmem:$0x20];
	_ =	sdelay $0x4  }
0x6b: {  	v56 =	vshll.u32 v3, $0x4  }
0x6c: {  	v3 =	vand.u32 $0x7, v3;
	v4 =	vand.u32 $0xFFFFFF80, v56  }
0x6d: {  	v3 =	vor.u32 v3, v4  }
0x6e: {  	v4 =	vperm.xlane v3, v0;
	_ =	sdelay $0x1  }
0x6f: {  	v4 =	vadd.s32 v1, v4;
	_ =	sdelay $0x4  }
0x70: {  	[tilespmem:s26], [sflag:$0x1] =	stream.indirect_vreg.gather [hbm4b:s2+s3], $0x80, v4, vm0, $0xb8;
	[tilespmem:$0x10100] =	vst v63  }
0x71: {  	s0 =	simm.s32 $0x900  }
0x72: {  	[tilespmem:s0], [sflag:$0x1] =	stream.indirect_vreg.gather [hbm4b:s5+s3], $0x80, v4, vm0, $0xb8;
	[tilespmem:$0x10100] =	vst v63  }
0x73: {  	s1 =	simm.s32 $0x1100  }
0x74: {  	[tilespmem:s1], [sflag:$0x1] =	stream.indirect_vreg.gather [hbm4b:s6+s3], $0x80, v4, vm0, $0xb8;
	[tilespmem:$0x10100] =	vst v63  }
0x75: {  	s4 =	simm.s32 $0x1900  }
0x76: {  	[tilespmem:s4], [sflag:$0x1] =	stream.indirect_vreg.gather [hbm4b:s7+s3], $0x80, v4, vm0, $0xb8;
	[tilespmem:$0x10100] =	vst v63  }
0x77: {  	s14 =	simm.s32 $0x2100  }
0x78: {  	[tilespmem:s14], [sflag:$0x1] =	stream.indirect_vreg.gather [hbm4b:s8+s3], $0x80, v4, vm0, $0xb8;
	[tilespmem:$0x10100] =	vst v63  }
0x79: {  	s15 =	simm.s32 $0x2900;
	v3 =	vperm.xlane v3, v2  }
0x7a: {  	[tilespmem:s15], [sflag:$0x1] =	stream.indirect_vreg.gather [hbm4b:s9+s3], $0x80, v4, vm0, $0xb8;
	[tilespmem:$0x10100] =	vst v63  }
0x7b: {  	v3 =	vadd.s32 v1, v3;
	s14 =	simm.s32 $0x3100  }
0x7c: {  	[tilespmem:s14], [sflag:$0x1] =	stream.indirect_vreg.gather [hbm4b:s10+s3], $0x80, v4, vm0, $0xb8;
	[tilespmem:$0x10100] =	vst v63  }
0x7d: {  	s15 =	simm.s32 $0x3900  }
0x7e: {  	[tilespmem:s15], [sflag:$0x1] =	stream.indirect_vreg.gather [hbm4b:s11+s3], $0x80, v4, vm0, $0xb8;
	[tilespmem:$0x10100] =	vst v63  }
0x7f: {  	s16 =	simm.s32 $0x4100  }
0x80: {  	[tilespmem:s16], [sflag:$0x1] =	stream.indirect_vreg.gather [hbm4b:s2+s3], $0x80, v3, vm0, $0xb8;
	[tilespmem:$0x10100] =	vst v63  }
0x81: {  	s17 =	simm.s32 $0x4900  }
0x82: {  	[tilespmem:s17], [sflag:$0x1] =	stream.indirect_vreg.gather [hbm4b:s5+s3], $0x80, v3, vm0, $0xb8;
	[tilespmem:$0x10100] =	vst v63  }
0x83: {  	s18 =	simm.s32 $0x5100  }
0x84: {  	[tilespmem:s18], [sflag:$0x1] =	stream.indirect_vreg.gather [hbm4b:s6+s3], $0x80, v3, vm0, $0xb8;
	[tilespmem:$0x10100] =	vst v63  }
0x85: {  	s19 =	simm.s32 $0x5900  }
0x86: {  	[tilespmem:s19], [sflag:$0x1] =	stream.indirect_vreg.gather [hbm4b:s7+s3], $0x80, v3, vm0, $0xb8;
	[tilespmem:$0x10100] =	vst v63  }
0x87: {  	s20 =	simm.s32 $0x6100  }
0x88: {  	[tilespmem:s20], [sflag:$0x1] =	stream.indirect_vreg.gather [hbm4b:s8+s3], $0x80, v3, vm0, $0xb8;
	[tilespmem:$0x10100] =	vst v63  }
0x89: {  	s21 =	simm.s32 $0x6900  }
0x8a: {  	[tilespmem:s21], [sflag:$0x1] =	stream.indirect_vreg.gather [hbm4b:s9+s3], $0x80, v3, vm0, $0xb8;
	[tilespmem:$0x10100] =	vst v63  }
0x8b: {  	s22 =	simm.s32 $0x7100  }
0x8c: {  	[tilespmem:s22], [sflag:$0x1] =	stream.indirect_vreg.gather [hbm4b:s10+s3], $0x80, v3, vm0, $0xb8;
	[tilespmem:$0x10100] =	vst v63  }
0x8d: {  	s23 =	simm.s32 $0x7900  }
0x8e: {  	[tilespmem:s23], [sflag:$0x1] =	stream.indirect_vreg.gather [hbm4b:s11+s3], $0x80, v3, vm0, $0xb8;
	[tilespmem:$0x10100] =	vst v63  }
0x8f: {  	_ =	swait.ge [sflag:s29], $0x8000  }
0x90: {  	[sflag:s29] =	ssyncset.done $0x0  }
0x91: {  	s23 =	rddreg [dreg:$0x4];
	[sflag:s29] =	ssyncadd.s32 $0xFFFF8000  }
0x92: {  	[hbm4b:s23+s3] =	stream.linear.scatter [tilespmem:s31], [sflag:$0x3], $0x8000, $0x38;
	[tilespmem:$0x10100] =	vst v63  }
0x93: {  	_ =	swait.ge [sflag:s13], $0x8000  }
0x94: {  	[sflag:s13] =	ssyncset.done $0x0  }
0x95: {  	[sflag:s13] =	ssyncadd.s32 $0xFFFF8000  }
0x96: {  	v3 =	vld [tilespmem:$0x30];
	_ =	sdelay $0x4  }
0x97: {  	v57 =	vshll.u32 v3, $0x4  }
0x98: {  	v3 =	vand.u32 $0x7, v3;
	v4 =	vand.u32 $0xFFFFFF80, v57  }
0x99: {  	v3 =	vor.u32 v3, v4  }
0x9a: {  	v4 =	vperm.xlane v3, v0;
	_ =	sdelay $0x1  }
0x9b: {  	v4 =	vadd.s32 v1, v4;
	_ =	sdelay $0x4  }
0x9c: {  	[tilespmem:s31], [sflag:$0x2] =	stream.indirect_vreg.gather [hbm4b:s2+s3], $0x80, v4, vm0, $0xb8;
	[tilespmem:$0x10100] =	vst v63  }
0x9d: {  	s30 =	simm.s32 $0x8900  }
0x9e: {  	[tilespmem:s30], [sflag:$0x2] =	stream.indirect_vreg.gather [hbm4b:s5+s3], $0x80, v4, vm0, $0xb8;
	[tilespmem:$0x10100] =	vst v63  }
0x9f: {  	s30 =	simm.s32 $0x9100  }
0xa0: {  	[tilespmem:s30], [sflag:$0x2] =	stream.indirect_vreg.gather [hbm4b:s6+s3], $0x80, v4, vm0, $0xb8;
	[tilespmem:$0x10100] =	vst v63  }
0xa1: {  	s30 =	simm.s32 $0x9900  }
0xa2: {  	[tilespmem:s30], [sflag:$0x2] =	stream.indirect_vreg.gather [hbm4b:s7+s3], $0x80, v4, vm0, $0xb8;
	[tilespmem:$0x10100] =	vst v63  }
0xa3: {  	s30 =	simm.s32 $0xA100  }
0xa4: {  	[tilespmem:s30], [sflag:$0x2] =	stream.indirect_vreg.gather [hbm4b:s8+s3], $0x80, v4, vm0, $0xb8;
	[tilespmem:$0x10100] =	vst v63  }
0xa5: {  	s24 =	simm.s32 $0xA900;
	v3 =	vperm.xlane v3, v2  }
0xa6: {  	[tilespmem:s24], [sflag:$0x2] =	stream.indirect_vreg.gather [hbm4b:s9+s3], $0x80, v4, vm0, $0xb8;
	[tilespmem:$0x10100] =	vst v63  }
0xa7: {  	v3 =	vadd.s32 v1, v3;
	s30 =	simm.s32 $0xB100  }
0xa8: {  	[tilespmem:s30], [sflag:$0x2] =	stream.indirect_vreg.gather [hbm4b:s10+s3], $0x80, v4, vm0, $0xb8;
	[tilespmem:$0x10100] =	vst v63  }
0xa9: {  	s30 =	simm.s32 $0xB900  }
0xaa: {  	[tilespmem:s30], [sflag:$0x2] =	stream.indirect_vreg.gather [hbm4b:s11+s3], $0x80, v4, vm0, $0xb8;
	[tilespmem:$0x10100] =	vst v63  }
0xab: {  	s30 =	simm.s32 $0xC100  }
0xac: {  	[tilespmem:s30], [sflag:$0x2] =	stream.indirect_vreg.gather [hbm4b:s2+s3], $0x80, v3, vm0, $0xb8;
	[tilespmem:$0x10100] =	vst v63  }
0xad: {  	s30 =	simm.s32 $0xC900  }
0xae: {  	[tilespmem:s30], [sflag:$0x2] =	stream.indirect_vreg.gather [hbm4b:s5+s3], $0x80, v3, vm0, $0xb8;
	[tilespmem:$0x10100] =	vst v63  }
0xaf: {  	s30 =	simm.s32 $0xD100  }
0xb0: {  	[tilespmem:s30], [sflag:$0x2] =	stream.indirect_vreg.gather [hbm4b:s6+s3], $0x80, v3, vm0, $0xb8;
	[tilespmem:$0x10100] =	vst v63  }
0xb1: {  	s30 =	simm.s32 $0xD900  }
0xb2: {  	[tilespmem:s30], [sflag:$0x2] =	stream.indirect_vreg.gather [hbm4b:s7+s3], $0x80, v3, vm0, $0xb8;
	[tilespmem:$0x10100] =	vst v63  }
0xb3: {  	s30 =	simm.s32 $0xE100  }
0xb4: {  	[tilespmem:s30], [sflag:$0x2] =	stream.indirect_vreg.gather [hbm4b:s8+s3], $0x80, v3, vm0, $0xb8;
	[tilespmem:$0x10100] =	vst v63  }
0xb5: {  	s30 =	simm.s32 $0xE900  }
0xb6: {  	[tilespmem:s30], [sflag:$0x2] =	stream.indirect_vreg.gather [hbm4b:s9+s3], $0x80, v3, vm0, $0xb8;
	[tilespmem:$0x10100] =	vst v63  }
0xb7: {  	s30 =	simm.s32 $0xF100  }
0xb8: {  	[tilespmem:s30], [sflag:$0x2] =	stream.indirect_vreg.gather [hbm4b:s10+s3], $0x80, v3, vm0, $0xb8;
	[tilespmem:$0x10100] =	vst v63  }
0xb9: {  	s25 =	simm.s32 $0xF900  }
0xba: {  	[tilespmem:s25], [sflag:$0x2] =	stream.indirect_vreg.gather [hbm4b:s11+s3], $0x80, v3, vm0, $0xb8;
	[tilespmem:$0x10100] =	vst v63  }
0xbb: {  	_ =	swait.ge [sflag:s28], $0x8000  }
0xbc: {  	[sflag:s28] =	ssyncset.done $0x0  }
0xbd: {  	s30 =	rddreg [dreg:$0x5];
	[sflag:s28] =	ssyncadd.s32 $0xFFFF8000  }
0xbe: {  	[hbm4b:s30+s3] =	stream.linear.scatter [tilespmem:s26], [sflag:$0x3], $0x8000, $0x38;
	[tilespmem:$0x10100] =	vst v63  }
0xbf: {  	_ =	swait.ge [sflag:s13], $0x8000  }
0xc0: {  	[sflag:s13] =	ssyncset.done $0x0  }
0xc1: {  	[sflag:s13] =	ssyncadd.s32 $0xFFFF8000  }
0xc2: {  	v3 =	vld [tilespmem:$0x40];
	_ =	sdelay $0x4  }
0xc3: {  	v58 =	vshll.u32 v3, $0x4  }
0xc4: {  	v3 =	vand.u32 $0x7, v3;
	v4 =	vand.u32 $0xFFFFFF80, v58  }
0xc5: {  	v3 =	vor.u32 v3, v4  }
0xc6: {  	v4 =	vperm.xlane v3, v0;
	_ =	sdelay $0x1  }
0xc7: {  	v4 =	vadd.s32 v1, v4;
	_ =	sdelay $0x4  }
0xc8: {  	[tilespmem:s26], [sflag:$0x1] =	stream.indirect_vreg.gather [hbm4b:s2+s3], $0x80, v4, vm0, $0xb8;
	[tilespmem:$0x10100] =	vst v63  }
0xc9: {  	_ = 	snop  }
0xca: {  	[tilespmem:s0], [sflag:$0x1] =	stream.indirect_vreg.gather [hbm4b:s5+s3], $0x80, v4, vm0, $0xb8;
	[tilespmem:$0x10100] =	vst v63  }
0xcb: {  	_ = 	snop  }
0xcc: {  	[tilespmem:s1], [sflag:$0x1] =	stream.indirect_vreg.gather [hbm4b:s6+s3], $0x80, v4, vm0, $0xb8;
	[tilespmem:$0x10100] =	vst v63  }
0xcd: {  	_ = 	snop  }
0xce: {  	[tilespmem:s4], [sflag:$0x1] =	stream.indirect_vreg.gather [hbm4b:s7+s3], $0x80, v4, vm0, $0xb8;
	[tilespmem:$0x10100] =	vst v63  }
0xcf: {  	s30 =	simm.s32 $0x2100  }
0xd0: {  	[tilespmem:s30], [sflag:$0x1] =	stream.indirect_vreg.gather [hbm4b:s8+s3], $0x80, v4, vm0, $0xb8;
	[tilespmem:$0x10100] =	vst v63  }
0xd1: {  	v3 =	vperm.xlane v3, v2;
	s30 =	simm.s32 $0x2900  }
0xd2: {  	[tilespmem:s30], [sflag:$0x1] =	stream.indirect_vreg.gather [hbm4b:s9+s3], $0x80, v4, vm0, $0xb8;
	[tilespmem:$0x10100] =	vst v63  }
0xd3: {  	v3 =	vadd.s32 v1, v3  }
0xd4: {  	[tilespmem:s14], [sflag:$0x1] =	stream.indirect_vreg.gather [hbm4b:s10+s3], $0x80, v4, vm0, $0xb8;
	[tilespmem:$0x10100] =	vst v63  }
0xd5: {  	_ = 	snop  }
0xd6: {  	[tilespmem:s15], [sflag:$0x1] =	stream.indirect_vreg.gather [hbm4b:s11+s3], $0x80, v4, vm0, $0xb8;
	[tilespmem:$0x10100] =	vst v63  }
0xd7: {  	_ = 	snop  }
0xd8: {  	[tilespmem:s16], [sflag:$0x1] =	stream.indirect_vreg.gather [hbm4b:s2+s3], $0x80, v3, vm0, $0xb8;
	[tilespmem:$0x10100] =	vst v63  }
0xd9: {  	_ = 	snop  }
0xda: {  	[tilespmem:s17], [sflag:$0x1] =	stream.indirect_vreg.gather [hbm4b:s5+s3], $0x80, v3, vm0, $0xb8;
	[tilespmem:$0x10100] =	vst v63  }
0xdb: {  	_ = 	snop  }
0xdc: {  	[tilespmem:s18], [sflag:$0x1] =	stream.indirect_vreg.gather [hbm4b:s6+s3], $0x80, v3, vm0, $0xb8;
	[tilespmem:$0x10100] =	vst v63  }
0xdd: {  	_ = 	snop  }
0xde: {  	[tilespmem:s19], [sflag:$0x1] =	stream.indirect_vreg.gather [hbm4b:s7+s3], $0x80, v3, vm0, $0xb8;
	[tilespmem:$0x10100] =	vst v63  }
0xdf: {  	_ = 	snop  }
0xe0: {  	[tilespmem:s20], [sflag:$0x1] =	stream.indirect_vreg.gather [hbm4b:s8+s3], $0x80, v3, vm0, $0xb8;
	[tilespmem:$0x10100] =	vst v63  }
0xe1: {  	_ = 	snop  }
0xe2: {  	[tilespmem:s21], [sflag:$0x1] =	stream.indirect_vreg.gather [hbm4b:s9+s3], $0x80, v3, vm0, $0xb8;
	[tilespmem:$0x10100] =	vst v63  }
0xe3: {  	_ = 	snop  }
0xe4: {  	[tilespmem:s22], [sflag:$0x1] =	stream.indirect_vreg.gather [hbm4b:s10+s3], $0x80, v3, vm0, $0xb8;
	[tilespmem:$0x10100] =	vst v63  }
0xe5: {  	s30 =	simm.s32 $0x7900  }
0xe6: {  	[tilespmem:s30], [sflag:$0x1] =	stream.indirect_vreg.gather [hbm4b:s11+s3], $0x80, v3, vm0, $0xb8;
	[tilespmem:$0x10100] =	vst v63  }
0xe7: {  	_ =	swait.ge [sflag:s29], $0x8000  }
0xe8: {  	[sflag:s29] =	ssyncset.done $0x0  }
0xe9: {  	s30 =	rddreg [dreg:$0x6];
	[sflag:s29] =	ssyncadd.s32 $0xFFFF8000  }
0xea: {  	[hbm4b:s30+s3] =	stream.linear.scatter [tilespmem:s31], [sflag:$0x3], $0x8000, $0x38;
	[tilespmem:$0x10100] =	vst v63  }
0xeb: {  	_ =	swait.ge [sflag:s13], $0x8000  }
0xec: {  	[sflag:s13] =	ssyncset.done $0x0  }
0xed: {  	[sflag:s13] =	ssyncadd.s32 $0xFFFF8000  }
0xee: {  	v3 =	vld [tilespmem:$0x50];
	_ =	sdelay $0x4  }
0xef: {  	v59 =	vshll.u32 v3, $0x4  }
0xf0: {  	v3 =	vand.u32 $0x7, v3;
	v4 =	vand.u32 $0xFFFFFF80, v59  }
0xf1: {  	v3 =	vor.u32 v3, v4  }
0xf2: {  	v4 =	vperm.xlane v3, v0;
	_ =	sdelay $0x1  }
0xf3: {  	v4 =	vadd.s32 v1, v4;
	_ =	sdelay $0x4  }
0xf4: {  	[tilespmem:s31], [sflag:$0x2] =	stream.indirect_vreg.gather [hbm4b:s2+s3], $0x80, v4, vm0, $0xb8;
	[tilespmem:$0x10100] =	vst v63  }
0xf5: {  	s23 =	simm.s32 $0x8900  }
0xf6: {  	[tilespmem:s23], [sflag:$0x2] =	stream.indirect_vreg.gather [hbm4b:s5+s3], $0x80, v4, vm0, $0xb8;
	[tilespmem:$0x10100] =	vst v63  }
0xf7: {  	s30 =	simm.s32 $0x9100  }
0xf8: {  	[tilespmem:s30], [sflag:$0x2] =	stream.indirect_vreg.gather [hbm4b:s6+s3], $0x80, v4, vm0, $0xb8;
	[tilespmem:$0x10100] =	vst v63  }
0xf9: {  	s30 =	simm.s32 $0x9900  }
0xfa: {  	[tilespmem:s30], [sflag:$0x2] =	stream.indirect_vreg.gather [hbm4b:s7+s3], $0x80, v4, vm0, $0xb8;
	[tilespmem:$0x10100] =	vst v63  }
0xfb: {  	s30 =	simm.s32 $0xA100  }
0xfc: {  	[tilespmem:s30], [sflag:$0x2] =	stream.indirect_vreg.gather [hbm4b:s8+s3], $0x80, v4, vm0, $0xb8;
	[tilespmem:$0x10100] =	vst v63  }
0xfd: {  	v3 =	vperm.xlane v3, v2;
	s30 =	simm.s32 $0xA900  }
0xfe: {  	[tilespmem:s30], [sflag:$0x2] =	stream.indirect_vreg.gather [hbm4b:s9+s3], $0x80, v4, vm0, $0xb8;
	[tilespmem:$0x10100] =	vst v63  }
0xff: {  	s24 =	simm.s32 $0xB100;
	v3 =	vadd.s32 v1, v3  }
0x100: {  	[tilespmem:s24], [sflag:$0x2] =	stream.indirect_vreg.gather [hbm4b:s10+s3], $0x80, v4, vm0, $0xb8;
	[tilespmem:$0x10100] =	vst v63  }
0x101: {  	s30 =	simm.s32 $0xB900  }
0x102: {  	[tilespmem:s30], [sflag:$0x2] =	stream.indirect_vreg.gather [hbm4b:s11+s3], $0x80, v4, vm0, $0xb8;
	[tilespmem:$0x10100] =	vst v63  }
0x103: {  	s30 =	simm.s32 $0xC100  }
0x104: {  	[tilespmem:s30], [sflag:$0x2] =	stream.indirect_vreg.gather [hbm4b:s2+s3], $0x80, v3, vm0, $0xb8;
	[tilespmem:$0x10100] =	vst v63  }
0x105: {  	s30 =	simm.s32 $0xC900  }
0x106: {  	[tilespmem:s30], [sflag:$0x2] =	stream.indirect_vreg.gather [hbm4b:s5+s3], $0x80, v3, vm0, $0xb8;
	[tilespmem:$0x10100] =	vst v63  }
0x107: {  	s30 =	simm.s32 $0xD100  }
0x108: {  	[tilespmem:s30], [sflag:$0x2] =	stream.indirect_vreg.gather [hbm4b:s6+s3], $0x80, v3, vm0, $0xb8;
	[tilespmem:$0x10100] =	vst v63  }
0x109: {  	s30 =	simm.s32 $0xD900  }
0x10a: {  	[tilespmem:s30], [sflag:$0x2] =	stream.indirect_vreg.gather [hbm4b:s7+s3], $0x80, v3, vm0, $0xb8;
	[tilespmem:$0x10100] =	vst v63  }
0x10b: {  	s30 =	simm.s32 $0xE100  }
0x10c: {  	[tilespmem:s30], [sflag:$0x2] =	stream.indirect_vreg.gather [hbm4b:s8+s3], $0x80, v3, vm0, $0xb8;
	[tilespmem:$0x10100] =	vst v63  }
0x10d: {  	s30 =	simm.s32 $0xE900  }
0x10e: {  	[tilespmem:s30], [sflag:$0x2] =	stream.indirect_vreg.gather [hbm4b:s9+s3], $0x80, v3, vm0, $0xb8;
	[tilespmem:$0x10100] =	vst v63  }
0x10f: {  	s30 =	simm.s32 $0xF100  }
0x110: {  	[tilespmem:s30], [sflag:$0x2] =	stream.indirect_vreg.gather [hbm4b:s10+s3], $0x80, v3, vm0, $0xb8;
	[tilespmem:$0x10100] =	vst v63  }
0x111: {  	s25 =	simm.s32 $0xF900  }
0x112: {  	[tilespmem:s25], [sflag:$0x2] =	stream.indirect_vreg.gather [hbm4b:s11+s3], $0x80, v3, vm0, $0xb8;
	[tilespmem:$0x10100] =	vst v63  }
0x113: {  	_ =	swait.ge [sflag:s28], $0x8000  }
0x114: {  	[sflag:s28] =	ssyncset.done $0x0  }
0x115: {  	s25 =	rddreg [dreg:$0x7];
	[sflag:s28] =	ssyncadd.s32 $0xFFFF8000  }
0x116: {  	[hbm4b:s25+s3] =	stream.linear.scatter [tilespmem:s26], [sflag:$0x3], $0x8000, $0x38;
	[tilespmem:$0x10100] =	vst v63  }
0x117: {  	_ =	swait.ge [sflag:s13], $0x8000  }
0x118: {  	[sflag:s13] =	ssyncset.done $0x0  }
0x119: {  	[sflag:s13] =	ssyncadd.s32 $0xFFFF8000  }
0x11a: {  	v3 =	vld [tilespmem:$0x60];
	_ =	sdelay $0x4  }
0x11b: {  	v60 =	vshll.u32 v3, $0x4  }
0x11c: {  	v3 =	vand.u32 $0x7, v3;
	v4 =	vand.u32 $0xFFFFFF80, v60  }
0x11d: {  	v3 =	vor.u32 v3, v4  }
0x11e: {  	v4 =	vperm.xlane v3, v0;
	_ =	sdelay $0x1  }
0x11f: {  	v4 =	vadd.s32 v1, v4;
	_ =	sdelay $0x4  }
0x120: {  	[tilespmem:s26], [sflag:$0x1] =	stream.indirect_vreg.gather [hbm4b:s2+s3], $0x80, v4, vm0, $0xb8;
	[tilespmem:$0x10100] =	vst v63  }
0x121: {  	s0 =	simm.s32 $0x900  }
0x122: {  	[tilespmem:s0], [sflag:$0x1] =	stream.indirect_vreg.gather [hbm4b:s5+s3], $0x80, v4, vm0, $0xb8;
	[tilespmem:$0x10100] =	vst v63  }
0x123: {  	s1 =	simm.s32 $0x1100  }
0x124: {  	[tilespmem:s1], [sflag:$0x1] =	stream.indirect_vreg.gather [hbm4b:s6+s3], $0x80, v4, vm0, $0xb8;
	[tilespmem:$0x10100] =	vst v63  }
0x125: {  	s4 =	simm.s32 $0x1900  }
0x126: {  	[tilespmem:s4], [sflag:$0x1] =	stream.indirect_vreg.gather [hbm4b:s7+s3], $0x80, v4, vm0, $0xb8;
	[tilespmem:$0x10100] =	vst v63  }
0x127: {  	s30 =	simm.s32 $0x2100  }
0x128: {  	[tilespmem:s30], [sflag:$0x1] =	stream.indirect_vreg.gather [hbm4b:s8+s3], $0x80, v4, vm0, $0xb8;
	[tilespmem:$0x10100] =	vst v63  }
0x129: {  	s24 =	simm.s32 $0x2900;
	v3 =	vperm.xlane v3, v2  }
0x12a: {  	[tilespmem:s24], [sflag:$0x1] =	stream.indirect_vreg.gather [hbm4b:s9+s3], $0x80, v4, vm0, $0xb8;
	[tilespmem:$0x10100] =	vst v63  }
0x12b: {  	s14 =	simm.s32 $0x3100;
	v3 =	vadd.s32 v1, v3  }
0x12c: {  	[tilespmem:s14], [sflag:$0x1] =	stream.indirect_vreg.gather [hbm4b:s10+s3], $0x80, v4, vm0, $0xb8;
	[tilespmem:$0x10100] =	vst v63  }
0x12d: {  	s15 =	simm.s32 $0x3900  }
0x12e: {  	[tilespmem:s15], [sflag:$0x1] =	stream.indirect_vreg.gather [hbm4b:s11+s3], $0x80, v4, vm0, $0xb8;
	[tilespmem:$0x10100] =	vst v63  }
0x12f: {  	s16 =	simm.s32 $0x4100  }
0x130: {  	[tilespmem:s16], [sflag:$0x1] =	stream.indirect_vreg.gather [hbm4b:s2+s3], $0x80, v3, vm0, $0xb8;
	[tilespmem:$0x10100] =	vst v63  }
0x131: {  	s17 =	simm.s32 $0x4900  }
0x132: {  	[tilespmem:s17], [sflag:$0x1] =	stream.indirect_vreg.gather [hbm4b:s5+s3], $0x80, v3, vm0, $0xb8;
	[tilespmem:$0x10100] =	vst v63  }
0x133: {  	s18 =	simm.s32 $0x5100  }
0x134: {  	[tilespmem:s18], [sflag:$0x1] =	stream.indirect_vreg.gather [hbm4b:s6+s3], $0x80, v3, vm0, $0xb8;
	[tilespmem:$0x10100] =	vst v63  }
0x135: {  	s19 =	simm.s32 $0x5900  }
0x136: {  	[tilespmem:s19], [sflag:$0x1] =	stream.indirect_vreg.gather [hbm4b:s7+s3], $0x80, v3, vm0, $0xb8;
	[tilespmem:$0x10100] =	vst v63  }
0x137: {  	s20 =	simm.s32 $0x6100  }
0x138: {  	[tilespmem:s20], [sflag:$0x1] =	stream.indirect_vreg.gather [hbm4b:s8+s3], $0x80, v3, vm0, $0xb8;
	[tilespmem:$0x10100] =	vst v63  }
0x139: {  	s21 =	simm.s32 $0x6900  }
0x13a: {  	[tilespmem:s21], [sflag:$0x1] =	stream.indirect_vreg.gather [hbm4b:s9+s3], $0x80, v3, vm0, $0xb8;
	[tilespmem:$0x10100] =	vst v63  }
0x13b: {  	s22 =	simm.s32 $0x7100  }
0x13c: {  	[tilespmem:s22], [sflag:$0x1] =	stream.indirect_vreg.gather [hbm4b:s10+s3], $0x80, v3, vm0, $0xb8;
	[tilespmem:$0x10100] =	vst v63  }
0x13d: {  	s30 =	simm.s32 $0x7900  }
0x13e: {  	[tilespmem:s30], [sflag:$0x1] =	stream.indirect_vreg.gather [hbm4b:s11+s3], $0x80, v3, vm0, $0xb8;
	[tilespmem:$0x10100] =	vst v63  }
0x13f: {  	_ =	swait.ge [sflag:s29], $0x8000  }
0x140: {  	[sflag:s29] =	ssyncset.done $0x0  }
0x141: {  	s22 =	rddreg [dreg:$0x8];
	[sflag:s29] =	ssyncadd.s32 $0xFFFF8000  }
0x142: {  	[hbm4b:s22+s3] =	stream.linear.scatter [tilespmem:s31], [sflag:$0x3], $0x8000, $0x38;
	[tilespmem:$0x10100] =	vst v63  }
0x143: {  	_ =	swait.ge [sflag:s13], $0x8000  }
0x144: {  	[sflag:s13] =	ssyncset.done $0x0  }
0x145: {  	[sflag:s13] =	ssyncadd.s32 $0xFFFF8000  }
0x146: {  	v3 =	vld [tilespmem:$0x70];
	_ =	sdelay $0x4  }
0x147: {  	v61 =	vshll.u32 v3, $0x4  }
0x148: {  	v3 =	vand.u32 $0x7, v3;
	v4 =	vand.u32 $0xFFFFFF80, v61  }
0x149: {  	v3 =	vor.u32 v3, v4  }
0x14a: {  	v4 =	vperm.xlane v3, v0;
	_ =	sdelay $0x1  }
0x14b: {  	v4 =	vadd.s32 v1, v4;
	_ =	sdelay $0x4  }
0x14c: {  	[tilespmem:s31], [sflag:$0x2] =	stream.indirect_vreg.gather [hbm4b:s2+s3], $0x80, v4, vm0, $0xb8;
	[tilespmem:$0x10100] =	vst v63  }
0x14d: {  	s23 =	simm.s32 $0x8900  }
0x14e: {  	[tilespmem:s23], [sflag:$0x2] =	stream.indirect_vreg.gather [hbm4b:s5+s3], $0x80, v4, vm0, $0xb8;
	[tilespmem:$0x10100] =	vst v63  }
0x14f: {  	s24 =	simm.s32 $0x9100  }
0x150: {  	[tilespmem:s24], [sflag:$0x2] =	stream.indirect_vreg.gather [hbm4b:s6+s3], $0x80, v4, vm0, $0xb8;
	[tilespmem:$0x10100] =	vst v63  }
0x151: {  	s30 =	simm.s32 $0x9900  }
0x152: {  	[tilespmem:s30], [sflag:$0x2] =	stream.indirect_vreg.gather [hbm4b:s7+s3], $0x80, v4, vm0, $0xb8;
	[tilespmem:$0x10100] =	vst v63  }
0x153: {  	s30 =	simm.s32 $0xA100  }
0x154: {  	[tilespmem:s30], [sflag:$0x2] =	stream.indirect_vreg.gather [hbm4b:s8+s3], $0x80, v4, vm0, $0xb8;
	[tilespmem:$0x10100] =	vst v63  }
0x155: {  	v3 =	vperm.xlane v3, v2;
	s30 =	simm.s32 $0xA900  }
0x156: {  	[tilespmem:s30], [sflag:$0x2] =	stream.indirect_vreg.gather [hbm4b:s9+s3], $0x80, v4, vm0, $0xb8;
	[tilespmem:$0x10100] =	vst v63  }
0x157: {  	v3 =	vadd.s32 v1, v3;
	s30 =	simm.s32 $0xB100  }
0x158: {  	[tilespmem:s30], [sflag:$0x2] =	stream.indirect_vreg.gather [hbm4b:s10+s3], $0x80, v4, vm0, $0xb8;
	[tilespmem:$0x10100] =	vst v63  }
0x159: {  	s30 =	simm.s32 $0xB900  }
0x15a: {  	[tilespmem:s30], [sflag:$0x2] =	stream.indirect_vreg.gather [hbm4b:s11+s3], $0x80, v4, vm0, $0xb8;
	[tilespmem:$0x10100] =	vst v63  }
0x15b: {  	s30 =	simm.s32 $0xC100  }
0x15c: {  	[tilespmem:s30], [sflag:$0x2] =	stream.indirect_vreg.gather [hbm4b:s2+s3], $0x80, v3, vm0, $0xb8;
	[tilespmem:$0x10100] =	vst v63  }
0x15d: {  	s30 =	simm.s32 $0xC900  }
0x15e: {  	[tilespmem:s30], [sflag:$0x2] =	stream.indirect_vreg.gather [hbm4b:s5+s3], $0x80, v3, vm0, $0xb8;
	[tilespmem:$0x10100] =	vst v63  }
0x15f: {  	s30 =	simm.s32 $0xD100  }
0x160: {  	[tilespmem:s30], [sflag:$0x2] =	stream.indirect_vreg.gather [hbm4b:s6+s3], $0x80, v3, vm0, $0xb8;
	[tilespmem:$0x10100] =	vst v63  }
0x161: {  	s30 =	simm.s32 $0xD900  }
0x162: {  	[tilespmem:s30], [sflag:$0x2] =	stream.indirect_vreg.gather [hbm4b:s7+s3], $0x80, v3, vm0, $0xb8;
	[tilespmem:$0x10100] =	vst v63  }
0x163: {  	s30 =	simm.s32 $0xE100  }
0x164: {  	[tilespmem:s30], [sflag:$0x2] =	stream.indirect_vreg.gather [hbm4b:s8+s3], $0x80, v3, vm0, $0xb8;
	[tilespmem:$0x10100] =	vst v63  }
0x165: {  	s30 =	simm.s32 $0xE900  }
0x166: {  	[tilespmem:s30], [sflag:$0x2] =	stream.indirect_vreg.gather [hbm4b:s9+s3], $0x80, v3, vm0, $0xb8;
	[tilespmem:$0x10100] =	vst v63  }
0x167: {  	s30 =	simm.s32 $0xF100  }
0x168: {  	[tilespmem:s30], [sflag:$0x2] =	stream.indirect_vreg.gather [hbm4b:s10+s3], $0x80, v3, vm0, $0xb8;
	[tilespmem:$0x10100] =	vst v63  }
0x169: {  	s30 =	simm.s32 $0xF900  }
0x16a: {  	[tilespmem:s30], [sflag:$0x2] =	stream.indirect_vreg.gather [hbm4b:s11+s3], $0x80, v3, vm0, $0xb8;
	[tilespmem:$0x10100] =	vst v63  }
0x16b: {  	_ =	swait.ge [sflag:s28], $0x8000  }
0x16c: {  	[sflag:s28] =	ssyncset.done $0x0  }
0x16d: {  	s30 =	rddreg [dreg:$0x9];
	[sflag:s28] =	ssyncadd.s32 $0xFFFF8000  }
0x16e: {  	[hbm4b:s30+s3] =	stream.linear.scatter [tilespmem:s26], [sflag:$0x3], $0x8000, $0x38;
	[tilespmem:$0x10100] =	vst v63  }
0x16f: {  	_ =	swait.ge [sflag:s13], $0x8000  }
0x170: {  	[sflag:s13] =	ssyncset.done $0x0  }
0x171: {  	[sflag:s13] =	ssyncadd.s32 $0xFFFF8000  }
0x172: {  	v3 =	vld [tilespmem:$0x80];
	_ =	sdelay $0x4  }
0x173: {  	v62 =	vshll.u32 v3, $0x4  }
0x174: {  	v3 =	vand.u32 $0x7, v3;
	v4 =	vand.u32 $0xFFFFFF80, v62  }
0x175: {  	v3 =	vor.u32 v3, v4  }
0x176: {  	v4 =	vperm.xlane v3, v0;
	_ =	sdelay $0x1  }
0x177: {  	v4 =	vadd.s32 v1, v4;
	_ =	sdelay $0x4  }
0x178: {  	[tilespmem:s26], [sflag:$0x1] =	stream.indirect_vreg.gather [hbm4b:s2+s3], $0x80, v4, vm0, $0xb8;
	[tilespmem:$0x10100] =	vst v63  }
0x179: {  	s25 =	simm.s32 $0x900  }
0x17a: {  	[tilespmem:s25], [sflag:$0x1] =	stream.indirect_vreg.gather [hbm4b:s5+s3], $0x80, v4, vm0, $0xb8;
	[tilespmem:$0x10100] =	vst v63  }
0x17b: {  	s0 =	simm.s32 $0x1100  }
0x17c: {  	[tilespmem:s0], [sflag:$0x1] =	stream.indirect_vreg.gather [hbm4b:s6+s3], $0x80, v4, vm0, $0xb8;
	[tilespmem:$0x10100] =	vst v63  }
0x17d: {  	s1 =	simm.s32 $0x1900  }
0x17e: {  	[tilespmem:s1], [sflag:$0x1] =	stream.indirect_vreg.gather [hbm4b:s7+s3], $0x80, v4, vm0, $0xb8;
	[tilespmem:$0x10100] =	vst v63  }
0x17f: {  	s1 =	simm.s32 $0x2100  }
0x180: {  	[tilespmem:s1], [sflag:$0x1] =	stream.indirect_vreg.gather [hbm4b:s8+s3], $0x80, v4, vm0, $0xb8;
	[tilespmem:$0x10100] =	vst v63  }
0x181: {  	v3 =	vperm.xlane v3, v2;
	s25 =	simm.s32 $0x2900  }
0x182: {  	[tilespmem:s25], [sflag:$0x1] =	stream.indirect_vreg.gather [hbm4b:s9+s3], $0x80, v4, vm0, $0xb8;
	[tilespmem:$0x10100] =	vst v63  }
0x183: {  	s4 =	simm.s32 $0x3100;
	v3 =	vadd.s32 v1, v3  }
0x184: {  	[tilespmem:s4], [sflag:$0x1] =	stream.indirect_vreg.gather [hbm4b:s10+s3], $0x80, v4, vm0, $0xb8;
	[tilespmem:$0x10100] =	vst v63  }
0x185: {  	s14 =	simm.s32 $0x3900  }
0x186: {  	[tilespmem:s14], [sflag:$0x1] =	stream.indirect_vreg.gather [hbm4b:s11+s3], $0x80, v4, vm0, $0xb8;
	[tilespmem:$0x10100] =	vst v63  }
0x187: {  	s15 =	simm.s32 $0x4100  }
0x188: {  	[tilespmem:s15], [sflag:$0x1] =	stream.indirect_vreg.gather [hbm4b:s2+s3], $0x80, v3, vm0, $0xb8;
	[tilespmem:$0x10100] =	vst v63  }
0x189: {  	s16 =	simm.s32 $0x4900  }
0x18a: {  	[tilespmem:s16], [sflag:$0x1] =	stream.indirect_vreg.gather [hbm4b:s5+s3], $0x80, v3, vm0, $0xb8;
	[tilespmem:$0x10100] =	vst v63  }
0x18b: {  	s17 =	simm.s32 $0x5100  }
0x18c: {  	[tilespmem:s17], [sflag:$0x1] =	stream.indirect_vreg.gather [hbm4b:s6+s3], $0x80, v3, vm0, $0xb8;
	[tilespmem:$0x10100] =	vst v63  }
0x18d: {  	s18 =	simm.s32 $0x5900  }
0x18e: {  	[tilespmem:s18], [sflag:$0x1] =	stream.indirect_vreg.gather [hbm4b:s7+s3], $0x80, v3, vm0, $0xb8;
	[tilespmem:$0x10100] =	vst v63  }
0x18f: {  	s19 =	simm.s32 $0x6100  }
0x190: {  	[tilespmem:s19], [sflag:$0x1] =	stream.indirect_vreg.gather [hbm4b:s8+s3], $0x80, v3, vm0, $0xb8;
	[tilespmem:$0x10100] =	vst v63  }
0x191: {  	s20 =	simm.s32 $0x6900  }
0x192: {  	[tilespmem:s20], [sflag:$0x1] =	stream.indirect_vreg.gather [hbm4b:s9+s3], $0x80, v3, vm0, $0xb8;
	[tilespmem:$0x10100] =	vst v63  }
0x193: {  	s21 =	simm.s32 $0x7100  }
0x194: {  	[tilespmem:s21], [sflag:$0x1] =	stream.indirect_vreg.gather [hbm4b:s10+s3], $0x80, v3, vm0, $0xb8;
	[tilespmem:$0x10100] =	vst v63  }
0x195: {  	s30 =	simm.s32 $0x7900  }
0x196: {  	[tilespmem:s30], [sflag:$0x1] =	stream.indirect_vreg.gather [hbm4b:s11+s3], $0x80, v3, vm0, $0xb8;
	[tilespmem:$0x10100] =	vst v63  }
0x197: {  	_ =	swait.ge [sflag:s29], $0x8000  }
0x198: {  	[sflag:s29] =	ssyncset.done $0x0  }
0x199: {  	s0 =	rddreg [dreg:$0xa];
	[sflag:s29] =	ssyncadd.s32 $0xFFFF8000  }
0x19a: {  	[hbm4b:s0+s3] =	stream.linear.scatter [tilespmem:s31], [sflag:$0x3], $0x8000, $0x38;
	[tilespmem:$0x10100] =	vst v63  }
0x19b: {  	_ =	swait.ge [sflag:s13], $0x8000  }
0x19c: {  	[sflag:s13] =	ssyncset.done $0x0  }
0x19d: {  	[sflag:s13] =	ssyncadd.s32 $0xFFFF8000  }
0x19e: {  	v3 =	vld [tilespmem:$0x90];
	_ =	sdelay $0x4  }
0x19f: {  	v63 =	vshll.u32 v3, $0x4  }
0x1a0: {  	v3 =	vand.u32 $0x7, v3;
	v4 =	vand.u32 $0xFFFFFF80, v63  }
0x1a1: {  	v3 =	vor.u32 v3, v4  }
0x1a2: {  	v4 =	vperm.xlane v3, v0;
	_ =	sdelay $0x1  }
0x1a3: {  	v4 =	vadd.s32 v1, v4;
	_ =	sdelay $0x4  }
0x1a4: {  	[tilespmem:s31], [sflag:$0x2] =	stream.indirect_vreg.gather [hbm4b:s2+s3], $0x80, v4, vm0, $0xb8;
	[tilespmem:$0x10100] =	vst v63  }
0x1a5: {  	s22 =	simm.s32 $0x8900  }
0x1a6: {  	[tilespmem:s22], [sflag:$0x2] =	stream.indirect_vreg.gather [hbm4b:s5+s3], $0x80, v4, vm0, $0xb8;
	[tilespmem:$0x10100] =	vst v63  }
0x1a7: {  	s23 =	simm.s32 $0x9100  }
0x1a8: {  	[tilespmem:s23], [sflag:$0x2] =	stream.indirect_vreg.gather [hbm4b:s6+s3], $0x80, v4, vm0, $0xb8;
	[tilespmem:$0x10100] =	vst v63  }
0x1a9: {  	s24 =	simm.s32 $0x9900  }
0x1aa: {  	[tilespmem:s24], [sflag:$0x2] =	stream.indirect_vreg.gather [hbm4b:s7+s3], $0x80, v4, vm0, $0xb8;
	[tilespmem:$0x10100] =	vst v63  }
0x1ab: {  	s1 =	simm.s32 $0xA100  }
0x1ac: {  	[tilespmem:s1], [sflag:$0x2] =	stream.indirect_vreg.gather [hbm4b:s8+s3], $0x80, v4, vm0, $0xb8;
	[tilespmem:$0x10100] =	vst v63  }
0x1ad: {  	s4 =	simm.s32 $0xA900;
	v3 =	vperm.xlane v3, v2  }
0x1ae: {  	[tilespmem:s4], [sflag:$0x2] =	stream.indirect_vreg.gather [hbm4b:s9+s3], $0x80, v4, vm0, $0xb8;
	[tilespmem:$0x10100] =	vst v63  }
0x1af: {  	s14 =	simm.s32 $0xB100;
	v3 =	vadd.s32 v1, v3  }
0x1b0: {  	[tilespmem:s14], [sflag:$0x2] =	stream.indirect_vreg.gather [hbm4b:s10+s3], $0x80, v4, vm0, $0xb8;
	[tilespmem:$0x10100] =	vst v63  }
0x1b1: {  	s15 =	simm.s32 $0xB900  }
0x1b2: {  	[tilespmem:s15], [sflag:$0x2] =	stream.indirect_vreg.gather [hbm4b:s11+s3], $0x80, v4, vm0, $0xb8;
	[tilespmem:$0x10100] =	vst v63  }
0x1b3: {  	s16 =	simm.s32 $0xC100  }
0x1b4: {  	[tilespmem:s16], [sflag:$0x2] =	stream.indirect_vreg.gather [hbm4b:s2+s3], $0x80, v3, vm0, $0xb8;
	[tilespmem:$0x10100] =	vst v63  }
0x1b5: {  	s17 =	simm.s32 $0xC900  }
0x1b6: {  	[tilespmem:s17], [sflag:$0x2] =	stream.indirect_vreg.gather [hbm4b:s5+s3], $0x80, v3, vm0, $0xb8;
	[tilespmem:$0x10100] =	vst v63  }
0x1b7: {  	s18 =	simm.s32 $0xD100  }
0x1b8: {  	[tilespmem:s18], [sflag:$0x2] =	stream.indirect_vreg.gather [hbm4b:s6+s3], $0x80, v3, vm0, $0xb8;
	[tilespmem:$0x10100] =	vst v63  }
0x1b9: {  	s19 =	simm.s32 $0xD900  }
0x1ba: {  	[tilespmem:s19], [sflag:$0x2] =	stream.indirect_vreg.gather [hbm4b:s7+s3], $0x80, v3, vm0, $0xb8;
	[tilespmem:$0x10100] =	vst v63  }
0x1bb: {  	s20 =	simm.s32 $0xE100  }
0x1bc: {  	[tilespmem:s20], [sflag:$0x2] =	stream.indirect_vreg.gather [hbm4b:s8+s3], $0x80, v3, vm0, $0xb8;
	[tilespmem:$0x10100] =	vst v63  }
0x1bd: {  	s21 =	simm.s32 $0xE900  }
0x1be: {  	[tilespmem:s21], [sflag:$0x2] =	stream.indirect_vreg.gather [hbm4b:s9+s3], $0x80, v3, vm0, $0xb8;
	[tilespmem:$0x10100] =	vst v63  }
0x1bf: {  	s22 =	simm.s32 $0xF100  }
0x1c0: {  	[tilespmem:s22], [sflag:$0x2] =	stream.indirect_vreg.gather [hbm4b:s10+s3], $0x80, v3, vm0, $0xb8;
	[tilespmem:$0x10100] =	vst v63  }
0x1c1: {  	s23 =	simm.s32 $0xF900  }
0x1c2: {  	[tilespmem:s23], [sflag:$0x2] =	stream.indirect_vreg.gather [hbm4b:s11+s3], $0x80, v3, vm0, $0xb8;
	[tilespmem:$0x10100] =	vst v63  }
0x1c3: {  	_ =	swait.ge [sflag:s28], $0x8000  }
0x1c4: {  	[sflag:s28] =	ssyncset.done $0x0  }
0x1c5: {  	s24 =	rddreg [dreg:$0xb];
	[sflag:s28] =	ssyncadd.s32 $0xFFFF8000  }
0x1c6: {  	[hbm4b:s24+s3] =	stream.linear.scatter [tilespmem:s26], [sflag:$0x3], $0x8000, $0x38;
	[tilespmem:$0x10100] =	vst v63  }
0x1c7: {  	_ =	swait.ge [sflag:s13], $0x8000  }
0x1c8: {  	[sflag:s13] =	ssyncset.done $0x0  }
0x1c9: {  	[sflag:s13] =	ssyncadd.s32 $0xFFFF8000  }
0x1ca: {  	_ =	swait.ge [sflag:s29], $0x8000  }
0x1cb: {  	p0 =	sne.s32 s12, $0x1;
	[sflag:s29] =	ssyncset.done $0x0  }
.Ltmp0:
0x1cc: {  	s25 =	rddreg [dreg:$0xc];
	[sflag:s29] =	ssyncadd.s32 $0xFFFF8000;
	(pc) =	sbr.rel @p0 .LBB2_1-.Ltmp0, $4  }
0x1cd: {  	[hbm4b:s25+s3] =	stream.linear.scatter [tilespmem:s31], [sflag:$0x3], $0x8000, $0x38;
	[tilespmem:$0x10100] =	vst v63  }
0x1ce: {  	_ =	swait.ge [sflag:s13], $0x8000  }
0x1cf: {  	[sflag:s13] =	ssyncset.done $0x0  }
0x1d0: {  	s12 =	sadd.s32 $0xFFFFFFFF, s12;
	[sflag:s13] =	ssyncadd.s32 $0xFFFF8000  }
0x1d1: {  	_ =	sfence.sel $0x180000  }
0x1d2: {  	[bflag:$0x0] =	sbarrier.arrive $0xFFFF  }
0x1d3: {  	_ =	strace $0x9000004A  }
0x1d4: {  	s0 =	stileid.u32;
	[bflag:$0x2] =	sbarrier.arrive $0xFFFF  }
0x1d5: {  	p0 =	sne.s32 s0, $0x0;
	s0 =	rddreg [dreg:$0x2]  }
0x1d6: {  	s0 =	sadd.s32 @!p0 $0x100000, s0  }
0x1d7: {  	[sflag:s0] =	ssyncadd.tile.s32 @!p0 $0x1;
	_ =	shalt  }
.Lfunc_end2:
_tile_overlayer_lowered:
.L_overlay_start_2:
0x1d8: {  	(tag) =	ssettag $0x2  }
0x1d9: {  	s0 =	rddreg [dreg:$0x0];
	s2 =	stileid.u32  }
0x1da: {  	s1 =	rddreg [dreg:$0x1];
	p0 =	sne.s32 s2, $0x0  }
0x1db: {  	s3 =	rddreg [dreg:$0x2];
	[bflag:$0x3] =	sbarrier.arrive $0xFFFF;
	s2 =	simm.s32 @!p0 $0x1C03  }
0x1dc: {  	[timem:s3], [sflag:s2] =	dma.local @!p0 [hbm:s0], s1  }
0x1dd: {  	s0 =	simm.s32 @!p0 $0x3  }
0x1de: {  	_ =	swait.ge @!p0 [sflag:s0], s1  }
0x1df: {  	s1 =	ssub.s32 @!p0 $0x0, s1;
	[sflag:s0] =	ssyncset.done @!p0 $0x0  }
0x1e0: {  	[sflag:s0] =	ssyncadd.s32 @!p0 s1  }
0x1e1: {  	[bflag:$0x3] =	sbarrier.arrive $0xFFFF  }
0x1e2: {  	_ =	shalt  }

// kernel: kernel.14.cloned.1.call-start
scs
__scs_entry_jumppad:
0x0: {  	(pc) =	sbr.rel $0x88, $3  }
0x1: {  	(tag) =	ssettag $0x0;
	lr =	simm.s32 $0x1  }
0x2: {  	[smem:$0x3F9A] =	sst lr;
	_ =	strace $0xD0000000  }
0x3: {  	_ = 	snop  }
0x4: {  	_ = 	snop  }
0x5: {  	_ = 	snop  }
0x6: {  	_ = 	snop  }
0x7: {  	_ = 	snop  }
__scs_overlays_trampoline_lowered:
0x8: {  	[smem:$0x3FA9] =	sst s0  }
0x9: {  	[smem:$0x3FAA] =	sst s1  }
0xa: {  	[smem:$0x3FAB] =	sst s2  }
0xb: {  	[smem:$0x3FAC] =	sst s3  }
0xc: {  	[smem:$0x3FAD] =	sst s4  }
0xd: {  	[smem:$0x3FAE] =	sst s5  }
0xe: {  	[smem:$0x3FAF] =	sst s6  }
0xf: {  	[smem:$0x3FB0] =	sst s7  }
0x10: {  	[smem:$0x3FB1] =	sst s8  }
0x11: {  	[smem:$0x3FB2] =	sst s9;
	s0 =	simm.s32 @!p0 $0x0  }
0x12: {  	s1 =	sld [smem:$0x3F98];
	s0 =	simm.s32 @p0 $0x1  }
0x13: {  	[smem:$0x3FB3] =	sst s0;
	s0 =	simm.s32 @!p1 $0x0  }
0x14: {  	s2 =	sld [smem:$0x3F97];
	s0 =	simm.s32 @p1 $0x1  }
0x15: {  	[smem:$0x3FB4] =	sst s0;
	s0 =	simm.s32 @!p2 $0x0  }
0x16: {  	s3 =	sld [smem:$0x3FDB];
	s0 =	simm.s32 @p2 $0x1  }
0x17: {  	s4 =	simm.s32 $0x1BF5;
	[smem:$0x3FB6] =	sst s0  }
0x18: {  	s0 =	sld [smem:$0x3F99];
	_ =	swait.ge [sflag:s4], $0x0  }
0x19: {  	s7 =	sld [smem:$0x3F9A]  }
0x1a: {  	s8 =	sadd.s32 $0xFFFFE003, lr  }
0x1b: {  	s9 =	sadd.s32 $0xFFFFFEF7, lr;
	s5 =	simm.s32 $0xFFFFFFFF;
	p2 =	slt.u32 s8, $0xFFFFF086  }
0x1c: {  	p1 =	slt.u32 s9, $0xF7A;
	s5 =	simm.s32 @!p2 $0x0  }
0x1d: {  	s5 =	simm.s32 @p1 $0x1;
	p0 =	seq.s32 s7, s2  }
0x1e: {  	s7 =	smul.u32 @!p0 $0xF7A, s2;
	p2 =	seq.s32 @!p0 s5, $0x0  }
0x1f: {  	s9 =	smul.u32 $0xF7A, s1;
	s8 =	simm.s32 @!p0 $0x1BF5;
	p2 =	por !p2, p0  }
0x20: {  	[sflag:s8] =	ssyncset.s32 @!p0 $0xFFFFF086;
	s6 =	sadd.s32 @!p0 s3, s7;
	s7 =	simm.s32 @!p0 $0x108  }
0x21: {  	s3 =	sadd.s32 s3, s9;
	s6 =	sadd.s32 @!p0 $0x88, s6;
	s7 =	simm.s32 @p2 $0x1082  }
0x22: {  	[simem:s7], [sflag:s8] =	dma.local @!p0 [hbm:s6], $0xF7A  }
0x23: {  	s9 =	sor.u32 $0xD0000000, s2;
	s6 =	simm.s32 $0x108;
	_ =	swait.ge @!p0 [sflag:s8], $0x0  }
0x24: {  	s3 =	sadd.s32 $0x88, s3;
	s6 =	simm.s32 @!p1 $0x1082;
	[sflag:s4] =	ssyncset.s32 $0xFFFFF086  }
0x25: {  	[simem:s6], [sflag:s4] =	dma.local [hbm:s3], $0xF7A  }
0x26: {  	[smem:$0x3F9A] =	sst s1;
	(tag) =	ssettag s2;
	_ =	strace s9  }
0x27: {  	s1 =	sld [smem:$0x3FAA]  }
0x28: {  	s2 =	sld [smem:$0x3FAB]  }
0x29: {  	s4 =	sld [smem:$0x3FAD]  }
0x2a: {  	p0 =	seq.s32 s5, $0x0;
	s5 =	sld [smem:$0x3FAE]  }
0x2b: {  	s6 =	sld [smem:$0x3FAF]  }
0x2c: {  	s7 =	sld [smem:$0x3FB0]  }
0x2d: {  	s3 =	simm.s32 $0x108;
	s8 =	sld [smem:$0x3FB1]  }
0x2e: {  	s3 =	simm.s32 @!p0 $0x1082;
	s9 =	sld [smem:$0x3FB2]  }
0x2f: {  	lr =	sadd.s32 s0, s3;
	s0 =	sld [smem:$0x3FA9]  }
0x30: {  	s3 =	sld [smem:$0x3FAC]  }
0x31: {  	[smem:$0x3FB5] =	sst s10  }
0x32: {  	s10 =	sld [smem:$0x3FB3];
	_ =	sdelay $0x3  }
0x33: {  	p0 =	seq.s32 s10, $0x1;
	s10 =	sld [smem:$0x3FB5];
	_ =	sdelay $0x3  }
0x34: {  	[smem:$0x3FB5] =	sst s10  }
0x35: {  	s10 =	sld [smem:$0x3FB4];
	_ =	sdelay $0x3  }
0x36: {  	p1 =	seq.s32 s10, $0x1;
	s10 =	sld [smem:$0x3FB5];
	_ =	sdelay $0x3  }
0x37: {  	[smem:$0x3FB5] =	sst s10  }
0x38: {  	s10 =	sld [smem:$0x3FB6]  }
0x39: {  	_ = 	snop;
	(pc) =	sbr.ind lr, $3  }
0x3a: {  	_ = 	snop  }
0x3b: {  	_ = 	snop  }
0x3c: {  	p2 =	seq.s32 s10, $0x1;
	s10 =	sld [smem:$0x3FB5]  }
0x3d: {  	_ =	shalt  }
0x3e: {  	_ =	shalt  }
0x3f: {  	_ =	shalt  }
0x40: {  	_ =	shalt  }
0x41: {  	_ =	shalt  }
0x42: {  	_ =	shalt  }
0x43: {  	_ =	shalt  }
0x44: {  	_ =	shalt  }
0x45: {  	_ =	shalt  }
0x46: {  	_ =	shalt  }
0x47: {  	_ =	shalt  }
0x48: {  	_ =	shalt  }
0x49: {  	_ =	shalt  }
0x4a: {  	_ =	shalt  }
0x4b: {  	_ =	shalt  }
0x4c: {  	_ =	shalt  }
0x4d: {  	_ =	shalt  }
0x4e: {  	_ =	shalt  }
0x4f: {  	_ =	shalt  }
0x50: {  	_ =	shalt  }
0x51: {  	_ =	shalt  }
0x52: {  	_ =	shalt  }
0x53: {  	_ =	shalt  }
0x54: {  	_ =	shalt  }
0x55: {  	_ =	shalt  }
0x56: {  	_ =	shalt  }
0x57: {  	_ =	shalt  }
0x58: {  	_ =	shalt  }
0x59: {  	_ =	shalt  }
0x5a: {  	_ =	shalt  }
0x5b: {  	_ =	shalt  }
0x5c: {  	_ =	shalt  }
0x5d: {  	_ =	shalt  }
0x5e: {  	_ =	shalt  }
0x5f: {  	_ =	shalt  }
0x60: {  	_ =	shalt  }
0x61: {  	_ =	shalt  }
0x62: {  	_ =	shalt  }
0x63: {  	_ =	shalt  }
0x64: {  	_ =	shalt  }
0x65: {  	_ =	shalt  }
0x66: {  	_ =	shalt  }
0x67: {  	_ =	shalt  }
0x68: {  	_ =	shalt  }
0x69: {  	_ =	shalt  }
0x6a: {  	_ =	shalt  }
0x6b: {  	_ =	shalt  }
0x6c: {  	_ =	shalt  }
0x6d: {  	_ =	shalt  }
0x6e: {  	_ =	shalt  }
0x6f: {  	_ =	shalt  }
0x70: {  	_ =	shalt  }
0x71: {  	_ =	shalt  }
0x72: {  	_ =	shalt  }
0x73: {  	_ =	shalt  }
0x74: {  	_ =	shalt  }
0x75: {  	_ =	shalt  }
0x76: {  	_ =	shalt  }
0x77: {  	_ =	shalt  }
0x78: {  	_ =	shalt  }
0x79: {  	_ =	shalt  }
0x7a: {  	_ =	shalt  }
0x7b: {  	_ =	shalt  }
0x7c: {  	_ =	shalt  }
0x7d: {  	_ =	shalt  }
0x7e: {  	_ =	shalt  }
0x7f: {  	_ =	shalt  }
0x80: {  	_ =	shalt  }
0x81: {  	_ =	shalt  }
0x82: {  	_ =	shalt  }
0x83: {  	_ =	shalt  }
0x84: {  	_ =	shalt  }
0x85: {  	_ =	shalt  }
0x86: {  	_ =	shalt  }
0x87: {  	_ =	shalt  }
.Lfunc_end0:
.L_simem_size_0:
called_computation.2_lowered:
.L_overlay_start_0:
0x88: {  	s2 =	sld [smem:$0x3FD9]  }
0x89: {  	s3 =	sld [smem:$0x3FFE];
	_ =	sdelay $0x1  }
0x8a: {  	s1 =	srdreg.scid  }
0x8b: {  	s0 =	sand.u32 $0x1, s1  }
0x8c: {  	s17 =	sshll.u32 s0, $0xA;
	s2 =	sadd.s32 s3, s2  }
0x8d: {  	s2 =	sadd.s32 s2, s17  }
0x8e: {  	[smem:$0x3FC1] =	sst s2  }
0x8f: {  	_ = 	snop  }
0x90: {  	s2 =	sld [smem:$0x3FD0];
	(tm) =	ssettm $0x1  }
0x91: {  	s18 =	sld [smem:$0x3FFB];
	_ =	sdelay $0x3  }
0x92: {  	_ =	strace s18  }
0x93: {  	s3 =	sld [smem:$0x3FFC];
	_ =	sdelay $0x3  }
0x94: {  	_ =	strace s3  }
0x95: {  	s3 =	sld [smem:$0x3FFD];
	_ =	sdelay $0x3  }
0x96: {  	_ =	strace s3  }
0x97: {  	_ =	strace $0x8FFFFFFF  }
0x98: {  	s19 =	sld [smem:$0x3FDB];
	_ =	sdelay $0x1  }
0x99: {  	s4 =	simm.s32 $_scs_section_size  }
0x9a: {  	s5 =	simm.s32 $_size__tile_overlayer_lowered;
	s6 =	simm.s32 $_tile_overlayer_lowered  }
0x9b: {  	s22 =	simm.s32 $0x1BFF;
	s21 =	sshll.u32 s6, $0x1;
	s3 =	sadd.s32 s4, s19  }
0x9c: {  	s7 =	simm.s32 $0x0;
	s20 =	sshll.u32 s5, $0x1;
	s5 =	sadd.s32 s21, s3  }
0x9d: {  	[timem:s7], [sflag:s22] =	dma.local [hbm:s5], s20  }
0x9e: {  	_ =	swait.ge [sflag:s22], s20  }
0x9f: {  	s4 =	ssub.s32 $0x0, s20;
	[sflag:s22] =	ssyncset.done $0x0  }
0xa0: {  	[sflag:s22] =	ssyncadd.s32 s4;
	_ =	sdelay $0x1  }
0xa1: {  	s23 =	simm.s32 $0x1B8B  }
0xa2: {  	_ =	swait.ge [sflag:s23], $0x1  }
0xa3: {  	[sflag:s23] =	ssyncset.done $0x0  }
0xa4: {  	s25 =	simm.s32 $0x1B8E;
	s24 =	sld [smem:$0x3FFE];
	[sflag:s23] =	ssyncadd.s32 $0xFFFFFFFF  }
0xa5: {  	s26 =	simm.s32 $execute0_lowered;
	[smem:$0x3FD2] =	sst s25  }
0xa6: {  	s5 =	sshll.u32 s26, $0x1;
	_ =	strace $0x8000004C;
	[dreg:$0x1] =	wrdreg $0xFFFFFFFF  }
0xa7: {  	s28 =	simm.s32 $_size_execute0_lowered;
	s3 =	sadd.s32 s3, s5;
	[dreg:$0x0] =	wrdreg $0x0  }
0xa8: {  	s5 =	sshll.u32 s28, $0x1;
	[dreg:$0x2] =	wrdreg s3  }
0xa9: {  	[dreg:$0x3] =	wrdreg s5  }
0xaa: {  	[dreg:$0x4] =	wrdreg $0xC0  }
0xab: {  	_ =	task [dreg:s7], $0x5FFFF  }
0xac: {  	[dreg:$0x1] =	wrdreg $0xFFFFFFFF  }
0xad: {  	[dreg:$0x0] =	wrdreg $0x60  }
0xae: {  	[dreg:$0x2] =	wrdreg s24  }
0xaf: {  	[dreg:$0x3] =	wrdreg s2  }
0xb0: {  	[dreg:$0x4] =	wrdreg $0x9  }
0xb1: {  	_ =	task.clear_ibuf [dreg:s7], $0x5FFFF;
	_ =	strace $0x9000004C  }
0xb2: {  	s29 =	simm.s32 $0x9;
	_ =	strace $0x8000004E  }
0xb3: {  	_ =	swait.ge [sflag:s29], $0x1  }
0xb4: {  	[sflag:s29] =	ssyncadd.s32 $0xFFFFFFFF  }
0xb5: {  	_ =	strace $0x9000004E  }
0xb6: {  	_ =	sfence  }
0xb7: {  	s30 =	sld [smem:$0x0];
	_ =	sdelay $0x2  }
0xb8: {  	s31 =	sshll.u32 s1, $0xD;
	s1 =	sshrl.u32 s1, $0x2  }
0xb9: {  	s3 =	sand.u32 $0x4000, s31;
	s1 =	sadd.s32 s1, s30  }
0xba: {  	s0 =	sor.u32 s3, s0;
	s1 =	sshll.u32 s1, $0x11  }
0xbb: {  	s0 =	sor.u32 s1, s0  }
0xbc: {  	s0 =	sadd.s32 $0x8F2B, s0  }
0xbd: {  	[sflag:s0] =	ssyncadd.remote.s32 $0x1  }
0xbe: {  	_ =	sfence.sel $0xFFFF  }
0xbf: {  	[dreg:$0x0] =	wrdreg $0xFFFFFFFF;
	(pc) =	sbr.abs _section_cstart, $3  }
0xc0: {  	[dreg:$0x1] =	wrdreg $0xFFFFFFFF  }
0xc1: {  	_ =	task.clear_ibuf [dreg:s7], $0x2FFFF;
	_ =	strace $0x9FFFFFFF  }
0xc2: {  	(tm) =	ssettm $0x7FFFFFFF  }
0xc3: {  	_ =	shalt  }
tec
execute0_lowered:
.L_overlay_start_1:
0x0: {  	(tag) =	ssettag $0x1  }
0x1: {  	s0 =	rddreg [dreg:$0x0]  }
0x2: {  	s1 =	rddreg [dreg:$0x1];
	s3 =	srdreg.scid  }
0x3: {  	s2 =	simm.s32 $0x0;
	s8 =	stileid.u32;
	s31 =	simm.s32 $0x3  }
0x4: {  	s12 =	simm.s32 $0xE100;
	s4 =	sand.u32 $0x1, s3;
	[smem:$0x7FF] =	sst s2  }
0x5: {  	s5 =	sshll.u32 s8, $0x7;
	s8 =	sshll.u32 s8, $0xF;
	s9 =	sadd.s32 $0x444A00, s0  }
0x6: {  	s28 =	sadd.s32 $0x4C5000, s0;
	s29 =	sadd.s32 $0x4C5100, s0;
	s3 =	sshll.u32 s4, $0x3  }
0x7: {  	_ =	strace $0x8000004D;
	s6 =	ssub.s32 $0x2, s4;
	s4 =	sshll.u32 s4, $0xE  }
0x8: {  	s5 =	sor.u32 s3, s5;
	s3 =	sadd.s32 $0x4C4A00, s0;
	s7 =	sshrl.u32 s6, $0x1  }
0x9: {  	s4 =	sor.u32 s4, s8;
	s5 =	sadd.s32 s5, s0;
	s7 =	ssub.s32 s6, s7  }
0xa: {  	s14 =	sor.u32 $0x800, s4;
	s6 =	sadd.s32 $0x4C4B00, s0;
	s8 =	sadd.s32 s9, s4  }
0xb: {  	s16 =	sadd.s32 s1, s4;
	s17 =	sor.u32 $0x1000, s4;
	[dreg:$0x5] =	wrdreg s8  }
0xc: {  	s10 =	sor.u32 $0x1800, s4;
	s13 =	sadd.s32 $0x3800, s5;
	[dreg:$0x7] =	wrdreg s16  }
0xd: {  	s20 =	sor.u32 $0x2000, s4;
	s5 =	sadd.s32 $0x3810, s5;
	[dreg:$0x3] =	wrdreg s13  }
0xe: {  	s21 =	sor.u32 $0x2800, s4;
	s15 =	sadd.s32 s9, s14;
	[dreg:$0x4] =	wrdreg s5  }
0xf: {  	s24 =	sor.u32 $0x3000, s4;
	s11 =	sadd.s32 s9, s17;
	[dreg:$0x6] =	wrdreg s15  }
0x10: {  	s4 =	sor.u32 $0x3800, s4;
	s18 =	sadd.s32 s9, s10;
	[dreg:$0x8] =	wrdreg s11  }
0x11: {  	s19 =	sadd.s32 s1, s17;
	s22 =	sadd.s32 s9, s20;
	[dreg:$0xa] =	wrdreg s18  }
0x12: {  	s10 =	sadd.s32 s1, s10;
	s23 =	sadd.s32 s9, s21;
	[dreg:$0xb] =	wrdreg s19  }
0x13: {  	s25 =	sadd.s32 s9, s24;
	s8 =	sadd.s32 s1, s21;
	[dreg:$0xc] =	wrdreg s22  }
0x14: {  	s26 =	sadd.s32 s9, s4;
	s30 =	smax.u32 s7, $0x1;
	[dreg:$0xd] =	wrdreg s10  }
0x15: {  	s9 =	simm.s32 $0xC900;
	s16 =	simm.s32 $0x14100;
	[dreg:$0xe] =	wrdreg s23  }
0x16: {  	s17 =	simm.s32 $0x1;
	s5 =	sadd.s32 s1, s14;
	[dreg:$0x10] =	wrdreg s25  }
0x17: {  	[dreg:$0x11] =	wrdreg s8;
	s22 =	sadd.s32 $0x4C4C00, s0;
	s23 =	sadd.s32 $0x4C4D00, s0  }
0x18: {  	[dreg:$0x12] =	wrdreg s26;
	s25 =	sadd.s32 $0x4C4E00, s0;
	s26 =	sadd.s32 $0x4C4F00, s0  }
0x19: {  	[dreg:$0x15] =	wrdreg s30;
	s8 =	simm.s32 $0xC100;
	s10 =	simm.s32 $0xD100  }
0x1a: {  	s11 =	simm.s32 $0xD900;
	s13 =	simm.s32 $0xE900;
	s14 =	simm.s32 $0xF100  }
0x1b: {  	s15 =	simm.s32 $0xF900;
	[dreg:$0x9] =	wrdreg s5;
	s5 =	sadd.s32 s1, s20  }
0x1c: {  	v0 =	vlaneseq.u32;
	s18 =	simm.s32 $0x2;
	[dreg:$0xf] =	wrdreg s5;
	s5 =	sadd.s32 s1, s24  }
0x1d: {  	v1 =	vshrl.u32 v0, $0x3;
	s19 =	simm.s32 $0x0;
	s1 =	sadd.s32 s1, s4;
	[dreg:$0x13] =	wrdreg s5  }
0x1e: {  	vm0 =	vmmov $0xffff;
	v0 =	vand.u32 $0x7, v0;
	v1 =	vmul.u32 $0x8, v1;
	s20 =	simm.s32 $0x4100;
	[dreg:$0x14] =	wrdreg s1;
	s1 =	simm.s32 $0x100  }
.LBB2_1:
0x1f: {  	s0 =	rddreg [dreg:$0x3]  }
0x20: {  	[tilespmem:s2], [sflag:$0x3] =	stream.linear.gather [hbm4b:s0+s2], $0x40, $0x38;
	[tilespmem:$0x18100] =	vst v63  }
0x21: {  	_ =	swait.ge [sflag:s31], $0x40  }
0x22: {  	[sflag:s31] =	ssyncset.done $0x0  }
0x23: {  	s4 =	simm.s32 $0x80;
	s24 =	rddreg [dreg:$0x4];
	[sflag:s31] =	ssyncadd.s32 $0xFFFFFFC0  }
0x24: {  	[tilespmem:s4], [sflag:$0x3] =	stream.linear.gather [hbm4b:s24+s2], $0x40, $0x38;
	[tilespmem:$0x18100] =	vst v63  }
0x25: {  	_ =	swait.ge [sflag:s31], $0x40  }
0x26: {  	[sflag:s31] =	ssyncset.done $0x0  }
0x27: {  	[sflag:s31] =	ssyncadd.s32 $0xFFFFFFC0  }
0x28: {  	v2 =	vld.msk [tilespmem:$0x0], $0xff;
	_ =	sdelay $0x4  }
0x29: {  	v3 =	vshll.u32 v2, $0x4  }
0x2a: {  	v2 =	vand.u32 $0x7, v2;
	v3 =	vand.u32 $0xFFFFFF80, v3  }
0x2b: {  	v2 =	vor.u32 v2, v3  }
0x2c: {  	v2 =	vperm.xlane v2, v0;
	_ =	sdelay $0x1  }
0x2d: {  	v2 =	vadd.s32 v1, v2;
	_ =	sdelay $0x4  }
0x2e: {  	[tilespmem:s1], [sflag:$0x1] =	stream.indirect_vreg.gather [hbm4b:s3+s2], $0x80, v2, vm0, $0xb8;
	[tilespmem:$0x18100] =	vst v63  }
0x2f: {  	s30 =	simm.s32 $0x900  }
0x30: {  	[tilespmem:s30], [sflag:$0x1] =	stream.indirect_vreg.gather [hbm4b:s6+s2], $0x80, v2, vm0, $0xb8;
	[tilespmem:$0x18100] =	vst v63  }
0x31: {  	s4 =	simm.s32 $0x1100  }
0x32: {  	[tilespmem:s4], [sflag:$0x1] =	stream.indirect_vreg.gather [hbm4b:s22+s2], $0x80, v2, vm0, $0xb8;
	[tilespmem:$0x18100] =	vst v63  }
0x33: {  	s5 =	simm.s32 $0x1900  }
0x34: {  	[tilespmem:s5], [sflag:$0x1] =	stream.indirect_vreg.gather [hbm4b:s23+s2], $0x80, v2, vm0, $0xb8;
	[tilespmem:$0x18100] =	vst v63  }
0x35: {  	s7 =	simm.s32 $0x2100  }
0x36: {  	[tilespmem:s7], [sflag:$0x1] =	stream.indirect_vreg.gather [hbm4b:s25+s2], $0x80, v2, vm0, $0xb8;
	[tilespmem:$0x18100] =	vst v63  }
0x37: {  	s21 =	simm.s32 $0x2900  }
0x38: {  	[tilespmem:s21], [sflag:$0x1] =	stream.indirect_vreg.gather [hbm4b:s26+s2], $0x80, v2, vm0, $0xb8;
	[tilespmem:$0x18100] =	vst v63  }
0x39: {  	s24 =	simm.s32 $0x3100  }
0x3a: {  	[tilespmem:s24], [sflag:$0x1] =	stream.indirect_vreg.gather [hbm4b:s28+s2], $0x80, v2, vm0, $0xb8;
	[tilespmem:$0x18100] =	vst v63  }
0x3b: {  	s30 =	simm.s32 $0x3900  }
0x3c: {  	[tilespmem:s30], [sflag:$0x1] =	stream.indirect_vreg.gather [hbm4b:s29+s2], $0x80, v2, vm0, $0xb8;
	[tilespmem:$0x18100] =	vst v63  }
0x3d: {  	v2 =	vld.msk [tilespmem:$0x80], $0xff;
	_ =	sdelay $0x4  }
0x3e: {  	v3 =	vshll.u32 v2, $0x4  }
0x3f: {  	v2 =	vand.u32 $0x7, v2;
	v3 =	vand.u32 $0xFFFFFF80, v3  }
0x40: {  	v2 =	vor.u32 v2, v3  }
0x41: {  	v2 =	vperm.xlane v2, v0;
	_ =	sdelay $0x1  }
0x42: {  	v2 =	vadd.s32 v1, v2;
	_ =	sdelay $0x3  }
0x43: {  	s4 =	simm.s32 $0x8100  }
0x44: {  	[tilespmem:s4], [sflag:$0x1] =	stream.indirect_vreg.gather [hbm4b:s3+s2], $0x80, v2, vm0, $0xb8;
	[tilespmem:$0x18100] =	vst v63  }
0x45: {  	s5 =	simm.s32 $0x8900  }
0x46: {  	[tilespmem:s5], [sflag:$0x1] =	stream.indirect_vreg.gather [hbm4b:s6+s2], $0x80, v2, vm0, $0xb8;
	[tilespmem:$0x18100] =	vst v63  }
0x47: {  	s7 =	simm.s32 $0x9100  }
0x48: {  	[tilespmem:s7], [sflag:$0x1] =	stream.indirect_vreg.gather [hbm4b:s22+s2], $0x80, v2, vm0, $0xb8;
	[tilespmem:$0x18100] =	vst v63  }
0x49: {  	s21 =	simm.s32 $0x9900  }
0x4a: {  	[tilespmem:s21], [sflag:$0x1] =	stream.indirect_vreg.gather [hbm4b:s23+s2], $0x80, v2, vm0, $0xb8;
	[tilespmem:$0x18100] =	vst v63  }
0x4b: {  	s24 =	simm.s32 $0xA100  }
0x4c: {  	[tilespmem:s24], [sflag:$0x1] =	stream.indirect_vreg.gather [hbm4b:s25+s2], $0x80, v2, vm0, $0xb8;
	[tilespmem:$0x18100] =	vst v63  }
0x4d: {  	s30 =	simm.s32 $0xA900  }
0x4e: {  	[tilespmem:s30], [sflag:$0x1] =	stream.indirect_vreg.gather [hbm4b:s26+s2], $0x80, v2, vm0, $0xb8;
	[tilespmem:$0x18100] =	vst v63  }
0x4f: {  	s4 =	simm.s32 $0xB100  }
0x50: {  	[tilespmem:s4], [sflag:$0x1] =	stream.indirect_vreg.gather [hbm4b:s28+s2], $0x80, v2, vm0, $0xb8;
	[tilespmem:$0x18100] =	vst v63  }
0x51: {  	s5 =	simm.s32 $0xB900  }
0x52: {  	[tilespmem:s5], [sflag:$0x1] =	stream.indirect_vreg.gather [hbm4b:s29+s2], $0x80, v2, vm0, $0xb8;
	[tilespmem:$0x18100] =	vst v63  }
0x53: {  	s7 =	rddreg [dreg:$0x5];
	s21 =	simm.s32 $0x10100  }
0x54: {  	[tilespmem:s21], [sflag:$0x1] =	stream.linear.gather [hbm4b:s7+s2], $0x4000, $0x38;
	[tilespmem:$0x18100] =	vst v63  }
0x55: {  	v2 =	vld.msk [tilespmem:$0x8], $0xff;
	_ =	sdelay $0x4  }
0x56: {  	v3 =	vshll.u32 v2, $0x4  }
0x57: {  	v2 =	vand.u32 $0x7, v2;
	v3 =	vand.u32 $0xFFFFFF80, v3  }
0x58: {  	v2 =	vor.u32 v2, v3  }
0x59: {  	v2 =	vperm.xlane v2, v0;
	_ =	sdelay $0x1  }
0x5a: {  	v2 =	vadd.s32 v1, v2;
	_ =	sdelay $0x4  }
0x5b: {  	[tilespmem:s20], [sflag:$0x2] =	stream.indirect_vreg.gather [hbm4b:s3+s2], $0x80, v2, vm0, $0xb8;
	[tilespmem:$0x18100] =	vst v63  }
0x5c: {  	s24 =	simm.s32 $0x4900  }
0x5d: {  	[tilespmem:s24], [sflag:$0x2] =	stream.indirect_vreg.gather [hbm4b:s6+s2], $0x80, v2, vm0, $0xb8;
	[tilespmem:$0x18100] =	vst v63  }
0x5e: {  	s30 =	simm.s32 $0x5100  }
0x5f: {  	[tilespmem:s30], [sflag:$0x2] =	stream.indirect_vreg.gather [hbm4b:s22+s2], $0x80, v2, vm0, $0xb8;
	[tilespmem:$0x18100] =	vst v63  }
0x60: {  	s4 =	simm.s32 $0x5900  }
0x61: {  	[tilespmem:s4], [sflag:$0x2] =	stream.indirect_vreg.gather [hbm4b:s23+s2], $0x80, v2, vm0, $0xb8;
	[tilespmem:$0x18100] =	vst v63  }
0x62: {  	s5 =	simm.s32 $0x6100  }
0x63: {  	[tilespmem:s5], [sflag:$0x2] =	stream.indirect_vreg.gather [hbm4b:s25+s2], $0x80, v2, vm0, $0xb8;
	[tilespmem:$0x18100] =	vst v63  }
0x64: {  	s7 =	simm.s32 $0x6900  }
0x65: {  	[tilespmem:s7], [sflag:$0x2] =	stream.indirect_vreg.gather [hbm4b:s26+s2], $0x80, v2, vm0, $0xb8;
	[tilespmem:$0x18100] =	vst v63  }
0x66: {  	s21 =	simm.s32 $0x7100  }
0x67: {  	[tilespmem:s21], [sflag:$0x2] =	stream.indirect_vreg.gather [hbm4b:s28+s2], $0x80, v2, vm0, $0xb8;
	[tilespmem:$0x18100] =	vst v63  }
0x68: {  	s24 =	simm.s32 $0x7900  }
0x69: {  	[tilespmem:s24], [sflag:$0x2] =	stream.indirect_vreg.gather [hbm4b:s29+s2], $0x80, v2, vm0, $0xb8;
	[tilespmem:$0x18100] =	vst v63  }
0x6a: {  	v2 =	vld.msk [tilespmem:$0x88], $0xff;
	_ =	sdelay $0x4  }
0x6b: {  	v3 =	vshll.u32 v2, $0x4  }
0x6c: {  	v2 =	vand.u32 $0x7, v2;
	v3 =	vand.u32 $0xFFFFFF80, v3  }
0x6d: {  	v2 =	vor.u32 v2, v3  }
0x6e: {  	v2 =	vperm.xlane v2, v0;
	_ =	sdelay $0x1  }
0x6f: {  	v2 =	vadd.s32 v1, v2;
	_ =	sdelay $0x4  }
0x70: {  	[tilespmem:s8], [sflag:$0x2] =	stream.indirect_vreg.gather [hbm4b:s3+s2], $0x80, v2, vm0, $0xb8;
	[tilespmem:$0x18100] =	vst v63  }
0x71: {  	_ = 	snop  }
0x72: {  	[tilespmem:s9], [sflag:$0x2] =	stream.indirect_vreg.gather [hbm4b:s6+s2], $0x80, v2, vm0, $0xb8;
	[tilespmem:$0x18100] =	vst v63  }
0x73: {  	_ = 	snop  }
0x74: {  	[tilespmem:s10], [sflag:$0x2] =	stream.indirect_vreg.gather [hbm4b:s22+s2], $0x80, v2, vm0, $0xb8;
	[tilespmem:$0x18100] =	vst v63  }
0x75: {  	_ = 	snop  }
0x76: {  	[tilespmem:s11], [sflag:$0x2] =	stream.indirect_vreg.gather [hbm4b:s23+s2], $0x80, v2, vm0, $0xb8;
	[tilespmem:$0x18100] =	vst v63  }
0x77: {  	_ = 	snop  }
0x78: {  	[tilespmem:s12], [sflag:$0x2] =	stream.indirect_vreg.gather [hbm4b:s25+s2], $0x80, v2, vm0, $0xb8;
	[tilespmem:$0x18100] =	vst v63  }
0x79: {  	_ = 	snop  }
0x7a: {  	[tilespmem:s13], [sflag:$0x2] =	stream.indirect_vreg.gather [hbm4b:s26+s2], $0x80, v2, vm0, $0xb8;
	[tilespmem:$0x18100] =	vst v63  }
0x7b: {  	_ = 	snop  }
0x7c: {  	[tilespmem:s14], [sflag:$0x2] =	stream.indirect_vreg.gather [hbm4b:s28+s2], $0x80, v2, vm0, $0xb8;
	[tilespmem:$0x18100] =	vst v63  }
0x7d: {  	_ = 	snop  }
0x7e: {  	[tilespmem:s15], [sflag:$0x2] =	stream.indirect_vreg.gather [hbm4b:s29+s2], $0x80, v2, vm0, $0xb8;
	[tilespmem:$0x18100] =	vst v63  }
0x7f: {  	s30 =	rddreg [dreg:$0x6]  }
0x80: {  	[tilespmem:s16], [sflag:$0x2] =	stream.linear.gather [hbm4b:s30+s2], $0x4000, $0x38;
	[tilespmem:$0x18100] =	vst v63  }
0x81: {  	_ =	swait.ge [sflag:s17], $0x4000  }
0x82: {  	[sflag:s17] =	ssyncset.done $0x0  }
0x83: {  	[sflag:s17] =	ssyncadd.s32 $0xFFFFC000  }
0x84: {  	_ =	swait.ge [sflag:s17], $0x4000  }
0x85: {  	[sflag:s17] =	ssyncset.done $0x0  }
0x86: {  	[sflag:s17] =	ssyncadd.s32 $0xFFFFC000  }
0x87: {  	_ =	swait.ge [sflag:s17], $0x4000  }
0x88: {  	[sflag:s17] =	ssyncset.done $0x0  }
0x89: {  	s21 =	simm.s32 $0x0;
	[sflag:s17] =	ssyncadd.s32 $0xFFFFC000  }
.LBB2_2:
0x8a: {  	s0 =	simm.s32 $0x0  }
0x8b: {  	s4 =	sand.u32 $0x78, s0  }
0x8c: {  	s4 =	sadd.s32 s21, s4  }
0x8d: {  	s0 =	sand.u32 $0x70, s0;
	s4 =	sshll.u32 s4, $0x7  }
0x8e: {  	s24 =	sor.u32 s0, s4  }
0x8f: {  	v3 =	vld [tilespmem:s24+$0x8100]  }
0x90: {  	v4 =	vld [tilespmem:s24+$0x100];
	_ =	sdelay $0x1  }
0x91: {  	v2 =	vld [tilespmem:s24+$0x10100];
	_ =	sdelay $0x1  }
0x92: {  	s7 =	simm.s32 $0x1  }
0x93: {  	s0 =	sand.u32 $0x78, s7;
	v3 =	vadd.f32 v3, v4  }
0x94: {  	s30 =	simm.s32 $0x10;
	s4 =	sadd.s32 s21, s0;
	s0 =	simm.s32 $0x2  }
.LBB2_3:
0x95: {  	p0 =	sne.s32 s0, $0x7F;
	s5 =	sand.u32 $0x70, s30;
	s4 =	sshll.u32 s4, $0x7;
	v2 =	vadd.f32 v2, v3  }
0x96: {  	s4 =	sor.u32 s5, s4  }
0x97: {  	v3 =	vld [tilespmem:s4+$0x8100];
	[tilespmem:s24+$0x100] =	vst v2;
	s24 =	smov.u32 s4  }
0x98: {  	v4 =	vld [tilespmem:s24+$0x100];
	_ =	sdelay $0x1  }
.Ltmp0:
0x99: {  	v2 =	vld [tilespmem:s24+$0x10100];
	(pc) =	sbr.rel @p0 .LBB2_3-.Ltmp0, $3  }
0x9a: {  	_ =	sdelay $0x1  }
0x9b: {  	s4 =	sand.u32 $0x78, s0;
	v3 =	vadd.f32 v3, v4  }
0x9c: {  	s30 =	sadd.s32 $0x10, s30;
	s0 =	sadd.s32 $0x1, s0;
	s4 =	sadd.s32 s21, s4  }
0x9d: {  	s0 =	sand.u32 $0x70, s30;
	s4 =	sshll.u32 s4, $0x7;
	v2 =	vadd.f32 v2, v3  }
0x9e: {  	s0 =	sor.u32 s0, s4  }
0x9f: {  	v3 =	vld [tilespmem:s0+$0x8100];
	[tilespmem:s24+$0x100] =	vst v2  }
0xa0: {  	v2 =	vld [tilespmem:s0+$0x100];
	_ =	sdelay $0x1  }
0xa1: {  	v4 =	vld [tilespmem:s0+$0x10100]  }
0xa2: {  	s21 =	sadd.s32 $0x1, s21  }
0xa3: {  	p0 =	sne.s32 s21, $0x8  }
.Ltmp1:
0xa4: {  	v2 =	vadd.f32 v3, v2;
	(pc) =	sbr.rel @p0 .LBB2_2-.Ltmp1, $3  }
0xa5: {  	_ = 	snop  }
0xa6: {  	v2 =	vadd.f32 v4, v2;
	_ =	sdelay $0x1  }
0xa7: {  	[tilespmem:s0+$0x100] =	vst v2  }
0xa8: {  	s21 =	simm.s32 $0x0;
	s0 =	rddreg [dreg:$0x7]  }
0xa9: {  	[hbm4b:s0+s21] =	stream.linear.scatter [tilespmem:s1], [sflag:$0x3], $0x4000, $0x38;
	[tilespmem:$0x18100] =	vst v63  }
0xaa: {  	_ =	swait.ge [sflag:s31], $0x4000  }
0xab: {  	[sflag:s31] =	ssyncset.done $0x0  }
0xac: {  	[sflag:s31] =	ssyncadd.s32 $0xFFFFC000  }
0xad: {  	v2 =	vld.msk [tilespmem:$0x10], $0xff;
	_ =	sdelay $0x4  }
0xae: {  	v3 =	vshll.u32 v2, $0x4  }
0xaf: {  	v2 =	vand.u32 $0x7, v2;
	v3 =	vand.u32 $0xFFFFFF80, v3  }
0xb0: {  	v2 =	vor.u32 v2, v3  }
0xb1: {  	v2 =	vperm.xlane v2, v0;
	_ =	sdelay $0x1  }
0xb2: {  	v2 =	vadd.s32 v1, v2;
	_ =	sdelay $0x4  }
0xb3: {  	[tilespmem:s1], [sflag:$0x1] =	stream.indirect_vreg.gather [hbm4b:s3+s21], $0x80, v2, vm0, $0xb8;
	[tilespmem:$0x18100] =	vst v63  }
0xb4: {  	s30 =	simm.s32 $0x900  }
0xb5: {  	[tilespmem:s30], [sflag:$0x1] =	stream.indirect_vreg.gather [hbm4b:s6+s21], $0x80, v2, vm0, $0xb8;
	[tilespmem:$0x18100] =	vst v63  }
0xb6: {  	s4 =	simm.s32 $0x1100  }
0xb7: {  	[tilespmem:s4], [sflag:$0x1] =	stream.indirect_vreg.gather [hbm4b:s22+s21], $0x80, v2, vm0, $0xb8;
	[tilespmem:$0x18100] =	vst v63  }
0xb8: {  	s5 =	simm.s32 $0x1900  }
0xb9: {  	[tilespmem:s5], [sflag:$0x1] =	stream.indirect_vreg.gather [hbm4b:s23+s21], $0x80, v2, vm0, $0xb8;
	[tilespmem:$0x18100] =	vst v63  }
0xba: {  	s7 =	simm.s32 $0x2100  }
0xbb: {  	[tilespmem:s7], [sflag:$0x1] =	stream.indirect_vreg.gather [hbm4b:s25+s21], $0x80, v2, vm0, $0xb8;
	[tilespmem:$0x18100] =	vst v63  }
0xbc: {  	s24 =	simm.s32 $0x2900  }
0xbd: {  	[tilespmem:s24], [sflag:$0x1] =	stream.indirect_vreg.gather [hbm4b:s26+s21], $0x80, v2, vm0, $0xb8;
	[tilespmem:$0x18100] =	vst v63  }
0xbe: {  	s30 =	simm.s32 $0x3100  }
0xbf: {  	[tilespmem:s30], [sflag:$0x1] =	stream.indirect_vreg.gather [hbm4b:s28+s21], $0x80, v2, vm0, $0xb8;
	[tilespmem:$0x18100] =	vst v63  }
0xc0: {  	s4 =	simm.s32 $0x3900  }
0xc1: {  	[tilespmem:s4], [sflag:$0x1] =	stream.indirect_vreg.gather [hbm4b:s29+s21], $0x80, v2, vm0, $0xb8;
	[tilespmem:$0x18100] =	vst v63  }
0xc2: {  	v2 =	vld.msk [tilespmem:$0x90], $0xff;
	_ =	sdelay $0x4  }
0xc3: {  	v3 =	vshll.u32 v2, $0x4  }
0xc4: {  	v2 =	vand.u32 $0x7, v2;
	v3 =	vand.u32 $0xFFFFFF80, v3  }
0xc5: {  	v2 =	vor.u32 v2, v3  }
0xc6: {  	v2 =	vperm.xlane v2, v0;
	_ =	sdelay $0x1  }
0xc7: {  	v2 =	vadd.s32 v1, v2;
	_ =	sdelay $0x3  }
0xc8: {  	s5 =	simm.s32 $0x8100  }
0xc9: {  	[tilespmem:s5], [sflag:$0x1] =	stream.indirect_vreg.gather [hbm4b:s3+s21], $0x80, v2, vm0, $0xb8;
	[tilespmem:$0x18100] =	vst v63  }
0xca: {  	s7 =	simm.s32 $0x8900  }
0xcb: {  	[tilespmem:s7], [sflag:$0x1] =	stream.indirect_vreg.gather [hbm4b:s6+s21], $0x80, v2, vm0, $0xb8;
	[tilespmem:$0x18100] =	vst v63  }
0xcc: {  	s24 =	simm.s32 $0x9100  }
0xcd: {  	[tilespmem:s24], [sflag:$0x1] =	stream.indirect_vreg.gather [hbm4b:s22+s21], $0x80, v2, vm0, $0xb8;
	[tilespmem:$0x18100] =	vst v63  }
0xce: {  	s30 =	simm.s32 $0x9900  }
0xcf: {  	[tilespmem:s30], [sflag:$0x1] =	stream.indirect_vreg.gather [hbm4b:s23+s21], $0x80, v2, vm0, $0xb8;
	[tilespmem:$0x18100] =	vst v63  }
0xd0: {  	s4 =	simm.s32 $0xA100  }
0xd1: {  	[tilespmem:s4], [sflag:$0x1] =	stream.indirect_vreg.gather [hbm4b:s25+s21], $0x80, v2, vm0, $0xb8;
	[tilespmem:$0x18100] =	vst v63  }
0xd2: {  	s5 =	simm.s32 $0xA900  }
0xd3: {  	[tilespmem:s5], [sflag:$0x1] =	stream.indirect_vreg.gather [hbm4b:s26+s21], $0x80, v2, vm0, $0xb8;
	[tilespmem:$0x18100] =	vst v63  }
0xd4: {  	s7 =	simm.s32 $0xB100  }
0xd5: {  	[tilespmem:s7], [sflag:$0x1] =	stream.indirect_vreg.gather [hbm4b:s28+s21], $0x80, v2, vm0, $0xb8;
	[tilespmem:$0x18100] =	vst v63  }
0xd6: {  	s24 =	simm.s32 $0xB900  }
0xd7: {  	[tilespmem:s24], [sflag:$0x1] =	stream.indirect_vreg.gather [hbm4b:s29+s21], $0x80, v2, vm0, $0xb8;
	[tilespmem:$0x18100] =	vst v63  }
0xd8: {  	s30 =	rddreg [dreg:$0x8];
	s4 =	simm.s32 $0x10100  }
0xd9: {  	[tilespmem:s4], [sflag:$0x1] =	stream.linear.gather [hbm4b:s30+s21], $0x4000, $0x38;
	[tilespmem:$0x18100] =	vst v63  }
0xda: {  	_ =	swait.ge [sflag:s18], $0x4000  }
0xdb: {  	[sflag:s18] =	ssyncset.done $0x0  }
0xdc: {  	[sflag:s18] =	ssyncadd.s32 $0xFFFFC000  }
0xdd: {  	_ =	swait.ge [sflag:s18], $0x4000  }
0xde: {  	[sflag:s18] =	ssyncset.done $0x0  }
0xdf: {  	[sflag:s18] =	ssyncadd.s32 $0xFFFFC000  }
0xe0: {  	_ =	swait.ge [sflag:s18], $0x4000  }
0xe1: {  	[sflag:s18] =	ssyncset.done $0x0  }
0xe2: {  	s24 =	simm.s32 $0x0;
	[sflag:s18] =	ssyncadd.s32 $0xFFFFC000  }
.LBB2_6:
0xe3: {  	s0 =	sand.u32 $0x78, s21  }
0xe4: {  	s0 =	sadd.s32 s24, s0  }
0xe5: {  	s4 =	sand.u32 $0x70, s21;
	s0 =	sshll.u32 s0, $0x7  }
0xe6: {  	s30 =	sor.u32 s4, s0  }
0xe7: {  	v3 =	vld [tilespmem:s30+$0xC100]  }
0xe8: {  	v4 =	vld [tilespmem:s30+$0x4100];
	_ =	sdelay $0x1  }
0xe9: {  	v2 =	vld [tilespmem:s30+$0x14100];
	_ =	sdelay $0x1  }
0xea: {  	s7 =	simm.s32 $0x1  }
0xeb: {  	s0 =	sand.u32 $0x78, s7;
	v3 =	vadd.f32 v3, v4  }
0xec: {  	s4 =	simm.s32 $0x2;
	s5 =	sadd.s32 s24, s0;
	s0 =	simm.s32 $0x10  }
.LBB2_7:
0xed: {  	p0 =	sne.s32 s4, $0x7F;
	s7 =	sand.u32 $0x70, s0;
	s5 =	sshll.u32 s5, $0x7;
	v2 =	vadd.f32 v2, v3  }
0xee: {  	s5 =	sor.u32 s7, s5  }
0xef: {  	v3 =	vld [tilespmem:s5+$0xC100];
	[tilespmem:s30+$0x4100] =	vst v2;
	s30 =	smov.u32 s5  }
0xf0: {  	v4 =	vld [tilespmem:s30+$0x4100];
	_ =	sdelay $0x1  }
.Ltmp2:
0xf1: {  	v2 =	vld [tilespmem:s30+$0x14100];
	(pc) =	sbr.rel @p0 .LBB2_7-.Ltmp2, $3  }
0xf2: {  	_ =	sdelay $0x1  }
0xf3: {  	s5 =	sand.u32 $0x78, s4;
	v3 =	vadd.f32 v3, v4  }
0xf4: {  	s0 =	sadd.s32 $0x10, s0;
	s4 =	sadd.s32 $0x1, s4;
	s5 =	sadd.s32 s24, s5  }
0xf5: {  	s0 =	sand.u32 $0x70, s0;
	s4 =	sshll.u32 s5, $0x7;
	v2 =	vadd.f32 v2, v3  }
0xf6: {  	s0 =	sor.u32 s0, s4  }
0xf7: {  	v3 =	vld [tilespmem:s0+$0xC100];
	[tilespmem:s30+$0x4100] =	vst v2  }
0xf8: {  	v2 =	vld [tilespmem:s0+$0x4100];
	_ =	sdelay $0x1  }
0xf9: {  	v4 =	vld [tilespmem:s0+$0x14100]  }
0xfa: {  	s24 =	sadd.s32 $0x1, s24  }
0xfb: {  	p0 =	sne.s32 s24, $0x8  }
.Ltmp3:
0xfc: {  	v2 =	vadd.f32 v3, v2;
	(pc) =	sbr.rel @p0 .LBB2_6-.Ltmp3, $3  }
0xfd: {  	_ = 	snop  }
0xfe: {  	v2 =	vadd.f32 v4, v2;
	_ =	sdelay $0x1  }
0xff: {  	[tilespmem:s0+$0x4100] =	vst v2  }
0x100: {  	s21 =	simm.s32 $0x0;
	s0 =	rddreg [dreg:$0x9]  }
0x101: {  	[hbm4b:s0+s21] =	stream.linear.scatter [tilespmem:s20], [sflag:$0x3], $0x4000, $0x38;
	[tilespmem:$0x18100] =	vst v63  }
0x102: {  	_ =	swait.ge [sflag:s31], $0x4000  }
0x103: {  	[sflag:s31] =	ssyncset.done $0x0  }
0x104: {  	[sflag:s31] =	ssyncadd.s32 $0xFFFFC000  }
0x105: {  	v2 =	vld.msk [tilespmem:$0x18], $0xff;
	_ =	sdelay $0x4  }
0x106: {  	v3 =	vshll.u32 v2, $0x4  }
0x107: {  	v2 =	vand.u32 $0x7, v2;
	v3 =	vand.u32 $0xFFFFFF80, v3  }
0x108: {  	v2 =	vor.u32 v2, v3  }
0x109: {  	v2 =	vperm.xlane v2, v0;
	_ =	sdelay $0x1  }
0x10a: {  	v2 =	vadd.s32 v1, v2;
	_ =	sdelay $0x4  }
0x10b: {  	[tilespmem:s20], [sflag:$0x2] =	stream.indirect_vreg.gather [hbm4b:s3+s21], $0x80, v2, vm0, $0xb8;
	[tilespmem:$0x18100] =	vst v63  }
0x10c: {  	s7 =	simm.s32 $0x4900  }
0x10d: {  	[tilespmem:s7], [sflag:$0x2] =	stream.indirect_vreg.gather [hbm4b:s6+s21], $0x80, v2, vm0, $0xb8;
	[tilespmem:$0x18100] =	vst v63  }
0x10e: {  	s24 =	simm.s32 $0x5100  }
0x10f: {  	[tilespmem:s24], [sflag:$0x2] =	stream.indirect_vreg.gather [hbm4b:s22+s21], $0x80, v2, vm0, $0xb8;
	[tilespmem:$0x18100] =	vst v63  }
0x110: {  	s30 =	simm.s32 $0x5900  }
0x111: {  	[tilespmem:s30], [sflag:$0x2] =	stream.indirect_vreg.gather [hbm4b:s23+s21], $0x80, v2, vm0, $0xb8;
	[tilespmem:$0x18100] =	vst v63  }
0x112: {  	s4 =	simm.s32 $0x6100  }
0x113: {  	[tilespmem:s4], [sflag:$0x2] =	stream.indirect_vreg.gather [hbm4b:s25+s21], $0x80, v2, vm0, $0xb8;
	[tilespmem:$0x18100] =	vst v63  }
0x114: {  	s5 =	simm.s32 $0x6900  }
0x115: {  	[tilespmem:s5], [sflag:$0x2] =	stream.indirect_vreg.gather [hbm4b:s26+s21], $0x80, v2, vm0, $0xb8;
	[tilespmem:$0x18100] =	vst v63  }
0x116: {  	s7 =	simm.s32 $0x7100  }
0x117: {  	[tilespmem:s7], [sflag:$0x2] =	stream.indirect_vreg.gather [hbm4b:s28+s21], $0x80, v2, vm0, $0xb8;
	[tilespmem:$0x18100] =	vst v63  }
0x118: {  	s24 =	simm.s32 $0x7900  }
0x119: {  	[tilespmem:s24], [sflag:$0x2] =	stream.indirect_vreg.gather [hbm4b:s29+s21], $0x80, v2, vm0, $0xb8;
	[tilespmem:$0x18100] =	vst v63  }
0x11a: {  	v2 =	vld.msk [tilespmem:$0x98], $0xff;
	_ =	sdelay $0x4  }
0x11b: {  	v3 =	vshll.u32 v2, $0x4  }
0x11c: {  	v2 =	vand.u32 $0x7, v2;
	v3 =	vand.u32 $0xFFFFFF80, v3  }
0x11d: {  	v2 =	vor.u32 v2, v3  }
0x11e: {  	v2 =	vperm.xlane v2, v0;
	_ =	sdelay $0x1  }
0x11f: {  	v2 =	vadd.s32 v1, v2;
	_ =	sdelay $0x4  }
0x120: {  	[tilespmem:s8], [sflag:$0x2] =	stream.indirect_vreg.gather [hbm4b:s3+s21], $0x80, v2, vm0, $0xb8;
	[tilespmem:$0x18100] =	vst v63  }
0x121: {  	_ = 	snop  }
0x122: {  	[tilespmem:s9], [sflag:$0x2] =	stream.indirect_vreg.gather [hbm4b:s6+s21], $0x80, v2, vm0, $0xb8;
	[tilespmem:$0x18100] =	vst v63  }
0x123: {  	_ = 	snop  }
0x124: {  	[tilespmem:s10], [sflag:$0x2] =	stream.indirect_vreg.gather [hbm4b:s22+s21], $0x80, v2, vm0, $0xb8;
	[tilespmem:$0x18100] =	vst v63  }
0x125: {  	_ = 	snop  }
0x126: {  	[tilespmem:s11], [sflag:$0x2] =	stream.indirect_vreg.gather [hbm4b:s23+s21], $0x80, v2, vm0, $0xb8;
	[tilespmem:$0x18100] =	vst v63  }
0x127: {  	_ = 	snop  }
0x128: {  	[tilespmem:s12], [sflag:$0x2] =	stream.indirect_vreg.gather [hbm4b:s25+s21], $0x80, v2, vm0, $0xb8;
	[tilespmem:$0x18100] =	vst v63  }
0x129: {  	_ = 	snop  }
0x12a: {  	[tilespmem:s13], [sflag:$0x2] =	stream.indirect_vreg.gather [hbm4b:s26+s21], $0x80, v2, vm0, $0xb8;
	[tilespmem:$0x18100] =	vst v63  }
0x12b: {  	_ = 	snop  }
0x12c: {  	[tilespmem:s14], [sflag:$0x2] =	stream.indirect_vreg.gather [hbm4b:s28+s21], $0x80, v2, vm0, $0xb8;
	[tilespmem:$0x18100] =	vst v63  }
0x12d: {  	_ = 	snop  }
0x12e: {  	[tilespmem:s15], [sflag:$0x2] =	stream.indirect_vreg.gather [hbm4b:s29+s21], $0x80, v2, vm0, $0xb8;
	[tilespmem:$0x18100] =	vst v63  }
0x12f: {  	s30 =	rddreg [dreg:$0xa]  }
0x130: {  	[tilespmem:s16], [sflag:$0x2] =	stream.linear.gather [hbm4b:s30+s21], $0x4000, $0x38;
	[tilespmem:$0x18100] =	vst v63  }
0x131: {  	_ =	swait.ge [sflag:s17], $0x4000  }
0x132: {  	[sflag:s17] =	ssyncset.done $0x0  }
0x133: {  	[sflag:s17] =	ssyncadd.s32 $0xFFFFC000  }
0x134: {  	_ =	swait.ge [sflag:s17], $0x4000  }
0x135: {  	[sflag:s17] =	ssyncset.done $0x0  }
0x136: {  	[sflag:s17] =	ssyncadd.s32 $0xFFFFC000  }
0x137: {  	_ =	swait.ge [sflag:s17], $0x4000  }
0x138: {  	[sflag:s17] =	ssyncset.done $0x0  }
0x139: {  	s24 =	simm.s32 $0x0;
	[sflag:s17] =	ssyncadd.s32 $0xFFFFC000  }
.LBB2_10:
0x13a: {  	s0 =	sand.u32 $0x78, s21  }
0x13b: {  	s0 =	sadd.s32 s24, s0  }
0x13c: {  	s4 =	sand.u32 $0x70, s21;
	s0 =	sshll.u32 s0, $0x7  }
0x13d: {  	s30 =	sor.u32 s4, s0  }
0x13e: {  	v3 =	vld [tilespmem:s30+$0x8100]  }
0x13f: {  	v4 =	vld [tilespmem:s30+$0x100];
	_ =	sdelay $0x1  }
0x140: {  	v2 =	vld [tilespmem:s30+$0x10100];
	_ =	sdelay $0x1  }
0x141: {  	s7 =	simm.s32 $0x1  }
0x142: {  	s0 =	sand.u32 $0x78, s7;
	v3 =	vadd.f32 v3, v4  }
0x143: {  	s4 =	simm.s32 $0x2;
	s5 =	sadd.s32 s24, s0;
	s0 =	simm.s32 $0x10  }
.LBB2_11:
0x144: {  	p0 =	sne.s32 s4, $0x7F;
	s7 =	sand.u32 $0x70, s0;
	s5 =	sshll.u32 s5, $0x7;
	v2 =	vadd.f32 v2, v3  }
0x145: {  	s5 =	sor.u32 s7, s5  }
0x146: {  	v3 =	vld [tilespmem:s5+$0x8100];
	[tilespmem:s30+$0x100] =	vst v2;
	s30 =	smov.u32 s5  }
0x147: {  	v4 =	vld [tilespmem:s30+$0x100];
	_ =	sdelay $0x1  }
.Ltmp4:
0x148: {  	v2 =	vld [tilespmem:s30+$0x10100];
	(pc) =	sbr.rel @p0 .LBB2_11-.Ltmp4, $3  }
0x149: {  	_ =	sdelay $0x1  }
0x14a: {  	s5 =	sand.u32 $0x78, s4;
	v3 =	vadd.f32 v3, v4  }
0x14b: {  	s0 =	sadd.s32 $0x10, s0;
	s4 =	sadd.s32 $0x1, s4;
	s5 =	sadd.s32 s24, s5  }
0x14c: {  	s0 =	sand.u32 $0x70, s0;
	s4 =	sshll.u32 s5, $0x7;
	v2 =	vadd.f32 v2, v3  }
0x14d: {  	s0 =	sor.u32 s0, s4  }
0x14e: {  	v3 =	vld [tilespmem:s0+$0x8100];
	[tilespmem:s30+$0x100] =	vst v2  }
0x14f: {  	v2 =	vld [tilespmem:s0+$0x100];
	_ =	sdelay $0x1  }
0x150: {  	v4 =	vld [tilespmem:s0+$0x10100]  }
0x151: {  	s24 =	sadd.s32 $0x1, s24  }
0x152: {  	p0 =	sne.s32 s24, $0x8  }
.Ltmp5:
0x153: {  	v2 =	vadd.f32 v3, v2;
	(pc) =	sbr.rel @p0 .LBB2_10-.Ltmp5, $3  }
0x154: {  	_ = 	snop  }
0x155: {  	v2 =	vadd.f32 v4, v2;
	_ =	sdelay $0x1  }
0x156: {  	[tilespmem:s0+$0x100] =	vst v2  }
0x157: {  	s21 =	simm.s32 $0x0;
	s0 =	rddreg [dreg:$0xb]  }
0x158: {  	[hbm4b:s0+s21] =	stream.linear.scatter [tilespmem:s1], [sflag:$0x3], $0x4000, $0x38;
	[tilespmem:$0x18100] =	vst v63  }
0x159: {  	_ =	swait.ge [sflag:s31], $0x4000  }
0x15a: {  	[sflag:s31] =	ssyncset.done $0x0  }
0x15b: {  	[sflag:s31] =	ssyncadd.s32 $0xFFFFC000  }
0x15c: {  	v2 =	vld.msk [tilespmem:$0x20], $0xff;
	_ =	sdelay $0x4  }
0x15d: {  	v3 =	vshll.u32 v2, $0x4  }
0x15e: {  	v2 =	vand.u32 $0x7, v2;
	v3 =	vand.u32 $0xFFFFFF80, v3  }
0x15f: {  	v2 =	vor.u32 v2, v3  }
0x160: {  	v2 =	vperm.xlane v2, v0;
	_ =	sdelay $0x1  }
0x161: {  	v2 =	vadd.s32 v1, v2;
	_ =	sdelay $0x4  }
0x162: {  	[tilespmem:s1], [sflag:$0x1] =	stream.indirect_vreg.gather [hbm4b:s3+s21], $0x80, v2, vm0, $0xb8;
	[tilespmem:$0x18100] =	vst v63  }
0x163: {  	s30 =	simm.s32 $0x900  }
0x164: {  	[tilespmem:s30], [sflag:$0x1] =	stream.indirect_vreg.gather [hbm4b:s6+s21], $0x80, v2, vm0, $0xb8;
	[tilespmem:$0x18100] =	vst v63  }
0x165: {  	s4 =	simm.s32 $0x1100  }
0x166: {  	[tilespmem:s4], [sflag:$0x1] =	stream.indirect_vreg.gather [hbm4b:s22+s21], $0x80, v2, vm0, $0xb8;
	[tilespmem:$0x18100] =	vst v63  }
0x167: {  	s5 =	simm.s32 $0x1900  }
0x168: {  	[tilespmem:s5], [sflag:$0x1] =	stream.indirect_vreg.gather [hbm4b:s23+s21], $0x80, v2, vm0, $0xb8;
	[tilespmem:$0x18100] =	vst v63  }
0x169: {  	s7 =	simm.s32 $0x2100  }
0x16a: {  	[tilespmem:s7], [sflag:$0x1] =	stream.indirect_vreg.gather [hbm4b:s25+s21], $0x80, v2, vm0, $0xb8;
	[tilespmem:$0x18100] =	vst v63  }
0x16b: {  	s24 =	simm.s32 $0x2900  }
0x16c: {  	[tilespmem:s24], [sflag:$0x1] =	stream.indirect_vreg.gather [hbm4b:s26+s21], $0x80, v2, vm0, $0xb8;
	[tilespmem:$0x18100] =	vst v63  }
0x16d: {  	s30 =	simm.s32 $0x3100  }
0x16e: {  	[tilespmem:s30], [sflag:$0x1] =	stream.indirect_vreg.gather [hbm4b:s28+s21], $0x80, v2, vm0, $0xb8;
	[tilespmem:$0x18100] =	vst v63  }
0x16f: {  	s4 =	simm.s32 $0x3900  }
0x170: {  	[tilespmem:s4], [sflag:$0x1] =	stream.indirect_vreg.gather [hbm4b:s29+s21], $0x80, v2, vm0, $0xb8;
	[tilespmem:$0x18100] =	vst v63  }
0x171: {  	v2 =	vld.msk [tilespmem:$0xA0], $0xff;
	_ =	sdelay $0x4  }
0x172: {  	v3 =	vshll.u32 v2, $0x4  }
0x173: {  	v2 =	vand.u32 $0x7, v2;
	v3 =	vand.u32 $0xFFFFFF80, v3  }
0x174: {  	v2 =	vor.u32 v2, v3  }
0x175: {  	v2 =	vperm.xlane v2, v0;
	_ =	sdelay $0x1  }
0x176: {  	v2 =	vadd.s32 v1, v2;
	_ =	sdelay $0x3  }
0x177: {  	s5 =	simm.s32 $0x8100  }
0x178: {  	[tilespmem:s5], [sflag:$0x1] =	stream.indirect_vreg.gather [hbm4b:s3+s21], $0x80, v2, vm0, $0xb8;
	[tilespmem:$0x18100] =	vst v63  }
0x179: {  	s7 =	simm.s32 $0x8900  }
0x17a: {  	[tilespmem:s7], [sflag:$0x1] =	stream.indirect_vreg.gather [hbm4b:s6+s21], $0x80, v2, vm0, $0xb8;
	[tilespmem:$0x18100] =	vst v63  }
0x17b: {  	s24 =	simm.s32 $0x9100  }
0x17c: {  	[tilespmem:s24], [sflag:$0x1] =	stream.indirect_vreg.gather [hbm4b:s22+s21], $0x80, v2, vm0, $0xb8;
	[tilespmem:$0x18100] =	vst v63  }
0x17d: {  	s30 =	simm.s32 $0x9900  }
0x17e: {  	[tilespmem:s30], [sflag:$0x1] =	stream.indirect_vreg.gather [hbm4b:s23+s21], $0x80, v2, vm0, $0xb8;
	[tilespmem:$0x18100] =	vst v63  }
0x17f: {  	s4 =	simm.s32 $0xA100  }
0x180: {  	[tilespmem:s4], [sflag:$0x1] =	stream.indirect_vreg.gather [hbm4b:s25+s21], $0x80, v2, vm0, $0xb8;
	[tilespmem:$0x18100] =	vst v63  }
0x181: {  	s5 =	simm.s32 $0xA900  }
0x182: {  	[tilespmem:s5], [sflag:$0x1] =	stream.indirect_vreg.gather [hbm4b:s26+s21], $0x80, v2, vm0, $0xb8;
	[tilespmem:$0x18100] =	vst v63  }
0x183: {  	s7 =	simm.s32 $0xB100  }
0x184: {  	[tilespmem:s7], [sflag:$0x1] =	stream.indirect_vreg.gather [hbm4b:s28+s21], $0x80, v2, vm0, $0xb8;
	[tilespmem:$0x18100] =	vst v63  }
0x185: {  	s24 =	simm.s32 $0xB900  }
0x186: {  	[tilespmem:s24], [sflag:$0x1] =	stream.indirect_vreg.gather [hbm4b:s29+s21], $0x80, v2, vm0, $0xb8;
	[tilespmem:$0x18100] =	vst v63  }
0x187: {  	s30 =	rddreg [dreg:$0xc];
	s4 =	simm.s32 $0x10100  }
0x188: {  	[tilespmem:s4], [sflag:$0x1] =	stream.linear.gather [hbm4b:s30+s21], $0x4000, $0x38;
	[tilespmem:$0x18100] =	vst v63  }
0x189: {  	_ =	swait.ge [sflag:s18], $0x4000  }
0x18a: {  	[sflag:s18] =	ssyncset.done $0x0  }
0x18b: {  	[sflag:s18] =	ssyncadd.s32 $0xFFFFC000  }
0x18c: {  	_ =	swait.ge [sflag:s18], $0x4000  }
0x18d: {  	[sflag:s18] =	ssyncset.done $0x0  }
0x18e: {  	[sflag:s18] =	ssyncadd.s32 $0xFFFFC000  }
0x18f: {  	_ =	swait.ge [sflag:s18], $0x4000  }
0x190: {  	[sflag:s18] =	ssyncset.done $0x0  }
0x191: {  	s24 =	simm.s32 $0x0;
	[sflag:s18] =	ssyncadd.s32 $0xFFFFC000  }
.LBB2_14:
0x192: {  	s0 =	sand.u32 $0x78, s21  }
0x193: {  	s0 =	sadd.s32 s24, s0  }
0x194: {  	s4 =	sand.u32 $0x70, s21;
	s0 =	sshll.u32 s0, $0x7  }
0x195: {  	s30 =	sor.u32 s4, s0  }
0x196: {  	v3 =	vld [tilespmem:s30+$0xC100]  }
0x197: {  	v4 =	vld [tilespmem:s30+$0x4100];
	_ =	sdelay $0x1  }
0x198: {  	v2 =	vld [tilespmem:s30+$0x14100];
	_ =	sdelay $0x1  }
0x199: {  	s7 =	simm.s32 $0x1  }
0x19a: {  	s0 =	sand.u32 $0x78, s7;
	v3 =	vadd.f32 v3, v4  }
0x19b: {  	s4 =	simm.s32 $0x2;
	s5 =	sadd.s32 s24, s0;
	s0 =	simm.s32 $0x10  }
.LBB2_15:
0x19c: {  	p0 =	sne.s32 s4, $0x7F;
	s7 =	sand.u32 $0x70, s0;
	s5 =	sshll.u32 s5, $0x7;
	v2 =	vadd.f32 v2, v3  }
0x19d: {  	s5 =	sor.u32 s7, s5  }
0x19e: {  	v3 =	vld [tilespmem:s5+$0xC100];
	[tilespmem:s30+$0x4100] =	vst v2;
	s30 =	smov.u32 s5  }
0x19f: {  	v4 =	vld [tilespmem:s30+$0x4100];
	_ =	sdelay $0x1  }
.Ltmp6:
0x1a0: {  	v2 =	vld [tilespmem:s30+$0x14100];
	(pc) =	sbr.rel @p0 .LBB2_15-.Ltmp6, $3  }
0x1a1: {  	_ =	sdelay $0x1  }
0x1a2: {  	s5 =	sand.u32 $0x78, s4;
	v3 =	vadd.f32 v3, v4  }
0x1a3: {  	s0 =	sadd.s32 $0x10, s0;
	s4 =	sadd.s32 $0x1, s4;
	s5 =	sadd.s32 s24, s5  }
0x1a4: {  	s0 =	sand.u32 $0x70, s0;
	s4 =	sshll.u32 s5, $0x7;
	v2 =	vadd.f32 v2, v3  }
0x1a5: {  	s0 =	sor.u32 s0, s4  }
0x1a6: {  	v3 =	vld [tilespmem:s0+$0xC100];
	[tilespmem:s30+$0x4100] =	vst v2  }
0x1a7: {  	v2 =	vld [tilespmem:s0+$0x4100];
	_ =	sdelay $0x1  }
0x1a8: {  	v4 =	vld [tilespmem:s0+$0x14100]  }
0x1a9: {  	s24 =	sadd.s32 $0x1, s24  }
0x1aa: {  	p0 =	sne.s32 s24, $0x8  }
.Ltmp7:
0x1ab: {  	v2 =	vadd.f32 v3, v2;
	(pc) =	sbr.rel @p0 .LBB2_14-.Ltmp7, $3  }
0x1ac: {  	_ = 	snop  }
0x1ad: {  	v2 =	vadd.f32 v4, v2;
	_ =	sdelay $0x1  }
0x1ae: {  	[tilespmem:s0+$0x4100] =	vst v2  }
0x1af: {  	s21 =	simm.s32 $0x0;
	s0 =	rddreg [dreg:$0xd]  }
0x1b0: {  	[hbm4b:s0+s21] =	stream.linear.scatter [tilespmem:s20], [sflag:$0x3], $0x4000, $0x38;
	[tilespmem:$0x18100] =	vst v63  }
0x1b1: {  	_ =	swait.ge [sflag:s31], $0x4000  }
0x1b2: {  	[sflag:s31] =	ssyncset.done $0x0  }
0x1b3: {  	[sflag:s31] =	ssyncadd.s32 $0xFFFFC000  }
0x1b4: {  	v2 =	vld.msk [tilespmem:$0x28], $0xff;
	_ =	sdelay $0x4  }
0x1b5: {  	v3 =	vshll.u32 v2, $0x4  }
0x1b6: {  	v2 =	vand.u32 $0x7, v2;
	v3 =	vand.u32 $0xFFFFFF80, v3  }
0x1b7: {  	v2 =	vor.u32 v2, v3  }
0x1b8: {  	v2 =	vperm.xlane v2, v0;
	_ =	sdelay $0x1  }
0x1b9: {  	v2 =	vadd.s32 v1, v2;
	_ =	sdelay $0x4  }
0x1ba: {  	[tilespmem:s20], [sflag:$0x2] =	stream.indirect_vreg.gather [hbm4b:s3+s21], $0x80, v2, vm0, $0xb8;
	[tilespmem:$0x18100] =	vst v63  }
0x1bb: {  	s7 =	simm.s32 $0x4900  }
0x1bc: {  	[tilespmem:s7], [sflag:$0x2] =	stream.indirect_vreg.gather [hbm4b:s6+s21], $0x80, v2, vm0, $0xb8;
	[tilespmem:$0x18100] =	vst v63  }
0x1bd: {  	s24 =	simm.s32 $0x5100  }
0x1be: {  	[tilespmem:s24], [sflag:$0x2] =	stream.indirect_vreg.gather [hbm4b:s22+s21], $0x80, v2, vm0, $0xb8;
	[tilespmem:$0x18100] =	vst v63  }
0x1bf: {  	s30 =	simm.s32 $0x5900  }
0x1c0: {  	[tilespmem:s30], [sflag:$0x2] =	stream.indirect_vreg.gather [hbm4b:s23+s21], $0x80, v2, vm0, $0xb8;
	[tilespmem:$0x18100] =	vst v63  }
0x1c1: {  	s4 =	simm.s32 $0x6100  }
0x1c2: {  	[tilespmem:s4], [sflag:$0x2] =	stream.indirect_vreg.gather [hbm4b:s25+s21], $0x80, v2, vm0, $0xb8;
	[tilespmem:$0x18100] =	vst v63  }
0x1c3: {  	s5 =	simm.s32 $0x6900  }
0x1c4: {  	[tilespmem:s5], [sflag:$0x2] =	stream.indirect_vreg.gather [hbm4b:s26+s21], $0x80, v2, vm0, $0xb8;
	[tilespmem:$0x18100] =	vst v63  }
0x1c5: {  	s7 =	simm.s32 $0x7100  }
0x1c6: {  	[tilespmem:s7], [sflag:$0x2] =	stream.indirect_vreg.gather [hbm4b:s28+s21], $0x80, v2, vm0, $0xb8;
	[tilespmem:$0x18100] =	vst v63  }
0x1c7: {  	s24 =	simm.s32 $0x7900  }
0x1c8: {  	[tilespmem:s24], [sflag:$0x2] =	stream.indirect_vreg.gather [hbm4b:s29+s21], $0x80, v2, vm0, $0xb8;
	[tilespmem:$0x18100] =	vst v63  }
0x1c9: {  	v2 =	vld.msk [tilespmem:$0xA8], $0xff;
	_ =	sdelay $0x4  }
0x1ca: {  	v3 =	vshll.u32 v2, $0x4  }
0x1cb: {  	v2 =	vand.u32 $0x7, v2;
	v3 =	vand.u32 $0xFFFFFF80, v3  }
0x1cc: {  	v2 =	vor.u32 v2, v3  }
0x1cd: {  	v2 =	vperm.xlane v2, v0;
	_ =	sdelay $0x1  }
0x1ce: {  	v2 =	vadd.s32 v1, v2;
	_ =	sdelay $0x4  }
0x1cf: {  	[tilespmem:s8], [sflag:$0x2] =	stream.indirect_vreg.gather [hbm4b:s3+s21], $0x80, v2, vm0, $0xb8;
	[tilespmem:$0x18100] =	vst v63  }
0x1d0: {  	_ = 	snop  }
0x1d1: {  	[tilespmem:s9], [sflag:$0x2] =	stream.indirect_vreg.gather [hbm4b:s6+s21], $0x80, v2, vm0, $0xb8;
	[tilespmem:$0x18100] =	vst v63  }
0x1d2: {  	_ = 	snop  }
0x1d3: {  	[tilespmem:s10], [sflag:$0x2] =	stream.indirect_vreg.gather [hbm4b:s22+s21], $0x80, v2, vm0, $0xb8;
	[tilespmem:$0x18100] =	vst v63  }
0x1d4: {  	_ = 	snop  }
0x1d5: {  	[tilespmem:s11], [sflag:$0x2] =	stream.indirect_vreg.gather [hbm4b:s23+s21], $0x80, v2, vm0, $0xb8;
	[tilespmem:$0x18100] =	vst v63  }
0x1d6: {  	_ = 	snop  }
0x1d7: {  	[tilespmem:s12], [sflag:$0x2] =	stream.indirect_vreg.gather [hbm4b:s25+s21], $0x80, v2, vm0, $0xb8;
	[tilespmem:$0x18100] =	vst v63  }
0x1d8: {  	_ = 	snop  }
0x1d9: {  	[tilespmem:s13], [sflag:$0x2] =	stream.indirect_vreg.gather [hbm4b:s26+s21], $0x80, v2, vm0, $0xb8;
	[tilespmem:$0x18100] =	vst v63  }
0x1da: {  	_ = 	snop  }
0x1db: {  	[tilespmem:s14], [sflag:$0x2] =	stream.indirect_vreg.gather [hbm4b:s28+s21], $0x80, v2, vm0, $0xb8;
	[tilespmem:$0x18100] =	vst v63  }
0x1dc: {  	_ = 	snop  }
0x1dd: {  	[tilespmem:s15], [sflag:$0x2] =	stream.indirect_vreg.gather [hbm4b:s29+s21], $0x80, v2, vm0, $0xb8;
	[tilespmem:$0x18100] =	vst v63  }
0x1de: {  	s30 =	rddreg [dreg:$0xe]  }
0x1df: {  	[tilespmem:s16], [sflag:$0x2] =	stream.linear.gather [hbm4b:s30+s21], $0x4000, $0x38;
	[tilespmem:$0x18100] =	vst v63  }
0x1e0: {  	_ =	swait.ge [sflag:s17], $0x4000  }
0x1e1: {  	[sflag:s17] =	ssyncset.done $0x0  }
0x1e2: {  	[sflag:s17] =	ssyncadd.s32 $0xFFFFC000  }
0x1e3: {  	_ =	swait.ge [sflag:s17], $0x4000  }
0x1e4: {  	[sflag:s17] =	ssyncset.done $0x0  }
0x1e5: {  	[sflag:s17] =	ssyncadd.s32 $0xFFFFC000  }
0x1e6: {  	_ =	swait.ge [sflag:s17], $0x4000  }
0x1e7: {  	[sflag:s17] =	ssyncset.done $0x0  }
0x1e8: {  	s24 =	simm.s32 $0x0;
	[sflag:s17] =	ssyncadd.s32 $0xFFFFC000  }
.LBB2_18:
0x1e9: {  	s0 =	sand.u32 $0x78, s21  }
0x1ea: {  	s0 =	sadd.s32 s24, s0  }
0x1eb: {  	s4 =	sand.u32 $0x70, s21;
	s0 =	sshll.u32 s0, $0x7  }
0x1ec: {  	s30 =	sor.u32 s4, s0  }
0x1ed: {  	v3 =	vld [tilespmem:s30+$0x8100]  }
0x1ee: {  	v4 =	vld [tilespmem:s30+$0x100];
	_ =	sdelay $0x1  }
0x1ef: {  	v2 =	vld [tilespmem:s30+$0x10100];
	_ =	sdelay $0x1  }
0x1f0: {  	s7 =	simm.s32 $0x1  }
0x1f1: {  	s0 =	sand.u32 $0x78, s7;
	v3 =	vadd.f32 v3, v4  }
0x1f2: {  	s4 =	simm.s32 $0x2;
	s5 =	sadd.s32 s24, s0;
	s0 =	simm.s32 $0x10  }
.LBB2_19:
0x1f3: {  	p0 =	sne.s32 s4, $0x7F;
	s7 =	sand.u32 $0x70, s0;
	s5 =	sshll.u32 s5, $0x7;
	v2 =	vadd.f32 v2, v3  }
0x1f4: {  	s5 =	sor.u32 s7, s5  }
0x1f5: {  	v3 =	vld [tilespmem:s5+$0x8100];
	[tilespmem:s30+$0x100] =	vst v2;
	s30 =	smov.u32 s5  }
0x1f6: {  	v4 =	vld [tilespmem:s30+$0x100];
	_ =	sdelay $0x1  }
.Ltmp8:
0x1f7: {  	v2 =	vld [tilespmem:s30+$0x10100];
	(pc) =	sbr.rel @p0 .LBB2_19-.Ltmp8, $3  }
0x1f8: {  	_ =	sdelay $0x1  }
0x1f9: {  	s5 =	sand.u32 $0x78, s4;
	v3 =	vadd.f32 v3, v4  }
0x1fa: {  	s0 =	sadd.s32 $0x10, s0;
	s4 =	sadd.s32 $0x1, s4;
	s5 =	sadd.s32 s24, s5  }
0x1fb: {  	s0 =	sand.u32 $0x70, s0;
	s4 =	sshll.u32 s5, $0x7;
	v2 =	vadd.f32 v2, v3  }
0x1fc: {  	s0 =	sor.u32 s0, s4  }
0x1fd: {  	v3 =	vld [tilespmem:s0+$0x8100];
	[tilespmem:s30+$0x100] =	vst v2  }
0x1fe: {  	v2 =	vld [tilespmem:s0+$0x100];
	_ =	sdelay $0x1  }
0x1ff: {  	v4 =	vld [tilespmem:s0+$0x10100]  }
0x200: {  	s24 =	sadd.s32 $0x1, s24  }
0x201: {  	p0 =	sne.s32 s24, $0x8  }
.Ltmp9:
0x202: {  	v2 =	vadd.f32 v3, v2;
	(pc) =	sbr.rel @p0 .LBB2_18-.Ltmp9, $3  }
0x203: {  	_ = 	snop  }
0x204: {  	v2 =	vadd.f32 v4, v2;
	_ =	sdelay $0x1  }
0x205: {  	[tilespmem:s0+$0x100] =	vst v2  }
0x206: {  	s21 =	simm.s32 $0x0;
	s0 =	rddreg [dreg:$0xf]  }
0x207: {  	[hbm4b:s0+s21] =	stream.linear.scatter [tilespmem:s1], [sflag:$0x3], $0x4000, $0x38;
	[tilespmem:$0x18100] =	vst v63  }
0x208: {  	_ =	swait.ge [sflag:s31], $0x4000  }
0x209: {  	[sflag:s31] =	ssyncset.done $0x0  }
0x20a: {  	[sflag:s31] =	ssyncadd.s32 $0xFFFFC000  }
0x20b: {  	v2 =	vld.msk [tilespmem:$0x30], $0xff;
	_ =	sdelay $0x4  }
0x20c: {  	v3 =	vshll.u32 v2, $0x4  }
0x20d: {  	v2 =	vand.u32 $0x7, v2;
	v3 =	vand.u32 $0xFFFFFF80, v3  }
0x20e: {  	v2 =	vor.u32 v2, v3  }
0x20f: {  	v2 =	vperm.xlane v2, v0;
	_ =	sdelay $0x1  }
0x210: {  	v2 =	vadd.s32 v1, v2;
	_ =	sdelay $0x4  }
0x211: {  	[tilespmem:s1], [sflag:$0x1] =	stream.indirect_vreg.gather [hbm4b:s3+s21], $0x80, v2, vm0, $0xb8;
	[tilespmem:$0x18100] =	vst v63  }
0x212: {  	s30 =	simm.s32 $0x900  }
0x213: {  	[tilespmem:s30], [sflag:$0x1] =	stream.indirect_vreg.gather [hbm4b:s6+s21], $0x80, v2, vm0, $0xb8;
	[tilespmem:$0x18100] =	vst v63  }
0x214: {  	s4 =	simm.s32 $0x1100  }
0x215: {  	[tilespmem:s4], [sflag:$0x1] =	stream.indirect_vreg.gather [hbm4b:s22+s21], $0x80, v2, vm0, $0xb8;
	[tilespmem:$0x18100] =	vst v63  }
0x216: {  	s5 =	simm.s32 $0x1900  }
0x217: {  	[tilespmem:s5], [sflag:$0x1] =	stream.indirect_vreg.gather [hbm4b:s23+s21], $0x80, v2, vm0, $0xb8;
	[tilespmem:$0x18100] =	vst v63  }
0x218: {  	s7 =	simm.s32 $0x2100  }
0x219: {  	[tilespmem:s7], [sflag:$0x1] =	stream.indirect_vreg.gather [hbm4b:s25+s21], $0x80, v2, vm0, $0xb8;
	[tilespmem:$0x18100] =	vst v63  }
0x21a: {  	s24 =	simm.s32 $0x2900  }
0x21b: {  	[tilespmem:s24], [sflag:$0x1] =	stream.indirect_vreg.gather [hbm4b:s26+s21], $0x80, v2, vm0, $0xb8;
	[tilespmem:$0x18100] =	vst v63  }
0x21c: {  	s30 =	simm.s32 $0x3100  }
0x21d: {  	[tilespmem:s30], [sflag:$0x1] =	stream.indirect_vreg.gather [hbm4b:s28+s21], $0x80, v2, vm0, $0xb8;
	[tilespmem:$0x18100] =	vst v63  }
0x21e: {  	s4 =	simm.s32 $0x3900  }
0x21f: {  	[tilespmem:s4], [sflag:$0x1] =	stream.indirect_vreg.gather [hbm4b:s29+s21], $0x80, v2, vm0, $0xb8;
	[tilespmem:$0x18100] =	vst v63  }
0x220: {  	v2 =	vld.msk [tilespmem:$0xB0], $0xff;
	_ =	sdelay $0x4  }
0x221: {  	v3 =	vshll.u32 v2, $0x4  }
0x222: {  	v2 =	vand.u32 $0x7, v2;
	v3 =	vand.u32 $0xFFFFFF80, v3  }
0x223: {  	v2 =	vor.u32 v2, v3  }
0x224: {  	v2 =	vperm.xlane v2, v0;
	_ =	sdelay $0x1  }
0x225: {  	v2 =	vadd.s32 v1, v2;
	_ =	sdelay $0x3  }
0x226: {  	s5 =	simm.s32 $0x8100  }
0x227: {  	[tilespmem:s5], [sflag:$0x1] =	stream.indirect_vreg.gather [hbm4b:s3+s21], $0x80, v2, vm0, $0xb8;
	[tilespmem:$0x18100] =	vst v63  }
0x228: {  	s7 =	simm.s32 $0x8900  }
0x229: {  	[tilespmem:s7], [sflag:$0x1] =	stream.indirect_vreg.gather [hbm4b:s6+s21], $0x80, v2, vm0, $0xb8;
	[tilespmem:$0x18100] =	vst v63  }
0x22a: {  	s24 =	simm.s32 $0x9100  }
0x22b: {  	[tilespmem:s24], [sflag:$0x1] =	stream.indirect_vreg.gather [hbm4b:s22+s21], $0x80, v2, vm0, $0xb8;
	[tilespmem:$0x18100] =	vst v63  }
0x22c: {  	s30 =	simm.s32 $0x9900  }
0x22d: {  	[tilespmem:s30], [sflag:$0x1] =	stream.indirect_vreg.gather [hbm4b:s23+s21], $0x80, v2, vm0, $0xb8;
	[tilespmem:$0x18100] =	vst v63  }
0x22e: {  	s4 =	simm.s32 $0xA100  }
0x22f: {  	[tilespmem:s4], [sflag:$0x1] =	stream.indirect_vreg.gather [hbm4b:s25+s21], $0x80, v2, vm0, $0xb8;
	[tilespmem:$0x18100] =	vst v63  }
0x230: {  	s5 =	simm.s32 $0xA900  }
0x231: {  	[tilespmem:s5], [sflag:$0x1] =	stream.indirect_vreg.gather [hbm4b:s26+s21], $0x80, v2, vm0, $0xb8;
	[tilespmem:$0x18100] =	vst v63  }
0x232: {  	s7 =	simm.s32 $0xB100  }
0x233: {  	[tilespmem:s7], [sflag:$0x1] =	stream.indirect_vreg.gather [hbm4b:s28+s21], $0x80, v2, vm0, $0xb8;
	[tilespmem:$0x18100] =	vst v63  }
0x234: {  	s24 =	simm.s32 $0xB900  }
0x235: {  	[tilespmem:s24], [sflag:$0x1] =	stream.indirect_vreg.gather [hbm4b:s29+s21], $0x80, v2, vm0, $0xb8;
	[tilespmem:$0x18100] =	vst v63  }
0x236: {  	s30 =	rddreg [dreg:$0x10];
	s4 =	simm.s32 $0x10100  }
0x237: {  	[tilespmem:s4], [sflag:$0x1] =	stream.linear.gather [hbm4b:s30+s21], $0x4000, $0x38;
	[tilespmem:$0x18100] =	vst v63  }
0x238: {  	_ =	swait.ge [sflag:s18], $0x4000  }
0x239: {  	[sflag:s18] =	ssyncset.done $0x0  }
0x23a: {  	[sflag:s18] =	ssyncadd.s32 $0xFFFFC000  }
0x23b: {  	_ =	swait.ge [sflag:s18], $0x4000  }
0x23c: {  	[sflag:s18] =	ssyncset.done $0x0  }
0x23d: {  	[sflag:s18] =	ssyncadd.s32 $0xFFFFC000  }
0x23e: {  	_ =	swait.ge [sflag:s18], $0x4000  }
0x23f: {  	[sflag:s18] =	ssyncset.done $0x0  }
0x240: {  	s24 =	simm.s32 $0x0;
	[sflag:s18] =	ssyncadd.s32 $0xFFFFC000  }
.LBB2_22:
0x241: {  	s0 =	sand.u32 $0x78, s21  }
0x242: {  	s0 =	sadd.s32 s24, s0  }
0x243: {  	s4 =	sand.u32 $0x70, s21;
	s0 =	sshll.u32 s0, $0x7  }
0x244: {  	s30 =	sor.u32 s4, s0  }
0x245: {  	v3 =	vld [tilespmem:s30+$0xC100]  }
0x246: {  	v4 =	vld [tilespmem:s30+$0x4100];
	_ =	sdelay $0x1  }
0x247: {  	v2 =	vld [tilespmem:s30+$0x14100];
	_ =	sdelay $0x1  }
0x248: {  	s7 =	simm.s32 $0x1  }
0x249: {  	s0 =	sand.u32 $0x78, s7;
	v3 =	vadd.f32 v3, v4  }
0x24a: {  	s4 =	simm.s32 $0x2;
	s5 =	sadd.s32 s24, s0;
	s0 =	simm.s32 $0x10  }
.LBB2_23:
0x24b: {  	p0 =	sne.s32 s4, $0x7F;
	s7 =	sand.u32 $0x70, s0;
	s5 =	sshll.u32 s5, $0x7;
	v2 =	vadd.f32 v2, v3  }
0x24c: {  	s5 =	sor.u32 s7, s5  }
0x24d: {  	v3 =	vld [tilespmem:s5+$0xC100];
	[tilespmem:s30+$0x4100] =	vst v2;
	s30 =	smov.u32 s5  }
0x24e: {  	v4 =	vld [tilespmem:s30+$0x4100];
	_ =	sdelay $0x1  }
.Ltmp10:
0x24f: {  	v2 =	vld [tilespmem:s30+$0x14100];
	(pc) =	sbr.rel @p0 .LBB2_23-.Ltmp10, $3  }
0x250: {  	_ =	sdelay $0x1  }
0x251: {  	s5 =	sand.u32 $0x78, s4;
	v3 =	vadd.f32 v3, v4  }
0x252: {  	s0 =	sadd.s32 $0x10, s0;
	s4 =	sadd.s32 $0x1, s4;
	s5 =	sadd.s32 s24, s5  }
0x253: {  	s0 =	sand.u32 $0x70, s0;
	s4 =	sshll.u32 s5, $0x7;
	v2 =	vadd.f32 v2, v3  }
0x254: {  	s0 =	sor.u32 s0, s4  }
0x255: {  	v3 =	vld [tilespmem:s0+$0xC100];
	[tilespmem:s30+$0x4100] =	vst v2  }
0x256: {  	v2 =	vld [tilespmem:s0+$0x4100];
	_ =	sdelay $0x1  }
0x257: {  	v4 =	vld [tilespmem:s0+$0x14100]  }
0x258: {  	s24 =	sadd.s32 $0x1, s24  }
0x259: {  	p0 =	sne.s32 s24, $0x8  }
.Ltmp11:
0x25a: {  	v2 =	vadd.f32 v3, v2;
	(pc) =	sbr.rel @p0 .LBB2_22-.Ltmp11, $3  }
0x25b: {  	_ = 	snop  }
0x25c: {  	v2 =	vadd.f32 v4, v2;
	_ =	sdelay $0x1  }
0x25d: {  	[tilespmem:s0+$0x4100] =	vst v2  }
0x25e: {  	s21 =	simm.s32 $0x0;
	s0 =	rddreg [dreg:$0x11]  }
0x25f: {  	[hbm4b:s0+s21] =	stream.linear.scatter [tilespmem:s20], [sflag:$0x3], $0x4000, $0x38;
	[tilespmem:$0x18100] =	vst v63  }
0x260: {  	_ =	swait.ge [sflag:s31], $0x4000  }
0x261: {  	[sflag:s31] =	ssyncset.done $0x0  }
0x262: {  	[sflag:s31] =	ssyncadd.s32 $0xFFFFC000  }
0x263: {  	v2 =	vld.msk [tilespmem:$0x38], $0xff;
	_ =	sdelay $0x4  }
0x264: {  	v3 =	vshll.u32 v2, $0x4  }
0x265: {  	v2 =	vand.u32 $0x7, v2;
	v3 =	vand.u32 $0xFFFFFF80, v3  }
0x266: {  	v2 =	vor.u32 v2, v3  }
0x267: {  	v2 =	vperm.xlane v2, v0;
	_ =	sdelay $0x1  }
0x268: {  	v2 =	vadd.s32 v1, v2;
	_ =	sdelay $0x4  }
0x269: {  	[tilespmem:s20], [sflag:$0x2] =	stream.indirect_vreg.gather [hbm4b:s3+s21], $0x80, v2, vm0, $0xb8;
	[tilespmem:$0x18100] =	vst v63  }
0x26a: {  	s7 =	simm.s32 $0x4900  }
0x26b: {  	[tilespmem:s7], [sflag:$0x2] =	stream.indirect_vreg.gather [hbm4b:s6+s21], $0x80, v2, vm0, $0xb8;
	[tilespmem:$0x18100] =	vst v63  }
0x26c: {  	s24 =	simm.s32 $0x5100  }
0x26d: {  	[tilespmem:s24], [sflag:$0x2] =	stream.indirect_vreg.gather [hbm4b:s22+s21], $0x80, v2, vm0, $0xb8;
	[tilespmem:$0x18100] =	vst v63  }
0x26e: {  	s30 =	simm.s32 $0x5900  }
0x26f: {  	[tilespmem:s30], [sflag:$0x2] =	stream.indirect_vreg.gather [hbm4b:s23+s21], $0x80, v2, vm0, $0xb8;
	[tilespmem:$0x18100] =	vst v63  }
0x270: {  	s4 =	simm.s32 $0x6100  }
0x271: {  	[tilespmem:s4], [sflag:$0x2] =	stream.indirect_vreg.gather [hbm4b:s25+s21], $0x80, v2, vm0, $0xb8;
	[tilespmem:$0x18100] =	vst v63  }
0x272: {  	s5 =	simm.s32 $0x6900  }
0x273: {  	[tilespmem:s5], [sflag:$0x2] =	stream.indirect_vreg.gather [hbm4b:s26+s21], $0x80, v2, vm0, $0xb8;
	[tilespmem:$0x18100] =	vst v63  }
0x274: {  	s7 =	simm.s32 $0x7100  }
0x275: {  	[tilespmem:s7], [sflag:$0x2] =	stream.indirect_vreg.gather [hbm4b:s28+s21], $0x80, v2, vm0, $0xb8;
	[tilespmem:$0x18100] =	vst v63  }
0x276: {  	s24 =	simm.s32 $0x7900  }
0x277: {  	[tilespmem:s24], [sflag:$0x2] =	stream.indirect_vreg.gather [hbm4b:s29+s21], $0x80, v2, vm0, $0xb8;
	[tilespmem:$0x18100] =	vst v63  }
0x278: {  	v2 =	vld.msk [tilespmem:$0xB8], $0xff;
	_ =	sdelay $0x4  }
0x279: {  	v3 =	vshll.u32 v2, $0x4  }
0x27a: {  	v2 =	vand.u32 $0x7, v2;
	v3 =	vand.u32 $0xFFFFFF80, v3  }
0x27b: {  	v2 =	vor.u32 v2, v3  }
0x27c: {  	v2 =	vperm.xlane v2, v0;
	_ =	sdelay $0x1  }
0x27d: {  	v2 =	vadd.s32 v1, v2;
	_ =	sdelay $0x4  }
0x27e: {  	[tilespmem:s8], [sflag:$0x2] =	stream.indirect_vreg.gather [hbm4b:s3+s21], $0x80, v2, vm0, $0xb8;
	[tilespmem:$0x18100] =	vst v63  }
0x27f: {  	_ = 	snop  }
0x280: {  	[tilespmem:s9], [sflag:$0x2] =	stream.indirect_vreg.gather [hbm4b:s6+s21], $0x80, v2, vm0, $0xb8;
	[tilespmem:$0x18100] =	vst v63  }
0x281: {  	_ = 	snop  }
0x282: {  	[tilespmem:s10], [sflag:$0x2] =	stream.indirect_vreg.gather [hbm4b:s22+s21], $0x80, v2, vm0, $0xb8;
	[tilespmem:$0x18100] =	vst v63  }
0x283: {  	_ = 	snop  }
0x284: {  	[tilespmem:s11], [sflag:$0x2] =	stream.indirect_vreg.gather [hbm4b:s23+s21], $0x80, v2, vm0, $0xb8;
	[tilespmem:$0x18100] =	vst v63  }
0x285: {  	_ = 	snop  }
0x286: {  	[tilespmem:s12], [sflag:$0x2] =	stream.indirect_vreg.gather [hbm4b:s25+s21], $0x80, v2, vm0, $0xb8;
	[tilespmem:$0x18100] =	vst v63  }
0x287: {  	_ = 	snop  }
0x288: {  	[tilespmem:s13], [sflag:$0x2] =	stream.indirect_vreg.gather [hbm4b:s26+s21], $0x80, v2, vm0, $0xb8;
	[tilespmem:$0x18100] =	vst v63  }
0x289: {  	_ = 	snop  }
0x28a: {  	[tilespmem:s14], [sflag:$0x2] =	stream.indirect_vreg.gather [hbm4b:s28+s21], $0x80, v2, vm0, $0xb8;
	[tilespmem:$0x18100] =	vst v63  }
0x28b: {  	_ = 	snop  }
0x28c: {  	[tilespmem:s15], [sflag:$0x2] =	stream.indirect_vreg.gather [hbm4b:s29+s21], $0x80, v2, vm0, $0xb8;
	[tilespmem:$0x18100] =	vst v63  }
0x28d: {  	s30 =	rddreg [dreg:$0x12]  }
0x28e: {  	[tilespmem:s16], [sflag:$0x2] =	stream.linear.gather [hbm4b:s30+s21], $0x4000, $0x38;
	[tilespmem:$0x18100] =	vst v63  }
0x28f: {  	_ =	swait.ge [sflag:s17], $0x4000  }
0x290: {  	[sflag:s17] =	ssyncset.done $0x0  }
0x291: {  	[sflag:s17] =	ssyncadd.s32 $0xFFFFC000  }
0x292: {  	_ =	swait.ge [sflag:s17], $0x4000  }
0x293: {  	[sflag:s17] =	ssyncset.done $0x0  }
0x294: {  	[sflag:s17] =	ssyncadd.s32 $0xFFFFC000  }
0x295: {  	_ =	swait.ge [sflag:s17], $0x4000  }
0x296: {  	[sflag:s17] =	ssyncset.done $0x0  }
0x297: {  	s24 =	simm.s32 $0x0;
	[sflag:s17] =	ssyncadd.s32 $0xFFFFC000  }
.LBB2_26:
0x298: {  	s0 =	sand.u32 $0x78, s21  }
0x299: {  	s0 =	sadd.s32 s24, s0  }
0x29a: {  	s4 =	sand.u32 $0x70, s21;
	s0 =	sshll.u32 s0, $0x7  }
0x29b: {  	s30 =	sor.u32 s4, s0  }
0x29c: {  	v3 =	vld [tilespmem:s30+$0x8100]  }
0x29d: {  	v4 =	vld [tilespmem:s30+$0x100];
	_ =	sdelay $0x1  }
0x29e: {  	v2 =	vld [tilespmem:s30+$0x10100];
	_ =	sdelay $0x1  }
0x29f: {  	s7 =	simm.s32 $0x1  }
0x2a0: {  	s0 =	sand.u32 $0x78, s7;
	v3 =	vadd.f32 v3, v4  }
0x2a1: {  	s4 =	simm.s32 $0x2;
	s5 =	sadd.s32 s24, s0;
	s0 =	simm.s32 $0x10  }
.LBB2_27:
0x2a2: {  	p0 =	sne.s32 s4, $0x7F;
	s7 =	sand.u32 $0x70, s0;
	s5 =	sshll.u32 s5, $0x7;
	v2 =	vadd.f32 v2, v3  }
0x2a3: {  	s5 =	sor.u32 s7, s5  }
0x2a4: {  	v3 =	vld [tilespmem:s5+$0x8100];
	[tilespmem:s30+$0x100] =	vst v2;
	s30 =	smov.u32 s5  }
0x2a5: {  	v4 =	vld [tilespmem:s30+$0x100];
	_ =	sdelay $0x1  }
.Ltmp12:
0x2a6: {  	v2 =	vld [tilespmem:s30+$0x10100];
	(pc) =	sbr.rel @p0 .LBB2_27-.Ltmp12, $3  }
0x2a7: {  	_ =	sdelay $0x1  }
0x2a8: {  	s5 =	sand.u32 $0x78, s4;
	v3 =	vadd.f32 v3, v4  }
0x2a9: {  	s0 =	sadd.s32 $0x10, s0;
	s4 =	sadd.s32 $0x1, s4;
	s5 =	sadd.s32 s24, s5  }
0x2aa: {  	s0 =	sand.u32 $0x70, s0;
	s4 =	sshll.u32 s5, $0x7;
	v2 =	vadd.f32 v2, v3  }
0x2ab: {  	s0 =	sor.u32 s0, s4  }
0x2ac: {  	v3 =	vld [tilespmem:s0+$0x8100];
	[tilespmem:s30+$0x100] =	vst v2  }
0x2ad: {  	v2 =	vld [tilespmem:s0+$0x100];
	_ =	sdelay $0x1  }
0x2ae: {  	v4 =	vld [tilespmem:s0+$0x10100]  }
0x2af: {  	s24 =	sadd.s32 $0x1, s24  }
0x2b0: {  	p0 =	sne.s32 s24, $0x8  }
.Ltmp13:
0x2b1: {  	v2 =	vadd.f32 v3, v2;
	(pc) =	sbr.rel @p0 .LBB2_26-.Ltmp13, $3  }
0x2b2: {  	_ = 	snop  }
0x2b3: {  	v2 =	vadd.f32 v4, v2;
	_ =	sdelay $0x1  }
0x2b4: {  	[tilespmem:s0+$0x100] =	vst v2  }
0x2b5: {  	s21 =	simm.s32 $0x0;
	s0 =	rddreg [dreg:$0x13]  }
0x2b6: {  	[hbm4b:s0+s21] =	stream.linear.scatter [tilespmem:s1], [sflag:$0x3], $0x4000, $0x38;
	[tilespmem:$0x18100] =	vst v63  }
0x2b7: {  	_ =	swait.ge [sflag:s31], $0x4000  }
0x2b8: {  	[sflag:s31] =	ssyncset.done $0x0  }
0x2b9: {  	[sflag:s31] =	ssyncadd.s32 $0xFFFFC000  }
0x2ba: {  	_ =	swait.ge [sflag:s18], $0x4000  }
0x2bb: {  	[sflag:s18] =	ssyncset.done $0x0  }
0x2bc: {  	[sflag:s18] =	ssyncadd.s32 $0xFFFFC000  }
0x2bd: {  	_ =	swait.ge [sflag:s18], $0x4000  }
0x2be: {  	[sflag:s18] =	ssyncset.done $0x0  }
0x2bf: {  	[sflag:s18] =	ssyncadd.s32 $0xFFFFC000  }
0x2c0: {  	_ =	swait.ge [sflag:s18], $0x4000  }
0x2c1: {  	[sflag:s18] =	ssyncset.done $0x0  }
0x2c2: {  	s24 =	simm.s32 $0x0;
	[sflag:s18] =	ssyncadd.s32 $0xFFFFC000  }
.LBB2_30:
0x2c3: {  	s0 =	sand.u32 $0x78, s21  }
0x2c4: {  	s0 =	sadd.s32 s24, s0  }
0x2c5: {  	s4 =	sand.u32 $0x70, s21;
	s0 =	sshll.u32 s0, $0x7  }
0x2c6: {  	s30 =	sor.u32 s4, s0  }
0x2c7: {  	v3 =	vld [tilespmem:s30+$0xC100]  }
0x2c8: {  	v4 =	vld [tilespmem:s30+$0x4100];
	_ =	sdelay $0x1  }
0x2c9: {  	v2 =	vld [tilespmem:s30+$0x14100];
	_ =	sdelay $0x1  }
0x2ca: {  	s7 =	simm.s32 $0x1  }
0x2cb: {  	s0 =	sand.u32 $0x78, s7;
	v3 =	vadd.f32 v3, v4  }
0x2cc: {  	s4 =	simm.s32 $0x2;
	s5 =	sadd.s32 s24, s0;
	s0 =	simm.s32 $0x10  }
.LBB2_31:
0x2cd: {  	p0 =	sne.s32 s4, $0x7F;
	s7 =	sand.u32 $0x70, s0;
	s5 =	sshll.u32 s5, $0x7;
	v2 =	vadd.f32 v2, v3  }
0x2ce: {  	s5 =	sor.u32 s7, s5  }
0x2cf: {  	v3 =	vld [tilespmem:s5+$0xC100];
	[tilespmem:s30+$0x4100] =	vst v2;
	s30 =	smov.u32 s5  }
0x2d0: {  	v4 =	vld [tilespmem:s30+$0x4100];
	_ =	sdelay $0x1  }
.Ltmp14:
0x2d1: {  	v2 =	vld [tilespmem:s30+$0x14100];
	(pc) =	sbr.rel @p0 .LBB2_31-.Ltmp14, $3  }
0x2d2: {  	_ =	sdelay $0x1  }
0x2d3: {  	s5 =	sand.u32 $0x78, s4;
	v3 =	vadd.f32 v3, v4  }
0x2d4: {  	s0 =	sadd.s32 $0x10, s0;
	s4 =	sadd.s32 $0x1, s4;
	s5 =	sadd.s32 s24, s5  }
0x2d5: {  	s0 =	sand.u32 $0x70, s0;
	s4 =	sshll.u32 s5, $0x7;
	v2 =	vadd.f32 v2, v3  }
0x2d6: {  	s0 =	sor.u32 s0, s4  }
0x2d7: {  	v3 =	vld [tilespmem:s0+$0xC100];
	[tilespmem:s30+$0x4100] =	vst v2  }
0x2d8: {  	v2 =	vld [tilespmem:s0+$0x4100];
	_ =	sdelay $0x1  }
0x2d9: {  	v4 =	vld [tilespmem:s0+$0x14100]  }
0x2da: {  	s24 =	sadd.s32 $0x1, s24  }
0x2db: {  	p0 =	sne.s32 s24, $0x8  }
.Ltmp15:
0x2dc: {  	v2 =	vadd.f32 v3, v2;
	(pc) =	sbr.rel @p0 .LBB2_30-.Ltmp15, $3  }
0x2dd: {  	_ = 	snop  }
0x2de: {  	v2 =	vadd.f32 v4, v2;
	_ =	sdelay $0x1  }
0x2df: {  	[tilespmem:s0+$0x4100] =	vst v2  }
0x2e0: {  	s0 =	rddreg [dreg:$0x14]  }
0x2e1: {  	[hbm4b:s0+s2] =	stream.linear.scatter [tilespmem:s20], [sflag:$0x3], $0x4000, $0x38;
	[tilespmem:$0x18100] =	vst v63  }
0x2e2: {  	_ =	swait.ge [sflag:s31], $0x4000  }
0x2e3: {  	s19 =	sadd.s32 $0x1, s19;
	s30 =	rddreg [dreg:$0x15]  }
0x2e4: {  	p0 =	sne.s32 s19, s30  }
.Ltmp16:
0x2e5: {  	_ = 	snop;
	(pc) =	sbr.rel @p0 .LBB2_1-.Ltmp16, $3  }
0x2e6: {  	_ =	sdelay $0x1  }
0x2e7: {  	[sflag:s31] =	ssyncset.done $0x0  }
0x2e8: {  	[sflag:s31] =	ssyncadd.s32 $0xFFFFC000  }
0x2e9: {  	_ =	sfence.sel $0x180000  }
0x2ea: {  	[bflag:$0x0] =	sbarrier.arrive $0xFFFF  }
0x2eb: {  	_ =	strace $0x9000004D  }
0x2ec: {  	s0 =	stileid.u32;
	[bflag:$0x2] =	sbarrier.arrive $0xFFFF  }
0x2ed: {  	p0 =	sne.s32 s0, $0x0;
	s0 =	rddreg [dreg:$0x2]  }
0x2ee: {  	s0 =	sadd.s32 @!p0 $0x100000, s0  }
0x2ef: {  	[sflag:s0] =	ssyncadd.tile.s32 @!p0 $0x1;
	_ =	shalt  }
.Lfunc_end2:
_tile_overlayer_lowered:
.L_overlay_start_2:
0x2f0: {  	(tag) =	ssettag $0x2  }
0x2f1: {  	s0 =	rddreg [dreg:$0x0];
	s2 =	stileid.u32  }
0x2f2: {  	s1 =	rddreg [dreg:$0x1];
	p0 =	sne.s32 s2, $0x0  }
0x2f3: {  	s3 =	rddreg [dreg:$0x2];
	[bflag:$0x3] =	sbarrier.arrive $0xFFFF;
	s2 =	simm.s32 @!p0 $0x1C03  }
0x2f4: {  	[timem:s3], [sflag:s2] =	dma.local @!p0 [hbm:s0], s1  }
0x2f5: {  	s0 =	simm.s32 @!p0 $0x3  }
0x2f6: {  	_ =	swait.ge @!p0 [sflag:s0], s1  }
0x2f7: {  	s1 =	ssub.s32 @!p0 $0x0, s1;
	[sflag:s0] =	ssyncset.done @!p0 $0x0  }
0x2f8: {  	[sflag:s0] =	ssyncadd.s32 @!p0 s1  }
0x2f9: {  	[bflag:$0x3] =	sbarrier.arrive $0xFFFF  }
0x2fa: {  	_ =	shalt  }

// kernel: kernel.8.cloned.1.call-start
scs
__scs_entry_jumppad:
0x0: {  	(pc) =	sbr.rel $0x88, $3  }
0x1: {  	(tag) =	ssettag $0x0;
	lr =	simm.s32 $0x1  }
0x2: {  	[smem:$0x3F9A] =	sst lr;
	_ =	strace $0xD0000000  }
0x3: {  	_ = 	snop  }
0x4: {  	_ = 	snop  }
0x5: {  	_ = 	snop  }
0x6: {  	_ = 	snop  }
0x7: {  	_ = 	snop  }
__scs_overlays_trampoline_lowered:
0x8: {  	[smem:$0x3FA9] =	sst s0  }
0x9: {  	[smem:$0x3FAA] =	sst s1  }
0xa: {  	[smem:$0x3FAB] =	sst s2  }
0xb: {  	[smem:$0x3FAC] =	sst s3  }
0xc: {  	[smem:$0x3FAD] =	sst s4  }
0xd: {  	[smem:$0x3FAE] =	sst s5  }
0xe: {  	[smem:$0x3FAF] =	sst s6  }
0xf: {  	[smem:$0x3FB0] =	sst s7  }
0x10: {  	[smem:$0x3FB1] =	sst s8  }
0x11: {  	[smem:$0x3FB2] =	sst s9;
	s0 =	simm.s32 @!p0 $0x0  }
0x12: {  	s1 =	sld [smem:$0x3F98];
	s0 =	simm.s32 @p0 $0x1  }
0x13: {  	[smem:$0x3FB3] =	sst s0;
	s0 =	simm.s32 @!p1 $0x0  }
0x14: {  	s2 =	sld [smem:$0x3F97];
	s0 =	simm.s32 @p1 $0x1  }
0x15: {  	[smem:$0x3FB4] =	sst s0;
	s0 =	simm.s32 @!p2 $0x0  }
0x16: {  	s3 =	sld [smem:$0x3FDB];
	s0 =	simm.s32 @p2 $0x1  }
0x17: {  	s4 =	simm.s32 $0x1BF5;
	[smem:$0x3FB6] =	sst s0  }
0x18: {  	s0 =	sld [smem:$0x3F99];
	_ =	swait.ge [sflag:s4], $0x0  }
0x19: {  	s7 =	sld [smem:$0x3F9A]  }
0x1a: {  	s8 =	sadd.s32 $0xFFFFE003, lr  }
0x1b: {  	s9 =	sadd.s32 $0xFFFFFEF7, lr;
	s5 =	simm.s32 $0xFFFFFFFF;
	p2 =	slt.u32 s8, $0xFFFFF086  }
0x1c: {  	p1 =	slt.u32 s9, $0xF7A;
	s5 =	simm.s32 @!p2 $0x0  }
0x1d: {  	s5 =	simm.s32 @p1 $0x1;
	p0 =	seq.s32 s7, s2  }
0x1e: {  	s7 =	smul.u32 @!p0 $0xF7A, s2;
	p2 =	seq.s32 @!p0 s5, $0x0  }
0x1f: {  	s9 =	smul.u32 $0xF7A, s1;
	s8 =	simm.s32 @!p0 $0x1BF5;
	p2 =	por !p2, p0  }
0x20: {  	[sflag:s8] =	ssyncset.s32 @!p0 $0xFFFFF086;
	s6 =	sadd.s32 @!p0 s3, s7;
	s7 =	simm.s32 @!p0 $0x108  }
0x21: {  	s3 =	sadd.s32 s3, s9;
	s6 =	sadd.s32 @!p0 $0x88, s6;
	s7 =	simm.s32 @p2 $0x1082  }
0x22: {  	[simem:s7], [sflag:s8] =	dma.local @!p0 [hbm:s6], $0xF7A  }
0x23: {  	s9 =	sor.u32 $0xD0000000, s2;
	s6 =	simm.s32 $0x108;
	_ =	swait.ge @!p0 [sflag:s8], $0x0  }
0x24: {  	s3 =	sadd.s32 $0x88, s3;
	s6 =	simm.s32 @!p1 $0x1082;
	[sflag:s4] =	ssyncset.s32 $0xFFFFF086  }
0x25: {  	[simem:s6], [sflag:s4] =	dma.local [hbm:s3], $0xF7A  }
0x26: {  	[smem:$0x3F9A] =	sst s1;
	(tag) =	ssettag s2;
	_ =	strace s9  }
0x27: {  	s1 =	sld [smem:$0x3FAA]  }
0x28: {  	s2 =	sld [smem:$0x3FAB]  }
0x29: {  	s4 =	sld [smem:$0x3FAD]  }
0x2a: {  	p0 =	seq.s32 s5, $0x0;
	s5 =	sld [smem:$0x3FAE]  }
0x2b: {  	s6 =	sld [smem:$0x3FAF]  }
0x2c: {  	s7 =	sld [smem:$0x3FB0]  }
0x2d: {  	s3 =	simm.s32 $0x108;
	s8 =	sld [smem:$0x3FB1]  }
0x2e: {  	s3 =	simm.s32 @!p0 $0x1082;
	s9 =	sld [smem:$0x3FB2]  }
0x2f: {  	lr =	sadd.s32 s0, s3;
	s0 =	sld [smem:$0x3FA9]  }
0x30: {  	s3 =	sld [smem:$0x3FAC]  }
0x31: {  	[smem:$0x3FB5] =	sst s10  }
0x32: {  	s10 =	sld [smem:$0x3FB3];
	_ =	sdelay $0x3  }
0x33: {  	p0 =	seq.s32 s10, $0x1;
	s10 =	sld [smem:$0x3FB5];
	_ =	sdelay $0x3  }
0x34: {  	[smem:$0x3FB5] =	sst s10  }
0x35: {  	s10 =	sld [smem:$0x3FB4];
	_ =	sdelay $0x3  }
0x36: {  	p1 =	seq.s32 s10, $0x1;
	s10 =	sld [smem:$0x3FB5];
	_ =	sdelay $0x3  }
0x37: {  	[smem:$0x3FB5] =	sst s10  }
0x38: {  	s10 =	sld [smem:$0x3FB6]  }
0x39: {  	_ = 	snop;
	(pc) =	sbr.ind lr, $3  }
0x3a: {  	_ = 	snop  }
0x3b: {  	_ = 	snop  }
0x3c: {  	p2 =	seq.s32 s10, $0x1;
	s10 =	sld [smem:$0x3FB5]  }
0x3d: {  	_ =	shalt  }
0x3e: {  	_ =	shalt  }
0x3f: {  	_ =	shalt  }
0x40: {  	_ =	shalt  }
0x41: {  	_ =	shalt  }
0x42: {  	_ =	shalt  }
0x43: {  	_ =	shalt  }
0x44: {  	_ =	shalt  }
0x45: {  	_ =	shalt  }
0x46: {  	_ =	shalt  }
0x47: {  	_ =	shalt  }
0x48: {  	_ =	shalt  }
0x49: {  	_ =	shalt  }
0x4a: {  	_ =	shalt  }
0x4b: {  	_ =	shalt  }
0x4c: {  	_ =	shalt  }
0x4d: {  	_ =	shalt  }
0x4e: {  	_ =	shalt  }
0x4f: {  	_ =	shalt  }
0x50: {  	_ =	shalt  }
0x51: {  	_ =	shalt  }
0x52: {  	_ =	shalt  }
0x53: {  	_ =	shalt  }
0x54: {  	_ =	shalt  }
0x55: {  	_ =	shalt  }
0x56: {  	_ =	shalt  }
0x57: {  	_ =	shalt  }
0x58: {  	_ =	shalt  }
0x59: {  	_ =	shalt  }
0x5a: {  	_ =	shalt  }
0x5b: {  	_ =	shalt  }
0x5c: {  	_ =	shalt  }
0x5d: {  	_ =	shalt  }
0x5e: {  	_ =	shalt  }
0x5f: {  	_ =	shalt  }
0x60: {  	_ =	shalt  }
0x61: {  	_ =	shalt  }
0x62: {  	_ =	shalt  }
0x63: {  	_ =	shalt  }
0x64: {  	_ =	shalt  }
0x65: {  	_ =	shalt  }
0x66: {  	_ =	shalt  }
0x67: {  	_ =	shalt  }
0x68: {  	_ =	shalt  }
0x69: {  	_ =	shalt  }
0x6a: {  	_ =	shalt  }
0x6b: {  	_ =	shalt  }
0x6c: {  	_ =	shalt  }
0x6d: {  	_ =	shalt  }
0x6e: {  	_ =	shalt  }
0x6f: {  	_ =	shalt  }
0x70: {  	_ =	shalt  }
0x71: {  	_ =	shalt  }
0x72: {  	_ =	shalt  }
0x73: {  	_ =	shalt  }
0x74: {  	_ =	shalt  }
0x75: {  	_ =	shalt  }
0x76: {  	_ =	shalt  }
0x77: {  	_ =	shalt  }
0x78: {  	_ =	shalt  }
0x79: {  	_ =	shalt  }
0x7a: {  	_ =	shalt  }
0x7b: {  	_ =	shalt  }
0x7c: {  	_ =	shalt  }
0x7d: {  	_ =	shalt  }
0x7e: {  	_ =	shalt  }
0x7f: {  	_ =	shalt  }
0x80: {  	_ =	shalt  }
0x81: {  	_ =	shalt  }
0x82: {  	_ =	shalt  }
0x83: {  	_ =	shalt  }
0x84: {  	_ =	shalt  }
0x85: {  	_ =	shalt  }
0x86: {  	_ =	shalt  }
0x87: {  	_ =	shalt  }
.Lfunc_end0:
.L_simem_size_0:
called_computation_lowered:
.L_overlay_start_0:
0x88: {  	s2 =	sld [smem:$0x3FD9]  }
0x89: {  	s3 =	sld [smem:$0x3FFE];
	_ =	sdelay $0x1  }
0x8a: {  	s1 =	srdreg.scid  }
0x8b: {  	s0 =	sand.u32 $0x1, s1  }
0x8c: {  	s17 =	sshll.u32 s0, $0xA;
	s2 =	sadd.s32 s3, s2  }
0x8d: {  	s2 =	sadd.s32 s2, s17  }
0x8e: {  	[smem:$0x3FC1] =	sst s2  }
0x8f: {  	_ = 	snop  }
0x90: {  	s2 =	sld [smem:$0x3FD0];
	(tm) =	ssettm $0x1  }
0x91: {  	s18 =	sld [smem:$0x3FFB];
	_ =	sdelay $0x3  }
0x92: {  	_ =	strace s18  }
0x93: {  	s3 =	sld [smem:$0x3FFC];
	_ =	sdelay $0x3  }
0x94: {  	_ =	strace s3  }
0x95: {  	s3 =	sld [smem:$0x3FFD];
	_ =	sdelay $0x3  }
0x96: {  	_ =	strace s3  }
0x97: {  	_ =	strace $0x8FFFFFFF  }
0x98: {  	s19 =	sld [smem:$0x3FDB];
	_ =	sdelay $0x1  }
0x99: {  	s4 =	simm.s32 $_scs_section_size  }
0x9a: {  	s5 =	simm.s32 $_size__tile_overlayer_lowered;
	s6 =	simm.s32 $_tile_overlayer_lowered  }
0x9b: {  	s22 =	simm.s32 $0x1BFF;
	s21 =	sshll.u32 s6, $0x1;
	s3 =	sadd.s32 s4, s19  }
0x9c: {  	s7 =	simm.s32 $0x0;
	s20 =	sshll.u32 s5, $0x1;
	s5 =	sadd.s32 s21, s3  }
0x9d: {  	[timem:s7], [sflag:s22] =	dma.local [hbm:s5], s20  }
0x9e: {  	_ =	swait.ge [sflag:s22], s20  }
0x9f: {  	s4 =	ssub.s32 $0x0, s20;
	[sflag:s22] =	ssyncset.done $0x0  }
0xa0: {  	[sflag:s22] =	ssyncadd.s32 s4;
	_ =	sdelay $0x1  }
0xa1: {  	s23 =	simm.s32 $0x1B8B  }
0xa2: {  	_ =	swait.ge [sflag:s23], $0x1  }
0xa3: {  	[sflag:s23] =	ssyncset.done $0x0  }
0xa4: {  	s25 =	simm.s32 $0x1B8E;
	s24 =	sld [smem:$0x3FFE];
	[sflag:s23] =	ssyncadd.s32 $0xFFFFFFFF  }
0xa5: {  	s26 =	simm.s32 $execute0_lowered;
	[smem:$0x3FD2] =	sst s25  }
0xa6: {  	s5 =	sshll.u32 s26, $0x1;
	_ =	strace $0x80000046;
	[dreg:$0x1] =	wrdreg $0xFFFFFFFF  }
0xa7: {  	s28 =	simm.s32 $_size_execute0_lowered;
	s3 =	sadd.s32 s3, s5;
	[dreg:$0x0] =	wrdreg $0x0  }
0xa8: {  	s5 =	sshll.u32 s28, $0x1;
	[dreg:$0x2] =	wrdreg s3  }
0xa9: {  	[dreg:$0x3] =	wrdreg s5  }
0xaa: {  	[dreg:$0x4] =	wrdreg $0xC0  }
0xab: {  	_ =	task [dreg:s7], $0x5FFFF  }
0xac: {  	[dreg:$0x1] =	wrdreg $0xFFFFFFFF  }
0xad: {  	[dreg:$0x0] =	wrdreg $0x60  }
0xae: {  	[dreg:$0x2] =	wrdreg s24  }
0xaf: {  	[dreg:$0x3] =	wrdreg s2  }
0xb0: {  	[dreg:$0x4] =	wrdreg $0x9  }
0xb1: {  	_ =	task.clear_ibuf [dreg:s7], $0x5FFFF;
	_ =	strace $0x90000046  }
0xb2: {  	s29 =	simm.s32 $0x9;
	_ =	strace $0x80000048  }
0xb3: {  	_ =	swait.ge [sflag:s29], $0x1  }
0xb4: {  	[sflag:s29] =	ssyncadd.s32 $0xFFFFFFFF  }
0xb5: {  	_ =	strace $0x90000048  }
0xb6: {  	_ =	sfence  }
0xb7: {  	s30 =	sld [smem:$0x0];
	_ =	sdelay $0x2  }
0xb8: {  	s31 =	sshll.u32 s1, $0xD;
	s1 =	sshrl.u32 s1, $0x2  }
0xb9: {  	s3 =	sand.u32 $0x4000, s31;
	s1 =	sadd.s32 s1, s30  }
0xba: {  	s0 =	sor.u32 s3, s0;
	s1 =	sshll.u32 s1, $0x11  }
0xbb: {  	s0 =	sor.u32 s1, s0  }
0xbc: {  	s0 =	sadd.s32 $0x8F2B, s0  }
0xbd: {  	[sflag:s0] =	ssyncadd.remote.s32 $0x1  }
0xbe: {  	_ =	sfence.sel $0xFFFF  }
0xbf: {  	[dreg:$0x0] =	wrdreg $0xFFFFFFFF;
	(pc) =	sbr.abs _section_cstart, $3  }
0xc0: {  	[dreg:$0x1] =	wrdreg $0xFFFFFFFF  }
0xc1: {  	_ =	task.clear_ibuf [dreg:s7], $0x2FFFF;
	_ =	strace $0x9FFFFFFF  }
0xc2: {  	(tm) =	ssettm $0x7FFFFFFF  }
0xc3: {  	_ =	shalt  }
tec
execute0_lowered:
.L_overlay_start_1:
0x0: {  	(tag) =	ssettag $0x1  }
0x1: {  	s0 =	srdreg.scid  }
0x2: {  	s1 =	stileid.u32;
	s5 =	sand.u32 $0x1, s0  }
0x3: {  	s4 =	sor.u32 s1, s5  }
0x4: {  	p0 =	sne.s32 s4, $0x0  }
.Ltmp0:
0x5: {  	_ = 	snop;
	(pc) =	sbr.rel @p0 .LBB2_7-.Ltmp0, $4  }
0x6: {  	s8 =	rddreg [dreg:$0x0]  }
0x7: {  	s2 =	rddreg [dreg:$0x1];
	s3 =	simm.s32 $0x0  }
0x8: {  	[smem:$0x7FF] =	sst s3  }
0x9: {  	s0 =	rddreg [dreg:$0x2];
	_ =	strace $0x80000047  }
0xa: {  	s4 =	sadd.s32 $0x3800, s8;
	s7 =	ssub.s32 $0x2, s5  }
0xb: {  	s5 =	sadd.s32 $0x4600, s8;
	s6 =	sadd.s32 $0x4200, s8;
	s8 =	sadd.s32 $0x3810, s8  }
0xc: {  	s10 =	simm.s32 $0x80;
	s11 =	simm.s32 $0x400;
	s12 =	simm.s32 $0x1  }
0xd: {  	s13 =	simm.s32 $0x800;
	s14 =	simm.s32 $0x1000;
	s15 =	simm.s32 $0x1800  }
0xe: {  	s16 =	simm.s32 $0x2000;
	s17 =	simm.s32 $0x3400;
	s9 =	sshrl.u32 s7, $0x1  }
0xf: {  	v0 =	vimm.s32 $0x0;
	v1 =	vimm.f32 $0.0e+00;
	v2 =	vlaneseq.u32;
	s18 =	simm.s32 $0x0;
	s7 =	ssub.s32 s7, s9;
	s9 =	sadd.s32 $0x10, s2  }
.LBB2_2:
0x10: {  	s19 =	simm.s32 $0x0  }
0x11: {  	[tilespmem:s19], [sflag:$0x1] =	stream.strided.gather [hbm4b:s4+s10], $0x800, s11, s10, $0x38;
	[tilespmem:$0x4800] =	vst v63  }
0x12: {  	_ =	swait.ge [sflag:s12], $0x800  }
0x13: {  	[sflag:s12] =	ssyncset.done $0x0  }
0x14: {  	[sflag:s12] =	ssyncadd.s32 $0xFFFFF800  }
0x15: {  	[tilespmem:s13], [sflag:$0x1] =	stream.strided.gather [hbm4b:s8+s10], $0x800, s11, s10, $0x38;
	[tilespmem:$0x4800] =	vst v63  }
0x16: {  	_ =	swait.ge [sflag:s12], $0x800  }
0x17: {  	[sflag:s12] =	ssyncset.done $0x0  }
0x18: {  	[sflag:s12] =	ssyncadd.s32 $0xFFFFF800  }
0x19: {  	[tilespmem:s14], [sflag:$0x1] =	stream.strided.gather [hbm4b:s2+s10], $0x800, s11, s10, $0x38;
	[tilespmem:$0x4800] =	vst v63  }
0x1a: {  	_ =	swait.ge [sflag:s12], $0x800  }
0x1b: {  	[sflag:s12] =	ssyncset.done $0x0  }
0x1c: {  	[sflag:s12] =	ssyncadd.s32 $0xFFFFF800  }
0x1d: {  	[tilespmem:s15], [sflag:$0x1] =	stream.strided.gather [hbm4b:s9+s10], $0x800, s11, s10, $0x38;
	[tilespmem:$0x4800] =	vst v63  }
0x1e: {  	_ =	swait.ge [sflag:s12], $0x800  }
0x1f: {  	[sflag:s12] =	ssyncset.done $0x0  }
0x20: {  	s20 =	simm.s32 $0x0;
	[sflag:s12] =	ssyncadd.s32 $0xFFFFF800  }
.LBB2_3:
0x21: {  	p0 =	sne.s32 s20, $0x4FC0  }
.Ltmp1:
0x22: {  	_ = 	snop;
	(pc) =	sbr.rel @p0 .LBB2_3-.Ltmp1, $4  }
0x23: {  	_ = 	snop  }
0x24: {  	s21 =	sshra.s32 s20, $0x2  }
0x25: {  	[tilespmem:s21+$0x2000] =	vst v0  }
0x26: {  	s20 =	sadd.s32 $0x40, s20;
	[tilespmem:s21+$0x3400] =	vst v1  }
0x27: {  	s20 =	simm.s32 $0x1000  }
0x28: {  	s21 =	simm.s32 $0x800;
	s22 =	simm.s32 $0x1800;
	s23 =	simm.s32 $0x0  }
.LBB2_5:
0x29: {  	v3 =	vld [tilespmem:s19+$0x0];
	_ =	sdelay $0x6  }
0x2a: {  	v4 =	vor.u32 s23, v2  }
0x2b: {  	[tilespmem:v3+s16+$0x0] =	vst.idx.msk $0xffff, v4  }
0x2c: {  	v5 =	vld [tilespmem:s20+$0x0];
	_ =	sdelay $0x4  }
0x2d: {  	[tilespmem:v3+s17+$0x0] =	vst.idx.msk $0xffff, v5  }
0x2e: {  	v3 =	vld [tilespmem:s21+$0x0];
	_ =	sdelay $0x7  }
0x2f: {  	[tilespmem:v3+s16+$0x0] =	vst.idx.msk $0xffff, v4  }
0x30: {  	p0 =	sne.s32 s23, $0x7F0;
	v4 =	vld [tilespmem:s22+$0x0]  }
.Ltmp2:
0x31: {  	_ = 	snop;
	(pc) =	sbr.rel @p0 .LBB2_5-.Ltmp2, $3  }
0x32: {  	_ =	sdelay $0x1  }
0x33: {  	s19 =	sadd.s32 $0x10, s19;
	s23 =	sadd.s32 $0x10, s23  }
0x34: {  	s20 =	sadd.s32 $0x10, s20;
	s21 =	sadd.s32 $0x10, s21;
	s22 =	sadd.s32 $0x10, s22;
	[tilespmem:v3+s17+$0x0] =	vst.idx.msk $0xffff, v4  }
0x35: {  	[hbm4b:s5+s3] =	stream.linear.scatter [tilespmem:s16], [sflag:$0x1], $0x1400, $0x38;
	[tilespmem:$0x4800] =	vst v63  }
0x36: {  	s18 =	sadd.s32 $0x1, s18;
	_ =	swait.ge [sflag:s12], $0x1400  }
0x37: {  	p0 =	sne.s32 s18, s7;
	[sflag:s12] =	ssyncset.done $0x0  }
.Ltmp3:
0x38: {  	[sflag:s12] =	ssyncadd.s32 $0xFFFFEC00;
	(pc) =	sbr.rel @p0 .LBB2_2-.Ltmp3, $4  }
0x39: {  	[hbm4b:s6+s3] =	stream.linear.scatter [tilespmem:s17], [sflag:$0x1], $0x1400, $0x38;
	[tilespmem:$0x4800] =	vst v63  }
0x3a: {  	_ =	swait.ge [sflag:s12], $0x1400  }
0x3b: {  	[sflag:s12] =	ssyncset.done $0x0  }
0x3c: {  	[sflag:s12] =	ssyncadd.s32 $0xFFFFEC00  }
.LBB2_7:
0x3d: {  	_ =	sfence.sel $0x180000  }
0x3e: {  	[bflag:$0x0] =	sbarrier.arrive $0xFFFF  }
0x3f: {  	p0 =	sne.s32 s1, $0x0;
	_ =	strace $0x90000047  }
0x40: {  	s0 =	sadd.s32 @!p0 $0x100000, s0;
	[bflag:$0x2] =	sbarrier.arrive $0xFFFF  }
0x41: {  	[sflag:s0] =	ssyncadd.tile.s32 @!p0 $0x1;
	_ =	shalt  }
.Lfunc_end2:
_tile_overlayer_lowered:
.L_overlay_start_2:
0x42: {  	(tag) =	ssettag $0x2  }
0x43: {  	s0 =	rddreg [dreg:$0x0];
	s2 =	stileid.u32  }
0x44: {  	s1 =	rddreg [dreg:$0x1];
	p0 =	sne.s32 s2, $0x0  }
0x45: {  	s3 =	rddreg [dreg:$0x2];
	[bflag:$0x3] =	sbarrier.arrive $0xFFFF;
	s2 =	simm.s32 @!p0 $0x1C01  }
0x46: {  	[timem:s3], [sflag:s2] =	dma.local @!p0 [hbm:s0], s1  }
0x47: {  	s0 =	simm.s32 @!p0 $0x1  }
0x48: {  	_ =	swait.ge @!p0 [sflag:s0], s1  }
0x49: {  	s1 =	ssub.s32 @!p0 $0x0, s1;
	[sflag:s0] =	ssyncset.done @!p0 $0x0  }
0x4a: {  	[sflag:s0] =	ssyncadd.s32 @!p0 s1  }
0x4b: {  	[bflag:$0x3] =	sbarrier.arrive $0xFFFF  }
0x4c: {  	_ =	shalt  }

</sc_bundles>
